<compile_context>
chip_gen: v7x
topology: tpu7x:2x2x1
jax: 0.10.2.dev20260603
libtpu: 0.0.44.dev20260713+nightly
codegen_flags: <defaults>
</compile_context>

<pallas_src>
import functools

import jax
import jax.numpy as jnp
import numpy as np
from jax import lax
from jax.experimental import pallas as pl
from jax.experimental.pallas import tpu as pltpu
from jax.experimental.pallas import tpu_sc as plsc

NC, NS = 2, 16
NW = NC * NS
LANES = 16


def _lane_splat(x, lane_idx):
    return jnp.take_along_axis(x, lane_idx, axis=0, mode="promise_in_bounds")


def _pe_table(n_pos, hidden):
    inv_freq = 1.0 / (10000.0 ** (jnp.arange(0, hidden, 2, dtype=jnp.float32) / hidden))
    ang = jnp.arange(n_pos, dtype=jnp.float32)[:, None] * inv_freq
    pe = jnp.stack([jnp.sin(ang), jnp.cos(ang)], axis=-1)
    return pe.reshape(n_pos, hidden)


def _build_sc_call(Bn, Ln, Hh, ntbl, NB):
    BT = Bn // NW
    NK = BT // NB
    TOK = NB * Ln
    ROWS = NB * (Ln + 1)
    NG = TOK // LANES
    NCOL = Hh // LANES
    assert NK % 2 == 0

    mesh = plsc.VectorSubcoreMesh(
        core_axis_name="c", subcore_axis_name="s", num_cores=NC, num_subcores=NS)

    idx_t = pltpu.VMEM((3 * TOK,), jnp.int32)
    acc_t = pltpu.VMEM((ROWS, Hh), jnp.float32)
    nti_t = pltpu.VMEM((NB, Ln), jnp.int32)

    @functools.partial(
        pl.kernel,
        out_type=jax.ShapeDtypeStruct((Bn * (Ln + 1), Hh), jnp.float32),
        mesh=mesh,
        compiler_params=pltpu.CompilerParams(
            needs_layout_passes=False, use_tc_tiling_on_sc=False,
            disable_bounds_checks=True, skip_device_barrier=True),
        scratch_types=[
            pltpu.VMEM((ntbl, Hh), jnp.float32),
            pltpu.VMEM((1, Hh), jnp.float32),
            pltpu.VMEM((TOK,), jnp.int32),
            pltpu.VMEM((Hh * LANES + 2 * LANES + Hh,), jnp.int32),
            acc_t, acc_t,
            nti_t, nti_t,
            idx_t, idx_t,
            pltpu.SemaphoreType.DMA,
            pltpu.SemaphoreType.DMA,
            pltpu.SemaphoreType.DMA,
            pltpu.SemaphoreType.DMA,
            pltpu.SemaphoreType.DMA,
            pltpu.SemaphoreType.DMA,
            pltpu.SemaphoreType.DMA,
            pltpu.SemaphoreType.DMA,
        ],
    )
    def call(nt_tbl, tbl_h, nti_h, hl_h, dg_h, pp_h, rows_h, vt_h, cst_h,
             out_h, tbl_v, vt_v, rows_v, cst_v, acc0, acc1, nti0, nti1,
             sidx0, sidx1, nsem0, nsem1, ssem0, ssem1, gsem0, gsem1,
             osem0, osem1):
        cid = lax.axis_index("c")
        sid = lax.axis_index("s")
        wid = sid * NC + cid
        gb0 = wid * BT

        accs = (acc0, acc1)
        ntis = (nti0, nti1)
        sidxs = (sidx0, sidx1)
        nsems = (nsem0, nsem1)
        ssems = (ssem0, ssem1)
        gsems = (gsem0, gsem1)
        osems = (osem0, osem1)
        srcs = (hl_h, dg_h, pp_h)

        def nti_issue(k, p):
            pltpu.async_copy(nti_h.at[pl.ds(gb0 + k * NB, NB)], ntis[p], nsems[p])

        def nti_drain(p):
            pltpu.make_async_copy(nti_h.at[pl.ds(0, NB)], ntis[p], nsems[p]).wait()

        def sidx_issue(k, p):
            t0 = (gb0 + k * NB) * Ln
            for f in range(3):
                pltpu.async_copy(srcs[f].at[pl.ds(t0, TOK)],
                                 sidxs[p].at[pl.ds(f * TOK, TOK)], ssems[p])

        def sidx_drain(p):
            for f in range(3):
                pltpu.make_async_copy(srcs[f].at[pl.ds(0, TOK)],
                                      sidxs[p].at[pl.ds(f * TOK, TOK)],
                                      ssems[p]).wait()

        def gather_issue(p):
            for b in range(NB):
                pltpu.async_copy(nt_tbl.at[ntis[p].at[b]],
                                 accs[p].at[pl.ds(b * (Ln + 1) + 1, Ln)],
                                 gsems[p])

        def gather_drain(p):
            for b in range(NB):
                pltpu.make_async_copy(nt_tbl.at[pl.ds(0, Ln)],
                                      accs[p].at[pl.ds(b * (Ln + 1) + 1, Ln)],
                                      gsems[p]).wait()

        def out_issue(k, p):
            pltpu.async_copy(accs[p],
                             out_h.at[pl.ds((gb0 + k * NB) * (Ln + 1), ROWS)],
                             osems[p])

        def out_drain(p):
            pltpu.make_async_copy(accs[p], out_h.at[pl.ds(0, ROWS)],
                                  osems[p]).wait()

        def vphase(p):
            acc = accs[p]
            sidx = sidxs[p]

            def group(g, c2):
                base = pl.multiple_of(g * LANES, LANES)
                rows = rows_v[pl.ds(base, LANES)]
                ihl = sidx[pl.ds(0 * TOK + base, LANES)]
                idg = sidx[pl.ds(1 * TOK + base, LANES)]
                ipp = sidx[pl.ds(2 * TOK + base, LANES)]
                colv = [cst_v[pl.ds(Hh * LANES + 2 * LANES + j * LANES, LANES)]
                        for j in range(NCOL)]
                for i0 in range(0, LANES, 8):
                    stores = []
                    for i in range(i0, i0 + 8):
                        spl = cst_v[pl.ds(i * LANES, LANES)]
                        rsp = _lane_splat(rows, spl)
                        hsp = _lane_splat(ihl, spl)
                        dsp = _lane_splat(idg, spl)
                        psp = _lane_splat(ipp, spl)
                        for cj in colv:
                            v0 = plsc.load_gather(tbl_v, [hsp, cj])
                            v1 = plsc.load_gather(tbl_v, [dsp, cj])
                            v2 = plsc.load_gather(tbl_v, [psp, cj])
                            stores.append(((rsp, cj), v0 + (v1 + v2)))
                    for (rsp, cj), v in stores:
                        plsc.addupdate_scatter(acc, [rsp, cj], v)
                return c2

            lax.fori_loop(0, NG, group, 0)

        pltpu.sync_copy(tbl_h, tbl_v)
        pltpu.sync_copy(rows_h, rows_v)
        pltpu.sync_copy(vt_h, vt_v)
        pltpu.sync_copy(cst_h, cst_v)
        vr = cst_v[pl.ds(Hh * LANES, LANES)]
        zeros16 = cst_v[pl.ds(Hh * LANES + LANES, LANES)]
        for c in range(Hh):
            cc = cst_v[pl.ds(c * LANES, LANES)]
            v = plsc.load_gather(vt_v, [zeros16, cc])
            plsc.store_scatter(acc0, [vr, cc], v)
            plsc.store_scatter(acc1, [vr, cc], v)

        nti_issue(0, 0)
        sidx_issue(0, 0)
        nti_issue(1, 1)
        sidx_issue(1, 1)
        nti_drain(0)
        gather_issue(0)

        def pair(m, carry):
            for p in range(2):
                k = m * 2 + p
                gather_drain(p)

                @pl.when(k >= 1)
                def _():
                    out_drain(1 - p)

                @pl.when(k + 1 < NK)
                def _():
                    nti_drain(1 - p)
                    gather_issue(1 - p)

                @pl.when(k + 2 < NK)
                def _():
                    nti_issue(k + 2, p)

                sidx_drain(p)
                vphase(p)
                out_issue(k, p)

                @pl.when(k + 2 < NK)
                def _():
                    sidx_issue(k + 2, p)
            return carry

        lax.fori_loop(0, NK // 2, pair, 0)
        out_drain((NK - 1) % 2)

    return call


def kernel(node_type, hs, layer_number, parent_pos, degree,
           node_type_table, hs_table, layer_table, degree_table, virtual_token):
    Bn, Ln = node_type.shape
    Hh = node_type_table.shape[1]
    n_hs = hs_table.shape[0]
    n_ly = layer_table.shape[0]
    n_dg = degree_table.shape[0]
    pe = _pe_table(Ln, Hh)
    hl_tbl = (hs_table[:, None, :] + layer_table[None, :, :]).reshape(
        n_hs * n_ly, Hh)
    tbl = jnp.concatenate([hl_tbl, degree_table, pe], axis=0)
    off_dg = n_hs * n_ly
    off_pe = off_dg + n_dg
    ntbl = off_pe + Ln

    NB = 8
    TOK = NB * Ln
    jv = np.arange(TOK, dtype=np.int32)
    rows_all = jnp.asarray(jv + jv // Ln + 1)
    vt_rows = (np.arange(NB, dtype=np.int32).repeat(-(-LANES // NB))[:LANES]
               * (Ln + 1))
    consts = jnp.asarray(np.concatenate([
        np.repeat(np.arange(Hh, dtype=np.int32), LANES),
        vt_rows,
        np.zeros(LANES, np.int32),
        np.arange(Hh, dtype=np.int32),
    ]))

    hl_idx = hs.reshape(-1) * n_ly + layer_number.reshape(-1)
    call = _build_sc_call(Bn, Ln, Hh, ntbl, NB)
    out2d = call(node_type_table, tbl, node_type,
                 hl_idx, degree.reshape(-1) + off_dg,
                 parent_pos.reshape(-1) + off_pe,
                 rows_all, virtual_token, consts)
    return out2d.reshape(Bn, Ln + 1, Hh)

# --- scband reference (transcript-rebuilt; emitter-appended) ---
"""Pipeline reference for scband-node-featurizer-82300163326594 (READ-ONLY COPY).

The authoritative reference and input builder live on the scoring server;
editing this copy changes nothing except your own understanding.
"""

import jax, jax.numpy as jnp
import numpy as np

HIDDEN = 64
NUM_NODE_TYPE = 100000
MAX_HS = 8
MAX_LAYER = 64
MAX_DEGREE = 256
B, L = 4096, 50


def get_position_encoding(position, hidden_dim):
    inv_freq = 1.0 / (10000.0 ** (jnp.arange(0, hidden_dim, 2, dtype=jnp.float32) / hidden_dim))
    ang = position[..., None].astype(jnp.float32) * inv_freq
    pe = jnp.stack([jnp.sin(ang), jnp.cos(ang)], axis=-1)
    return pe.reshape(position.shape + (hidden_dim,))


def setup_inputs(seed: int = 0) -> dict:
    key = jax.random.key(seed)
    ks = jax.random.split(key, 10)
    node_type = jax.random.randint(ks[0], (B, L), 0, NUM_NODE_TYPE + 3, dtype=jnp.int32)
    hs = jax.random.randint(ks[1], (B, L), 0, MAX_HS + 1, dtype=jnp.int32)
    layer_number = jax.random.randint(ks[2], (B, L), 0, MAX_LAYER + 1, dtype=jnp.int32)
    parent_pos = jax.random.randint(ks[3], (B, L), 0, L, dtype=jnp.int32)
    degree = jax.random.randint(ks[4], (B, L), 0, MAX_DEGREE + 1, dtype=jnp.int32)
    node_type_table = (jax.random.normal(ks[5], (NUM_NODE_TYPE + 3, HIDDEN), dtype=jnp.float32) * 0.02).at[0].set(0.0)
    hs_table = (jax.random.normal(ks[6], (MAX_HS + 1, HIDDEN), dtype=jnp.float32) * 0.02).at[0].set(0.0)
    layer_table = (jax.random.normal(ks[7], (MAX_LAYER + 1, HIDDEN), dtype=jnp.float32) * 0.02).at[0].set(0.0)
    degree_table = (jax.random.normal(ks[8], (MAX_DEGREE + 1, HIDDEN), dtype=jnp.float32) * 0.02).at[0].set(0.0)
    virtual_token = jax.random.normal(ks[9], (1, HIDDEN), dtype=jnp.float32) * 0.02
    return {
        'node_type': node_type,
        'hs': hs,
        'layer_number': layer_number,
        'parent_pos': parent_pos,
        'degree': degree,
        'node_type_table': node_type_table,
        'hs_table': hs_table,
        'layer_table': layer_table,
        'degree_table': degree_table,
        'virtual_token': virtual_token,
    }


def reference(node_type, hs, layer_number, parent_pos, degree,
              node_type_table, hs_table, layer_table, degree_table, virtual_token):
    x = jnp.take(node_type_table, node_type, axis=0)
    x = x + get_position_encoding(jnp.clip(parent_pos, 0), HIDDEN)
    x = x + jnp.take(hs_table, hs, axis=0)
    x = x + jnp.take(layer_table, layer_number, axis=0)
    x = x + jnp.take(degree_table, degree, axis=0)
    vt = jnp.broadcast_to(virtual_token[None, :, :], (node_type.shape[0], 1, HIDDEN))
    return jnp.concatenate([vt, x], axis=1)

if __name__ == "__main__":
    import jax
    _d = setup_inputs()
    print(jax.jit(kernel)(*tuple(_d.values())))

</pallas_src>

<mosaic_0001>
#map = affine_map<(d0, d1) -> (0, 0)>
#map1 = affine_map<(d0, d1) -> (0)>
module attributes {stable_mosaic.version = 14 : i64} {
  func.func @call(%arg0: i32, %arg1: i32, %arg2: memref<100003x64xf32, #tpu.memory_space<hbm>>, %arg3: memref<892x64xf32, #tpu.memory_space<hbm>>, %arg4: memref<4096x50xi32, #tpu.memory_space<hbm>>, %arg5: memref<204800xi32, #tpu.memory_space<hbm>>, %arg6: memref<204800xi32, #tpu.memory_space<hbm>>, %arg7: memref<204800xi32, #tpu.memory_space<hbm>>, %arg8: memref<400xi32, #tpu.memory_space<hbm>>, %arg9: memref<1x64xf32, #tpu.memory_space<hbm>>, %arg10: memref<1120xi32, #tpu.memory_space<hbm>>, %arg11: memref<208896x64xf32, #tpu.memory_space<hbm>>, %arg12: memref<892x64xf32, #tpu.memory_space<vmem>>, %arg13: memref<1x64xf32, #tpu.memory_space<vmem>>, %arg14: memref<400xi32, #tpu.memory_space<vmem>>, %arg15: memref<1120xi32, #tpu.memory_space<vmem>>, %arg16: memref<408x64xf32, #tpu.memory_space<vmem>>, %arg17: memref<408x64xf32, #tpu.memory_space<vmem>>, %arg18: memref<8x50xi32, #tpu.memory_space<vmem>>, %arg19: memref<8x50xi32, #tpu.memory_space<vmem>>, %arg20: memref<1200xi32, #tpu.memory_space<vmem>>, %arg21: memref<1200xi32, #tpu.memory_space<vmem>>, %arg22: memref<!tpu.dma_semaphore, #tpu.memory_space<semaphore_mem>>, %arg23: memref<!tpu.dma_semaphore, #tpu.memory_space<semaphore_mem>>, %arg24: memref<!tpu.dma_semaphore, #tpu.memory_space<semaphore_mem>>, %arg25: memref<!tpu.dma_semaphore, #tpu.memory_space<semaphore_mem>>, %arg26: memref<!tpu.dma_semaphore, #tpu.memory_space<semaphore_mem>>, %arg27: memref<!tpu.dma_semaphore, #tpu.memory_space<semaphore_mem>>, %arg28: memref<!tpu.dma_semaphore, #tpu.memory_space<semaphore_mem>>, %arg29: memref<!tpu.dma_semaphore, #tpu.memory_space<semaphore_mem>>) attributes {dimension_semantics = [#tpu.dimension_semantics<core_parallel>, #tpu.dimension_semantics<subcore_parallel>], iteration_bounds = array<i64: 2, 16>, scalar_prefetch = 0 : i64, scratch_operands = 18 : i64, tpu.core_type = #tpu.core_type<sc_vector_subcore>, window_params = [{transform_indices = #map}, {transform_indices = #map}, {transform_indices = #map}, {transform_indices = #map1}, {transform_indices = #map1}, {transform_indices = #map1}, {transform_indices = #map1}, {transform_indices = #map}, {transform_indices = #map1}, {transform_indices = #map}]} {
    %mul3A = arith.constant 2 : i32
    %mul3A_0 = arith.muli %arg1, %mul3A : i32
    %add3A = arith.addi %mul3A_0, %arg0 : i32
    %mul3A_1 = arith.constant 128 : i32
    %mul3A_2 = arith.muli %add3A, %mul3A_1 : i32
    "tpu.region"() ({
      %run_scoped3A = tpu.sem_alloc : memref<!tpu.dma_semaphore, #tpu.memory_space<semaphore_mem>>
      tpu.enqueue_dma source(%arg3 : memref<892x64xf32, #tpu.memory_space<hbm>>) target(%arg12 : memref<892x64xf32, #tpu.memory_space<vmem>>) target_semaphore(%run_scoped3A : memref<!tpu.dma_semaphore, #tpu.memory_space<semaphore_mem>>)
      tpu.wait_dma2 semaphore(%run_scoped3A : memref<!tpu.dma_semaphore, #tpu.memory_space<semaphore_mem>>) src(%arg3 : memref<892x64xf32, #tpu.memory_space<hbm>>) dst(%arg12 : memref<892x64xf32, #tpu.memory_space<vmem>>)
      tpu.yield
    }) : () -> ()
    "tpu.region"() ({
      %run_scoped3A = tpu.sem_alloc : memref<!tpu.dma_semaphore, #tpu.memory_space<semaphore_mem>>
      tpu.enqueue_dma source(%arg8 : memref<400xi32, #tpu.memory_space<hbm>>) target(%arg14 : memref<400xi32, #tpu.memory_space<vmem>>) target_semaphore(%run_scoped3A : memref<!tpu.dma_semaphore, #tpu.memory_space<semaphore_mem>>)
      tpu.wait_dma2 semaphore(%run_scoped3A : memref<!tpu.dma_semaphore, #tpu.memory_space<semaphore_mem>>) src(%arg8 : memref<400xi32, #tpu.memory_space<hbm>>) dst(%arg14 : memref<400xi32, #tpu.memory_space<vmem>>)
      tpu.yield
    }) : () -> ()
    "tpu.region"() ({
      %run_scoped3A = tpu.sem_alloc : memref<!tpu.dma_semaphore, #tpu.memory_space<semaphore_mem>>
      tpu.enqueue_dma source(%arg9 : memref<1x64xf32, #tpu.memory_space<hbm>>) target(%arg13 : memref<1x64xf32, #tpu.memory_space<vmem>>) target_semaphore(%run_scoped3A : memref<!tpu.dma_semaphore, #tpu.memory_space<semaphore_mem>>)
      tpu.wait_dma2 semaphore(%run_scoped3A : memref<!tpu.dma_semaphore, #tpu.memory_space<semaphore_mem>>) src(%arg9 : memref<1x64xf32, #tpu.memory_space<hbm>>) dst(%arg13 : memref<1x64xf32, #tpu.memory_space<vmem>>)
      tpu.yield
    }) : () -> ()
    "tpu.region"() ({
      %run_scoped3A = tpu.sem_alloc : memref<!tpu.dma_semaphore, #tpu.memory_space<semaphore_mem>>
      tpu.enqueue_dma source(%arg10 : memref<1120xi32, #tpu.memory_space<hbm>>) target(%arg15 : memref<1120xi32, #tpu.memory_space<vmem>>) target_semaphore(%run_scoped3A : memref<!tpu.dma_semaphore, #tpu.memory_space<semaphore_mem>>)
      tpu.wait_dma2 semaphore(%run_scoped3A : memref<!tpu.dma_semaphore, #tpu.memory_space<semaphore_mem>>) src(%arg10 : memref<1120xi32, #tpu.memory_space<hbm>>) dst(%arg15 : memref<1120xi32, #tpu.memory_space<vmem>>)
      tpu.yield
    }) : () -> ()
    %get3A = arith.constant 1024 : index
    %get3A_3 = tpu.vector_load %arg15[%get3A] {strides = array<i32>} : memref<1120xi32, #tpu.memory_space<vmem>>, vector<16xi32>,
    %get3A_4 = arith.constant 1040 : index
    %get3A_5 = tpu.vector_load %arg15[%get3A_4] {strides = array<i32>} : memref<1120xi32, #tpu.memory_space<vmem>>, vector<16xi32>,
    %get3A_6 = arith.constant 0 : index
    %get3A_7 = tpu.vector_load %arg15[%get3A_6] {strides = array<i32>} : memref<1120xi32, #tpu.memory_space<vmem>>, vector<16xi32>,
    %gather3A = tpu.vector_load_idx %arg13[%get3A_5, %get3A_7] : memref<1x64xf32, #tpu.memory_space<vmem>>[vector<16xi32>, vector<16xi32>], vector<16xf32>,
    tpu.vector_store_idx %arg16[%get3A_3, %get3A_7], %gather3A : memref<408x64xf32, #tpu.memory_space<vmem>>[vector<16xi32>, vector<16xi32>], vector<16xf32>,
    tpu.vector_store_idx %arg17[%get3A_3, %get3A_7], %gather3A : memref<408x64xf32, #tpu.memory_space<vmem>>[vector<16xi32>, vector<16xi32>], vector<16xf32>,
    %get3A_8 = arith.constant 16 : index
    %get3A_9 = tpu.vector_load %arg15[%get3A_8] {strides = array<i32>} : memref<1120xi32, #tpu.memory_space<vmem>>, vector<16xi32>,
    %gather3A_10 = tpu.vector_load_idx %arg13[%get3A_5, %get3A_9] : memref<1x64xf32, #tpu.memory_space<vmem>>[vector<16xi32>, vector<16xi32>], vector<16xf32>,
    tpu.vector_store_idx %arg16[%get3A_3, %get3A_9], %gather3A_10 : memref<408x64xf32, #tpu.memory_space<vmem>>[vector<16xi32>, vector<16xi32>], vector<16xf32>,
    tpu.vector_store_idx %arg17[%get3A_3, %get3A_9], %gather3A_10 : memref<408x64xf32, #tpu.memory_space<vmem>>[vector<16xi32>, vector<16xi32>], vector<16xf32>,
    %get3A_11 = arith.constant 32 : index
    %get3A_12 = tpu.vector_load %arg15[%get3A_11] {strides = array<i32>} : memref<1120xi32, #tpu.memory_space<vmem>>, vector<16xi32>,
    %gather3A_13 = tpu.vector_load_idx %arg13[%get3A_5, %get3A_12] : memref<1x64xf32, #tpu.memory_space<vmem>>[vector<16xi32>, vector<16xi32>], vector<16xf32>,
    tpu.vector_store_idx %arg16[%get3A_3, %get3A_12], %gather3A_13 : memref<408x64xf32, #tpu.memory_space<vmem>>[vector<16xi32>, vector<16xi32>], vector<16xf32>,
    tpu.vector_store_idx %arg17[%get3A_3, %get3A_12], %gather3A_13 : memref<408x64xf32, #tpu.memory_space<vmem>>[vector<16xi32>, vector<16xi32>], vector<16xf32>,
    %get3A_14 = arith.constant 48 : index
    %get3A_15 = tpu.vector_load %arg15[%get3A_14] {strides = array<i32>} : memref<1120xi32, #tpu.memory_space<vmem>>, vector<16xi32>,
    %gather3A_16 = tpu.vector_load_idx %arg13[%get3A_5, %get3A_15] : memref<1x64xf32, #tpu.memory_space<vmem>>[vector<16xi32>, vector<16xi32>], vector<16xf32>,
    tpu.vector_store_idx %arg16[%get3A_3, %get3A_15], %gather3A_16 : memref<408x64xf32, #tpu.memory_space<vmem>>[vector<16xi32>, vector<16xi32>], vector<16xf32>,
    tpu.vector_store_idx %arg17[%get3A_3, %get3A_15], %gather3A_16 : memref<408x64xf32, #tpu.memory_space<vmem>>[vector<16xi32>, vector<16xi32>], vector<16xf32>,
    %get3A_17 = arith.constant 64 : index
    %get3A_18 = tpu.vector_load %arg15[%get3A_17] {strides = array<i32>} : memref<1120xi32, #tpu.memory_space<vmem>>, vector<16xi32>,
    %gather3A_19 = tpu.vector_load_idx %arg13[%get3A_5, %get3A_18] : memref<1x64xf32, #tpu.memory_space<vmem>>[vector<16xi32>, vector<16xi32>], vector<16xf32>,
    tpu.vector_store_idx %arg16[%get3A_3, %get3A_18], %gather3A_19 : memref<408x64xf32, #tpu.memory_space<vmem>>[vector<16xi32>, vector<16xi32>], vector<16xf32>,
    tpu.vector_store_idx %arg17[%get3A_3, %get3A_18], %gather3A_19 : memref<408x64xf32, #tpu.memory_space<vmem>>[vector<16xi32>, vector<16xi32>], vector<16xf32>,
    %get3A_20 = arith.constant 80 : index
    %get3A_21 = tpu.vector_load %arg15[%get3A_20] {strides = array<i32>} : memref<1120xi32, #tpu.memory_space<vmem>>, vector<16xi32>,
    %gather3A_22 = tpu.vector_load_idx %arg13[%get3A_5, %get3A_21] : memref<1x64xf32, #tpu.memory_space<vmem>>[vector<16xi32>, vector<16xi32>], vector<16xf32>,
    tpu.vector_store_idx %arg16[%get3A_3, %get3A_21], %gather3A_22 : memref<408x64xf32, #tpu.memory_space<vmem>>[vector<16xi32>, vector<16xi32>], vector<16xf32>,
    tpu.vector_store_idx %arg17[%get3A_3, %get3A_21], %gather3A_22 : memref<408x64xf32, #tpu.memory_space<vmem>>[vector<16xi32>, vector<16xi32>], vector<16xf32>,
    %get3A_23 = arith.constant 96 : index
    %get3A_24 = tpu.vector_load %arg15[%get3A_23] {strides = array<i32>} : memref<1120xi32, #tpu.memory_space<vmem>>, vector<16xi32>,
    %gather3A_25 = tpu.vector_load_idx %arg13[%get3A_5, %get3A_24] : memref<1x64xf32, #tpu.memory_space<vmem>>[vector<16xi32>, vector<16xi32>], vector<16xf32>,
    tpu.vector_store_idx %arg16[%get3A_3, %get3A_24], %gather3A_25 : memref<408x64xf32, #tpu.memory_space<vmem>>[vector<16xi32>, vector<16xi32>], vector<16xf32>,
    tpu.vector_store_idx %arg17[%get3A_3, %get3A_24], %gather3A_25 : memref<408x64xf32, #tpu.memory_space<vmem>>[vector<16xi32>, vector<16xi32>], vector<16xf32>,
    %get3A_26 = arith.constant 112 : index
    %get3A_27 = tpu.vector_load %arg15[%get3A_26] {strides = array<i32>} : memref<1120xi32, #tpu.memory_space<vmem>>, vector<16xi32>,
    %gather3A_28 = tpu.vector_load_idx %arg13[%get3A_5, %get3A_27] : memref<1x64xf32, #tpu.memory_space<vmem>>[vector<16xi32>, vector<16xi32>], vector<16xf32>,
    tpu.vector_store_idx %arg16[%get3A_3, %get3A_27], %gather3A_28 : memref<408x64xf32, #tpu.memory_space<vmem>>[vector<16xi32>, vector<16xi32>], vector<16xf32>,
    tpu.vector_store_idx %arg17[%get3A_3, %get3A_27], %gather3A_28 : memref<408x64xf32, #tpu.memory_space<vmem>>[vector<16xi32>, vector<16xi32>], vector<16xf32>,
    %get3A_29 = arith.constant 128 : index
    %get3A_30 = tpu.vector_load %arg15[%get3A_29] {strides = array<i32>} : memref<1120xi32, #tpu.memory_space<vmem>>, vector<16xi32>,
    %gather3A_31 = tpu.vector_load_idx %arg13[%get3A_5, %get3A_30] : memref<1x64xf32, #tpu.memory_space<vmem>>[vector<16xi32>, vector<16xi32>], vector<16xf32>,
    tpu.vector_store_idx %arg16[%get3A_3, %get3A_30], %gather3A_31 : memref<408x64xf32, #tpu.memory_space<vmem>>[vector<16xi32>, vector<16xi32>], vector<16xf32>,
    tpu.vector_store_idx %arg17[%get3A_3, %get3A_30], %gather3A_31 : memref<408x64xf32, #tpu.memory_space<vmem>>[vector<16xi32>, vector<16xi32>], vector<16xf32>,
    %get3A_32 = arith.constant 144 : index
    %get3A_33 = tpu.vector_load %arg15[%get3A_32] {strides = array<i32>} : memref<1120xi32, #tpu.memory_space<vmem>>, vector<16xi32>,
    %gather3A_34 = tpu.vector_load_idx %arg13[%get3A_5, %get3A_33] : memref<1x64xf32, #tpu.memory_space<vmem>>[vector<16xi32>, vector<16xi32>], vector<16xf32>,
    tpu.vector_store_idx %arg16[%get3A_3, %get3A_33], %gather3A_34 : memref<408x64xf32, #tpu.memory_space<vmem>>[vector<16xi32>, vector<16xi32>], vector<16xf32>,
    tpu.vector_store_idx %arg17[%get3A_3, %get3A_33], %gather3A_34 : memref<408x64xf32, #tpu.memory_space<vmem>>[vector<16xi32>, vector<16xi32>], vector<16xf32>,
    %get3A_35 = arith.constant 160 : index
    %get3A_36 = tpu.vector_load %arg15[%get3A_35] {strides = array<i32>} : memref<1120xi32, #tpu.memory_space<vmem>>, vector<16xi32>,
    %gather3A_37 = tpu.vector_load_idx %arg13[%get3A_5, %get3A_36] : memref<1x64xf32, #tpu.memory_space<vmem>>[vector<16xi32>, vector<16xi32>], vector<16xf32>,
    tpu.vector_store_idx %arg16[%get3A_3, %get3A_36], %gather3A_37 : memref<408x64xf32, #tpu.memory_space<vmem>>[vector<16xi32>, vector<16xi32>], vector<16xf32>,
    tpu.vector_store_idx %arg17[%get3A_3, %get3A_36], %gather3A_37 : memref<408x64xf32, #tpu.memory_space<vmem>>[vector<16xi32>, vector<16xi32>], vector<16xf32>,
    %get3A_38 = arith.constant 176 : index
    %get3A_39 = tpu.vector_load %arg15[%get3A_38] {strides = array<i32>} : memref<1120xi32, #tpu.memory_space<vmem>>, vector<16xi32>,
    %gather3A_40 = tpu.vector_load_idx %arg13[%get3A_5, %get3A_39] : memref<1x64xf32, #tpu.memory_space<vmem>>[vector<16xi32>, vector<16xi32>], vector<16xf32>,
    tpu.vector_store_idx %arg16[%get3A_3, %get3A_39], %gather3A_40 : memref<408x64xf32, #tpu.memory_space<vmem>>[vector<16xi32>, vector<16xi32>], vector<16xf32>,
    tpu.vector_store_idx %arg17[%get3A_3, %get3A_39], %gather3A_40 : memref<408x64xf32, #tpu.memory_space<vmem>>[vector<16xi32>, vector<16xi32>], vector<16xf32>,
    %get3A_41 = arith.constant 192 : index
    %get3A_42 = tpu.vector_load %arg15[%get3A_41] {strides = array<i32>} : memref<1120xi32, #tpu.memory_space<vmem>>, vector<16xi32>,
    %gather3A_43 = tpu.vector_load_idx %arg13[%get3A_5, %get3A_42] : memref<1x64xf32, #tpu.memory_space<vmem>>[vector<16xi32>, vector<16xi32>], vector<16xf32>,
    tpu.vector_store_idx %arg16[%get3A_3, %get3A_42], %gather3A_43 : memref<408x64xf32, #tpu.memory_space<vmem>>[vector<16xi32>, vector<16xi32>], vector<16xf32>,
    tpu.vector_store_idx %arg17[%get3A_3, %get3A_42], %gather3A_43 : memref<408x64xf32, #tpu.memory_space<vmem>>[vector<16xi32>, vector<16xi32>], vector<16xf32>,
    %get3A_44 = arith.constant 208 : index
    %get3A_45 = tpu.vector_load %arg15[%get3A_44] {strides = array<i32>} : memref<1120xi32, #tpu.memory_space<vmem>>, vector<16xi32>,
    %gather3A_46 = tpu.vector_load_idx %arg13[%get3A_5, %get3A_45] : memref<1x64xf32, #tpu.memory_space<vmem>>[vector<16xi32>, vector<16xi32>], vector<16xf32>,
    tpu.vector_store_idx %arg16[%get3A_3, %get3A_45], %gather3A_46 : memref<408x64xf32, #tpu.memory_space<vmem>>[vector<16xi32>, vector<16xi32>], vector<16xf32>,
    tpu.vector_store_idx %arg17[%get3A_3, %get3A_45], %gather3A_46 : memref<408x64xf32, #tpu.memory_space<vmem>>[vector<16xi32>, vector<16xi32>], vector<16xf32>,
    %get3A_47 = arith.constant 224 : index
    %get3A_48 = tpu.vector_load %arg15[%get3A_47] {strides = array<i32>} : memref<1120xi32, #tpu.memory_space<vmem>>, vector<16xi32>,
    %gather3A_49 = tpu.vector_load_idx %arg13[%get3A_5, %get3A_48] : memref<1x64xf32, #tpu.memory_space<vmem>>[vector<16xi32>, vector<16xi32>], vector<16xf32>,
    tpu.vector_store_idx %arg16[%get3A_3, %get3A_48], %gather3A_49 : memref<408x64xf32, #tpu.memory_space<vmem>>[vector<16xi32>, vector<16xi32>], vector<16xf32>,
    tpu.vector_store_idx %arg17[%get3A_3, %get3A_48], %gather3A_49 : memref<408x64xf32, #tpu.memory_space<vmem>>[vector<16xi32>, vector<16xi32>], vector<16xf32>,
    %get3A_50 = arith.constant 240 : index
    %get3A_51 = tpu.vector_load %arg15[%get3A_50] {strides = array<i32>} : memref<1120xi32, #tpu.memory_space<vmem>>, vector<16xi32>,
    %gather3A_52 = tpu.vector_load_idx %arg13[%get3A_5, %get3A_51] : memref<1x64xf32, #tpu.memory_space<vmem>>[vector<16xi32>, vector<16xi32>], vector<16xf32>,
    tpu.vector_store_idx %arg16[%get3A_3, %get3A_51], %gather3A_52 : memref<408x64xf32, #tpu.memory_space<vmem>>[vector<16xi32>, vector<16xi32>], vector<16xf32>,
    tpu.vector_store_idx %arg17[%get3A_3, %get3A_51], %gather3A_52 : memref<408x64xf32, #tpu.memory_space<vmem>>[vector<16xi32>, vector<16xi32>], vector<16xf32>,
    %get3A_53 = arith.constant 256 : index
    %get3A_54 = tpu.vector_load %arg15[%get3A_53] {strides = array<i32>} : memref<1120xi32, #tpu.memory_space<vmem>>, vector<16xi32>,
    %gather3A_55 = tpu.vector_load_idx %arg13[%get3A_5, %get3A_54] : memref<1x64xf32, #tpu.memory_space<vmem>>[vector<16xi32>, vector<16xi32>], vector<16xf32>,
    tpu.vector_store_idx %arg16[%get3A_3, %get3A_54], %gather3A_55 : memref<408x64xf32, #tpu.memory_space<vmem>>[vector<16xi32>, vector<16xi32>], vector<16xf32>,
    tpu.vector_store_idx %arg17[%get3A_3, %get3A_54], %gather3A_55 : memref<408x64xf32, #tpu.memory_space<vmem>>[vector<16xi32>, vector<16xi32>], vector<16xf32>,
    %get3A_56 = arith.constant 272 : index
    %get3A_57 = tpu.vector_load %arg15[%get3A_56] {strides = array<i32>} : memref<1120xi32, #tpu.memory_space<vmem>>, vector<16xi32>,
    %gather3A_58 = tpu.vector_load_idx %arg13[%get3A_5, %get3A_57] : memref<1x64xf32, #tpu.memory_space<vmem>>[vector<16xi32>, vector<16xi32>], vector<16xf32>,
    tpu.vector_store_idx %arg16[%get3A_3, %get3A_57], %gather3A_58 : memref<408x64xf32, #tpu.memory_space<vmem>>[vector<16xi32>, vector<16xi32>], vector<16xf32>,
    tpu.vector_store_idx %arg17[%get3A_3, %get3A_57], %gather3A_58 : memref<408x64xf32, #tpu.memory_space<vmem>>[vector<16xi32>, vector<16xi32>], vector<16xf32>,
    %get3A_59 = arith.constant 288 : index
    %get3A_60 = tpu.vector_load %arg15[%get3A_59] {strides = array<i32>} : memref<1120xi32, #tpu.memory_space<vmem>>, vector<16xi32>,
    %gather3A_61 = tpu.vector_load_idx %arg13[%get3A_5, %get3A_60] : memref<1x64xf32, #tpu.memory_space<vmem>>[vector<16xi32>, vector<16xi32>], vector<16xf32>,
    tpu.vector_store_idx %arg16[%get3A_3, %get3A_60], %gather3A_61 : memref<408x64xf32, #tpu.memory_space<vmem>>[vector<16xi32>, vector<16xi32>], vector<16xf32>,
    tpu.vector_store_idx %arg17[%get3A_3, %get3A_60], %gather3A_61 : memref<408x64xf32, #tpu.memory_space<vmem>>[vector<16xi32>, vector<16xi32>], vector<16xf32>,
    %get3A_62 = arith.constant 304 : index
    %get3A_63 = tpu.vector_load %arg15[%get3A_62] {strides = array<i32>} : memref<1120xi32, #tpu.memory_space<vmem>>, vector<16xi32>,
    %gather3A_64 = tpu.vector_load_idx %arg13[%get3A_5, %get3A_63] : memref<1x64xf32, #tpu.memory_space<vmem>>[vector<16xi32>, vector<16xi32>], vector<16xf32>,
    tpu.vector_store_idx %arg16[%get3A_3, %get3A_63], %gather3A_64 : memref<408x64xf32, #tpu.memory_space<vmem>>[vector<16xi32>, vector<16xi32>], vector<16xf32>,
    tpu.vector_store_idx %arg17[%get3A_3, %get3A_63], %gather3A_64 : memref<408x64xf32, #tpu.memory_space<vmem>>[vector<16xi32>, vector<16xi32>], vector<16xf32>,
    %get3A_65 = arith.constant 320 : index
    %get3A_66 = tpu.vector_load %arg15[%get3A_65] {strides = array<i32>} : memref<1120xi32, #tpu.memory_space<vmem>>, vector<16xi32>,
    %gather3A_67 = tpu.vector_load_idx %arg13[%get3A_5, %get3A_66] : memref<1x64xf32, #tpu.memory_space<vmem>>[vector<16xi32>, vector<16xi32>], vector<16xf32>,
    tpu.vector_store_idx %arg16[%get3A_3, %get3A_66], %gather3A_67 : memref<408x64xf32, #tpu.memory_space<vmem>>[vector<16xi32>, vector<16xi32>], vector<16xf32>,
    tpu.vector_store_idx %arg17[%get3A_3, %get3A_66], %gather3A_67 : memref<408x64xf32, #tpu.memory_space<vmem>>[vector<16xi32>, vector<16xi32>], vector<16xf32>,
    %get3A_68 = arith.constant 336 : index
    %get3A_69 = tpu.vector_load %arg15[%get3A_68] {strides = array<i32>} : memref<1120xi32, #tpu.memory_space<vmem>>, vector<16xi32>,
    %gather3A_70 = tpu.vector_load_idx %arg13[%get3A_5, %get3A_69] : memref<1x64xf32, #tpu.memory_space<vmem>>[vector<16xi32>, vector<16xi32>], vector<16xf32>,
    tpu.vector_store_idx %arg16[%get3A_3, %get3A_69], %gather3A_70 : memref<408x64xf32, #tpu.memory_space<vmem>>[vector<16xi32>, vector<16xi32>], vector<16xf32>,
    tpu.vector_store_idx %arg17[%get3A_3, %get3A_69], %gather3A_70 : memref<408x64xf32, #tpu.memory_space<vmem>>[vector<16xi32>, vector<16xi32>], vector<16xf32>,
    %get3A_71 = arith.constant 352 : index
    %get3A_72 = tpu.vector_load %arg15[%get3A_71] {strides = array<i32>} : memref<1120xi32, #tpu.memory_space<vmem>>, vector<16xi32>,
    %gather3A_73 = tpu.vector_load_idx %arg13[%get3A_5, %get3A_72] : memref<1x64xf32, #tpu.memory_space<vmem>>[vector<16xi32>, vector<16xi32>], vector<16xf32>,
    tpu.vector_store_idx %arg16[%get3A_3, %get3A_72], %gather3A_73 : memref<408x64xf32, #tpu.memory_space<vmem>>[vector<16xi32>, vector<16xi32>], vector<16xf32>,
    tpu.vector_store_idx %arg17[%get3A_3, %get3A_72], %gather3A_73 : memref<408x64xf32, #tpu.memory_space<vmem>>[vector<16xi32>, vector<16xi32>], vector<16xf32>,
    %get3A_74 = arith.constant 368 : index
    %get3A_75 = tpu.vector_load %arg15[%get3A_74] {strides = array<i32>} : memref<1120xi32, #tpu.memory_space<vmem>>, vector<16xi32>,
    %gather3A_76 = tpu.vector_load_idx %arg13[%get3A_5, %get3A_75] : memref<1x64xf32, #tpu.memory_space<vmem>>[vector<16xi32>, vector<16xi32>], vector<16xf32>,
    tpu.vector_store_idx %arg16[%get3A_3, %get3A_75], %gather3A_76 : memref<408x64xf32, #tpu.memory_space<vmem>>[vector<16xi32>, vector<16xi32>], vector<16xf32>,
    tpu.vector_store_idx %arg17[%get3A_3, %get3A_75], %gather3A_76 : memref<408x64xf32, #tpu.memory_space<vmem>>[vector<16xi32>, vector<16xi32>], vector<16xf32>,
    %get3A_77 = arith.constant 384 : index
    %get3A_78 = tpu.vector_load %arg15[%get3A_77] {strides = array<i32>} : memref<1120xi32, #tpu.memory_space<vmem>>, vector<16xi32>,
    %gather3A_79 = tpu.vector_load_idx %arg13[%get3A_5, %get3A_78] : memref<1x64xf32, #tpu.memory_space<vmem>>[vector<16xi32>, vector<16xi32>], vector<16xf32>,
    tpu.vector_store_idx %arg16[%get3A_3, %get3A_78], %gather3A_79 : memref<408x64xf32, #tpu.memory_space<vmem>>[vector<16xi32>, vector<16xi32>], vector<16xf32>,
    tpu.vector_store_idx %arg17[%get3A_3, %get3A_78], %gather3A_79 : memref<408x64xf32, #tpu.memory_space<vmem>>[vector<16xi32>, vector<16xi32>], vector<16xf32>,
    %get3A_80 = arith.constant 400 : index
    %get3A_81 = tpu.vector_load %arg15[%get3A_80] {strides = array<i32>} : memref<1120xi32, #tpu.memory_space<vmem>>, vector<16xi32>,
    %gather3A_82 = tpu.vector_load_idx %arg13[%get3A_5, %get3A_81] : memref<1x64xf32, #tpu.memory_space<vmem>>[vector<16xi32>, vector<16xi32>], vector<16xf32>,
    tpu.vector_store_idx %arg16[%get3A_3, %get3A_81], %gather3A_82 : memref<408x64xf32, #tpu.memory_space<vmem>>[vector<16xi32>, vector<16xi32>], vector<16xf32>,
    tpu.vector_store_idx %arg17[%get3A_3, %get3A_81], %gather3A_82 : memref<408x64xf32, #tpu.memory_space<vmem>>[vector<16xi32>, vector<16xi32>], vector<16xf32>,
    %get3A_83 = arith.constant 416 : index
    %get3A_84 = tpu.vector_load %arg15[%get3A_83] {strides = array<i32>} : memref<1120xi32, #tpu.memory_space<vmem>>, vector<16xi32>,
    %gather3A_85 = tpu.vector_load_idx %arg13[%get3A_5, %get3A_84] : memref<1x64xf32, #tpu.memory_space<vmem>>[vector<16xi32>, vector<16xi32>], vector<16xf32>,
    tpu.vector_store_idx %arg16[%get3A_3, %get3A_84], %gather3A_85 : memref<408x64xf32, #tpu.memory_space<vmem>>[vector<16xi32>, vector<16xi32>], vector<16xf32>,
    tpu.vector_store_idx %arg17[%get3A_3, %get3A_84], %gather3A_85 : memref<408x64xf32, #tpu.memory_space<vmem>>[vector<16xi32>, vector<16xi32>], vector<16xf32>,
    %get3A_86 = arith.constant 432 : index
    %get3A_87 = tpu.vector_load %arg15[%get3A_86] {strides = array<i32>} : memref<1120xi32, #tpu.memory_space<vmem>>, vector<16xi32>,
    %gather3A_88 = tpu.vector_load_idx %arg13[%get3A_5, %get3A_87] : memref<1x64xf32, #tpu.memory_space<vmem>>[vector<16xi32>, vector<16xi32>], vector<16xf32>,
    tpu.vector_store_idx %arg16[%get3A_3, %get3A_87], %gather3A_88 : memref<408x64xf32, #tpu.memory_space<vmem>>[vector<16xi32>, vector<16xi32>], vector<16xf32>,
    tpu.vector_store_idx %arg17[%get3A_3, %get3A_87], %gather3A_88 : memref<408x64xf32, #tpu.memory_space<vmem>>[vector<16xi32>, vector<16xi32>], vector<16xf32>,
    %get3A_89 = arith.constant 448 : index
    %get3A_90 = tpu.vector_load %arg15[%get3A_89] {strides = array<i32>} : memref<1120xi32, #tpu.memory_space<vmem>>, vector<16xi32>,
    %gather3A_91 = tpu.vector_load_idx %arg13[%get3A_5, %get3A_90] : memref<1x64xf32, #tpu.memory_space<vmem>>[vector<16xi32>, vector<16xi32>], vector<16xf32>,
    tpu.vector_store_idx %arg16[%get3A_3, %get3A_90], %gather3A_91 : memref<408x64xf32, #tpu.memory_space<vmem>>[vector<16xi32>, vector<16xi32>], vector<16xf32>,
    tpu.vector_store_idx %arg17[%get3A_3, %get3A_90], %gather3A_91 : memref<408x64xf32, #tpu.memory_space<vmem>>[vector<16xi32>, vector<16xi32>], vector<16xf32>,
    %get3A_92 = arith.constant 464 : index
    %get3A_93 = tpu.vector_load %arg15[%get3A_92] {strides = array<i32>} : memref<1120xi32, #tpu.memory_space<vmem>>, vector<16xi32>,
    %gather3A_94 = tpu.vector_load_idx %arg13[%get3A_5, %get3A_93] : memref<1x64xf32, #tpu.memory_space<vmem>>[vector<16xi32>, vector<16xi32>], vector<16xf32>,
    tpu.vector_store_idx %arg16[%get3A_3, %get3A_93], %gather3A_94 : memref<408x64xf32, #tpu.memory_space<vmem>>[vector<16xi32>, vector<16xi32>], vector<16xf32>,
    tpu.vector_store_idx %arg17[%get3A_3, %get3A_93], %gather3A_94 : memref<408x64xf32, #tpu.memory_space<vmem>>[vector<16xi32>, vector<16xi32>], vector<16xf32>,
    %get3A_95 = arith.constant 480 : index
    %get3A_96 = tpu.vector_load %arg15[%get3A_95] {strides = array<i32>} : memref<1120xi32, #tpu.memory_space<vmem>>, vector<16xi32>,
    %gather3A_97 = tpu.vector_load_idx %arg13[%get3A_5, %get3A_96] : memref<1x64xf32, #tpu.memory_space<vmem>>[vector<16xi32>, vector<16xi32>], vector<16xf32>,
    tpu.vector_store_idx %arg16[%get3A_3, %get3A_96], %gather3A_97 : memref<408x64xf32, #tpu.memory_space<vmem>>[vector<16xi32>, vector<16xi32>], vector<16xf32>,
    tpu.vector_store_idx %arg17[%get3A_3, %get3A_96], %gather3A_97 : memref<408x64xf32, #tpu.memory_space<vmem>>[vector<16xi32>, vector<16xi32>], vector<16xf32>,
    %get3A_98 = arith.constant 496 : index
    %get3A_99 = tpu.vector_load %arg15[%get3A_98] {strides = array<i32>} : memref<1120xi32, #tpu.memory_space<vmem>>, vector<16xi32>,
    %gather3A_100 = tpu.vector_load_idx %arg13[%get3A_5, %get3A_99] : memref<1x64xf32, #tpu.memory_space<vmem>>[vector<16xi32>, vector<16xi32>], vector<16xf32>,
    tpu.vector_store_idx %arg16[%get3A_3, %get3A_99], %gather3A_100 : memref<408x64xf32, #tpu.memory_space<vmem>>[vector<16xi32>, vector<16xi32>], vector<16xf32>,
    tpu.vector_store_idx %arg17[%get3A_3, %get3A_99], %gather3A_100 : memref<408x64xf32, #tpu.memory_space<vmem>>[vector<16xi32>, vector<16xi32>], vector<16xf32>,
    %get3A_101 = arith.constant 512 : index
    %get3A_102 = tpu.vector_load %arg15[%get3A_101] {strides = array<i32>} : memref<1120xi32, #tpu.memory_space<vmem>>, vector<16xi32>,
    %gather3A_103 = tpu.vector_load_idx %arg13[%get3A_5, %get3A_102] : memref<1x64xf32, #tpu.memory_space<vmem>>[vector<16xi32>, vector<16xi32>], vector<16xf32>,
    tpu.vector_store_idx %arg16[%get3A_3, %get3A_102], %gather3A_103 : memref<408x64xf32, #tpu.memory_space<vmem>>[vector<16xi32>, vector<16xi32>], vector<16xf32>,
    tpu.vector_store_idx %arg17[%get3A_3, %get3A_102], %gather3A_103 : memref<408x64xf32, #tpu.memory_space<vmem>>[vector<16xi32>, vector<16xi32>], vector<16xf32>,
    %get3A_104 = arith.constant 528 : index
    %get3A_105 = tpu.vector_load %arg15[%get3A_104] {strides = array<i32>} : memref<1120xi32, #tpu.memory_space<vmem>>, vector<16xi32>,
    %gather3A_106 = tpu.vector_load_idx %arg13[%get3A_5, %get3A_105] : memref<1x64xf32, #tpu.memory_space<vmem>>[vector<16xi32>, vector<16xi32>], vector<16xf32>,
    tpu.vector_store_idx %arg16[%get3A_3, %get3A_105], %gather3A_106 : memref<408x64xf32, #tpu.memory_space<vmem>>[vector<16xi32>, vector<16xi32>], vector<16xf32>,
    tpu.vector_store_idx %arg17[%get3A_3, %get3A_105], %gather3A_106 : memref<408x64xf32, #tpu.memory_space<vmem>>[vector<16xi32>, vector<16xi32>], vector<16xf32>,
    %get3A_107 = arith.constant 544 : index
    %get3A_108 = tpu.vector_load %arg15[%get3A_107] {strides = array<i32>} : memref<1120xi32, #tpu.memory_space<vmem>>, vector<16xi32>,
    %gather3A_109 = tpu.vector_load_idx %arg13[%get3A_5, %get3A_108] : memref<1x64xf32, #tpu.memory_space<vmem>>[vector<16xi32>, vector<16xi32>], vector<16xf32>,
    tpu.vector_store_idx %arg16[%get3A_3, %get3A_108], %gather3A_109 : memref<408x64xf32, #tpu.memory_space<vmem>>[vector<16xi32>, vector<16xi32>], vector<16xf32>,
    tpu.vector_store_idx %arg17[%get3A_3, %get3A_108], %gather3A_109 : memref<408x64xf32, #tpu.memory_space<vmem>>[vector<16xi32>, vector<16xi32>], vector<16xf32>,
    %get3A_110 = arith.constant 560 : index
    %get3A_111 = tpu.vector_load %arg15[%get3A_110] {strides = array<i32>} : memref<1120xi32, #tpu.memory_space<vmem>>, vector<16xi32>,
    %gather3A_112 = tpu.vector_load_idx %arg13[%get3A_5, %get3A_111] : memref<1x64xf32, #tpu.memory_space<vmem>>[vector<16xi32>, vector<16xi32>], vector<16xf32>,
    tpu.vector_store_idx %arg16[%get3A_3, %get3A_111], %gather3A_112 : memref<408x64xf32, #tpu.memory_space<vmem>>[vector<16xi32>, vector<16xi32>], vector<16xf32>,
    tpu.vector_store_idx %arg17[%get3A_3, %get3A_111], %gather3A_112 : memref<408x64xf32, #tpu.memory_space<vmem>>[vector<16xi32>, vector<16xi32>], vector<16xf32>,
    %get3A_113 = arith.constant 576 : index
    %get3A_114 = tpu.vector_load %arg15[%get3A_113] {strides = array<i32>} : memref<1120xi32, #tpu.memory_space<vmem>>, vector<16xi32>,
    %gather3A_115 = tpu.vector_load_idx %arg13[%get3A_5, %get3A_114] : memref<1x64xf32, #tpu.memory_space<vmem>>[vector<16xi32>, vector<16xi32>], vector<16xf32>,
    tpu.vector_store_idx %arg16[%get3A_3, %get3A_114], %gather3A_115 : memref<408x64xf32, #tpu.memory_space<vmem>>[vector<16xi32>, vector<16xi32>], vector<16xf32>,
    tpu.vector_store_idx %arg17[%get3A_3, %get3A_114], %gather3A_115 : memref<408x64xf32, #tpu.memory_space<vmem>>[vector<16xi32>, vector<16xi32>], vector<16xf32>,
    %get3A_116 = arith.constant 592 : index
    %get3A_117 = tpu.vector_load %arg15[%get3A_116] {strides = array<i32>} : memref<1120xi32, #tpu.memory_space<vmem>>, vector<16xi32>,
    %gather3A_118 = tpu.vector_load_idx %arg13[%get3A_5, %get3A_117] : memref<1x64xf32, #tpu.memory_space<vmem>>[vector<16xi32>, vector<16xi32>], vector<16xf32>,
    tpu.vector_store_idx %arg16[%get3A_3, %get3A_117], %gather3A_118 : memref<408x64xf32, #tpu.memory_space<vmem>>[vector<16xi32>, vector<16xi32>], vector<16xf32>,
    tpu.vector_store_idx %arg17[%get3A_3, %get3A_117], %gather3A_118 : memref<408x64xf32, #tpu.memory_space<vmem>>[vector<16xi32>, vector<16xi32>], vector<16xf32>,
    %get3A_119 = arith.constant 608 : index
    %get3A_120 = tpu.vector_load %arg15[%get3A_119] {strides = array<i32>} : memref<1120xi32, #tpu.memory_space<vmem>>, vector<16xi32>,
    %gather3A_121 = tpu.vector_load_idx %arg13[%get3A_5, %get3A_120] : memref<1x64xf32, #tpu.memory_space<vmem>>[vector<16xi32>, vector<16xi32>], vector<16xf32>,
    tpu.vector_store_idx %arg16[%get3A_3, %get3A_120], %gather3A_121 : memref<408x64xf32, #tpu.memory_space<vmem>>[vector<16xi32>, vector<16xi32>], vector<16xf32>,
    tpu.vector_store_idx %arg17[%get3A_3, %get3A_120], %gather3A_121 : memref<408x64xf32, #tpu.memory_space<vmem>>[vector<16xi32>, vector<16xi32>], vector<16xf32>,
    %get3A_122 = arith.constant 624 : index
    %get3A_123 = tpu.vector_load %arg15[%get3A_122] {strides = array<i32>} : memref<1120xi32, #tpu.memory_space<vmem>>, vector<16xi32>,
    %gather3A_124 = tpu.vector_load_idx %arg13[%get3A_5, %get3A_123] : memref<1x64xf32, #tpu.memory_space<vmem>>[vector<16xi32>, vector<16xi32>], vector<16xf32>,
    tpu.vector_store_idx %arg16[%get3A_3, %get3A_123], %gather3A_124 : memref<408x64xf32, #tpu.memory_space<vmem>>[vector<16xi32>, vector<16xi32>], vector<16xf32>,
    tpu.vector_store_idx %arg17[%get3A_3, %get3A_123], %gather3A_124 : memref<408x64xf32, #tpu.memory_space<vmem>>[vector<16xi32>, vector<16xi32>], vector<16xf32>,
    %get3A_125 = arith.constant 640 : index
    %get3A_126 = tpu.vector_load %arg15[%get3A_125] {strides = array<i32>} : memref<1120xi32, #tpu.memory_space<vmem>>, vector<16xi32>,
    %gather3A_127 = tpu.vector_load_idx %arg13[%get3A_5, %get3A_126] : memref<1x64xf32, #tpu.memory_space<vmem>>[vector<16xi32>, vector<16xi32>], vector<16xf32>,
    tpu.vector_store_idx %arg16[%get3A_3, %get3A_126], %gather3A_127 : memref<408x64xf32, #tpu.memory_space<vmem>>[vector<16xi32>, vector<16xi32>], vector<16xf32>,
    tpu.vector_store_idx %arg17[%get3A_3, %get3A_126], %gather3A_127 : memref<408x64xf32, #tpu.memory_space<vmem>>[vector<16xi32>, vector<16xi32>], vector<16xf32>,
    %get3A_128 = arith.constant 656 : index
    %get3A_129 = tpu.vector_load %arg15[%get3A_128] {strides = array<i32>} : memref<1120xi32, #tpu.memory_space<vmem>>, vector<16xi32>,
    %gather3A_130 = tpu.vector_load_idx %arg13[%get3A_5, %get3A_129] : memref<1x64xf32, #tpu.memory_space<vmem>>[vector<16xi32>, vector<16xi32>], vector<16xf32>,
    tpu.vector_store_idx %arg16[%get3A_3, %get3A_129], %gather3A_130 : memref<408x64xf32, #tpu.memory_space<vmem>>[vector<16xi32>, vector<16xi32>], vector<16xf32>,
    tpu.vector_store_idx %arg17[%get3A_3, %get3A_129], %gather3A_130 : memref<408x64xf32, #tpu.memory_space<vmem>>[vector<16xi32>, vector<16xi32>], vector<16xf32>,
    %get3A_131 = arith.constant 672 : index
    %get3A_132 = tpu.vector_load %arg15[%get3A_131] {strides = array<i32>} : memref<1120xi32, #tpu.memory_space<vmem>>, vector<16xi32>,
    %gather3A_133 = tpu.vector_load_idx %arg13[%get3A_5, %get3A_132] : memref<1x64xf32, #tpu.memory_space<vmem>>[vector<16xi32>, vector<16xi32>], vector<16xf32>,
    tpu.vector_store_idx %arg16[%get3A_3, %get3A_132], %gather3A_133 : memref<408x64xf32, #tpu.memory_space<vmem>>[vector<16xi32>, vector<16xi32>], vector<16xf32>,
    tpu.vector_store_idx %arg17[%get3A_3, %get3A_132], %gather3A_133 : memref<408x64xf32, #tpu.memory_space<vmem>>[vector<16xi32>, vector<16xi32>], vector<16xf32>,
    %get3A_134 = arith.constant 688 : index
    %get3A_135 = tpu.vector_load %arg15[%get3A_134] {strides = array<i32>} : memref<1120xi32, #tpu.memory_space<vmem>>, vector<16xi32>,
    %gather3A_136 = tpu.vector_load_idx %arg13[%get3A_5, %get3A_135] : memref<1x64xf32, #tpu.memory_space<vmem>>[vector<16xi32>, vector<16xi32>], vector<16xf32>,
    tpu.vector_store_idx %arg16[%get3A_3, %get3A_135], %gather3A_136 : memref<408x64xf32, #tpu.memory_space<vmem>>[vector<16xi32>, vector<16xi32>], vector<16xf32>,
    tpu.vector_store_idx %arg17[%get3A_3, %get3A_135], %gather3A_136 : memref<408x64xf32, #tpu.memory_space<vmem>>[vector<16xi32>, vector<16xi32>], vector<16xf32>,
    %get3A_137 = arith.constant 704 : index
    %get3A_138 = tpu.vector_load %arg15[%get3A_137] {strides = array<i32>} : memref<1120xi32, #tpu.memory_space<vmem>>, vector<16xi32>,
    %gather3A_139 = tpu.vector_load_idx %arg13[%get3A_5, %get3A_138] : memref<1x64xf32, #tpu.memory_space<vmem>>[vector<16xi32>, vector<16xi32>], vector<16xf32>,
    tpu.vector_store_idx %arg16[%get3A_3, %get3A_138], %gather3A_139 : memref<408x64xf32, #tpu.memory_space<vmem>>[vector<16xi32>, vector<16xi32>], vector<16xf32>,
    tpu.vector_store_idx %arg17[%get3A_3, %get3A_138], %gather3A_139 : memref<408x64xf32, #tpu.memory_space<vmem>>[vector<16xi32>, vector<16xi32>], vector<16xf32>,
    %get3A_140 = arith.constant 720 : index
    %get3A_141 = tpu.vector_load %arg15[%get3A_140] {strides = array<i32>} : memref<1120xi32, #tpu.memory_space<vmem>>, vector<16xi32>,
    %gather3A_142 = tpu.vector_load_idx %arg13[%get3A_5, %get3A_141] : memref<1x64xf32, #tpu.memory_space<vmem>>[vector<16xi32>, vector<16xi32>], vector<16xf32>,
    tpu.vector_store_idx %arg16[%get3A_3, %get3A_141], %gather3A_142 : memref<408x64xf32, #tpu.memory_space<vmem>>[vector<16xi32>, vector<16xi32>], vector<16xf32>,
    tpu.vector_store_idx %arg17[%get3A_3, %get3A_141], %gather3A_142 : memref<408x64xf32, #tpu.memory_space<vmem>>[vector<16xi32>, vector<16xi32>], vector<16xf32>,
    %get3A_143 = arith.constant 736 : index
    %get3A_144 = tpu.vector_load %arg15[%get3A_143] {strides = array<i32>} : memref<1120xi32, #tpu.memory_space<vmem>>, vector<16xi32>,
    %gather3A_145 = tpu.vector_load_idx %arg13[%get3A_5, %get3A_144] : memref<1x64xf32, #tpu.memory_space<vmem>>[vector<16xi32>, vector<16xi32>], vector<16xf32>,
    tpu.vector_store_idx %arg16[%get3A_3, %get3A_144], %gather3A_145 : memref<408x64xf32, #tpu.memory_space<vmem>>[vector<16xi32>, vector<16xi32>], vector<16xf32>,
    tpu.vector_store_idx %arg17[%get3A_3, %get3A_144], %gather3A_145 : memref<408x64xf32, #tpu.memory_space<vmem>>[vector<16xi32>, vector<16xi32>], vector<16xf32>,
    %get3A_146 = arith.constant 752 : index
    %get3A_147 = tpu.vector_load %arg15[%get3A_146] {strides = array<i32>} : memref<1120xi32, #tpu.memory_space<vmem>>, vector<16xi32>,
    %gather3A_148 = tpu.vector_load_idx %arg13[%get3A_5, %get3A_147] : memref<1x64xf32, #tpu.memory_space<vmem>>[vector<16xi32>, vector<16xi32>], vector<16xf32>,
    tpu.vector_store_idx %arg16[%get3A_3, %get3A_147], %gather3A_148 : memref<408x64xf32, #tpu.memory_space<vmem>>[vector<16xi32>, vector<16xi32>], vector<16xf32>,
    tpu.vector_store_idx %arg17[%get3A_3, %get3A_147], %gather3A_148 : memref<408x64xf32, #tpu.memory_space<vmem>>[vector<16xi32>, vector<16xi32>], vector<16xf32>,
    %get3A_149 = arith.constant 768 : index
    %get3A_150 = tpu.vector_load %arg15[%get3A_149] {strides = array<i32>} : memref<1120xi32, #tpu.memory_space<vmem>>, vector<16xi32>,
    %gather3A_151 = tpu.vector_load_idx %arg13[%get3A_5, %get3A_150] : memref<1x64xf32, #tpu.memory_space<vmem>>[vector<16xi32>, vector<16xi32>], vector<16xf32>,
    tpu.vector_store_idx %arg16[%get3A_3, %get3A_150], %gather3A_151 : memref<408x64xf32, #tpu.memory_space<vmem>>[vector<16xi32>, vector<16xi32>], vector<16xf32>,
    tpu.vector_store_idx %arg17[%get3A_3, %get3A_150], %gather3A_151 : memref<408x64xf32, #tpu.memory_space<vmem>>[vector<16xi32>, vector<16xi32>], vector<16xf32>,
    %get3A_152 = arith.constant 784 : index
    %get3A_153 = tpu.vector_load %arg15[%get3A_152] {strides = array<i32>} : memref<1120xi32, #tpu.memory_space<vmem>>, vector<16xi32>,
    %gather3A_154 = tpu.vector_load_idx %arg13[%get3A_5, %get3A_153] : memref<1x64xf32, #tpu.memory_space<vmem>>[vector<16xi32>, vector<16xi32>], vector<16xf32>,
    tpu.vector_store_idx %arg16[%get3A_3, %get3A_153], %gather3A_154 : memref<408x64xf32, #tpu.memory_space<vmem>>[vector<16xi32>, vector<16xi32>], vector<16xf32>,
    tpu.vector_store_idx %arg17[%get3A_3, %get3A_153], %gather3A_154 : memref<408x64xf32, #tpu.memory_space<vmem>>[vector<16xi32>, vector<16xi32>], vector<16xf32>,
    %get3A_155 = arith.constant 800 : index
    %get3A_156 = tpu.vector_load %arg15[%get3A_155] {strides = array<i32>} : memref<1120xi32, #tpu.memory_space<vmem>>, vector<16xi32>,
    %gather3A_157 = tpu.vector_load_idx %arg13[%get3A_5, %get3A_156] : memref<1x64xf32, #tpu.memory_space<vmem>>[vector<16xi32>, vector<16xi32>], vector<16xf32>,
    tpu.vector_store_idx %arg16[%get3A_3, %get3A_156], %gather3A_157 : memref<408x64xf32, #tpu.memory_space<vmem>>[vector<16xi32>, vector<16xi32>], vector<16xf32>,
    tpu.vector_store_idx %arg17[%get3A_3, %get3A_156], %gather3A_157 : memref<408x64xf32, #tpu.memory_space<vmem>>[vector<16xi32>, vector<16xi32>], vector<16xf32>,
    %get3A_158 = arith.constant 816 : index
    %get3A_159 = tpu.vector_load %arg15[%get3A_158] {strides = array<i32>} : memref<1120xi32, #tpu.memory_space<vmem>>, vector<16xi32>,
    %gather3A_160 = tpu.vector_load_idx %arg13[%get3A_5, %get3A_159] : memref<1x64xf32, #tpu.memory_space<vmem>>[vector<16xi32>, vector<16xi32>], vector<16xf32>,
    tpu.vector_store_idx %arg16[%get3A_3, %get3A_159], %gather3A_160 : memref<408x64xf32, #tpu.memory_space<vmem>>[vector<16xi32>, vector<16xi32>], vector<16xf32>,
    tpu.vector_store_idx %arg17[%get3A_3, %get3A_159], %gather3A_160 : memref<408x64xf32, #tpu.memory_space<vmem>>[vector<16xi32>, vector<16xi32>], vector<16xf32>,
    %get3A_161 = arith.constant 832 : index
    %get3A_162 = tpu.vector_load %arg15[%get3A_161] {strides = array<i32>} : memref<1120xi32, #tpu.memory_space<vmem>>, vector<16xi32>,
    %gather3A_163 = tpu.vector_load_idx %arg13[%get3A_5, %get3A_162] : memref<1x64xf32, #tpu.memory_space<vmem>>[vector<16xi32>, vector<16xi32>], vector<16xf32>,
    tpu.vector_store_idx %arg16[%get3A_3, %get3A_162], %gather3A_163 : memref<408x64xf32, #tpu.memory_space<vmem>>[vector<16xi32>, vector<16xi32>], vector<16xf32>,
    tpu.vector_store_idx %arg17[%get3A_3, %get3A_162], %gather3A_163 : memref<408x64xf32, #tpu.memory_space<vmem>>[vector<16xi32>, vector<16xi32>], vector<16xf32>,
    %get3A_164 = arith.constant 848 : index
    %get3A_165 = tpu.vector_load %arg15[%get3A_164] {strides = array<i32>} : memref<1120xi32, #tpu.memory_space<vmem>>, vector<16xi32>,
    %gather3A_166 = tpu.vector_load_idx %arg13[%get3A_5, %get3A_165] : memref<1x64xf32, #tpu.memory_space<vmem>>[vector<16xi32>, vector<16xi32>], vector<16xf32>,
    tpu.vector_store_idx %arg16[%get3A_3, %get3A_165], %gather3A_166 : memref<408x64xf32, #tpu.memory_space<vmem>>[vector<16xi32>, vector<16xi32>], vector<16xf32>,
    tpu.vector_store_idx %arg17[%get3A_3, %get3A_165], %gather3A_166 : memref<408x64xf32, #tpu.memory_space<vmem>>[vector<16xi32>, vector<16xi32>], vector<16xf32>,
    %get3A_167 = arith.constant 864 : index
    %get3A_168 = tpu.vector_load %arg15[%get3A_167] {strides = array<i32>} : memref<1120xi32, #tpu.memory_space<vmem>>, vector<16xi32>,
    %gather3A_169 = tpu.vector_load_idx %arg13[%get3A_5, %get3A_168] : memref<1x64xf32, #tpu.memory_space<vmem>>[vector<16xi32>, vector<16xi32>], vector<16xf32>,
    tpu.vector_store_idx %arg16[%get3A_3, %get3A_168], %gather3A_169 : memref<408x64xf32, #tpu.memory_space<vmem>>[vector<16xi32>, vector<16xi32>], vector<16xf32>,
    tpu.vector_store_idx %arg17[%get3A_3, %get3A_168], %gather3A_169 : memref<408x64xf32, #tpu.memory_space<vmem>>[vector<16xi32>, vector<16xi32>], vector<16xf32>,
    %get3A_170 = arith.constant 880 : index
    %get3A_171 = tpu.vector_load %arg15[%get3A_170] {strides = array<i32>} : memref<1120xi32, #tpu.memory_space<vmem>>, vector<16xi32>,
    %gather3A_172 = tpu.vector_load_idx %arg13[%get3A_5, %get3A_171] : memref<1x64xf32, #tpu.memory_space<vmem>>[vector<16xi32>, vector<16xi32>], vector<16xf32>,
    tpu.vector_store_idx %arg16[%get3A_3, %get3A_171], %gather3A_172 : memref<408x64xf32, #tpu.memory_space<vmem>>[vector<16xi32>, vector<16xi32>], vector<16xf32>,
    tpu.vector_store_idx %arg17[%get3A_3, %get3A_171], %gather3A_172 : memref<408x64xf32, #tpu.memory_space<vmem>>[vector<16xi32>, vector<16xi32>], vector<16xf32>,
    %get3A_173 = arith.constant 896 : index
    %get3A_174 = tpu.vector_load %arg15[%get3A_173] {strides = array<i32>} : memref<1120xi32, #tpu.memory_space<vmem>>, vector<16xi32>,
    %gather3A_175 = tpu.vector_load_idx %arg13[%get3A_5, %get3A_174] : memref<1x64xf32, #tpu.memory_space<vmem>>[vector<16xi32>, vector<16xi32>], vector<16xf32>,
    tpu.vector_store_idx %arg16[%get3A_3, %get3A_174], %gather3A_175 : memref<408x64xf32, #tpu.memory_space<vmem>>[vector<16xi32>, vector<16xi32>], vector<16xf32>,
    tpu.vector_store_idx %arg17[%get3A_3, %get3A_174], %gather3A_175 : memref<408x64xf32, #tpu.memory_space<vmem>>[vector<16xi32>, vector<16xi32>], vector<16xf32>,
    %get3A_176 = arith.constant 912 : index
    %get3A_177 = tpu.vector_load %arg15[%get3A_176] {strides = array<i32>} : memref<1120xi32, #tpu.memory_space<vmem>>, vector<16xi32>,
    %gather3A_178 = tpu.vector_load_idx %arg13[%get3A_5, %get3A_177] : memref<1x64xf32, #tpu.memory_space<vmem>>[vector<16xi32>, vector<16xi32>], vector<16xf32>,
    tpu.vector_store_idx %arg16[%get3A_3, %get3A_177], %gather3A_178 : memref<408x64xf32, #tpu.memory_space<vmem>>[vector<16xi32>, vector<16xi32>], vector<16xf32>,
    tpu.vector_store_idx %arg17[%get3A_3, %get3A_177], %gather3A_178 : memref<408x64xf32, #tpu.memory_space<vmem>>[vector<16xi32>, vector<16xi32>], vector<16xf32>,
    %get3A_179 = arith.constant 928 : index
    %get3A_180 = tpu.vector_load %arg15[%get3A_179] {strides = array<i32>} : memref<1120xi32, #tpu.memory_space<vmem>>, vector<16xi32>,
    %gather3A_181 = tpu.vector_load_idx %arg13[%get3A_5, %get3A_180] : memref<1x64xf32, #tpu.memory_space<vmem>>[vector<16xi32>, vector<16xi32>], vector<16xf32>,
    tpu.vector_store_idx %arg16[%get3A_3, %get3A_180], %gather3A_181 : memref<408x64xf32, #tpu.memory_space<vmem>>[vector<16xi32>, vector<16xi32>], vector<16xf32>,
    tpu.vector_store_idx %arg17[%get3A_3, %get3A_180], %gather3A_181 : memref<408x64xf32, #tpu.memory_space<vmem>>[vector<16xi32>, vector<16xi32>], vector<16xf32>,
    %get3A_182 = arith.constant 944 : index
    %get3A_183 = tpu.vector_load %arg15[%get3A_182] {strides = array<i32>} : memref<1120xi32, #tpu.memory_space<vmem>>, vector<16xi32>,
    %gather3A_184 = tpu.vector_load_idx %arg13[%get3A_5, %get3A_183] : memref<1x64xf32, #tpu.memory_space<vmem>>[vector<16xi32>, vector<16xi32>], vector<16xf32>,
    tpu.vector_store_idx %arg16[%get3A_3, %get3A_183], %gather3A_184 : memref<408x64xf32, #tpu.memory_space<vmem>>[vector<16xi32>, vector<16xi32>], vector<16xf32>,
    tpu.vector_store_idx %arg17[%get3A_3, %get3A_183], %gather3A_184 : memref<408x64xf32, #tpu.memory_space<vmem>>[vector<16xi32>, vector<16xi32>], vector<16xf32>,
    %get3A_185 = arith.constant 960 : index
    %get3A_186 = tpu.vector_load %arg15[%get3A_185] {strides = array<i32>} : memref<1120xi32, #tpu.memory_space<vmem>>, vector<16xi32>,
    %gather3A_187 = tpu.vector_load_idx %arg13[%get3A_5, %get3A_186] : memref<1x64xf32, #tpu.memory_space<vmem>>[vector<16xi32>, vector<16xi32>], vector<16xf32>,
    tpu.vector_store_idx %arg16[%get3A_3, %get3A_186], %gather3A_187 : memref<408x64xf32, #tpu.memory_space<vmem>>[vector<16xi32>, vector<16xi32>], vector<16xf32>,
    tpu.vector_store_idx %arg17[%get3A_3, %get3A_186], %gather3A_187 : memref<408x64xf32, #tpu.memory_space<vmem>>[vector<16xi32>, vector<16xi32>], vector<16xf32>,
    %get3A_188 = arith.constant 976 : index
    %get3A_189 = tpu.vector_load %arg15[%get3A_188] {strides = array<i32>} : memref<1120xi32, #tpu.memory_space<vmem>>, vector<16xi32>,
    %gather3A_190 = tpu.vector_load_idx %arg13[%get3A_5, %get3A_189] : memref<1x64xf32, #tpu.memory_space<vmem>>[vector<16xi32>, vector<16xi32>], vector<16xf32>,
    tpu.vector_store_idx %arg16[%get3A_3, %get3A_189], %gather3A_190 : memref<408x64xf32, #tpu.memory_space<vmem>>[vector<16xi32>, vector<16xi32>], vector<16xf32>,
    tpu.vector_store_idx %arg17[%get3A_3, %get3A_189], %gather3A_190 : memref<408x64xf32, #tpu.memory_space<vmem>>[vector<16xi32>, vector<16xi32>], vector<16xf32>,
    %get3A_191 = arith.constant 992 : index
    %get3A_192 = tpu.vector_load %arg15[%get3A_191] {strides = array<i32>} : memref<1120xi32, #tpu.memory_space<vmem>>, vector<16xi32>,
    %gather3A_193 = tpu.vector_load_idx %arg13[%get3A_5, %get3A_192] : memref<1x64xf32, #tpu.memory_space<vmem>>[vector<16xi32>, vector<16xi32>], vector<16xf32>,
    tpu.vector_store_idx %arg16[%get3A_3, %get3A_192], %gather3A_193 : memref<408x64xf32, #tpu.memory_space<vmem>>[vector<16xi32>, vector<16xi32>], vector<16xf32>,
    tpu.vector_store_idx %arg17[%get3A_3, %get3A_192], %gather3A_193 : memref<408x64xf32, #tpu.memory_space<vmem>>[vector<16xi32>, vector<16xi32>], vector<16xf32>,
    %get3A_194 = arith.constant 1008 : index
    %get3A_195 = tpu.vector_load %arg15[%get3A_194] {strides = array<i32>} : memref<1120xi32, #tpu.memory_space<vmem>>, vector<16xi32>,
    %gather3A_196 = tpu.vector_load_idx %arg13[%get3A_5, %get3A_195] : memref<1x64xf32, #tpu.memory_space<vmem>>[vector<16xi32>, vector<16xi32>], vector<16xf32>,
    tpu.vector_store_idx %arg16[%get3A_3, %get3A_195], %gather3A_196 : memref<408x64xf32, #tpu.memory_space<vmem>>[vector<16xi32>, vector<16xi32>], vector<16xf32>,
    tpu.vector_store_idx %arg17[%get3A_3, %get3A_195], %gather3A_196 : memref<408x64xf32, #tpu.memory_space<vmem>>[vector<16xi32>, vector<16xi32>], vector<16xf32>,
    %add3A_197 = arith.constant 0 : i32
    %add3A_198 = arith.addi %mul3A_2, %add3A_197 : i32
    %dma_start3A = arith.constant 0 : i32
    %dma_start3A_199 = tpu.memref_slice %arg4[%add3A_198, %dma_start3A] : memref<4096x50xi32, #tpu.memory_space<hbm>> -> memref<8x50xi32, #tpu.memory_space<hbm>>
    %dma_start3A_200 = arith.constant 0 : i32
    %dma_start3A_201 = tpu.memref_slice %arg4[%add3A_198, %dma_start3A_200] : memref<4096x50xi32, #tpu.memory_space<hbm>> -> memref<8x50xi32, #tpu.memory_space<hbm>>
    tpu.enqueue_dma source(%dma_start3A_201 : memref<8x50xi32, #tpu.memory_space<hbm>>) target(%arg18 : memref<8x50xi32, #tpu.memory_space<vmem>>) target_semaphore(%arg22 : memref<!tpu.dma_semaphore, #tpu.memory_space<semaphore_mem>>)
    %add3A_202 = arith.constant 0 : i32
    %add3A_203 = arith.addi %mul3A_2, %add3A_202 : i32
    %mul3A_204 = arith.constant 50 : i32
    %mul3A_205 = arith.muli %add3A_203, %mul3A_204 : i32
    %dma_start3A_206 = arith.constant 0 : i32
    %dma_start3A_207 = tpu.memref_slice %arg20[%dma_start3A_206] : memref<1200xi32, #tpu.memory_space<vmem>> -> memref<400xi32, #tpu.memory_space<vmem>>
    %dma_start3A_208 = tpu.memref_slice %arg5[%mul3A_205] : memref<204800xi32, #tpu.memory_space<hbm>> -> memref<400xi32, #tpu.memory_space<hbm>>
    %dma_start3A_209 = arith.constant 0 : i32
    %dma_start3A_210 = tpu.memref_slice %arg20[%dma_start3A_209] : memref<1200xi32, #tpu.memory_space<vmem>> -> memref<400xi32, #tpu.memory_space<vmem>>
    %dma_start3A_211 = tpu.memref_slice %arg5[%mul3A_205] : memref<204800xi32, #tpu.memory_space<hbm>> -> memref<400xi32, #tpu.memory_space<hbm>>
    tpu.enqueue_dma source(%dma_start3A_211 : memref<400xi32, #tpu.memory_space<hbm>>) target(%dma_start3A_210 : memref<400xi32, #tpu.memory_space<vmem>>) target_semaphore(%arg24 : memref<!tpu.dma_semaphore, #tpu.memory_space<semaphore_mem>>)
    %dma_start3A_212 = arith.constant 400 : i32
    %dma_start3A_213 = tpu.memref_slice %arg20[%dma_start3A_212] : memref<1200xi32, #tpu.memory_space<vmem>> -> memref<400xi32, #tpu.memory_space<vmem>>
    %dma_start3A_214 = tpu.memref_slice %arg6[%mul3A_205] : memref<204800xi32, #tpu.memory_space<hbm>> -> memref<400xi32, #tpu.memory_space<hbm>>
    %dma_start3A_215 = arith.constant 400 : i32
    %dma_start3A_216 = tpu.memref_slice %arg20[%dma_start3A_215] : memref<1200xi32, #tpu.memory_space<vmem>> -> memref<400xi32, #tpu.memory_space<vmem>>
    %dma_start3A_217 = tpu.memref_slice %arg6[%mul3A_205] : memref<204800xi32, #tpu.memory_space<hbm>> -> memref<400xi32, #tpu.memory_space<hbm>>
    tpu.enqueue_dma source(%dma_start3A_217 : memref<400xi32, #tpu.memory_space<hbm>>) target(%dma_start3A_216 : memref<400xi32, #tpu.memory_space<vmem>>) target_semaphore(%arg24 : memref<!tpu.dma_semaphore, #tpu.memory_space<semaphore_mem>>)
    %dma_start3A_218 = arith.constant 800 : i32
    %dma_start3A_219 = tpu.memref_slice %arg20[%dma_start3A_218] : memref<1200xi32, #tpu.memory_space<vmem>> -> memref<400xi32, #tpu.memory_space<vmem>>
    %dma_start3A_220 = tpu.memref_slice %arg7[%mul3A_205] : memref<204800xi32, #tpu.memory_space<hbm>> -> memref<400xi32, #tpu.memory_space<hbm>>
    %dma_start3A_221 = arith.constant 800 : i32
    %dma_start3A_222 = tpu.memref_slice %arg20[%dma_start3A_221] : memref<1200xi32, #tpu.memory_space<vmem>> -> memref<400xi32, #tpu.memory_space<vmem>>
    %dma_start3A_223 = tpu.memref_slice %arg7[%mul3A_205] : memref<204800xi32, #tpu.memory_space<hbm>> -> memref<400xi32, #tpu.memory_space<hbm>>
    tpu.enqueue_dma source(%dma_start3A_223 : memref<400xi32, #tpu.memory_space<hbm>>) target(%dma_start3A_222 : memref<400xi32, #tpu.memory_space<vmem>>) target_semaphore(%arg24 : memref<!tpu.dma_semaphore, #tpu.memory_space<semaphore_mem>>)
    %add3A_224 = arith.constant 8 : i32
    %add3A_225 = arith.addi %mul3A_2, %add3A_224 : i32
    %dma_start3A_226 = arith.constant 0 : i32
    %dma_start3A_227 = tpu.memref_slice %arg4[%add3A_225, %dma_start3A_226] : memref<4096x50xi32, #tpu.memory_space<hbm>> -> memref<8x50xi32, #tpu.memory_space<hbm>>
    %dma_start3A_228 = arith.constant 0 : i32
    %dma_start3A_229 = tpu.memref_slice %arg4[%add3A_225, %dma_start3A_228] : memref<4096x50xi32, #tpu.memory_space<hbm>> -> memref<8x50xi32, #tpu.memory_space<hbm>>
    tpu.enqueue_dma source(%dma_start3A_229 : memref<8x50xi32, #tpu.memory_space<hbm>>) target(%arg19 : memref<8x50xi32, #tpu.memory_space<vmem>>) target_semaphore(%arg23 : memref<!tpu.dma_semaphore, #tpu.memory_space<semaphore_mem>>)
    %add3A_230 = arith.constant 8 : i32
    %add3A_231 = arith.addi %mul3A_2, %add3A_230 : i32
    %mul3A_232 = arith.constant 50 : i32
    %mul3A_233 = arith.muli %add3A_231, %mul3A_232 : i32
    %dma_start3A_234 = arith.constant 0 : i32
    %dma_start3A_235 = tpu.memref_slice %arg21[%dma_start3A_234] : memref<1200xi32, #tpu.memory_space<vmem>> -> memref<400xi32, #tpu.memory_space<vmem>>
    %dma_start3A_236 = tpu.memref_slice %arg5[%mul3A_233] : memref<204800xi32, #tpu.memory_space<hbm>> -> memref<400xi32, #tpu.memory_space<hbm>>
    %dma_start3A_237 = arith.constant 0 : i32
    %dma_start3A_238 = tpu.memref_slice %arg21[%dma_start3A_237] : memref<1200xi32, #tpu.memory_space<vmem>> -> memref<400xi32, #tpu.memory_space<vmem>>
    %dma_start3A_239 = tpu.memref_slice %arg5[%mul3A_233] : memref<204800xi32, #tpu.memory_space<hbm>> -> memref<400xi32, #tpu.memory_space<hbm>>
    tpu.enqueue_dma source(%dma_start3A_239 : memref<400xi32, #tpu.memory_space<hbm>>) target(%dma_start3A_238 : memref<400xi32, #tpu.memory_space<vmem>>) target_semaphore(%arg25 : memref<!tpu.dma_semaphore, #tpu.memory_space<semaphore_mem>>)
    %dma_start3A_240 = arith.constant 400 : i32
    %dma_start3A_241 = tpu.memref_slice %arg21[%dma_start3A_240] : memref<1200xi32, #tpu.memory_space<vmem>> -> memref<400xi32, #tpu.memory_space<vmem>>
    %dma_start3A_242 = tpu.memref_slice %arg6[%mul3A_233] : memref<204800xi32, #tpu.memory_space<hbm>> -> memref<400xi32, #tpu.memory_space<hbm>>
    %dma_start3A_243 = arith.constant 400 : i32
    %dma_start3A_244 = tpu.memref_slice %arg21[%dma_start3A_243] : memref<1200xi32, #tpu.memory_space<vmem>> -> memref<400xi32, #tpu.memory_space<vmem>>
    %dma_start3A_245 = tpu.memref_slice %arg6[%mul3A_233] : memref<204800xi32, #tpu.memory_space<hbm>> -> memref<400xi32, #tpu.memory_space<hbm>>
    tpu.enqueue_dma source(%dma_start3A_245 : memref<400xi32, #tpu.memory_space<hbm>>) target(%dma_start3A_244 : memref<400xi32, #tpu.memory_space<vmem>>) target_semaphore(%arg25 : memref<!tpu.dma_semaphore, #tpu.memory_space<semaphore_mem>>)
    %dma_start3A_246 = arith.constant 800 : i32
    %dma_start3A_247 = tpu.memref_slice %arg21[%dma_start3A_246] : memref<1200xi32, #tpu.memory_space<vmem>> -> memref<400xi32, #tpu.memory_space<vmem>>
    %dma_start3A_248 = tpu.memref_slice %arg7[%mul3A_233] : memref<204800xi32, #tpu.memory_space<hbm>> -> memref<400xi32, #tpu.memory_space<hbm>>
    %dma_start3A_249 = arith.constant 800 : i32
    %dma_start3A_250 = tpu.memref_slice %arg21[%dma_start3A_249] : memref<1200xi32, #tpu.memory_space<vmem>> -> memref<400xi32, #tpu.memory_space<vmem>>
    %dma_start3A_251 = tpu.memref_slice %arg7[%mul3A_233] : memref<204800xi32, #tpu.memory_space<hbm>> -> memref<400xi32, #tpu.memory_space<hbm>>
    tpu.enqueue_dma source(%dma_start3A_251 : memref<400xi32, #tpu.memory_space<hbm>>) target(%dma_start3A_250 : memref<400xi32, #tpu.memory_space<vmem>>) target_semaphore(%arg25 : memref<!tpu.dma_semaphore, #tpu.memory_space<semaphore_mem>>)
    %dma_wait3A = arith.constant 0 : i32
    %dma_wait3A_252 = arith.constant 0 : i32
    %dma_wait3A_253 = tpu.memref_slice %arg4[%dma_wait3A, %dma_wait3A_252] : memref<4096x50xi32, #tpu.memory_space<hbm>> -> memref<8x50xi32, #tpu.memory_space<hbm>>
    %dma_wait3A_254 = arith.constant 0 : i32
    %dma_wait3A_255 = arith.constant 0 : i32
    %dma_wait3A_256 = tpu.memref_slice %arg4[%dma_wait3A_254, %dma_wait3A_255] : memref<4096x50xi32, #tpu.memory_space<hbm>> -> memref<8x50xi32, #tpu.memory_space<hbm>>
    tpu.wait_dma2 semaphore(%arg22 : memref<!tpu.dma_semaphore, #tpu.memory_space<semaphore_mem>>) src(%dma_wait3A_256 : memref<8x50xi32, #tpu.memory_space<hbm>>) dst(%arg18 : memref<8x50xi32, #tpu.memory_space<vmem>>)
    %dma_start3A_257 = arith.constant 0 : i32
    %dma_start3A_258 = arith.constant 1 : i32
    %dma_start3A_259 = arith.constant 0 : i32
    %dma_start3A_260 = tpu.memref_slice %arg16[%dma_start3A_258, %dma_start3A_259] : memref<408x64xf32, #tpu.memory_space<vmem>> -> memref<50x64xf32, #tpu.memory_space<vmem>>
    %dma_start3A_261 = arith.constant 0 : i32
    %dma_start3A_262 = tpu.memref_slice %arg18[%dma_start3A_257, %dma_start3A_261] : memref<8x50xi32, #tpu.memory_space<vmem>> -> memref<1x50xi32, #tpu.memory_space<vmem>>
    %dma_start3A_263 = tpu.memref_squeeze %dma_start3A_262 : memref<1x50xi32, #tpu.memory_space<vmem>> -> memref<50xi32, #tpu.memory_space<vmem>>
    %dma_start3A_264 = arith.constant 0 : i32
    %dma_start3A_265 = arith.constant 0 : i32
    %dma_start3A_266 = tpu.memref_slice %arg2[%dma_start3A_264, %dma_start3A_265] : memref<100003x64xf32, #tpu.memory_space<hbm>> -> memref<100003x64xf32, #tpu.memory_space<hbm>>
    tpu.enqueue_indirect_dma source(%dma_start3A_266 : memref<100003x64xf32, #tpu.memory_space<hbm>>) target(%dma_start3A_260 : memref<50x64xf32, #tpu.memory_space<vmem>>) offsets(%dma_start3A_263 : memref<50xi32, #tpu.memory_space<vmem>>) semaphore(%arg26 : memref<!tpu.dma_semaphore, #tpu.memory_space<semaphore_mem>>)
    %dma_start3A_267 = arith.constant 1 : i32
    %dma_start3A_268 = arith.constant 52 : i32
    %dma_start3A_269 = arith.constant 0 : i32
    %dma_start3A_270 = tpu.memref_slice %arg16[%dma_start3A_268, %dma_start3A_269] : memref<408x64xf32, #tpu.memory_space<vmem>> -> memref<50x64xf32, #tpu.memory_space<vmem>>
    %dma_start3A_271 = arith.constant 0 : i32
    %dma_start3A_272 = tpu.memref_slice %arg18[%dma_start3A_267, %dma_start3A_271] : memref<8x50xi32, #tpu.memory_space<vmem>> -> memref<1x50xi32, #tpu.memory_space<vmem>>
    %dma_start3A_273 = tpu.memref_squeeze %dma_start3A_272 : memref<1x50xi32, #tpu.memory_space<vmem>> -> memref<50xi32, #tpu.memory_space<vmem>>
    %dma_start3A_274 = arith.constant 0 : i32
    %dma_start3A_275 = arith.constant 0 : i32
    %dma_start3A_276 = tpu.memref_slice %arg2[%dma_start3A_274, %dma_start3A_275] : memref<100003x64xf32, #tpu.memory_space<hbm>> -> memref<100003x64xf32, #tpu.memory_space<hbm>>
    tpu.enqueue_indirect_dma source(%dma_start3A_276 : memref<100003x64xf32, #tpu.memory_space<hbm>>) target(%dma_start3A_270 : memref<50x64xf32, #tpu.memory_space<vmem>>) offsets(%dma_start3A_273 : memref<50xi32, #tpu.memory_space<vmem>>) semaphore(%arg26 : memref<!tpu.dma_semaphore, #tpu.memory_space<semaphore_mem>>)
    %dma_start3A_277 = arith.constant 2 : i32
    %dma_start3A_278 = arith.constant 103 : i32
    %dma_start3A_279 = arith.constant 0 : i32
    %dma_start3A_280 = tpu.memref_slice %arg16[%dma_start3A_278, %dma_start3A_279] : memref<408x64xf32, #tpu.memory_space<vmem>> -> memref<50x64xf32, #tpu.memory_space<vmem>>
    %dma_start3A_281 = arith.constant 0 : i32
    %dma_start3A_282 = tpu.memref_slice %arg18[%dma_start3A_277, %dma_start3A_281] : memref<8x50xi32, #tpu.memory_space<vmem>> -> memref<1x50xi32, #tpu.memory_space<vmem>>
    %dma_start3A_283 = tpu.memref_squeeze %dma_start3A_282 : memref<1x50xi32, #tpu.memory_space<vmem>> -> memref<50xi32, #tpu.memory_space<vmem>>
    %dma_start3A_284 = arith.constant 0 : i32
    %dma_start3A_285 = arith.constant 0 : i32
    %dma_start3A_286 = tpu.memref_slice %arg2[%dma_start3A_284, %dma_start3A_285] : memref<100003x64xf32, #tpu.memory_space<hbm>> -> memref<100003x64xf32, #tpu.memory_space<hbm>>
    tpu.enqueue_indirect_dma source(%dma_start3A_286 : memref<100003x64xf32, #tpu.memory_space<hbm>>) target(%dma_start3A_280 : memref<50x64xf32, #tpu.memory_space<vmem>>) offsets(%dma_start3A_283 : memref<50xi32, #tpu.memory_space<vmem>>) semaphore(%arg26 : memref<!tpu.dma_semaphore, #tpu.memory_space<semaphore_mem>>)
    %dma_start3A_287 = arith.constant 3 : i32
    %dma_start3A_288 = arith.constant 154 : i32
    %dma_start3A_289 = arith.constant 0 : i32
    %dma_start3A_290 = tpu.memref_slice %arg16[%dma_start3A_288, %dma_start3A_289] : memref<408x64xf32, #tpu.memory_space<vmem>> -> memref<50x64xf32, #tpu.memory_space<vmem>>
    %dma_start3A_291 = arith.constant 0 : i32
    %dma_start3A_292 = tpu.memref_slice %arg18[%dma_start3A_287, %dma_start3A_291] : memref<8x50xi32, #tpu.memory_space<vmem>> -> memref<1x50xi32, #tpu.memory_space<vmem>>
    %dma_start3A_293 = tpu.memref_squeeze %dma_start3A_292 : memref<1x50xi32, #tpu.memory_space<vmem>> -> memref<50xi32, #tpu.memory_space<vmem>>
    %dma_start3A_294 = arith.constant 0 : i32
    %dma_start3A_295 = arith.constant 0 : i32
    %dma_start3A_296 = tpu.memref_slice %arg2[%dma_start3A_294, %dma_start3A_295] : memref<100003x64xf32, #tpu.memory_space<hbm>> -> memref<100003x64xf32, #tpu.memory_space<hbm>>
    tpu.enqueue_indirect_dma source(%dma_start3A_296 : memref<100003x64xf32, #tpu.memory_space<hbm>>) target(%dma_start3A_290 : memref<50x64xf32, #tpu.memory_space<vmem>>) offsets(%dma_start3A_293 : memref<50xi32, #tpu.memory_space<vmem>>) semaphore(%arg26 : memref<!tpu.dma_semaphore, #tpu.memory_space<semaphore_mem>>)
    %dma_start3A_297 = arith.constant 4 : i32
    %dma_start3A_298 = arith.constant 205 : i32
    %dma_start3A_299 = arith.constant 0 : i32
    %dma_start3A_300 = tpu.memref_slice %arg16[%dma_start3A_298, %dma_start3A_299] : memref<408x64xf32, #tpu.memory_space<vmem>> -> memref<50x64xf32, #tpu.memory_space<vmem>>
    %dma_start3A_301 = arith.constant 0 : i32
    %dma_start3A_302 = tpu.memref_slice %arg18[%dma_start3A_297, %dma_start3A_301] : memref<8x50xi32, #tpu.memory_space<vmem>> -> memref<1x50xi32, #tpu.memory_space<vmem>>
    %dma_start3A_303 = tpu.memref_squeeze %dma_start3A_302 : memref<1x50xi32, #tpu.memory_space<vmem>> -> memref<50xi32, #tpu.memory_space<vmem>>
    %dma_start3A_304 = arith.constant 0 : i32
    %dma_start3A_305 = arith.constant 0 : i32
    %dma_start3A_306 = tpu.memref_slice %arg2[%dma_start3A_304, %dma_start3A_305] : memref<100003x64xf32, #tpu.memory_space<hbm>> -> memref<100003x64xf32, #tpu.memory_space<hbm>>
    tpu.enqueue_indirect_dma source(%dma_start3A_306 : memref<100003x64xf32, #tpu.memory_space<hbm>>) target(%dma_start3A_300 : memref<50x64xf32, #tpu.memory_space<vmem>>) offsets(%dma_start3A_303 : memref<50xi32, #tpu.memory_space<vmem>>) semaphore(%arg26 : memref<!tpu.dma_semaphore, #tpu.memory_space<semaphore_mem>>)
    %dma_start3A_307 = arith.constant 5 : i32
    %dma_start3A_308 = arith.constant 256 : i32
    %dma_start3A_309 = arith.constant 0 : i32
    %dma_start3A_310 = tpu.memref_slice %arg16[%dma_start3A_308, %dma_start3A_309] : memref<408x64xf32, #tpu.memory_space<vmem>> -> memref<50x64xf32, #tpu.memory_space<vmem>>
    %dma_start3A_311 = arith.constant 0 : i32
    %dma_start3A_312 = tpu.memref_slice %arg18[%dma_start3A_307, %dma_start3A_311] : memref<8x50xi32, #tpu.memory_space<vmem>> -> memref<1x50xi32, #tpu.memory_space<vmem>>
    %dma_start3A_313 = tpu.memref_squeeze %dma_start3A_312 : memref<1x50xi32, #tpu.memory_space<vmem>> -> memref<50xi32, #tpu.memory_space<vmem>>
    %dma_start3A_314 = arith.constant 0 : i32
    %dma_start3A_315 = arith.constant 0 : i32
    %dma_start3A_316 = tpu.memref_slice %arg2[%dma_start3A_314, %dma_start3A_315] : memref<100003x64xf32, #tpu.memory_space<hbm>> -> memref<100003x64xf32, #tpu.memory_space<hbm>>
    tpu.enqueue_indirect_dma source(%dma_start3A_316 : memref<100003x64xf32, #tpu.memory_space<hbm>>) target(%dma_start3A_310 : memref<50x64xf32, #tpu.memory_space<vmem>>) offsets(%dma_start3A_313 : memref<50xi32, #tpu.memory_space<vmem>>) semaphore(%arg26 : memref<!tpu.dma_semaphore, #tpu.memory_space<semaphore_mem>>)
    %dma_start3A_317 = arith.constant 6 : i32
    %dma_start3A_318 = arith.constant 307 : i32
    %dma_start3A_319 = arith.constant 0 : i32
    %dma_start3A_320 = tpu.memref_slice %arg16[%dma_start3A_318, %dma_start3A_319] : memref<408x64xf32, #tpu.memory_space<vmem>> -> memref<50x64xf32, #tpu.memory_space<vmem>>
    %dma_start3A_321 = arith.constant 0 : i32
    %dma_start3A_322 = tpu.memref_slice %arg18[%dma_start3A_317, %dma_start3A_321] : memref<8x50xi32, #tpu.memory_space<vmem>> -> memref<1x50xi32, #tpu.memory_space<vmem>>
    %dma_start3A_323 = tpu.memref_squeeze %dma_start3A_322 : memref<1x50xi32, #tpu.memory_space<vmem>> -> memref<50xi32, #tpu.memory_space<vmem>>
    %dma_start3A_324 = arith.constant 0 : i32
    %dma_start3A_325 = arith.constant 0 : i32
    %dma_start3A_326 = tpu.memref_slice %arg2[%dma_start3A_324, %dma_start3A_325] : memref<100003x64xf32, #tpu.memory_space<hbm>> -> memref<100003x64xf32, #tpu.memory_space<hbm>>
    tpu.enqueue_indirect_dma source(%dma_start3A_326 : memref<100003x64xf32, #tpu.memory_space<hbm>>) target(%dma_start3A_320 : memref<50x64xf32, #tpu.memory_space<vmem>>) offsets(%dma_start3A_323 : memref<50xi32, #tpu.memory_space<vmem>>) semaphore(%arg26 : memref<!tpu.dma_semaphore, #tpu.memory_space<semaphore_mem>>)
    %dma_start3A_327 = arith.constant 7 : i32
    %dma_start3A_328 = arith.constant 358 : i32
    %dma_start3A_329 = arith.constant 0 : i32
    %dma_start3A_330 = tpu.memref_slice %arg16[%dma_start3A_328, %dma_start3A_329] : memref<408x64xf32, #tpu.memory_space<vmem>> -> memref<50x64xf32, #tpu.memory_space<vmem>>
    %dma_start3A_331 = arith.constant 0 : i32
    %dma_start3A_332 = tpu.memref_slice %arg18[%dma_start3A_327, %dma_start3A_331] : memref<8x50xi32, #tpu.memory_space<vmem>> -> memref<1x50xi32, #tpu.memory_space<vmem>>
    %dma_start3A_333 = tpu.memref_squeeze %dma_start3A_332 : memref<1x50xi32, #tpu.memory_space<vmem>> -> memref<50xi32, #tpu.memory_space<vmem>>
    %dma_start3A_334 = arith.constant 0 : i32
    %dma_start3A_335 = arith.constant 0 : i32
    %dma_start3A_336 = tpu.memref_slice %arg2[%dma_start3A_334, %dma_start3A_335] : memref<100003x64xf32, #tpu.memory_space<hbm>> -> memref<100003x64xf32, #tpu.memory_space<hbm>>
    tpu.enqueue_indirect_dma source(%dma_start3A_336 : memref<100003x64xf32, #tpu.memory_space<hbm>>) target(%dma_start3A_330 : memref<50x64xf32, #tpu.memory_space<vmem>>) offsets(%dma_start3A_333 : memref<50xi32, #tpu.memory_space<vmem>>) semaphore(%arg26 : memref<!tpu.dma_semaphore, #tpu.memory_space<semaphore_mem>>)
    %scan3A = arith.constant 0 : i32
    %scan3A_337 = arith.constant 0 : i32
    %scan3A_338 = arith.constant 8 : i32
    %scan3A_339 = arith.addi %scan3A_337, %scan3A_338 : i32
    %scan3A_340 = arith.constant 1 : i32
    scf.for %scan3A_348 = %scan3A_337 to %scan3A_339 step %scan3A_340  : i32 {
      %mul3A_349 = arith.constant 2 : i32
      %mul3A_350 = arith.muli %scan3A_348, %mul3A_349 : i32
      %add3A_351 = arith.constant 0 : i32
      %add3A_352 = arith.addi %mul3A_350, %add3A_351 : i32
      %dma_wait3A_353 = arith.constant 1 : i32
      %dma_wait3A_354 = arith.constant 0 : i32
      %dma_wait3A_355 = tpu.memref_slice %arg16[%dma_wait3A_353, %dma_wait3A_354] : memref<408x64xf32, #tpu.memory_space<vmem>> -> memref<50x64xf32, #tpu.memory_space<vmem>>
      %dma_wait3A_356 = arith.constant 0 : i32
      %dma_wait3A_357 = arith.constant 0 : i32
      %dma_wait3A_358 = tpu.memref_slice %arg2[%dma_wait3A_356, %dma_wait3A_357] : memref<100003x64xf32, #tpu.memory_space<hbm>> -> memref<50x64xf32, #tpu.memory_space<hbm>>
      %dma_wait3A_359 = arith.constant 1 : i32
      %dma_wait3A_360 = arith.constant 0 : i32
      %dma_wait3A_361 = tpu.memref_slice %arg16[%dma_wait3A_359, %dma_wait3A_360] : memref<408x64xf32, #tpu.memory_space<vmem>> -> memref<50x64xf32, #tpu.memory_space<vmem>>
      %dma_wait3A_362 = arith.constant 0 : i32
      %dma_wait3A_363 = arith.constant 0 : i32
      %dma_wait3A_364 = tpu.memref_slice %arg2[%dma_wait3A_362, %dma_wait3A_363] : memref<100003x64xf32, #tpu.memory_space<hbm>> -> memref<50x64xf32, #tpu.memory_space<hbm>>
      tpu.wait_dma2 semaphore(%arg26 : memref<!tpu.dma_semaphore, #tpu.memory_space<semaphore_mem>>) src(%dma_wait3A_364 : memref<50x64xf32, #tpu.memory_space<hbm>>) dst(%dma_wait3A_361 : memref<50x64xf32, #tpu.memory_space<vmem>>)
      %dma_wait3A_365 = arith.constant 52 : i32
      %dma_wait3A_366 = arith.constant 0 : i32
      %dma_wait3A_367 = tpu.memref_slice %arg16[%dma_wait3A_365, %dma_wait3A_366] : memref<408x64xf32, #tpu.memory_space<vmem>> -> memref<50x64xf32, #tpu.memory_space<vmem>>
      %dma_wait3A_368 = arith.constant 0 : i32
      %dma_wait3A_369 = arith.constant 0 : i32
      %dma_wait3A_370 = tpu.memref_slice %arg2[%dma_wait3A_368, %dma_wait3A_369] : memref<100003x64xf32, #tpu.memory_space<hbm>> -> memref<50x64xf32, #tpu.memory_space<hbm>>
      %dma_wait3A_371 = arith.constant 52 : i32
      %dma_wait3A_372 = arith.constant 0 : i32
      %dma_wait3A_373 = tpu.memref_slice %arg16[%dma_wait3A_371, %dma_wait3A_372] : memref<408x64xf32, #tpu.memory_space<vmem>> -> memref<50x64xf32, #tpu.memory_space<vmem>>
      %dma_wait3A_374 = arith.constant 0 : i32
      %dma_wait3A_375 = arith.constant 0 : i32
      %dma_wait3A_376 = tpu.memref_slice %arg2[%dma_wait3A_374, %dma_wait3A_375] : memref<100003x64xf32, #tpu.memory_space<hbm>> -> memref<50x64xf32, #tpu.memory_space<hbm>>
      tpu.wait_dma2 semaphore(%arg26 : memref<!tpu.dma_semaphore, #tpu.memory_space<semaphore_mem>>) src(%dma_wait3A_376 : memref<50x64xf32, #tpu.memory_space<hbm>>) dst(%dma_wait3A_373 : memref<50x64xf32, #tpu.memory_space<vmem>>)
      %dma_wait3A_377 = arith.constant 103 : i32
      %dma_wait3A_378 = arith.constant 0 : i32
      %dma_wait3A_379 = tpu.memref_slice %arg16[%dma_wait3A_377, %dma_wait3A_378] : memref<408x64xf32, #tpu.memory_space<vmem>> -> memref<50x64xf32, #tpu.memory_space<vmem>>
      %dma_wait3A_380 = arith.constant 0 : i32
      %dma_wait3A_381 = arith.constant 0 : i32
      %dma_wait3A_382 = tpu.memref_slice %arg2[%dma_wait3A_380, %dma_wait3A_381] : memref<100003x64xf32, #tpu.memory_space<hbm>> -> memref<50x64xf32, #tpu.memory_space<hbm>>
      %dma_wait3A_383 = arith.constant 103 : i32
      %dma_wait3A_384 = arith.constant 0 : i32
      %dma_wait3A_385 = tpu.memref_slice %arg16[%dma_wait3A_383, %dma_wait3A_384] : memref<408x64xf32, #tpu.memory_space<vmem>> -> memref<50x64xf32, #tpu.memory_space<vmem>>
      %dma_wait3A_386 = arith.constant 0 : i32
      %dma_wait3A_387 = arith.constant 0 : i32
      %dma_wait3A_388 = tpu.memref_slice %arg2[%dma_wait3A_386, %dma_wait3A_387] : memref<100003x64xf32, #tpu.memory_space<hbm>> -> memref<50x64xf32, #tpu.memory_space<hbm>>
      tpu.wait_dma2 semaphore(%arg26 : memref<!tpu.dma_semaphore, #tpu.memory_space<semaphore_mem>>) src(%dma_wait3A_388 : memref<50x64xf32, #tpu.memory_space<hbm>>) dst(%dma_wait3A_385 : memref<50x64xf32, #tpu.memory_space<vmem>>)
      %dma_wait3A_389 = arith.constant 154 : i32
      %dma_wait3A_390 = arith.constant 0 : i32
      %dma_wait3A_391 = tpu.memref_slice %arg16[%dma_wait3A_389, %dma_wait3A_390] : memref<408x64xf32, #tpu.memory_space<vmem>> -> memref<50x64xf32, #tpu.memory_space<vmem>>
      %dma_wait3A_392 = arith.constant 0 : i32
      %dma_wait3A_393 = arith.constant 0 : i32
      %dma_wait3A_394 = tpu.memref_slice %arg2[%dma_wait3A_392, %dma_wait3A_393] : memref<100003x64xf32, #tpu.memory_space<hbm>> -> memref<50x64xf32, #tpu.memory_space<hbm>>
      %dma_wait3A_395 = arith.constant 154 : i32
      %dma_wait3A_396 = arith.constant 0 : i32
      %dma_wait3A_397 = tpu.memref_slice %arg16[%dma_wait3A_395, %dma_wait3A_396] : memref<408x64xf32, #tpu.memory_space<vmem>> -> memref<50x64xf32, #tpu.memory_space<vmem>>
      %dma_wait3A_398 = arith.constant 0 : i32
      %dma_wait3A_399 = arith.constant 0 : i32
      %dma_wait3A_400 = tpu.memref_slice %arg2[%dma_wait3A_398, %dma_wait3A_399] : memref<100003x64xf32, #tpu.memory_space<hbm>> -> memref<50x64xf32, #tpu.memory_space<hbm>>
      tpu.wait_dma2 semaphore(%arg26 : memref<!tpu.dma_semaphore, #tpu.memory_space<semaphore_mem>>) src(%dma_wait3A_400 : memref<50x64xf32, #tpu.memory_space<hbm>>) dst(%dma_wait3A_397 : memref<50x64xf32, #tpu.memory_space<vmem>>)
      %dma_wait3A_401 = arith.constant 205 : i32
      %dma_wait3A_402 = arith.constant 0 : i32
      %dma_wait3A_403 = tpu.memref_slice %arg16[%dma_wait3A_401, %dma_wait3A_402] : memref<408x64xf32, #tpu.memory_space<vmem>> -> memref<50x64xf32, #tpu.memory_space<vmem>>
      %dma_wait3A_404 = arith.constant 0 : i32
      %dma_wait3A_405 = arith.constant 0 : i32
      %dma_wait3A_406 = tpu.memref_slice %arg2[%dma_wait3A_404, %dma_wait3A_405] : memref<100003x64xf32, #tpu.memory_space<hbm>> -> memref<50x64xf32, #tpu.memory_space<hbm>>
      %dma_wait3A_407 = arith.constant 205 : i32
      %dma_wait3A_408 = arith.constant 0 : i32
      %dma_wait3A_409 = tpu.memref_slice %arg16[%dma_wait3A_407, %dma_wait3A_408] : memref<408x64xf32, #tpu.memory_space<vmem>> -> memref<50x64xf32, #tpu.memory_space<vmem>>
      %dma_wait3A_410 = arith.constant 0 : i32
      %dma_wait3A_411 = arith.constant 0 : i32
      %dma_wait3A_412 = tpu.memref_slice %arg2[%dma_wait3A_410, %dma_wait3A_411] : memref<100003x64xf32, #tpu.memory_space<hbm>> -> memref<50x64xf32, #tpu.memory_space<hbm>>
      tpu.wait_dma2 semaphore(%arg26 : memref<!tpu.dma_semaphore, #tpu.memory_space<semaphore_mem>>) src(%dma_wait3A_412 : memref<50x64xf32, #tpu.memory_space<hbm>>) dst(%dma_wait3A_409 : memref<50x64xf32, #tpu.memory_space<vmem>>)
      %dma_wait3A_413 = arith.constant 256 : i32
      %dma_wait3A_414 = arith.constant 0 : i32
      %dma_wait3A_415 = tpu.memref_slice %arg16[%dma_wait3A_413, %dma_wait3A_414] : memref<408x64xf32, #tpu.memory_space<vmem>> -> memref<50x64xf32, #tpu.memory_space<vmem>>
      %dma_wait3A_416 = arith.constant 0 : i32
      %dma_wait3A_417 = arith.constant 0 : i32
      %dma_wait3A_418 = tpu.memref_slice %arg2[%dma_wait3A_416, %dma_wait3A_417] : memref<100003x64xf32, #tpu.memory_space<hbm>> -> memref<50x64xf32, #tpu.memory_space<hbm>>
      %dma_wait3A_419 = arith.constant 256 : i32
      %dma_wait3A_420 = arith.constant 0 : i32
      %dma_wait3A_421 = tpu.memref_slice %arg16[%dma_wait3A_419, %dma_wait3A_420] : memref<408x64xf32, #tpu.memory_space<vmem>> -> memref<50x64xf32, #tpu.memory_space<vmem>>
      %dma_wait3A_422 = arith.constant 0 : i32
      %dma_wait3A_423 = arith.constant 0 : i32
      %dma_wait3A_424 = tpu.memref_slice %arg2[%dma_wait3A_422, %dma_wait3A_423] : memref<100003x64xf32, #tpu.memory_space<hbm>> -> memref<50x64xf32, #tpu.memory_space<hbm>>
      tpu.wait_dma2 semaphore(%arg26 : memref<!tpu.dma_semaphore, #tpu.memory_space<semaphore_mem>>) src(%dma_wait3A_424 : memref<50x64xf32, #tpu.memory_space<hbm>>) dst(%dma_wait3A_421 : memref<50x64xf32, #tpu.memory_space<vmem>>)
      %dma_wait3A_425 = arith.constant 307 : i32
      %dma_wait3A_426 = arith.constant 0 : i32
      %dma_wait3A_427 = tpu.memref_slice %arg16[%dma_wait3A_425, %dma_wait3A_426] : memref<408x64xf32, #tpu.memory_space<vmem>> -> memref<50x64xf32, #tpu.memory_space<vmem>>
      %dma_wait3A_428 = arith.constant 0 : i32
      %dma_wait3A_429 = arith.constant 0 : i32
      %dma_wait3A_430 = tpu.memref_slice %arg2[%dma_wait3A_428, %dma_wait3A_429] : memref<100003x64xf32, #tpu.memory_space<hbm>> -> memref<50x64xf32, #tpu.memory_space<hbm>>
      %dma_wait3A_431 = arith.constant 307 : i32
      %dma_wait3A_432 = arith.constant 0 : i32
      %dma_wait3A_433 = tpu.memref_slice %arg16[%dma_wait3A_431, %dma_wait3A_432] : memref<408x64xf32, #tpu.memory_space<vmem>> -> memref<50x64xf32, #tpu.memory_space<vmem>>
      %dma_wait3A_434 = arith.constant 0 : i32
      %dma_wait3A_435 = arith.constant 0 : i32
      %dma_wait3A_436 = tpu.memref_slice %arg2[%dma_wait3A_434, %dma_wait3A_435] : memref<100003x64xf32, #tpu.memory_space<hbm>> -> memref<50x64xf32, #tpu.memory_space<hbm>>
      tpu.wait_dma2 semaphore(%arg26 : memref<!tpu.dma_semaphore, #tpu.memory_space<semaphore_mem>>) src(%dma_wait3A_436 : memref<50x64xf32, #tpu.memory_space<hbm>>) dst(%dma_wait3A_433 : memref<50x64xf32, #tpu.memory_space<vmem>>)
      %dma_wait3A_437 = arith.constant 358 : i32
      %dma_wait3A_438 = arith.constant 0 : i32
      %dma_wait3A_439 = tpu.memref_slice %arg16[%dma_wait3A_437, %dma_wait3A_438] : memref<408x64xf32, #tpu.memory_space<vmem>> -> memref<50x64xf32, #tpu.memory_space<vmem>>
      %dma_wait3A_440 = arith.constant 0 : i32
      %dma_wait3A_441 = arith.constant 0 : i32
      %dma_wait3A_442 = tpu.memref_slice %arg2[%dma_wait3A_440, %dma_wait3A_441] : memref<100003x64xf32, #tpu.memory_space<hbm>> -> memref<50x64xf32, #tpu.memory_space<hbm>>
      %dma_wait3A_443 = arith.constant 358 : i32
      %dma_wait3A_444 = arith.constant 0 : i32
      %dma_wait3A_445 = tpu.memref_slice %arg16[%dma_wait3A_443, %dma_wait3A_444] : memref<408x64xf32, #tpu.memory_space<vmem>> -> memref<50x64xf32, #tpu.memory_space<vmem>>
      %dma_wait3A_446 = arith.constant 0 : i32
      %dma_wait3A_447 = arith.constant 0 : i32
      %dma_wait3A_448 = tpu.memref_slice %arg2[%dma_wait3A_446, %dma_wait3A_447] : memref<100003x64xf32, #tpu.memory_space<hbm>> -> memref<50x64xf32, #tpu.memory_space<hbm>>
      tpu.wait_dma2 semaphore(%arg26 : memref<!tpu.dma_semaphore, #tpu.memory_space<semaphore_mem>>) src(%dma_wait3A_448 : memref<50x64xf32, #tpu.memory_space<hbm>>) dst(%dma_wait3A_445 : memref<50x64xf32, #tpu.memory_space<vmem>>)
      %ge3A = arith.constant 1 : i32
      %ge3A_449 = arith.cmpi sge, %add3A_352, %ge3A : i32
      %convert_element_type3A = arith.extui %ge3A_449 : i1 to i32
      %cond3A = arith.constant 0 : i32
      %cond3A_450 = arith.cmpi ne, %convert_element_type3A, %cond3A : i32
      scf.if %cond3A_450 {
        %dma_wait3A_675 = arith.constant 0 : i32
        %dma_wait3A_676 = arith.constant 0 : i32
        %dma_wait3A_677 = tpu.memref_slice %arg11[%dma_wait3A_675, %dma_wait3A_676] : memref<208896x64xf32, #tpu.memory_space<hbm>> -> memref<408x64xf32, #tpu.memory_space<hbm>>
        %dma_wait3A_678 = arith.constant 0 : i32
        %dma_wait3A_679 = arith.constant 0 : i32
        %dma_wait3A_680 = tpu.memref_slice %arg11[%dma_wait3A_678, %dma_wait3A_679] : memref<208896x64xf32, #tpu.memory_space<hbm>> -> memref<408x64xf32, #tpu.memory_space<hbm>>
        tpu.wait_dma2 semaphore(%arg29 : memref<!tpu.dma_semaphore, #tpu.memory_space<semaphore_mem>>) src(%arg17 : memref<408x64xf32, #tpu.memory_space<vmem>>) dst(%dma_wait3A_680 : memref<408x64xf32, #tpu.memory_space<hbm>>)
      } else {
      }
      %add3A_451 = arith.constant 1 : i32
      %add3A_452 = arith.addi %add3A_352, %add3A_451 : i32
      %lt3A = arith.constant 16 : i32
      %lt3A_453 = arith.cmpi slt, %add3A_452, %lt3A : i32
      %convert_element_type3A_454 = arith.extui %lt3A_453 : i1 to i32
      %cond3A_455 = arith.constant 0 : i32
      %cond3A_456 = arith.cmpi ne, %convert_element_type3A_454, %cond3A_455 : i32
      scf.if %cond3A_456 {
        %dma_wait3A_675 = arith.constant 0 : i32
        %dma_wait3A_676 = arith.constant 0 : i32
        %dma_wait3A_677 = tpu.memref_slice %arg4[%dma_wait3A_675, %dma_wait3A_676] : memref<4096x50xi32, #tpu.memory_space<hbm>> -> memref<8x50xi32, #tpu.memory_space<hbm>>
        %dma_wait3A_678 = arith.constant 0 : i32
        %dma_wait3A_679 = arith.constant 0 : i32
        %dma_wait3A_680 = tpu.memref_slice %arg4[%dma_wait3A_678, %dma_wait3A_679] : memref<4096x50xi32, #tpu.memory_space<hbm>> -> memref<8x50xi32, #tpu.memory_space<hbm>>
        tpu.wait_dma2 semaphore(%arg23 : memref<!tpu.dma_semaphore, #tpu.memory_space<semaphore_mem>>) src(%dma_wait3A_680 : memref<8x50xi32, #tpu.memory_space<hbm>>) dst(%arg19 : memref<8x50xi32, #tpu.memory_space<vmem>>)
        %dma_start3A_681 = arith.constant 0 : i32
        %dma_start3A_682 = arith.constant 1 : i32
        %dma_start3A_683 = arith.constant 0 : i32
        %dma_start3A_684 = tpu.memref_slice %arg17[%dma_start3A_682, %dma_start3A_683] : memref<408x64xf32, #tpu.memory_space<vmem>> -> memref<50x64xf32, #tpu.memory_space<vmem>>
        %dma_start3A_685 = arith.constant 0 : i32
        %dma_start3A_686 = tpu.memref_slice %arg19[%dma_start3A_681, %dma_start3A_685] : memref<8x50xi32, #tpu.memory_space<vmem>> -> memref<1x50xi32, #tpu.memory_space<vmem>>
        %dma_start3A_687 = tpu.memref_squeeze %dma_start3A_686 : memref<1x50xi32, #tpu.memory_space<vmem>> -> memref<50xi32, #tpu.memory_space<vmem>>
        %dma_start3A_688 = arith.constant 0 : i32
        %dma_start3A_689 = arith.constant 0 : i32
        %dma_start3A_690 = tpu.memref_slice %arg2[%dma_start3A_688, %dma_start3A_689] : memref<100003x64xf32, #tpu.memory_space<hbm>> -> memref<100003x64xf32, #tpu.memory_space<hbm>>
        tpu.enqueue_indirect_dma source(%dma_start3A_690 : memref<100003x64xf32, #tpu.memory_space<hbm>>) target(%dma_start3A_684 : memref<50x64xf32, #tpu.memory_space<vmem>>) offsets(%dma_start3A_687 : memref<50xi32, #tpu.memory_space<vmem>>) semaphore(%arg27 : memref<!tpu.dma_semaphore, #tpu.memory_space<semaphore_mem>>)
        %dma_start3A_691 = arith.constant 1 : i32
        %dma_start3A_692 = arith.constant 52 : i32
        %dma_start3A_693 = arith.constant 0 : i32
        %dma_start3A_694 = tpu.memref_slice %arg17[%dma_start3A_692, %dma_start3A_693] : memref<408x64xf32, #tpu.memory_space<vmem>> -> memref<50x64xf32, #tpu.memory_space<vmem>>
        %dma_start3A_695 = arith.constant 0 : i32
        %dma_start3A_696 = tpu.memref_slice %arg19[%dma_start3A_691, %dma_start3A_695] : memref<8x50xi32, #tpu.memory_space<vmem>> -> memref<1x50xi32, #tpu.memory_space<vmem>>
        %dma_start3A_697 = tpu.memref_squeeze %dma_start3A_696 : memref<1x50xi32, #tpu.memory_space<vmem>> -> memref<50xi32, #tpu.memory_space<vmem>>
        %dma_start3A_698 = arith.constant 0 : i32
        %dma_start3A_699 = arith.constant 0 : i32
        %dma_start3A_700 = tpu.memref_slice %arg2[%dma_start3A_698, %dma_start3A_699] : memref<100003x64xf32, #tpu.memory_space<hbm>> -> memref<100003x64xf32, #tpu.memory_space<hbm>>
        tpu.enqueue_indirect_dma source(%dma_start3A_700 : memref<100003x64xf32, #tpu.memory_space<hbm>>) target(%dma_start3A_694 : memref<50x64xf32, #tpu.memory_space<vmem>>) offsets(%dma_start3A_697 : memref<50xi32, #tpu.memory_space<vmem>>) semaphore(%arg27 : memref<!tpu.dma_semaphore, #tpu.memory_space<semaphore_mem>>)
        %dma_start3A_701 = arith.constant 2 : i32
        %dma_start3A_702 = arith.constant 103 : i32
        %dma_start3A_703 = arith.constant 0 : i32
        %dma_start3A_704 = tpu.memref_slice %arg17[%dma_start3A_702, %dma_start3A_703] : memref<408x64xf32, #tpu.memory_space<vmem>> -> memref<50x64xf32, #tpu.memory_space<vmem>>
        %dma_start3A_705 = arith.constant 0 : i32
        %dma_start3A_706 = tpu.memref_slice %arg19[%dma_start3A_701, %dma_start3A_705] : memref<8x50xi32, #tpu.memory_space<vmem>> -> memref<1x50xi32, #tpu.memory_space<vmem>>
        %dma_start3A_707 = tpu.memref_squeeze %dma_start3A_706 : memref<1x50xi32, #tpu.memory_space<vmem>> -> memref<50xi32, #tpu.memory_space<vmem>>
        %dma_start3A_708 = arith.constant 0 : i32
        %dma_start3A_709 = arith.constant 0 : i32
        %dma_start3A_710 = tpu.memref_slice %arg2[%dma_start3A_708, %dma_start3A_709] : memref<100003x64xf32, #tpu.memory_space<hbm>> -> memref<100003x64xf32, #tpu.memory_space<hbm>>
        tpu.enqueue_indirect_dma source(%dma_start3A_710 : memref<100003x64xf32, #tpu.memory_space<hbm>>) target(%dma_start3A_704 : memref<50x64xf32, #tpu.memory_space<vmem>>) offsets(%dma_start3A_707 : memref<50xi32, #tpu.memory_space<vmem>>) semaphore(%arg27 : memref<!tpu.dma_semaphore, #tpu.memory_space<semaphore_mem>>)
        %dma_start3A_711 = arith.constant 3 : i32
        %dma_start3A_712 = arith.constant 154 : i32
        %dma_start3A_713 = arith.constant 0 : i32
        %dma_start3A_714 = tpu.memref_slice %arg17[%dma_start3A_712, %dma_start3A_713] : memref<408x64xf32, #tpu.memory_space<vmem>> -> memref<50x64xf32, #tpu.memory_space<vmem>>
        %dma_start3A_715 = arith.constant 0 : i32
        %dma_start3A_716 = tpu.memref_slice %arg19[%dma_start3A_711, %dma_start3A_715] : memref<8x50xi32, #tpu.memory_space<vmem>> -> memref<1x50xi32, #tpu.memory_space<vmem>>
        %dma_start3A_717 = tpu.memref_squeeze %dma_start3A_716 : memref<1x50xi32, #tpu.memory_space<vmem>> -> memref<50xi32, #tpu.memory_space<vmem>>
        %dma_start3A_718 = arith.constant 0 : i32
        %dma_start3A_719 = arith.constant 0 : i32
        %dma_start3A_720 = tpu.memref_slice %arg2[%dma_start3A_718, %dma_start3A_719] : memref<100003x64xf32, #tpu.memory_space<hbm>> -> memref<100003x64xf32, #tpu.memory_space<hbm>>
        tpu.enqueue_indirect_dma source(%dma_start3A_720 : memref<100003x64xf32, #tpu.memory_space<hbm>>) target(%dma_start3A_714 : memref<50x64xf32, #tpu.memory_space<vmem>>) offsets(%dma_start3A_717 : memref<50xi32, #tpu.memory_space<vmem>>) semaphore(%arg27 : memref<!tpu.dma_semaphore, #tpu.memory_space<semaphore_mem>>)
        %dma_start3A_721 = arith.constant 4 : i32
        %dma_start3A_722 = arith.constant 205 : i32
        %dma_start3A_723 = arith.constant 0 : i32
        %dma_start3A_724 = tpu.memref_slice %arg17[%dma_start3A_722, %dma_start3A_723] : memref<408x64xf32, #tpu.memory_space<vmem>> -> memref<50x64xf32, #tpu.memory_space<vmem>>
        %dma_start3A_725 = arith.constant 0 : i32
        %dma_start3A_726 = tpu.memref_slice %arg19[%dma_start3A_721, %dma_start3A_725] : memref<8x50xi32, #tpu.memory_space<vmem>> -> memref<1x50xi32, #tpu.memory_space<vmem>>
        %dma_start3A_727 = tpu.memref_squeeze %dma_start3A_726 : memref<1x50xi32, #tpu.memory_space<vmem>> -> memref<50xi32, #tpu.memory_space<vmem>>
        %dma_start3A_728 = arith.constant 0 : i32
        %dma_start3A_729 = arith.constant 0 : i32
        %dma_start3A_730 = tpu.memref_slice %arg2[%dma_start3A_728, %dma_start3A_729] : memref<100003x64xf32, #tpu.memory_space<hbm>> -> memref<100003x64xf32, #tpu.memory_space<hbm>>
        tpu.enqueue_indirect_dma source(%dma_start3A_730 : memref<100003x64xf32, #tpu.memory_space<hbm>>) target(%dma_start3A_724 : memref<50x64xf32, #tpu.memory_space<vmem>>) offsets(%dma_start3A_727 : memref<50xi32, #tpu.memory_space<vmem>>) semaphore(%arg27 : memref<!tpu.dma_semaphore, #tpu.memory_space<semaphore_mem>>)
        %dma_start3A_731 = arith.constant 5 : i32
        %dma_start3A_732 = arith.constant 256 : i32
        %dma_start3A_733 = arith.constant 0 : i32
        %dma_start3A_734 = tpu.memref_slice %arg17[%dma_start3A_732, %dma_start3A_733] : memref<408x64xf32, #tpu.memory_space<vmem>> -> memref<50x64xf32, #tpu.memory_space<vmem>>
        %dma_start3A_735 = arith.constant 0 : i32
        %dma_start3A_736 = tpu.memref_slice %arg19[%dma_start3A_731, %dma_start3A_735] : memref<8x50xi32, #tpu.memory_space<vmem>> -> memref<1x50xi32, #tpu.memory_space<vmem>>
        %dma_start3A_737 = tpu.memref_squeeze %dma_start3A_736 : memref<1x50xi32, #tpu.memory_space<vmem>> -> memref<50xi32, #tpu.memory_space<vmem>>
        %dma_start3A_738 = arith.constant 0 : i32
        %dma_start3A_739 = arith.constant 0 : i32
        %dma_start3A_740 = tpu.memref_slice %arg2[%dma_start3A_738, %dma_start3A_739] : memref<100003x64xf32, #tpu.memory_space<hbm>> -> memref<100003x64xf32, #tpu.memory_space<hbm>>
        tpu.enqueue_indirect_dma source(%dma_start3A_740 : memref<100003x64xf32, #tpu.memory_space<hbm>>) target(%dma_start3A_734 : memref<50x64xf32, #tpu.memory_space<vmem>>) offsets(%dma_start3A_737 : memref<50xi32, #tpu.memory_space<vmem>>) semaphore(%arg27 : memref<!tpu.dma_semaphore, #tpu.memory_space<semaphore_mem>>)
        %dma_start3A_741 = arith.constant 6 : i32
        %dma_start3A_742 = arith.constant 307 : i32
        %dma_start3A_743 = arith.constant 0 : i32
        %dma_start3A_744 = tpu.memref_slice %arg17[%dma_start3A_742, %dma_start3A_743] : memref<408x64xf32, #tpu.memory_space<vmem>> -> memref<50x64xf32, #tpu.memory_space<vmem>>
        %dma_start3A_745 = arith.constant 0 : i32
        %dma_start3A_746 = tpu.memref_slice %arg19[%dma_start3A_741, %dma_start3A_745] : memref<8x50xi32, #tpu.memory_space<vmem>> -> memref<1x50xi32, #tpu.memory_space<vmem>>
        %dma_start3A_747 = tpu.memref_squeeze %dma_start3A_746 : memref<1x50xi32, #tpu.memory_space<vmem>> -> memref<50xi32, #tpu.memory_space<vmem>>
        %dma_start3A_748 = arith.constant 0 : i32
        %dma_start3A_749 = arith.constant 0 : i32
        %dma_start3A_750 = tpu.memref_slice %arg2[%dma_start3A_748, %dma_start3A_749] : memref<100003x64xf32, #tpu.memory_space<hbm>> -> memref<100003x64xf32, #tpu.memory_space<hbm>>
        tpu.enqueue_indirect_dma source(%dma_start3A_750 : memref<100003x64xf32, #tpu.memory_space<hbm>>) target(%dma_start3A_744 : memref<50x64xf32, #tpu.memory_space<vmem>>) offsets(%dma_start3A_747 : memref<50xi32, #tpu.memory_space<vmem>>) semaphore(%arg27 : memref<!tpu.dma_semaphore, #tpu.memory_space<semaphore_mem>>)
        %dma_start3A_751 = arith.constant 7 : i32
        %dma_start3A_752 = arith.constant 358 : i32
        %dma_start3A_753 = arith.constant 0 : i32
        %dma_start3A_754 = tpu.memref_slice %arg17[%dma_start3A_752, %dma_start3A_753] : memref<408x64xf32, #tpu.memory_space<vmem>> -> memref<50x64xf32, #tpu.memory_space<vmem>>
        %dma_start3A_755 = arith.constant 0 : i32
        %dma_start3A_756 = tpu.memref_slice %arg19[%dma_start3A_751, %dma_start3A_755] : memref<8x50xi32, #tpu.memory_space<vmem>> -> memref<1x50xi32, #tpu.memory_space<vmem>>
        %dma_start3A_757 = tpu.memref_squeeze %dma_start3A_756 : memref<1x50xi32, #tpu.memory_space<vmem>> -> memref<50xi32, #tpu.memory_space<vmem>>
        %dma_start3A_758 = arith.constant 0 : i32
        %dma_start3A_759 = arith.constant 0 : i32
        %dma_start3A_760 = tpu.memref_slice %arg2[%dma_start3A_758, %dma_start3A_759] : memref<100003x64xf32, #tpu.memory_space<hbm>> -> memref<100003x64xf32, #tpu.memory_space<hbm>>
        tpu.enqueue_indirect_dma source(%dma_start3A_760 : memref<100003x64xf32, #tpu.memory_space<hbm>>) target(%dma_start3A_754 : memref<50x64xf32, #tpu.memory_space<vmem>>) offsets(%dma_start3A_757 : memref<50xi32, #tpu.memory_space<vmem>>) semaphore(%arg27 : memref<!tpu.dma_semaphore, #tpu.memory_space<semaphore_mem>>)
      } else {
      }
      %add3A_457 = arith.constant 2 : i32
      %add3A_458 = arith.addi %add3A_352, %add3A_457 : i32
      %lt3A_459 = arith.constant 16 : i32
      %lt3A_460 = arith.cmpi slt, %add3A_458, %lt3A_459 : i32
      %convert_element_type3A_461 = arith.extui %lt3A_460 : i1 to i32
      %cond3A_462 = arith.constant 0 : i32
      %cond3A_463 = arith.cmpi ne, %convert_element_type3A_461, %cond3A_462 : i32
      scf.if %cond3A_463 {
        %add3A_675 = arith.constant 2 : i32
        %add3A_676 = arith.addi %add3A_352, %add3A_675 : i32
        %mul3A_677 = arith.constant 8 : i32
        %mul3A_678 = arith.muli %add3A_676, %mul3A_677 : i32
        %add3A_679 = arith.addi %mul3A_2, %mul3A_678 : i32
        %dma_start3A_680 = arith.constant 0 : i32
        %dma_start3A_681 = tpu.memref_slice %arg4[%add3A_679, %dma_start3A_680] : memref<4096x50xi32, #tpu.memory_space<hbm>> -> memref<8x50xi32, #tpu.memory_space<hbm>>
        %dma_start3A_682 = arith.constant 0 : i32
        %dma_start3A_683 = tpu.memref_slice %arg4[%add3A_679, %dma_start3A_682] : memref<4096x50xi32, #tpu.memory_space<hbm>> -> memref<8x50xi32, #tpu.memory_space<hbm>>
        tpu.enqueue_dma source(%dma_start3A_683 : memref<8x50xi32, #tpu.memory_space<hbm>>) target(%arg18 : memref<8x50xi32, #tpu.memory_space<vmem>>) target_semaphore(%arg22 : memref<!tpu.dma_semaphore, #tpu.memory_space<semaphore_mem>>)
      } else {
      }
      %dma_wait3A_464 = arith.constant 0 : i32
      %dma_wait3A_465 = tpu.memref_slice %arg20[%dma_wait3A_464] : memref<1200xi32, #tpu.memory_space<vmem>> -> memref<400xi32, #tpu.memory_space<vmem>>
      %dma_wait3A_466 = arith.constant 0 : i32
      %dma_wait3A_467 = tpu.memref_slice %arg5[%dma_wait3A_466] : memref<204800xi32, #tpu.memory_space<hbm>> -> memref<400xi32, #tpu.memory_space<hbm>>
      %dma_wait3A_468 = arith.constant 0 : i32
      %dma_wait3A_469 = tpu.memref_slice %arg20[%dma_wait3A_468] : memref<1200xi32, #tpu.memory_space<vmem>> -> memref<400xi32, #tpu.memory_space<vmem>>
      %dma_wait3A_470 = arith.constant 0 : i32
      %dma_wait3A_471 = tpu.memref_slice %arg5[%dma_wait3A_470] : memref<204800xi32, #tpu.memory_space<hbm>> -> memref<400xi32, #tpu.memory_space<hbm>>
      tpu.wait_dma2 semaphore(%arg24 : memref<!tpu.dma_semaphore, #tpu.memory_space<semaphore_mem>>) src(%dma_wait3A_471 : memref<400xi32, #tpu.memory_space<hbm>>) dst(%dma_wait3A_469 : memref<400xi32, #tpu.memory_space<vmem>>)
      %dma_wait3A_472 = arith.constant 400 : i32
      %dma_wait3A_473 = tpu.memref_slice %arg20[%dma_wait3A_472] : memref<1200xi32, #tpu.memory_space<vmem>> -> memref<400xi32, #tpu.memory_space<vmem>>
      %dma_wait3A_474 = arith.constant 0 : i32
      %dma_wait3A_475 = tpu.memref_slice %arg6[%dma_wait3A_474] : memref<204800xi32, #tpu.memory_space<hbm>> -> memref<400xi32, #tpu.memory_space<hbm>>
      %dma_wait3A_476 = arith.constant 400 : i32
      %dma_wait3A_477 = tpu.memref_slice %arg20[%dma_wait3A_476] : memref<1200xi32, #tpu.memory_space<vmem>> -> memref<400xi32, #tpu.memory_space<vmem>>
      %dma_wait3A_478 = arith.constant 0 : i32
      %dma_wait3A_479 = tpu.memref_slice %arg6[%dma_wait3A_478] : memref<204800xi32, #tpu.memory_space<hbm>> -> memref<400xi32, #tpu.memory_space<hbm>>
      tpu.wait_dma2 semaphore(%arg24 : memref<!tpu.dma_semaphore, #tpu.memory_space<semaphore_mem>>) src(%dma_wait3A_479 : memref<400xi32, #tpu.memory_space<hbm>>) dst(%dma_wait3A_477 : memref<400xi32, #tpu.memory_space<vmem>>)
      %dma_wait3A_480 = arith.constant 800 : i32
      %dma_wait3A_481 = tpu.memref_slice %arg20[%dma_wait3A_480] : memref<1200xi32, #tpu.memory_space<vmem>> -> memref<400xi32, #tpu.memory_space<vmem>>
      %dma_wait3A_482 = arith.constant 0 : i32
      %dma_wait3A_483 = tpu.memref_slice %arg7[%dma_wait3A_482] : memref<204800xi32, #tpu.memory_space<hbm>> -> memref<400xi32, #tpu.memory_space<hbm>>
      %dma_wait3A_484 = arith.constant 800 : i32
      %dma_wait3A_485 = tpu.memref_slice %arg20[%dma_wait3A_484] : memref<1200xi32, #tpu.memory_space<vmem>> -> memref<400xi32, #tpu.memory_space<vmem>>
      %dma_wait3A_486 = arith.constant 0 : i32
      %dma_wait3A_487 = tpu.memref_slice %arg7[%dma_wait3A_486] : memref<204800xi32, #tpu.memory_space<hbm>> -> memref<400xi32, #tpu.memory_space<hbm>>
      tpu.wait_dma2 semaphore(%arg24 : memref<!tpu.dma_semaphore, #tpu.memory_space<semaphore_mem>>) src(%dma_wait3A_487 : memref<400xi32, #tpu.memory_space<hbm>>) dst(%dma_wait3A_485 : memref<400xi32, #tpu.memory_space<vmem>>)
      %scan3A_488 = arith.constant 0 : i32
      %scan3A_489 = arith.constant 0 : i32
      %scan3A_490 = arith.constant 25 : i32
      %scan3A_491 = arith.addi %scan3A_489, %scan3A_490 : i32
      %scan3A_492 = arith.constant 1 : i32
      scf.for %scan3A_675 = %scan3A_489 to %scan3A_491 step %scan3A_492  : i32 {
        %mul3A_676 = arith.constant 16 : i32
        %mul3A_677 = arith.muli %scan3A_675, %mul3A_676 : i32
        %multiple_of3A = tpu.assume_multiple %mul3A_677, 16 : i32
        %get3A_678 = arith.index_cast %multiple_of3A : i32 to index
        %get3A_679 = tpu.vector_load %arg14[%get3A_678] {strides = array<i32>} : memref<400xi32, #tpu.memory_space<vmem>>, vector<16xi32>,
        %add3A_680 = arith.constant 0 : i32
        %add3A_681 = arith.addi %add3A_680, %multiple_of3A : i32
        %get3A_682 = arith.index_cast %add3A_681 : i32 to index
        %get3A_683 = tpu.vector_load %arg20[%get3A_682] {strides = array<i32>} : memref<1200xi32, #tpu.memory_space<vmem>>, vector<16xi32>,
        %add3A_684 = arith.constant 400 : i32
        %add3A_685 = arith.addi %add3A_684, %multiple_of3A : i32
        %get3A_686 = arith.index_cast %add3A_685 : i32 to index
        %get3A_687 = tpu.vector_load %arg20[%get3A_686] {strides = array<i32>} : memref<1200xi32, #tpu.memory_space<vmem>>, vector<16xi32>,
        %add3A_688 = arith.constant 800 : i32
        %add3A_689 = arith.addi %add3A_688, %multiple_of3A : i32
        %get3A_690 = arith.index_cast %add3A_689 : i32 to index
        %get3A_691 = tpu.vector_load %arg20[%get3A_690] {strides = array<i32>} : memref<1200xi32, #tpu.memory_space<vmem>>, vector<16xi32>,
        %get3A_692 = arith.constant 1056 : index
        %get3A_693 = tpu.vector_load %arg15[%get3A_692] {strides = array<i32>} : memref<1120xi32, #tpu.memory_space<vmem>>, vector<16xi32>,
        %get3A_694 = arith.constant 1072 : index
        %get3A_695 = tpu.vector_load %arg15[%get3A_694] {strides = array<i32>} : memref<1120xi32, #tpu.memory_space<vmem>>, vector<16xi32>,
        %get3A_696 = arith.constant 1088 : index
        %get3A_697 = tpu.vector_load %arg15[%get3A_696] {strides = array<i32>} : memref<1120xi32, #tpu.memory_space<vmem>>, vector<16xi32>,
        %get3A_698 = arith.constant 1104 : index
        %get3A_699 = tpu.vector_load %arg15[%get3A_698] {strides = array<i32>} : memref<1120xi32, #tpu.memory_space<vmem>>, vector<16xi32>,
        %get3A_700 = arith.constant 0 : index
        %get3A_701 = tpu.vector_load %arg15[%get3A_700] {strides = array<i32>} : memref<1120xi32, #tpu.memory_space<vmem>>, vector<16xi32>,
        %reshape3A = vector.shape_cast %get3A_701 : vector<16xi32> to vector<16x1xi32>
        %gather3A_702 = vector.shape_cast %reshape3A : vector<16x1xi32> to vector<16xi32>
        %gather3A_703 = tpu.dynamic_gather %get3A_679[%gather3A_702] in [0] : vector<16xi32>, vector<16xi32> -> vector<16xi32>
        %reshape3A_704 = vector.shape_cast %get3A_701 : vector<16xi32> to vector<16x1xi32>
        %gather3A_705 = vector.shape_cast %reshape3A_704 : vector<16x1xi32> to vector<16xi32>
        %gather3A_706 = tpu.dynamic_gather %get3A_683[%gather3A_705] in [0] : vector<16xi32>, vector<16xi32> -> vector<16xi32>
        %reshape3A_707 = vector.shape_cast %get3A_701 : vector<16xi32> to vector<16x1xi32>
        %gather3A_708 = vector.shape_cast %reshape3A_707 : vector<16x1xi32> to vector<16xi32>
        %gather3A_709 = tpu.dynamic_gather %get3A_687[%gather3A_708] in [0] : vector<16xi32>, vector<16xi32> -> vector<16xi32>
        %reshape3A_710 = vector.shape_cast %get3A_701 : vector<16xi32> to vector<16x1xi32>
        %gather3A_711 = vector.shape_cast %reshape3A_710 : vector<16x1xi32> to vector<16xi32>
        %gather3A_712 = tpu.dynamic_gather %get3A_691[%gather3A_711] in [0] : vector<16xi32>, vector<16xi32> -> vector<16xi32>
        %gather3A_713 = tpu.vector_load_idx %arg12[%gather3A_706, %get3A_693] : memref<892x64xf32, #tpu.memory_space<vmem>>[vector<16xi32>, vector<16xi32>], vector<16xf32>,
        %gather3A_714 = tpu.vector_load_idx %arg12[%gather3A_709, %get3A_693] : memref<892x64xf32, #tpu.memory_space<vmem>>[vector<16xi32>, vector<16xi32>], vector<16xf32>,
        %gather3A_715 = tpu.vector_load_idx %arg12[%gather3A_712, %get3A_693] : memref<892x64xf32, #tpu.memory_space<vmem>>[vector<16xi32>, vector<16xi32>], vector<16xf32>,
        %add3A_716 = arith.addf %gather3A_714, %gather3A_715 : vector<16xf32>
        %add3A_717 = arith.addf %gather3A_713, %add3A_716 : vector<16xf32>
        %gather3A_718 = tpu.vector_load_idx %arg12[%gather3A_706, %get3A_695] : memref<892x64xf32, #tpu.memory_space<vmem>>[vector<16xi32>, vector<16xi32>], vector<16xf32>,
        %gather3A_719 = tpu.vector_load_idx %arg12[%gather3A_709, %get3A_695] : memref<892x64xf32, #tpu.memory_space<vmem>>[vector<16xi32>, vector<16xi32>], vector<16xf32>,
        %gather3A_720 = tpu.vector_load_idx %arg12[%gather3A_712, %get3A_695] : memref<892x64xf32, #tpu.memory_space<vmem>>[vector<16xi32>, vector<16xi32>], vector<16xf32>,
        %add3A_721 = arith.addf %gather3A_719, %gather3A_720 : vector<16xf32>
        %add3A_722 = arith.addf %gather3A_718, %add3A_721 : vector<16xf32>
        %gather3A_723 = tpu.vector_load_idx %arg12[%gather3A_706, %get3A_697] : memref<892x64xf32, #tpu.memory_space<vmem>>[vector<16xi32>, vector<16xi32>], vector<16xf32>,
        %gather3A_724 = tpu.vector_load_idx %arg12[%gather3A_709, %get3A_697] : memref<892x64xf32, #tpu.memory_space<vmem>>[vector<16xi32>, vector<16xi32>], vector<16xf32>,
        %gather3A_725 = tpu.vector_load_idx %arg12[%gather3A_712, %get3A_697] : memref<892x64xf32, #tpu.memory_space<vmem>>[vector<16xi32>, vector<16xi32>], vector<16xf32>,
        %add3A_726 = arith.addf %gather3A_724, %gather3A_725 : vector<16xf32>
        %add3A_727 = arith.addf %gather3A_723, %add3A_726 : vector<16xf32>
        %gather3A_728 = tpu.vector_load_idx %arg12[%gather3A_706, %get3A_699] : memref<892x64xf32, #tpu.memory_space<vmem>>[vector<16xi32>, vector<16xi32>], vector<16xf32>,
        %gather3A_729 = tpu.vector_load_idx %arg12[%gather3A_709, %get3A_699] : memref<892x64xf32, #tpu.memory_space<vmem>>[vector<16xi32>, vector<16xi32>], vector<16xf32>,
        %gather3A_730 = tpu.vector_load_idx %arg12[%gather3A_712, %get3A_699] : memref<892x64xf32, #tpu.memory_space<vmem>>[vector<16xi32>, vector<16xi32>], vector<16xf32>,
        %add3A_731 = arith.addf %gather3A_729, %gather3A_730 : vector<16xf32>
        %add3A_732 = arith.addf %gather3A_728, %add3A_731 : vector<16xf32>
        %get3A_733 = arith.constant 16 : index
        %get3A_734 = tpu.vector_load %arg15[%get3A_733] {strides = array<i32>} : memref<1120xi32, #tpu.memory_space<vmem>>, vector<16xi32>,
        %reshape3A_735 = vector.shape_cast %get3A_734 : vector<16xi32> to vector<16x1xi32>
        %gather3A_736 = vector.shape_cast %reshape3A_735 : vector<16x1xi32> to vector<16xi32>
        %gather3A_737 = tpu.dynamic_gather %get3A_679[%gather3A_736] in [0] : vector<16xi32>, vector<16xi32> -> vector<16xi32>
        %reshape3A_738 = vector.shape_cast %get3A_734 : vector<16xi32> to vector<16x1xi32>
        %gather3A_739 = vector.shape_cast %reshape3A_738 : vector<16x1xi32> to vector<16xi32>
        %gather3A_740 = tpu.dynamic_gather %get3A_683[%gather3A_739] in [0] : vector<16xi32>, vector<16xi32> -> vector<16xi32>
        %reshape3A_741 = vector.shape_cast %get3A_734 : vector<16xi32> to vector<16x1xi32>
        %gather3A_742 = vector.shape_cast %reshape3A_741 : vector<16x1xi32> to vector<16xi32>
        %gather3A_743 = tpu.dynamic_gather %get3A_687[%gather3A_742] in [0] : vector<16xi32>, vector<16xi32> -> vector<16xi32>
        %reshape3A_744 = vector.shape_cast %get3A_734 : vector<16xi32> to vector<16x1xi32>
        %gather3A_745 = vector.shape_cast %reshape3A_744 : vector<16x1xi32> to vector<16xi32>
        %gather3A_746 = tpu.dynamic_gather %get3A_691[%gather3A_745] in [0] : vector<16xi32>, vector<16xi32> -> vector<16xi32>
        %gather3A_747 = tpu.vector_load_idx %arg12[%gather3A_740, %get3A_693] : memref<892x64xf32, #tpu.memory_space<vmem>>[vector<16xi32>, vector<16xi32>], vector<16xf32>,
        %gather3A_748 = tpu.vector_load_idx %arg12[%gather3A_743, %get3A_693] : memref<892x64xf32, #tpu.memory_space<vmem>>[vector<16xi32>, vector<16xi32>], vector<16xf32>,
        %gather3A_749 = tpu.vector_load_idx %arg12[%gather3A_746, %get3A_693] : memref<892x64xf32, #tpu.memory_space<vmem>>[vector<16xi32>, vector<16xi32>], vector<16xf32>,
        %add3A_750 = arith.addf %gather3A_748, %gather3A_749 : vector<16xf32>
        %add3A_751 = arith.addf %gather3A_747, %add3A_750 : vector<16xf32>
        %gather3A_752 = tpu.vector_load_idx %arg12[%gather3A_740, %get3A_695] : memref<892x64xf32, #tpu.memory_space<vmem>>[vector<16xi32>, vector<16xi32>], vector<16xf32>,
        %gather3A_753 = tpu.vector_load_idx %arg12[%gather3A_743, %get3A_695] : memref<892x64xf32, #tpu.memory_space<vmem>>[vector<16xi32>, vector<16xi32>], vector<16xf32>,
        %gather3A_754 = tpu.vector_load_idx %arg12[%gather3A_746, %get3A_695] : memref<892x64xf32, #tpu.memory_space<vmem>>[vector<16xi32>, vector<16xi32>], vector<16xf32>,
        %add3A_755 = arith.addf %gather3A_753, %gather3A_754 : vector<16xf32>
        %add3A_756 = arith.addf %gather3A_752, %add3A_755 : vector<16xf32>
        %gather3A_757 = tpu.vector_load_idx %arg12[%gather3A_740, %get3A_697] : memref<892x64xf32, #tpu.memory_space<vmem>>[vector<16xi32>, vector<16xi32>], vector<16xf32>,
        %gather3A_758 = tpu.vector_load_idx %arg12[%gather3A_743, %get3A_697] : memref<892x64xf32, #tpu.memory_space<vmem>>[vector<16xi32>, vector<16xi32>], vector<16xf32>,
        %gather3A_759 = tpu.vector_load_idx %arg12[%gather3A_746, %get3A_697] : memref<892x64xf32, #tpu.memory_space<vmem>>[vector<16xi32>, vector<16xi32>], vector<16xf32>,
        %add3A_760 = arith.addf %gather3A_758, %gather3A_759 : vector<16xf32>
        %add3A_761 = arith.addf %gather3A_757, %add3A_760 : vector<16xf32>
        %gather3A_762 = tpu.vector_load_idx %arg12[%gather3A_740, %get3A_699] : memref<892x64xf32, #tpu.memory_space<vmem>>[vector<16xi32>, vector<16xi32>], vector<16xf32>,
        %gather3A_763 = tpu.vector_load_idx %arg12[%gather3A_743, %get3A_699] : memref<892x64xf32, #tpu.memory_space<vmem>>[vector<16xi32>, vector<16xi32>], vector<16xf32>,
        %gather3A_764 = tpu.vector_load_idx %arg12[%gather3A_746, %get3A_699] : memref<892x64xf32, #tpu.memory_space<vmem>>[vector<16xi32>, vector<16xi32>], vector<16xf32>,
        %add3A_765 = arith.addf %gather3A_763, %gather3A_764 : vector<16xf32>
        %add3A_766 = arith.addf %gather3A_762, %add3A_765 : vector<16xf32>
        %get3A_767 = arith.constant 32 : index
        %get3A_768 = tpu.vector_load %arg15[%get3A_767] {strides = array<i32>} : memref<1120xi32, #tpu.memory_space<vmem>>, vector<16xi32>,
        %reshape3A_769 = vector.shape_cast %get3A_768 : vector<16xi32> to vector<16x1xi32>
        %gather3A_770 = vector.shape_cast %reshape3A_769 : vector<16x1xi32> to vector<16xi32>
        %gather3A_771 = tpu.dynamic_gather %get3A_679[%gather3A_770] in [0] : vector<16xi32>, vector<16xi32> -> vector<16xi32>
        %reshape3A_772 = vector.shape_cast %get3A_768 : vector<16xi32> to vector<16x1xi32>
        %gather3A_773 = vector.shape_cast %reshape3A_772 : vector<16x1xi32> to vector<16xi32>
        %gather3A_774 = tpu.dynamic_gather %get3A_683[%gather3A_773] in [0] : vector<16xi32>, vector<16xi32> -> vector<16xi32>
        %reshape3A_775 = vector.shape_cast %get3A_768 : vector<16xi32> to vector<16x1xi32>
        %gather3A_776 = vector.shape_cast %reshape3A_775 : vector<16x1xi32> to vector<16xi32>
        %gather3A_777 = tpu.dynamic_gather %get3A_687[%gather3A_776] in [0] : vector<16xi32>, vector<16xi32> -> vector<16xi32>
        %reshape3A_778 = vector.shape_cast %get3A_768 : vector<16xi32> to vector<16x1xi32>
        %gather3A_779 = vector.shape_cast %reshape3A_778 : vector<16x1xi32> to vector<16xi32>
        %gather3A_780 = tpu.dynamic_gather %get3A_691[%gather3A_779] in [0] : vector<16xi32>, vector<16xi32> -> vector<16xi32>
        %gather3A_781 = tpu.vector_load_idx %arg12[%gather3A_774, %get3A_693] : memref<892x64xf32, #tpu.memory_space<vmem>>[vector<16xi32>, vector<16xi32>], vector<16xf32>,
        %gather3A_782 = tpu.vector_load_idx %arg12[%gather3A_777, %get3A_693] : memref<892x64xf32, #tpu.memory_space<vmem>>[vector<16xi32>, vector<16xi32>], vector<16xf32>,
        %gather3A_783 = tpu.vector_load_idx %arg12[%gather3A_780, %get3A_693] : memref<892x64xf32, #tpu.memory_space<vmem>>[vector<16xi32>, vector<16xi32>], vector<16xf32>,
        %add3A_784 = arith.addf %gather3A_782, %gather3A_783 : vector<16xf32>
        %add3A_785 = arith.addf %gather3A_781, %add3A_784 : vector<16xf32>
        %gather3A_786 = tpu.vector_load_idx %arg12[%gather3A_774, %get3A_695] : memref<892x64xf32, #tpu.memory_space<vmem>>[vector<16xi32>, vector<16xi32>], vector<16xf32>,
        %gather3A_787 = tpu.vector_load_idx %arg12[%gather3A_777, %get3A_695] : memref<892x64xf32, #tpu.memory_space<vmem>>[vector<16xi32>, vector<16xi32>], vector<16xf32>,
        %gather3A_788 = tpu.vector_load_idx %arg12[%gather3A_780, %get3A_695] : memref<892x64xf32, #tpu.memory_space<vmem>>[vector<16xi32>, vector<16xi32>], vector<16xf32>,
        %add3A_789 = arith.addf %gather3A_787, %gather3A_788 : vector<16xf32>
        %add3A_790 = arith.addf %gather3A_786, %add3A_789 : vector<16xf32>
        %gather3A_791 = tpu.vector_load_idx %arg12[%gather3A_774, %get3A_697] : memref<892x64xf32, #tpu.memory_space<vmem>>[vector<16xi32>, vector<16xi32>], vector<16xf32>,
        %gather3A_792 = tpu.vector_load_idx %arg12[%gather3A_777, %get3A_697] : memref<892x64xf32, #tpu.memory_space<vmem>>[vector<16xi32>, vector<16xi32>], vector<16xf32>,
        %gather3A_793 = tpu.vector_load_idx %arg12[%gather3A_780, %get3A_697] : memref<892x64xf32, #tpu.memory_space<vmem>>[vector<16xi32>, vector<16xi32>], vector<16xf32>,
        %add3A_794 = arith.addf %gather3A_792, %gather3A_793 : vector<16xf32>
        %add3A_795 = arith.addf %gather3A_791, %add3A_794 : vector<16xf32>
        %gather3A_796 = tpu.vector_load_idx %arg12[%gather3A_774, %get3A_699] : memref<892x64xf32, #tpu.memory_space<vmem>>[vector<16xi32>, vector<16xi32>], vector<16xf32>,
        %gather3A_797 = tpu.vector_load_idx %arg12[%gather3A_777, %get3A_699] : memref<892x64xf32, #tpu.memory_space<vmem>>[vector<16xi32>, vector<16xi32>], vector<16xf32>,
        %gather3A_798 = tpu.vector_load_idx %arg12[%gather3A_780, %get3A_699] : memref<892x64xf32, #tpu.memory_space<vmem>>[vector<16xi32>, vector<16xi32>], vector<16xf32>,
        %add3A_799 = arith.addf %gather3A_797, %gather3A_798 : vector<16xf32>
        %add3A_800 = arith.addf %gather3A_796, %add3A_799 : vector<16xf32>
        %get3A_801 = arith.constant 48 : index
        %get3A_802 = tpu.vector_load %arg15[%get3A_801] {strides = array<i32>} : memref<1120xi32, #tpu.memory_space<vmem>>, vector<16xi32>,
        %reshape3A_803 = vector.shape_cast %get3A_802 : vector<16xi32> to vector<16x1xi32>
        %gather3A_804 = vector.shape_cast %reshape3A_803 : vector<16x1xi32> to vector<16xi32>
        %gather3A_805 = tpu.dynamic_gather %get3A_679[%gather3A_804] in [0] : vector<16xi32>, vector<16xi32> -> vector<16xi32>
        %reshape3A_806 = vector.shape_cast %get3A_802 : vector<16xi32> to vector<16x1xi32>
        %gather3A_807 = vector.shape_cast %reshape3A_806 : vector<16x1xi32> to vector<16xi32>
        %gather3A_808 = tpu.dynamic_gather %get3A_683[%gather3A_807] in [0] : vector<16xi32>, vector<16xi32> -> vector<16xi32>
        %reshape3A_809 = vector.shape_cast %get3A_802 : vector<16xi32> to vector<16x1xi32>
        %gather3A_810 = vector.shape_cast %reshape3A_809 : vector<16x1xi32> to vector<16xi32>
        %gather3A_811 = tpu.dynamic_gather %get3A_687[%gather3A_810] in [0] : vector<16xi32>, vector<16xi32> -> vector<16xi32>
        %reshape3A_812 = vector.shape_cast %get3A_802 : vector<16xi32> to vector<16x1xi32>
        %gather3A_813 = vector.shape_cast %reshape3A_812 : vector<16x1xi32> to vector<16xi32>
        %gather3A_814 = tpu.dynamic_gather %get3A_691[%gather3A_813] in [0] : vector<16xi32>, vector<16xi32> -> vector<16xi32>
        %gather3A_815 = tpu.vector_load_idx %arg12[%gather3A_808, %get3A_693] : memref<892x64xf32, #tpu.memory_space<vmem>>[vector<16xi32>, vector<16xi32>], vector<16xf32>,
        %gather3A_816 = tpu.vector_load_idx %arg12[%gather3A_811, %get3A_693] : memref<892x64xf32, #tpu.memory_space<vmem>>[vector<16xi32>, vector<16xi32>], vector<16xf32>,
        %gather3A_817 = tpu.vector_load_idx %arg12[%gather3A_814, %get3A_693] : memref<892x64xf32, #tpu.memory_space<vmem>>[vector<16xi32>, vector<16xi32>], vector<16xf32>,
        %add3A_818 = arith.addf %gather3A_816, %gather3A_817 : vector<16xf32>
        %add3A_819 = arith.addf %gather3A_815, %add3A_818 : vector<16xf32>
        %gather3A_820 = tpu.vector_load_idx %arg12[%gather3A_808, %get3A_695] : memref<892x64xf32, #tpu.memory_space<vmem>>[vector<16xi32>, vector<16xi32>], vector<16xf32>,
        %gather3A_821 = tpu.vector_load_idx %arg12[%gather3A_811, %get3A_695] : memref<892x64xf32, #tpu.memory_space<vmem>>[vector<16xi32>, vector<16xi32>], vector<16xf32>,
        %gather3A_822 = tpu.vector_load_idx %arg12[%gather3A_814, %get3A_695] : memref<892x64xf32, #tpu.memory_space<vmem>>[vector<16xi32>, vector<16xi32>], vector<16xf32>,
        %add3A_823 = arith.addf %gather3A_821, %gather3A_822 : vector<16xf32>
        %add3A_824 = arith.addf %gather3A_820, %add3A_823 : vector<16xf32>
        %gather3A_825 = tpu.vector_load_idx %arg12[%gather3A_808, %get3A_697] : memref<892x64xf32, #tpu.memory_space<vmem>>[vector<16xi32>, vector<16xi32>], vector<16xf32>,
        %gather3A_826 = tpu.vector_load_idx %arg12[%gather3A_811, %get3A_697] : memref<892x64xf32, #tpu.memory_space<vmem>>[vector<16xi32>, vector<16xi32>], vector<16xf32>,
        %gather3A_827 = tpu.vector_load_idx %arg12[%gather3A_814, %get3A_697] : memref<892x64xf32, #tpu.memory_space<vmem>>[vector<16xi32>, vector<16xi32>], vector<16xf32>,
        %add3A_828 = arith.addf %gather3A_826, %gather3A_827 : vector<16xf32>
        %add3A_829 = arith.addf %gather3A_825, %add3A_828 : vector<16xf32>
        %gather3A_830 = tpu.vector_load_idx %arg12[%gather3A_808, %get3A_699] : memref<892x64xf32, #tpu.memory_space<vmem>>[vector<16xi32>, vector<16xi32>], vector<16xf32>,
        %gather3A_831 = tpu.vector_load_idx %arg12[%gather3A_811, %get3A_699] : memref<892x64xf32, #tpu.memory_space<vmem>>[vector<16xi32>, vector<16xi32>], vector<16xf32>,
        %gather3A_832 = tpu.vector_load_idx %arg12[%gather3A_814, %get3A_699] : memref<892x64xf32, #tpu.memory_space<vmem>>[vector<16xi32>, vector<16xi32>], vector<16xf32>,
        %add3A_833 = arith.addf %gather3A_831, %gather3A_832 : vector<16xf32>
        %add3A_834 = arith.addf %gather3A_830, %add3A_833 : vector<16xf32>
        %get3A_835 = arith.constant 64 : index
        %get3A_836 = tpu.vector_load %arg15[%get3A_835] {strides = array<i32>} : memref<1120xi32, #tpu.memory_space<vmem>>, vector<16xi32>,
        %reshape3A_837 = vector.shape_cast %get3A_836 : vector<16xi32> to vector<16x1xi32>
        %gather3A_838 = vector.shape_cast %reshape3A_837 : vector<16x1xi32> to vector<16xi32>
        %gather3A_839 = tpu.dynamic_gather %get3A_679[%gather3A_838] in [0] : vector<16xi32>, vector<16xi32> -> vector<16xi32>
        %reshape3A_840 = vector.shape_cast %get3A_836 : vector<16xi32> to vector<16x1xi32>
        %gather3A_841 = vector.shape_cast %reshape3A_840 : vector<16x1xi32> to vector<16xi32>
        %gather3A_842 = tpu.dynamic_gather %get3A_683[%gather3A_841] in [0] : vector<16xi32>, vector<16xi32> -> vector<16xi32>
        %reshape3A_843 = vector.shape_cast %get3A_836 : vector<16xi32> to vector<16x1xi32>
        %gather3A_844 = vector.shape_cast %reshape3A_843 : vector<16x1xi32> to vector<16xi32>
        %gather3A_845 = tpu.dynamic_gather %get3A_687[%gather3A_844] in [0] : vector<16xi32>, vector<16xi32> -> vector<16xi32>
        %reshape3A_846 = vector.shape_cast %get3A_836 : vector<16xi32> to vector<16x1xi32>
        %gather3A_847 = vector.shape_cast %reshape3A_846 : vector<16x1xi32> to vector<16xi32>
        %gather3A_848 = tpu.dynamic_gather %get3A_691[%gather3A_847] in [0] : vector<16xi32>, vector<16xi32> -> vector<16xi32>
        %gather3A_849 = tpu.vector_load_idx %arg12[%gather3A_842, %get3A_693] : memref<892x64xf32, #tpu.memory_space<vmem>>[vector<16xi32>, vector<16xi32>], vector<16xf32>,
        %gather3A_850 = tpu.vector_load_idx %arg12[%gather3A_845, %get3A_693] : memref<892x64xf32, #tpu.memory_space<vmem>>[vector<16xi32>, vector<16xi32>], vector<16xf32>,
        %gather3A_851 = tpu.vector_load_idx %arg12[%gather3A_848, %get3A_693] : memref<892x64xf32, #tpu.memory_space<vmem>>[vector<16xi32>, vector<16xi32>], vector<16xf32>,
        %add3A_852 = arith.addf %gather3A_850, %gather3A_851 : vector<16xf32>
        %add3A_853 = arith.addf %gather3A_849, %add3A_852 : vector<16xf32>
        %gather3A_854 = tpu.vector_load_idx %arg12[%gather3A_842, %get3A_695] : memref<892x64xf32, #tpu.memory_space<vmem>>[vector<16xi32>, vector<16xi32>], vector<16xf32>,
        %gather3A_855 = tpu.vector_load_idx %arg12[%gather3A_845, %get3A_695] : memref<892x64xf32, #tpu.memory_space<vmem>>[vector<16xi32>, vector<16xi32>], vector<16xf32>,
        %gather3A_856 = tpu.vector_load_idx %arg12[%gather3A_848, %get3A_695] : memref<892x64xf32, #tpu.memory_space<vmem>>[vector<16xi32>, vector<16xi32>], vector<16xf32>,
        %add3A_857 = arith.addf %gather3A_855, %gather3A_856 : vector<16xf32>
        %add3A_858 = arith.addf %gather3A_854, %add3A_857 : vector<16xf32>
        %gather3A_859 = tpu.vector_load_idx %arg12[%gather3A_842, %get3A_697] : memref<892x64xf32, #tpu.memory_space<vmem>>[vector<16xi32>, vector<16xi32>], vector<16xf32>,
        %gather3A_860 = tpu.vector_load_idx %arg12[%gather3A_845, %get3A_697] : memref<892x64xf32, #tpu.memory_space<vmem>>[vector<16xi32>, vector<16xi32>], vector<16xf32>,
        %gather3A_861 = tpu.vector_load_idx %arg12[%gather3A_848, %get3A_697] : memref<892x64xf32, #tpu.memory_space<vmem>>[vector<16xi32>, vector<16xi32>], vector<16xf32>,
        %add3A_862 = arith.addf %gather3A_860, %gather3A_861 : vector<16xf32>
        %add3A_863 = arith.addf %gather3A_859, %add3A_862 : vector<16xf32>
        %gather3A_864 = tpu.vector_load_idx %arg12[%gather3A_842, %get3A_699] : memref<892x64xf32, #tpu.memory_space<vmem>>[vector<16xi32>, vector<16xi32>], vector<16xf32>,
        %gather3A_865 = tpu.vector_load_idx %arg12[%gather3A_845, %get3A_699] : memref<892x64xf32, #tpu.memory_space<vmem>>[vector<16xi32>, vector<16xi32>], vector<16xf32>,
        %gather3A_866 = tpu.vector_load_idx %arg12[%gather3A_848, %get3A_699] : memref<892x64xf32, #tpu.memory_space<vmem>>[vector<16xi32>, vector<16xi32>], vector<16xf32>,
        %add3A_867 = arith.addf %gather3A_865, %gather3A_866 : vector<16xf32>
        %add3A_868 = arith.addf %gather3A_864, %add3A_867 : vector<16xf32>
        %get3A_869 = arith.constant 80 : index
        %get3A_870 = tpu.vector_load %arg15[%get3A_869] {strides = array<i32>} : memref<1120xi32, #tpu.memory_space<vmem>>, vector<16xi32>,
        %reshape3A_871 = vector.shape_cast %get3A_870 : vector<16xi32> to vector<16x1xi32>
        %gather3A_872 = vector.shape_cast %reshape3A_871 : vector<16x1xi32> to vector<16xi32>
        %gather3A_873 = tpu.dynamic_gather %get3A_679[%gather3A_872] in [0] : vector<16xi32>, vector<16xi32> -> vector<16xi32>
        %reshape3A_874 = vector.shape_cast %get3A_870 : vector<16xi32> to vector<16x1xi32>
        %gather3A_875 = vector.shape_cast %reshape3A_874 : vector<16x1xi32> to vector<16xi32>
        %gather3A_876 = tpu.dynamic_gather %get3A_683[%gather3A_875] in [0] : vector<16xi32>, vector<16xi32> -> vector<16xi32>
        %reshape3A_877 = vector.shape_cast %get3A_870 : vector<16xi32> to vector<16x1xi32>
        %gather3A_878 = vector.shape_cast %reshape3A_877 : vector<16x1xi32> to vector<16xi32>
        %gather3A_879 = tpu.dynamic_gather %get3A_687[%gather3A_878] in [0] : vector<16xi32>, vector<16xi32> -> vector<16xi32>
        %reshape3A_880 = vector.shape_cast %get3A_870 : vector<16xi32> to vector<16x1xi32>
        %gather3A_881 = vector.shape_cast %reshape3A_880 : vector<16x1xi32> to vector<16xi32>
        %gather3A_882 = tpu.dynamic_gather %get3A_691[%gather3A_881] in [0] : vector<16xi32>, vector<16xi32> -> vector<16xi32>
        %gather3A_883 = tpu.vector_load_idx %arg12[%gather3A_876, %get3A_693] : memref<892x64xf32, #tpu.memory_space<vmem>>[vector<16xi32>, vector<16xi32>], vector<16xf32>,
        %gather3A_884 = tpu.vector_load_idx %arg12[%gather3A_879, %get3A_693] : memref<892x64xf32, #tpu.memory_space<vmem>>[vector<16xi32>, vector<16xi32>], vector<16xf32>,
        %gather3A_885 = tpu.vector_load_idx %arg12[%gather3A_882, %get3A_693] : memref<892x64xf32, #tpu.memory_space<vmem>>[vector<16xi32>, vector<16xi32>], vector<16xf32>,
        %add3A_886 = arith.addf %gather3A_884, %gather3A_885 : vector<16xf32>
        %add3A_887 = arith.addf %gather3A_883, %add3A_886 : vector<16xf32>
        %gather3A_888 = tpu.vector_load_idx %arg12[%gather3A_876, %get3A_695] : memref<892x64xf32, #tpu.memory_space<vmem>>[vector<16xi32>, vector<16xi32>], vector<16xf32>,
        %gather3A_889 = tpu.vector_load_idx %arg12[%gather3A_879, %get3A_695] : memref<892x64xf32, #tpu.memory_space<vmem>>[vector<16xi32>, vector<16xi32>], vector<16xf32>,
        %gather3A_890 = tpu.vector_load_idx %arg12[%gather3A_882, %get3A_695] : memref<892x64xf32, #tpu.memory_space<vmem>>[vector<16xi32>, vector<16xi32>], vector<16xf32>,
        %add3A_891 = arith.addf %gather3A_889, %gather3A_890 : vector<16xf32>
        %add3A_892 = arith.addf %gather3A_888, %add3A_891 : vector<16xf32>
        %gather3A_893 = tpu.vector_load_idx %arg12[%gather3A_876, %get3A_697] : memref<892x64xf32, #tpu.memory_space<vmem>>[vector<16xi32>, vector<16xi32>], vector<16xf32>,
        %gather3A_894 = tpu.vector_load_idx %arg12[%gather3A_879, %get3A_697] : memref<892x64xf32, #tpu.memory_space<vmem>>[vector<16xi32>, vector<16xi32>], vector<16xf32>,
        %gather3A_895 = tpu.vector_load_idx %arg12[%gather3A_882, %get3A_697] : memref<892x64xf32, #tpu.memory_space<vmem>>[vector<16xi32>, vector<16xi32>], vector<16xf32>,
        %add3A_896 = arith.addf %gather3A_894, %gather3A_895 : vector<16xf32>
        %add3A_897 = arith.addf %gather3A_893, %add3A_896 : vector<16xf32>
        %gather3A_898 = tpu.vector_load_idx %arg12[%gather3A_876, %get3A_699] : memref<892x64xf32, #tpu.memory_space<vmem>>[vector<16xi32>, vector<16xi32>], vector<16xf32>,
        %gather3A_899 = tpu.vector_load_idx %arg12[%gather3A_879, %get3A_699] : memref<892x64xf32, #tpu.memory_space<vmem>>[vector<16xi32>, vector<16xi32>], vector<16xf32>,
        %gather3A_900 = tpu.vector_load_idx %arg12[%gather3A_882, %get3A_699] : memref<892x64xf32, #tpu.memory_space<vmem>>[vector<16xi32>, vector<16xi32>], vector<16xf32>,
        %add3A_901 = arith.addf %gather3A_899, %gather3A_900 : vector<16xf32>
        %add3A_902 = arith.addf %gather3A_898, %add3A_901 : vector<16xf32>
        %get3A_903 = arith.constant 96 : index
        %get3A_904 = tpu.vector_load %arg15[%get3A_903] {strides = array<i32>} : memref<1120xi32, #tpu.memory_space<vmem>>, vector<16xi32>,
        %reshape3A_905 = vector.shape_cast %get3A_904 : vector<16xi32> to vector<16x1xi32>
        %gather3A_906 = vector.shape_cast %reshape3A_905 : vector<16x1xi32> to vector<16xi32>
        %gather3A_907 = tpu.dynamic_gather %get3A_679[%gather3A_906] in [0] : vector<16xi32>, vector<16xi32> -> vector<16xi32>
        %reshape3A_908 = vector.shape_cast %get3A_904 : vector<16xi32> to vector<16x1xi32>
        %gather3A_909 = vector.shape_cast %reshape3A_908 : vector<16x1xi32> to vector<16xi32>
        %gather3A_910 = tpu.dynamic_gather %get3A_683[%gather3A_909] in [0] : vector<16xi32>, vector<16xi32> -> vector<16xi32>
        %reshape3A_911 = vector.shape_cast %get3A_904 : vector<16xi32> to vector<16x1xi32>
        %gather3A_912 = vector.shape_cast %reshape3A_911 : vector<16x1xi32> to vector<16xi32>
        %gather3A_913 = tpu.dynamic_gather %get3A_687[%gather3A_912] in [0] : vector<16xi32>, vector<16xi32> -> vector<16xi32>
        %reshape3A_914 = vector.shape_cast %get3A_904 : vector<16xi32> to vector<16x1xi32>
        %gather3A_915 = vector.shape_cast %reshape3A_914 : vector<16x1xi32> to vector<16xi32>
        %gather3A_916 = tpu.dynamic_gather %get3A_691[%gather3A_915] in [0] : vector<16xi32>, vector<16xi32> -> vector<16xi32>
        %gather3A_917 = tpu.vector_load_idx %arg12[%gather3A_910, %get3A_693] : memref<892x64xf32, #tpu.memory_space<vmem>>[vector<16xi32>, vector<16xi32>], vector<16xf32>,
        %gather3A_918 = tpu.vector_load_idx %arg12[%gather3A_913, %get3A_693] : memref<892x64xf32, #tpu.memory_space<vmem>>[vector<16xi32>, vector<16xi32>], vector<16xf32>,
        %gather3A_919 = tpu.vector_load_idx %arg12[%gather3A_916, %get3A_693] : memref<892x64xf32, #tpu.memory_space<vmem>>[vector<16xi32>, vector<16xi32>], vector<16xf32>,
        %add3A_920 = arith.addf %gather3A_918, %gather3A_919 : vector<16xf32>
        %add3A_921 = arith.addf %gather3A_917, %add3A_920 : vector<16xf32>
        %gather3A_922 = tpu.vector_load_idx %arg12[%gather3A_910, %get3A_695] : memref<892x64xf32, #tpu.memory_space<vmem>>[vector<16xi32>, vector<16xi32>], vector<16xf32>,
        %gather3A_923 = tpu.vector_load_idx %arg12[%gather3A_913, %get3A_695] : memref<892x64xf32, #tpu.memory_space<vmem>>[vector<16xi32>, vector<16xi32>], vector<16xf32>,
        %gather3A_924 = tpu.vector_load_idx %arg12[%gather3A_916, %get3A_695] : memref<892x64xf32, #tpu.memory_space<vmem>>[vector<16xi32>, vector<16xi32>], vector<16xf32>,
        %add3A_925 = arith.addf %gather3A_923, %gather3A_924 : vector<16xf32>
        %add3A_926 = arith.addf %gather3A_922, %add3A_925 : vector<16xf32>
        %gather3A_927 = tpu.vector_load_idx %arg12[%gather3A_910, %get3A_697] : memref<892x64xf32, #tpu.memory_space<vmem>>[vector<16xi32>, vector<16xi32>], vector<16xf32>,
        %gather3A_928 = tpu.vector_load_idx %arg12[%gather3A_913, %get3A_697] : memref<892x64xf32, #tpu.memory_space<vmem>>[vector<16xi32>, vector<16xi32>], vector<16xf32>,
        %gather3A_929 = tpu.vector_load_idx %arg12[%gather3A_916, %get3A_697] : memref<892x64xf32, #tpu.memory_space<vmem>>[vector<16xi32>, vector<16xi32>], vector<16xf32>,
        %add3A_930 = arith.addf %gather3A_928, %gather3A_929 : vector<16xf32>
        %add3A_931 = arith.addf %gather3A_927, %add3A_930 : vector<16xf32>
        %gather3A_932 = tpu.vector_load_idx %arg12[%gather3A_910, %get3A_699] : memref<892x64xf32, #tpu.memory_space<vmem>>[vector<16xi32>, vector<16xi32>], vector<16xf32>,
        %gather3A_933 = tpu.vector_load_idx %arg12[%gather3A_913, %get3A_699] : memref<892x64xf32, #tpu.memory_space<vmem>>[vector<16xi32>, vector<16xi32>], vector<16xf32>,
        %gather3A_934 = tpu.vector_load_idx %arg12[%gather3A_916, %get3A_699] : memref<892x64xf32, #tpu.memory_space<vmem>>[vector<16xi32>, vector<16xi32>], vector<16xf32>,
        %add3A_935 = arith.addf %gather3A_933, %gather3A_934 : vector<16xf32>
        %add3A_936 = arith.addf %gather3A_932, %add3A_935 : vector<16xf32>
        %get3A_937 = arith.constant 112 : index
        %get3A_938 = tpu.vector_load %arg15[%get3A_937] {strides = array<i32>} : memref<1120xi32, #tpu.memory_space<vmem>>, vector<16xi32>,
        %reshape3A_939 = vector.shape_cast %get3A_938 : vector<16xi32> to vector<16x1xi32>
        %gather3A_940 = vector.shape_cast %reshape3A_939 : vector<16x1xi32> to vector<16xi32>
        %gather3A_941 = tpu.dynamic_gather %get3A_679[%gather3A_940] in [0] : vector<16xi32>, vector<16xi32> -> vector<16xi32>
        %reshape3A_942 = vector.shape_cast %get3A_938 : vector<16xi32> to vector<16x1xi32>
        %gather3A_943 = vector.shape_cast %reshape3A_942 : vector<16x1xi32> to vector<16xi32>
        %gather3A_944 = tpu.dynamic_gather %get3A_683[%gather3A_943] in [0] : vector<16xi32>, vector<16xi32> -> vector<16xi32>
        %reshape3A_945 = vector.shape_cast %get3A_938 : vector<16xi32> to vector<16x1xi32>
        %gather3A_946 = vector.shape_cast %reshape3A_945 : vector<16x1xi32> to vector<16xi32>
        %gather3A_947 = tpu.dynamic_gather %get3A_687[%gather3A_946] in [0] : vector<16xi32>, vector<16xi32> -> vector<16xi32>
        %reshape3A_948 = vector.shape_cast %get3A_938 : vector<16xi32> to vector<16x1xi32>
        %gather3A_949 = vector.shape_cast %reshape3A_948 : vector<16x1xi32> to vector<16xi32>
        %gather3A_950 = tpu.dynamic_gather %get3A_691[%gather3A_949] in [0] : vector<16xi32>, vector<16xi32> -> vector<16xi32>
        %gather3A_951 = tpu.vector_load_idx %arg12[%gather3A_944, %get3A_693] : memref<892x64xf32, #tpu.memory_space<vmem>>[vector<16xi32>, vector<16xi32>], vector<16xf32>,
        %gather3A_952 = tpu.vector_load_idx %arg12[%gather3A_947, %get3A_693] : memref<892x64xf32, #tpu.memory_space<vmem>>[vector<16xi32>, vector<16xi32>], vector<16xf32>,
        %gather3A_953 = tpu.vector_load_idx %arg12[%gather3A_950, %get3A_693] : memref<892x64xf32, #tpu.memory_space<vmem>>[vector<16xi32>, vector<16xi32>], vector<16xf32>,
        %add3A_954 = arith.addf %gather3A_952, %gather3A_953 : vector<16xf32>
        %add3A_955 = arith.addf %gather3A_951, %add3A_954 : vector<16xf32>
        %gather3A_956 = tpu.vector_load_idx %arg12[%gather3A_944, %get3A_695] : memref<892x64xf32, #tpu.memory_space<vmem>>[vector<16xi32>, vector<16xi32>], vector<16xf32>,
        %gather3A_957 = tpu.vector_load_idx %arg12[%gather3A_947, %get3A_695] : memref<892x64xf32, #tpu.memory_space<vmem>>[vector<16xi32>, vector<16xi32>], vector<16xf32>,
        %gather3A_958 = tpu.vector_load_idx %arg12[%gather3A_950, %get3A_695] : memref<892x64xf32, #tpu.memory_space<vmem>>[vector<16xi32>, vector<16xi32>], vector<16xf32>,
        %add3A_959 = arith.addf %gather3A_957, %gather3A_958 : vector<16xf32>
        %add3A_960 = arith.addf %gather3A_956, %add3A_959 : vector<16xf32>
        %gather3A_961 = tpu.vector_load_idx %arg12[%gather3A_944, %get3A_697] : memref<892x64xf32, #tpu.memory_space<vmem>>[vector<16xi32>, vector<16xi32>], vector<16xf32>,
        %gather3A_962 = tpu.vector_load_idx %arg12[%gather3A_947, %get3A_697] : memref<892x64xf32, #tpu.memory_space<vmem>>[vector<16xi32>, vector<16xi32>], vector<16xf32>,
        %gather3A_963 = tpu.vector_load_idx %arg12[%gather3A_950, %get3A_697] : memref<892x64xf32, #tpu.memory_space<vmem>>[vector<16xi32>, vector<16xi32>], vector<16xf32>,
        %add3A_964 = arith.addf %gather3A_962, %gather3A_963 : vector<16xf32>
        %add3A_965 = arith.addf %gather3A_961, %add3A_964 : vector<16xf32>
        %gather3A_966 = tpu.vector_load_idx %arg12[%gather3A_944, %get3A_699] : memref<892x64xf32, #tpu.memory_space<vmem>>[vector<16xi32>, vector<16xi32>], vector<16xf32>,
        %gather3A_967 = tpu.vector_load_idx %arg12[%gather3A_947, %get3A_699] : memref<892x64xf32, #tpu.memory_space<vmem>>[vector<16xi32>, vector<16xi32>], vector<16xf32>,
        %gather3A_968 = tpu.vector_load_idx %arg12[%gather3A_950, %get3A_699] : memref<892x64xf32, #tpu.memory_space<vmem>>[vector<16xi32>, vector<16xi32>], vector<16xf32>,
        %add3A_969 = arith.addf %gather3A_967, %gather3A_968 : vector<16xf32>
        %add3A_970 = arith.addf %gather3A_966, %add3A_969 : vector<16xf32>
        tpu.vector_store_idx %arg16[%gather3A_703, %get3A_693], %add3A_717 {add = true} : memref<408x64xf32, #tpu.memory_space<vmem>>[vector<16xi32>, vector<16xi32>], vector<16xf32>,
        tpu.vector_store_idx %arg16[%gather3A_703, %get3A_695], %add3A_722 {add = true} : memref<408x64xf32, #tpu.memory_space<vmem>>[vector<16xi32>, vector<16xi32>], vector<16xf32>,
        tpu.vector_store_idx %arg16[%gather3A_703, %get3A_697], %add3A_727 {add = true} : memref<408x64xf32, #tpu.memory_space<vmem>>[vector<16xi32>, vector<16xi32>], vector<16xf32>,
        tpu.vector_store_idx %arg16[%gather3A_703, %get3A_699], %add3A_732 {add = true} : memref<408x64xf32, #tpu.memory_space<vmem>>[vector<16xi32>, vector<16xi32>], vector<16xf32>,
        tpu.vector_store_idx %arg16[%gather3A_737, %get3A_693], %add3A_751 {add = true} : memref<408x64xf32, #tpu.memory_space<vmem>>[vector<16xi32>, vector<16xi32>], vector<16xf32>,
        tpu.vector_store_idx %arg16[%gather3A_737, %get3A_695], %add3A_756 {add = true} : memref<408x64xf32, #tpu.memory_space<vmem>>[vector<16xi32>, vector<16xi32>], vector<16xf32>,
        tpu.vector_store_idx %arg16[%gather3A_737, %get3A_697], %add3A_761 {add = true} : memref<408x64xf32, #tpu.memory_space<vmem>>[vector<16xi32>, vector<16xi32>], vector<16xf32>,
        tpu.vector_store_idx %arg16[%gather3A_737, %get3A_699], %add3A_766 {add = true} : memref<408x64xf32, #tpu.memory_space<vmem>>[vector<16xi32>, vector<16xi32>], vector<16xf32>,
        tpu.vector_store_idx %arg16[%gather3A_771, %get3A_693], %add3A_785 {add = true} : memref<408x64xf32, #tpu.memory_space<vmem>>[vector<16xi32>, vector<16xi32>], vector<16xf32>,
        tpu.vector_store_idx %arg16[%gather3A_771, %get3A_695], %add3A_790 {add = true} : memref<408x64xf32, #tpu.memory_space<vmem>>[vector<16xi32>, vector<16xi32>], vector<16xf32>,
        tpu.vector_store_idx %arg16[%gather3A_771, %get3A_697], %add3A_795 {add = true} : memref<408x64xf32, #tpu.memory_space<vmem>>[vector<16xi32>, vector<16xi32>], vector<16xf32>,
        tpu.vector_store_idx %arg16[%gather3A_771, %get3A_699], %add3A_800 {add = true} : memref<408x64xf32, #tpu.memory_space<vmem>>[vector<16xi32>, vector<16xi32>], vector<16xf32>,
        tpu.vector_store_idx %arg16[%gather3A_805, %get3A_693], %add3A_819 {add = true} : memref<408x64xf32, #tpu.memory_space<vmem>>[vector<16xi32>, vector<16xi32>], vector<16xf32>,
        tpu.vector_store_idx %arg16[%gather3A_805, %get3A_695], %add3A_824 {add = true} : memref<408x64xf32, #tpu.memory_space<vmem>>[vector<16xi32>, vector<16xi32>], vector<16xf32>,
        tpu.vector_store_idx %arg16[%gather3A_805, %get3A_697], %add3A_829 {add = true} : memref<408x64xf32, #tpu.memory_space<vmem>>[vector<16xi32>, vector<16xi32>], vector<16xf32>,
        tpu.vector_store_idx %arg16[%gather3A_805, %get3A_699], %add3A_834 {add = true} : memref<408x64xf32, #tpu.memory_space<vmem>>[vector<16xi32>, vector<16xi32>], vector<16xf32>,
        tpu.vector_store_idx %arg16[%gather3A_839, %get3A_693], %add3A_853 {add = true} : memref<408x64xf32, #tpu.memory_space<vmem>>[vector<16xi32>, vector<16xi32>], vector<16xf32>,
        tpu.vector_store_idx %arg16[%gather3A_839, %get3A_695], %add3A_858 {add = true} : memref<408x64xf32, #tpu.memory_space<vmem>>[vector<16xi32>, vector<16xi32>], vector<16xf32>,
        tpu.vector_store_idx %arg16[%gather3A_839, %get3A_697], %add3A_863 {add = true} : memref<408x64xf32, #tpu.memory_space<vmem>>[vector<16xi32>, vector<16xi32>], vector<16xf32>,
        tpu.vector_store_idx %arg16[%gather3A_839, %get3A_699], %add3A_868 {add = true} : memref<408x64xf32, #tpu.memory_space<vmem>>[vector<16xi32>, vector<16xi32>], vector<16xf32>,
        tpu.vector_store_idx %arg16[%gather3A_873, %get3A_693], %add3A_887 {add = true} : memref<408x64xf32, #tpu.memory_space<vmem>>[vector<16xi32>, vector<16xi32>], vector<16xf32>,
        tpu.vector_store_idx %arg16[%gather3A_873, %get3A_695], %add3A_892 {add = true} : memref<408x64xf32, #tpu.memory_space<vmem>>[vector<16xi32>, vector<16xi32>], vector<16xf32>,
        tpu.vector_store_idx %arg16[%gather3A_873, %get3A_697], %add3A_897 {add = true} : memref<408x64xf32, #tpu.memory_space<vmem>>[vector<16xi32>, vector<16xi32>], vector<16xf32>,
        tpu.vector_store_idx %arg16[%gather3A_873, %get3A_699], %add3A_902 {add = true} : memref<408x64xf32, #tpu.memory_space<vmem>>[vector<16xi32>, vector<16xi32>], vector<16xf32>,
        tpu.vector_store_idx %arg16[%gather3A_907, %get3A_693], %add3A_921 {add = true} : memref<408x64xf32, #tpu.memory_space<vmem>>[vector<16xi32>, vector<16xi32>], vector<16xf32>,
        tpu.vector_store_idx %arg16[%gather3A_907, %get3A_695], %add3A_926 {add = true} : memref<408x64xf32, #tpu.memory_space<vmem>>[vector<16xi32>, vector<16xi32>], vector<16xf32>,
        tpu.vector_store_idx %arg16[%gather3A_907, %get3A_697], %add3A_931 {add = true} : memref<408x64xf32, #tpu.memory_space<vmem>>[vector<16xi32>, vector<16xi32>], vector<16xf32>,
        tpu.vector_store_idx %arg16[%gather3A_907, %get3A_699], %add3A_936 {add = true} : memref<408x64xf32, #tpu.memory_space<vmem>>[vector<16xi32>, vector<16xi32>], vector<16xf32>,
        tpu.vector_store_idx %arg16[%gather3A_941, %get3A_693], %add3A_955 {add = true} : memref<408x64xf32, #tpu.memory_space<vmem>>[vector<16xi32>, vector<16xi32>], vector<16xf32>,
        tpu.vector_store_idx %arg16[%gather3A_941, %get3A_695], %add3A_960 {add = true} : memref<408x64xf32, #tpu.memory_space<vmem>>[vector<16xi32>, vector<16xi32>], vector<16xf32>,
        tpu.vector_store_idx %arg16[%gather3A_941, %get3A_697], %add3A_965 {add = true} : memref<408x64xf32, #tpu.memory_space<vmem>>[vector<16xi32>, vector<16xi32>], vector<16xf32>,
        tpu.vector_store_idx %arg16[%gather3A_941, %get3A_699], %add3A_970 {add = true} : memref<408x64xf32, #tpu.memory_space<vmem>>[vector<16xi32>, vector<16xi32>], vector<16xf32>,
        %get3A_971 = arith.constant 128 : index
        %get3A_972 = tpu.vector_load %arg15[%get3A_971] {strides = array<i32>} : memref<1120xi32, #tpu.memory_space<vmem>>, vector<16xi32>,
        %reshape3A_973 = vector.shape_cast %get3A_972 : vector<16xi32> to vector<16x1xi32>
        %gather3A_974 = vector.shape_cast %reshape3A_973 : vector<16x1xi32> to vector<16xi32>
        %gather3A_975 = tpu.dynamic_gather %get3A_679[%gather3A_974] in [0] : vector<16xi32>, vector<16xi32> -> vector<16xi32>
        %reshape3A_976 = vector.shape_cast %get3A_972 : vector<16xi32> to vector<16x1xi32>
        %gather3A_977 = vector.shape_cast %reshape3A_976 : vector<16x1xi32> to vector<16xi32>
        %gather3A_978 = tpu.dynamic_gather %get3A_683[%gather3A_977] in [0] : vector<16xi32>, vector<16xi32> -> vector<16xi32>
        %reshape3A_979 = vector.shape_cast %get3A_972 : vector<16xi32> to vector<16x1xi32>
        %gather3A_980 = vector.shape_cast %reshape3A_979 : vector<16x1xi32> to vector<16xi32>
        %gather3A_981 = tpu.dynamic_gather %get3A_687[%gather3A_980] in [0] : vector<16xi32>, vector<16xi32> -> vector<16xi32>
        %reshape3A_982 = vector.shape_cast %get3A_972 : vector<16xi32> to vector<16x1xi32>
        %gather3A_983 = vector.shape_cast %reshape3A_982 : vector<16x1xi32> to vector<16xi32>
        %gather3A_984 = tpu.dynamic_gather %get3A_691[%gather3A_983] in [0] : vector<16xi32>, vector<16xi32> -> vector<16xi32>
        %gather3A_985 = tpu.vector_load_idx %arg12[%gather3A_978, %get3A_693] : memref<892x64xf32, #tpu.memory_space<vmem>>[vector<16xi32>, vector<16xi32>], vector<16xf32>,
        %gather3A_986 = tpu.vector_load_idx %arg12[%gather3A_981, %get3A_693] : memref<892x64xf32, #tpu.memory_space<vmem>>[vector<16xi32>, vector<16xi32>], vector<16xf32>,
        %gather3A_987 = tpu.vector_load_idx %arg12[%gather3A_984, %get3A_693] : memref<892x64xf32, #tpu.memory_space<vmem>>[vector<16xi32>, vector<16xi32>], vector<16xf32>,
        %add3A_988 = arith.addf %gather3A_986, %gather3A_987 : vector<16xf32>
        %add3A_989 = arith.addf %gather3A_985, %add3A_988 : vector<16xf32>
        %gather3A_990 = tpu.vector_load_idx %arg12[%gather3A_978, %get3A_695] : memref<892x64xf32, #tpu.memory_space<vmem>>[vector<16xi32>, vector<16xi32>], vector<16xf32>,
        %gather3A_991 = tpu.vector_load_idx %arg12[%gather3A_981, %get3A_695] : memref<892x64xf32, #tpu.memory_space<vmem>>[vector<16xi32>, vector<16xi32>], vector<16xf32>,
        %gather3A_992 = tpu.vector_load_idx %arg12[%gather3A_984, %get3A_695] : memref<892x64xf32, #tpu.memory_space<vmem>>[vector<16xi32>, vector<16xi32>], vector<16xf32>,
        %add3A_993 = arith.addf %gather3A_991, %gather3A_992 : vector<16xf32>
        %add3A_994 = arith.addf %gather3A_990, %add3A_993 : vector<16xf32>
        %gather3A_995 = tpu.vector_load_idx %arg12[%gather3A_978, %get3A_697] : memref<892x64xf32, #tpu.memory_space<vmem>>[vector<16xi32>, vector<16xi32>], vector<16xf32>,
        %gather3A_996 = tpu.vector_load_idx %arg12[%gather3A_981, %get3A_697] : memref<892x64xf32, #tpu.memory_space<vmem>>[vector<16xi32>, vector<16xi32>], vector<16xf32>,
        %gather3A_997 = tpu.vector_load_idx %arg12[%gather3A_984, %get3A_697] : memref<892x64xf32, #tpu.memory_space<vmem>>[vector<16xi32>, vector<16xi32>], vector<16xf32>,
        %add3A_998 = arith.addf %gather3A_996, %gather3A_997 : vector<16xf32>
        %add3A_999 = arith.addf %gather3A_995, %add3A_998 : vector<16xf32>
        %gather3A_1000 = tpu.vector_load_idx %arg12[%gather3A_978, %get3A_699] : memref<892x64xf32, #tpu.memory_space<vmem>>[vector<16xi32>, vector<16xi32>], vector<16xf32>,
        %gather3A_1001 = tpu.vector_load_idx %arg12[%gather3A_981, %get3A_699] : memref<892x64xf32, #tpu.memory_space<vmem>>[vector<16xi32>, vector<16xi32>], vector<16xf32>,
        %gather3A_1002 = tpu.vector_load_idx %arg12[%gather3A_984, %get3A_699] : memref<892x64xf32, #tpu.memory_space<vmem>>[vector<16xi32>, vector<16xi32>], vector<16xf32>,
        %add3A_1003 = arith.addf %gather3A_1001, %gather3A_1002 : vector<16xf32>
        %add3A_1004 = arith.addf %gather3A_1000, %add3A_1003 : vector<16xf32>
        %get3A_1005 = arith.constant 144 : index
        %get3A_1006 = tpu.vector_load %arg15[%get3A_1005] {strides = array<i32>} : memref<1120xi32, #tpu.memory_space<vmem>>, vector<16xi32>,
        %reshape3A_1007 = vector.shape_cast %get3A_1006 : vector<16xi32> to vector<16x1xi32>
        %gather3A_1008 = vector.shape_cast %reshape3A_1007 : vector<16x1xi32> to vector<16xi32>
        %gather3A_1009 = tpu.dynamic_gather %get3A_679[%gather3A_1008] in [0] : vector<16xi32>, vector<16xi32> -> vector<16xi32>
        %reshape3A_1010 = vector.shape_cast %get3A_1006 : vector<16xi32> to vector<16x1xi32>
        %gather3A_1011 = vector.shape_cast %reshape3A_1010 : vector<16x1xi32> to vector<16xi32>
        %gather3A_1012 = tpu.dynamic_gather %get3A_683[%gather3A_1011] in [0] : vector<16xi32>, vector<16xi32> -> vector<16xi32>
        %reshape3A_1013 = vector.shape_cast %get3A_1006 : vector<16xi32> to vector<16x1xi32>
        %gather3A_1014 = vector.shape_cast %reshape3A_1013 : vector<16x1xi32> to vector<16xi32>
        %gather3A_1015 = tpu.dynamic_gather %get3A_687[%gather3A_1014] in [0] : vector<16xi32>, vector<16xi32> -> vector<16xi32>
        %reshape3A_1016 = vector.shape_cast %get3A_1006 : vector<16xi32> to vector<16x1xi32>
        %gather3A_1017 = vector.shape_cast %reshape3A_1016 : vector<16x1xi32> to vector<16xi32>
        %gather3A_1018 = tpu.dynamic_gather %get3A_691[%gather3A_1017] in [0] : vector<16xi32>, vector<16xi32> -> vector<16xi32>
        %gather3A_1019 = tpu.vector_load_idx %arg12[%gather3A_1012, %get3A_693] : memref<892x64xf32, #tpu.memory_space<vmem>>[vector<16xi32>, vector<16xi32>], vector<16xf32>,
        %gather3A_1020 = tpu.vector_load_idx %arg12[%gather3A_1015, %get3A_693] : memref<892x64xf32, #tpu.memory_space<vmem>>[vector<16xi32>, vector<16xi32>], vector<16xf32>,
        %gather3A_1021 = tpu.vector_load_idx %arg12[%gather3A_1018, %get3A_693] : memref<892x64xf32, #tpu.memory_space<vmem>>[vector<16xi32>, vector<16xi32>], vector<16xf32>,
        %add3A_1022 = arith.addf %gather3A_1020, %gather3A_1021 : vector<16xf32>
        %add3A_1023 = arith.addf %gather3A_1019, %add3A_1022 : vector<16xf32>
        %gather3A_1024 = tpu.vector_load_idx %arg12[%gather3A_1012, %get3A_695] : memref<892x64xf32, #tpu.memory_space<vmem>>[vector<16xi32>, vector<16xi32>], vector<16xf32>,
        %gather3A_1025 = tpu.vector_load_idx %arg12[%gather3A_1015, %get3A_695] : memref<892x64xf32, #tpu.memory_space<vmem>>[vector<16xi32>, vector<16xi32>], vector<16xf32>,
        %gather3A_1026 = tpu.vector_load_idx %arg12[%gather3A_1018, %get3A_695] : memref<892x64xf32, #tpu.memory_space<vmem>>[vector<16xi32>, vector<16xi32>], vector<16xf32>,
        %add3A_1027 = arith.addf %gather3A_1025, %gather3A_1026 : vector<16xf32>
        %add3A_1028 = arith.addf %gather3A_1024, %add3A_1027 : vector<16xf32>
        %gather3A_1029 = tpu.vector_load_idx %arg12[%gather3A_1012, %get3A_697] : memref<892x64xf32, #tpu.memory_space<vmem>>[vector<16xi32>, vector<16xi32>], vector<16xf32>,
        %gather3A_1030 = tpu.vector_load_idx %arg12[%gather3A_1015, %get3A_697] : memref<892x64xf32, #tpu.memory_space<vmem>>[vector<16xi32>, vector<16xi32>], vector<16xf32>,
        %gather3A_1031 = tpu.vector_load_idx %arg12[%gather3A_1018, %get3A_697] : memref<892x64xf32, #tpu.memory_space<vmem>>[vector<16xi32>, vector<16xi32>], vector<16xf32>,
        %add3A_1032 = arith.addf %gather3A_1030, %gather3A_1031 : vector<16xf32>
        %add3A_1033 = arith.addf %gather3A_1029, %add3A_1032 : vector<16xf32>
        %gather3A_1034 = tpu.vector_load_idx %arg12[%gather3A_1012, %get3A_699] : memref<892x64xf32, #tpu.memory_space<vmem>>[vector<16xi32>, vector<16xi32>], vector<16xf32>,
        %gather3A_1035 = tpu.vector_load_idx %arg12[%gather3A_1015, %get3A_699] : memref<892x64xf32, #tpu.memory_space<vmem>>[vector<16xi32>, vector<16xi32>], vector<16xf32>,
        %gather3A_1036 = tpu.vector_load_idx %arg12[%gather3A_1018, %get3A_699] : memref<892x64xf32, #tpu.memory_space<vmem>>[vector<16xi32>, vector<16xi32>], vector<16xf32>,
        %add3A_1037 = arith.addf %gather3A_1035, %gather3A_1036 : vector<16xf32>
        %add3A_1038 = arith.addf %gather3A_1034, %add3A_1037 : vector<16xf32>
        %get3A_1039 = arith.constant 160 : index
        %get3A_1040 = tpu.vector_load %arg15[%get3A_1039] {strides = array<i32>} : memref<1120xi32, #tpu.memory_space<vmem>>, vector<16xi32>,
        %reshape3A_1041 = vector.shape_cast %get3A_1040 : vector<16xi32> to vector<16x1xi32>
        %gather3A_1042 = vector.shape_cast %reshape3A_1041 : vector<16x1xi32> to vector<16xi32>
        %gather3A_1043 = tpu.dynamic_gather %get3A_679[%gather3A_1042] in [0] : vector<16xi32>, vector<16xi32> -> vector<16xi32>
        %reshape3A_1044 = vector.shape_cast %get3A_1040 : vector<16xi32> to vector<16x1xi32>
        %gather3A_1045 = vector.shape_cast %reshape3A_1044 : vector<16x1xi32> to vector<16xi32>
        %gather3A_1046 = tpu.dynamic_gather %get3A_683[%gather3A_1045] in [0] : vector<16xi32>, vector<16xi32> -> vector<16xi32>
        %reshape3A_1047 = vector.shape_cast %get3A_1040 : vector<16xi32> to vector<16x1xi32>
        %gather3A_1048 = vector.shape_cast %reshape3A_1047 : vector<16x1xi32> to vector<16xi32>
        %gather3A_1049 = tpu.dynamic_gather %get3A_687[%gather3A_1048] in [0] : vector<16xi32>, vector<16xi32> -> vector<16xi32>
        %reshape3A_1050 = vector.shape_cast %get3A_1040 : vector<16xi32> to vector<16x1xi32>
        %gather3A_1051 = vector.shape_cast %reshape3A_1050 : vector<16x1xi32> to vector<16xi32>
        %gather3A_1052 = tpu.dynamic_gather %get3A_691[%gather3A_1051] in [0] : vector<16xi32>, vector<16xi32> -> vector<16xi32>
        %gather3A_1053 = tpu.vector_load_idx %arg12[%gather3A_1046, %get3A_693] : memref<892x64xf32, #tpu.memory_space<vmem>>[vector<16xi32>, vector<16xi32>], vector<16xf32>,
        %gather3A_1054 = tpu.vector_load_idx %arg12[%gather3A_1049, %get3A_693] : memref<892x64xf32, #tpu.memory_space<vmem>>[vector<16xi32>, vector<16xi32>], vector<16xf32>,
        %gather3A_1055 = tpu.vector_load_idx %arg12[%gather3A_1052, %get3A_693] : memref<892x64xf32, #tpu.memory_space<vmem>>[vector<16xi32>, vector<16xi32>], vector<16xf32>,
        %add3A_1056 = arith.addf %gather3A_1054, %gather3A_1055 : vector<16xf32>
        %add3A_1057 = arith.addf %gather3A_1053, %add3A_1056 : vector<16xf32>
        %gather3A_1058 = tpu.vector_load_idx %arg12[%gather3A_1046, %get3A_695] : memref<892x64xf32, #tpu.memory_space<vmem>>[vector<16xi32>, vector<16xi32>], vector<16xf32>,
        %gather3A_1059 = tpu.vector_load_idx %arg12[%gather3A_1049, %get3A_695] : memref<892x64xf32, #tpu.memory_space<vmem>>[vector<16xi32>, vector<16xi32>], vector<16xf32>,
        %gather3A_1060 = tpu.vector_load_idx %arg12[%gather3A_1052, %get3A_695] : memref<892x64xf32, #tpu.memory_space<vmem>>[vector<16xi32>, vector<16xi32>], vector<16xf32>,
        %add3A_1061 = arith.addf %gather3A_1059, %gather3A_1060 : vector<16xf32>
        %add3A_1062 = arith.addf %gather3A_1058, %add3A_1061 : vector<16xf32>
        %gather3A_1063 = tpu.vector_load_idx %arg12[%gather3A_1046, %get3A_697] : memref<892x64xf32, #tpu.memory_space<vmem>>[vector<16xi32>, vector<16xi32>], vector<16xf32>,
        %gather3A_1064 = tpu.vector_load_idx %arg12[%gather3A_1049, %get3A_697] : memref<892x64xf32, #tpu.memory_space<vmem>>[vector<16xi32>, vector<16xi32>], vector<16xf32>,
        %gather3A_1065 = tpu.vector_load_idx %arg12[%gather3A_1052, %get3A_697] : memref<892x64xf32, #tpu.memory_space<vmem>>[vector<16xi32>, vector<16xi32>], vector<16xf32>,
        %add3A_1066 = arith.addf %gather3A_1064, %gather3A_1065 : vector<16xf32>
        %add3A_1067 = arith.addf %gather3A_1063, %add3A_1066 : vector<16xf32>
        %gather3A_1068 = tpu.vector_load_idx %arg12[%gather3A_1046, %get3A_699] : memref<892x64xf32, #tpu.memory_space<vmem>>[vector<16xi32>, vector<16xi32>], vector<16xf32>,
        %gather3A_1069 = tpu.vector_load_idx %arg12[%gather3A_1049, %get3A_699] : memref<892x64xf32, #tpu.memory_space<vmem>>[vector<16xi32>, vector<16xi32>], vector<16xf32>,
        %gather3A_1070 = tpu.vector_load_idx %arg12[%gather3A_1052, %get3A_699] : memref<892x64xf32, #tpu.memory_space<vmem>>[vector<16xi32>, vector<16xi32>], vector<16xf32>,
        %add3A_1071 = arith.addf %gather3A_1069, %gather3A_1070 : vector<16xf32>
        %add3A_1072 = arith.addf %gather3A_1068, %add3A_1071 : vector<16xf32>
        %get3A_1073 = arith.constant 176 : index
        %get3A_1074 = tpu.vector_load %arg15[%get3A_1073] {strides = array<i32>} : memref<1120xi32, #tpu.memory_space<vmem>>, vector<16xi32>,
        %reshape3A_1075 = vector.shape_cast %get3A_1074 : vector<16xi32> to vector<16x1xi32>
        %gather3A_1076 = vector.shape_cast %reshape3A_1075 : vector<16x1xi32> to vector<16xi32>
        %gather3A_1077 = tpu.dynamic_gather %get3A_679[%gather3A_1076] in [0] : vector<16xi32>, vector<16xi32> -> vector<16xi32>
        %reshape3A_1078 = vector.shape_cast %get3A_1074 : vector<16xi32> to vector<16x1xi32>
        %gather3A_1079 = vector.shape_cast %reshape3A_1078 : vector<16x1xi32> to vector<16xi32>
        %gather3A_1080 = tpu.dynamic_gather %get3A_683[%gather3A_1079] in [0] : vector<16xi32>, vector<16xi32> -> vector<16xi32>
        %reshape3A_1081 = vector.shape_cast %get3A_1074 : vector<16xi32> to vector<16x1xi32>
        %gather3A_1082 = vector.shape_cast %reshape3A_1081 : vector<16x1xi32> to vector<16xi32>
        %gather3A_1083 = tpu.dynamic_gather %get3A_687[%gather3A_1082] in [0] : vector<16xi32>, vector<16xi32> -> vector<16xi32>
        %reshape3A_1084 = vector.shape_cast %get3A_1074 : vector<16xi32> to vector<16x1xi32>
        %gather3A_1085 = vector.shape_cast %reshape3A_1084 : vector<16x1xi32> to vector<16xi32>
        %gather3A_1086 = tpu.dynamic_gather %get3A_691[%gather3A_1085] in [0] : vector<16xi32>, vector<16xi32> -> vector<16xi32>
        %gather3A_1087 = tpu.vector_load_idx %arg12[%gather3A_1080, %get3A_693] : memref<892x64xf32, #tpu.memory_space<vmem>>[vector<16xi32>, vector<16xi32>], vector<16xf32>,
        %gather3A_1088 = tpu.vector_load_idx %arg12[%gather3A_1083, %get3A_693] : memref<892x64xf32, #tpu.memory_space<vmem>>[vector<16xi32>, vector<16xi32>], vector<16xf32>,
        %gather3A_1089 = tpu.vector_load_idx %arg12[%gather3A_1086, %get3A_693] : memref<892x64xf32, #tpu.memory_space<vmem>>[vector<16xi32>, vector<16xi32>], vector<16xf32>,
        %add3A_1090 = arith.addf %gather3A_1088, %gather3A_1089 : vector<16xf32>
        %add3A_1091 = arith.addf %gather3A_1087, %add3A_1090 : vector<16xf32>
        %gather3A_1092 = tpu.vector_load_idx %arg12[%gather3A_1080, %get3A_695] : memref<892x64xf32, #tpu.memory_space<vmem>>[vector<16xi32>, vector<16xi32>], vector<16xf32>,
        %gather3A_1093 = tpu.vector_load_idx %arg12[%gather3A_1083, %get3A_695] : memref<892x64xf32, #tpu.memory_space<vmem>>[vector<16xi32>, vector<16xi32>], vector<16xf32>,
        %gather3A_1094 = tpu.vector_load_idx %arg12[%gather3A_1086, %get3A_695] : memref<892x64xf32, #tpu.memory_space<vmem>>[vector<16xi32>, vector<16xi32>], vector<16xf32>,
        %add3A_1095 = arith.addf %gather3A_1093, %gather3A_1094 : vector<16xf32>
        %add3A_1096 = arith.addf %gather3A_1092, %add3A_1095 : vector<16xf32>
        %gather3A_1097 = tpu.vector_load_idx %arg12[%gather3A_1080, %get3A_697] : memref<892x64xf32, #tpu.memory_space<vmem>>[vector<16xi32>, vector<16xi32>], vector<16xf32>,
        %gather3A_1098 = tpu.vector_load_idx %arg12[%gather3A_1083, %get3A_697] : memref<892x64xf32, #tpu.memory_space<vmem>>[vector<16xi32>, vector<16xi32>], vector<16xf32>,
        %gather3A_1099 = tpu.vector_load_idx %arg12[%gather3A_1086, %get3A_697] : memref<892x64xf32, #tpu.memory_space<vmem>>[vector<16xi32>, vector<16xi32>], vector<16xf32>,
        %add3A_1100 = arith.addf %gather3A_1098, %gather3A_1099 : vector<16xf32>
        %add3A_1101 = arith.addf %gather3A_1097, %add3A_1100 : vector<16xf32>
        %gather3A_1102 = tpu.vector_load_idx %arg12[%gather3A_1080, %get3A_699] : memref<892x64xf32, #tpu.memory_space<vmem>>[vector<16xi32>, vector<16xi32>], vector<16xf32>,
        %gather3A_1103 = tpu.vector_load_idx %arg12[%gather3A_1083, %get3A_699] : memref<892x64xf32, #tpu.memory_space<vmem>>[vector<16xi32>, vector<16xi32>], vector<16xf32>,
        %gather3A_1104 = tpu.vector_load_idx %arg12[%gather3A_1086, %get3A_699] : memref<892x64xf32, #tpu.memory_space<vmem>>[vector<16xi32>, vector<16xi32>], vector<16xf32>,
        %add3A_1105 = arith.addf %gather3A_1103, %gather3A_1104 : vector<16xf32>
        %add3A_1106 = arith.addf %gather3A_1102, %add3A_1105 : vector<16xf32>
        %get3A_1107 = arith.constant 192 : index
        %get3A_1108 = tpu.vector_load %arg15[%get3A_1107] {strides = array<i32>} : memref<1120xi32, #tpu.memory_space<vmem>>, vector<16xi32>,
        %reshape3A_1109 = vector.shape_cast %get3A_1108 : vector<16xi32> to vector<16x1xi32>
        %gather3A_1110 = vector.shape_cast %reshape3A_1109 : vector<16x1xi32> to vector<16xi32>
        %gather3A_1111 = tpu.dynamic_gather %get3A_679[%gather3A_1110] in [0] : vector<16xi32>, vector<16xi32> -> vector<16xi32>
        %reshape3A_1112 = vector.shape_cast %get3A_1108 : vector<16xi32> to vector<16x1xi32>
        %gather3A_1113 = vector.shape_cast %reshape3A_1112 : vector<16x1xi32> to vector<16xi32>
        %gather3A_1114 = tpu.dynamic_gather %get3A_683[%gather3A_1113] in [0] : vector<16xi32>, vector<16xi32> -> vector<16xi32>
        %reshape3A_1115 = vector.shape_cast %get3A_1108 : vector<16xi32> to vector<16x1xi32>
        %gather3A_1116 = vector.shape_cast %reshape3A_1115 : vector<16x1xi32> to vector<16xi32>
        %gather3A_1117 = tpu.dynamic_gather %get3A_687[%gather3A_1116] in [0] : vector<16xi32>, vector<16xi32> -> vector<16xi32>
        %reshape3A_1118 = vector.shape_cast %get3A_1108 : vector<16xi32> to vector<16x1xi32>
        %gather3A_1119 = vector.shape_cast %reshape3A_1118 : vector<16x1xi32> to vector<16xi32>
        %gather3A_1120 = tpu.dynamic_gather %get3A_691[%gather3A_1119] in [0] : vector<16xi32>, vector<16xi32> -> vector<16xi32>
        %gather3A_1121 = tpu.vector_load_idx %arg12[%gather3A_1114, %get3A_693] : memref<892x64xf32, #tpu.memory_space<vmem>>[vector<16xi32>, vector<16xi32>], vector<16xf32>,
        %gather3A_1122 = tpu.vector_load_idx %arg12[%gather3A_1117, %get3A_693] : memref<892x64xf32, #tpu.memory_space<vmem>>[vector<16xi32>, vector<16xi32>], vector<16xf32>,
        %gather3A_1123 = tpu.vector_load_idx %arg12[%gather3A_1120, %get3A_693] : memref<892x64xf32, #tpu.memory_space<vmem>>[vector<16xi32>, vector<16xi32>], vector<16xf32>,
        %add3A_1124 = arith.addf %gather3A_1122, %gather3A_1123 : vector<16xf32>
        %add3A_1125 = arith.addf %gather3A_1121, %add3A_1124 : vector<16xf32>
        %gather3A_1126 = tpu.vector_load_idx %arg12[%gather3A_1114, %get3A_695] : memref<892x64xf32, #tpu.memory_space<vmem>>[vector<16xi32>, vector<16xi32>], vector<16xf32>,
        %gather3A_1127 = tpu.vector_load_idx %arg12[%gather3A_1117, %get3A_695] : memref<892x64xf32, #tpu.memory_space<vmem>>[vector<16xi32>, vector<16xi32>], vector<16xf32>,
        %gather3A_1128 = tpu.vector_load_idx %arg12[%gather3A_1120, %get3A_695] : memref<892x64xf32, #tpu.memory_space<vmem>>[vector<16xi32>, vector<16xi32>], vector<16xf32>,
        %add3A_1129 = arith.addf %gather3A_1127, %gather3A_1128 : vector<16xf32>
        %add3A_1130 = arith.addf %gather3A_1126, %add3A_1129 : vector<16xf32>
        %gather3A_1131 = tpu.vector_load_idx %arg12[%gather3A_1114, %get3A_697] : memref<892x64xf32, #tpu.memory_space<vmem>>[vector<16xi32>, vector<16xi32>], vector<16xf32>,
        %gather3A_1132 = tpu.vector_load_idx %arg12[%gather3A_1117, %get3A_697] : memref<892x64xf32, #tpu.memory_space<vmem>>[vector<16xi32>, vector<16xi32>], vector<16xf32>,
        %gather3A_1133 = tpu.vector_load_idx %arg12[%gather3A_1120, %get3A_697] : memref<892x64xf32, #tpu.memory_space<vmem>>[vector<16xi32>, vector<16xi32>], vector<16xf32>,
        %add3A_1134 = arith.addf %gather3A_1132, %gather3A_1133 : vector<16xf32>
        %add3A_1135 = arith.addf %gather3A_1131, %add3A_1134 : vector<16xf32>
        %gather3A_1136 = tpu.vector_load_idx %arg12[%gather3A_1114, %get3A_699] : memref<892x64xf32, #tpu.memory_space<vmem>>[vector<16xi32>, vector<16xi32>], vector<16xf32>,
        %gather3A_1137 = tpu.vector_load_idx %arg12[%gather3A_1117, %get3A_699] : memref<892x64xf32, #tpu.memory_space<vmem>>[vector<16xi32>, vector<16xi32>], vector<16xf32>,
        %gather3A_1138 = tpu.vector_load_idx %arg12[%gather3A_1120, %get3A_699] : memref<892x64xf32, #tpu.memory_space<vmem>>[vector<16xi32>, vector<16xi32>], vector<16xf32>,
        %add3A_1139 = arith.addf %gather3A_1137, %gather3A_1138 : vector<16xf32>
        %add3A_1140 = arith.addf %gather3A_1136, %add3A_1139 : vector<16xf32>
        %get3A_1141 = arith.constant 208 : index
        %get3A_1142 = tpu.vector_load %arg15[%get3A_1141] {strides = array<i32>} : memref<1120xi32, #tpu.memory_space<vmem>>, vector<16xi32>,
        %reshape3A_1143 = vector.shape_cast %get3A_1142 : vector<16xi32> to vector<16x1xi32>
        %gather3A_1144 = vector.shape_cast %reshape3A_1143 : vector<16x1xi32> to vector<16xi32>
        %gather3A_1145 = tpu.dynamic_gather %get3A_679[%gather3A_1144] in [0] : vector<16xi32>, vector<16xi32> -> vector<16xi32>
        %reshape3A_1146 = vector.shape_cast %get3A_1142 : vector<16xi32> to vector<16x1xi32>
        %gather3A_1147 = vector.shape_cast %reshape3A_1146 : vector<16x1xi32> to vector<16xi32>
        %gather3A_1148 = tpu.dynamic_gather %get3A_683[%gather3A_1147] in [0] : vector<16xi32>, vector<16xi32> -> vector<16xi32>
        %reshape3A_1149 = vector.shape_cast %get3A_1142 : vector<16xi32> to vector<16x1xi32>
        %gather3A_1150 = vector.shape_cast %reshape3A_1149 : vector<16x1xi32> to vector<16xi32>
        %gather3A_1151 = tpu.dynamic_gather %get3A_687[%gather3A_1150] in [0] : vector<16xi32>, vector<16xi32> -> vector<16xi32>
        %reshape3A_1152 = vector.shape_cast %get3A_1142 : vector<16xi32> to vector<16x1xi32>
        %gather3A_1153 = vector.shape_cast %reshape3A_1152 : vector<16x1xi32> to vector<16xi32>
        %gather3A_1154 = tpu.dynamic_gather %get3A_691[%gather3A_1153] in [0] : vector<16xi32>, vector<16xi32> -> vector<16xi32>
        %gather3A_1155 = tpu.vector_load_idx %arg12[%gather3A_1148, %get3A_693] : memref<892x64xf32, #tpu.memory_space<vmem>>[vector<16xi32>, vector<16xi32>], vector<16xf32>,
        %gather3A_1156 = tpu.vector_load_idx %arg12[%gather3A_1151, %get3A_693] : memref<892x64xf32, #tpu.memory_space<vmem>>[vector<16xi32>, vector<16xi32>], vector<16xf32>,
        %gather3A_1157 = tpu.vector_load_idx %arg12[%gather3A_1154, %get3A_693] : memref<892x64xf32, #tpu.memory_space<vmem>>[vector<16xi32>, vector<16xi32>], vector<16xf32>,
        %add3A_1158 = arith.addf %gather3A_1156, %gather3A_1157 : vector<16xf32>
        %add3A_1159 = arith.addf %gather3A_1155, %add3A_1158 : vector<16xf32>
        %gather3A_1160 = tpu.vector_load_idx %arg12[%gather3A_1148, %get3A_695] : memref<892x64xf32, #tpu.memory_space<vmem>>[vector<16xi32>, vector<16xi32>], vector<16xf32>,
        %gather3A_1161 = tpu.vector_load_idx %arg12[%gather3A_1151, %get3A_695] : memref<892x64xf32, #tpu.memory_space<vmem>>[vector<16xi32>, vector<16xi32>], vector<16xf32>,
        %gather3A_1162 = tpu.vector_load_idx %arg12[%gather3A_1154, %get3A_695] : memref<892x64xf32, #tpu.memory_space<vmem>>[vector<16xi32>, vector<16xi32>], vector<16xf32>,
        %add3A_1163 = arith.addf %gather3A_1161, %gather3A_1162 : vector<16xf32>
        %add3A_1164 = arith.addf %gather3A_1160, %add3A_1163 : vector<16xf32>
        %gather3A_1165 = tpu.vector_load_idx %arg12[%gather3A_1148, %get3A_697] : memref<892x64xf32, #tpu.memory_space<vmem>>[vector<16xi32>, vector<16xi32>], vector<16xf32>,
        %gather3A_1166 = tpu.vector_load_idx %arg12[%gather3A_1151, %get3A_697] : memref<892x64xf32, #tpu.memory_space<vmem>>[vector<16xi32>, vector<16xi32>], vector<16xf32>,
        %gather3A_1167 = tpu.vector_load_idx %arg12[%gather3A_1154, %get3A_697] : memref<892x64xf32, #tpu.memory_space<vmem>>[vector<16xi32>, vector<16xi32>], vector<16xf32>,
        %add3A_1168 = arith.addf %gather3A_1166, %gather3A_1167 : vector<16xf32>
        %add3A_1169 = arith.addf %gather3A_1165, %add3A_1168 : vector<16xf32>
        %gather3A_1170 = tpu.vector_load_idx %arg12[%gather3A_1148, %get3A_699] : memref<892x64xf32, #tpu.memory_space<vmem>>[vector<16xi32>, vector<16xi32>], vector<16xf32>,
        %gather3A_1171 = tpu.vector_load_idx %arg12[%gather3A_1151, %get3A_699] : memref<892x64xf32, #tpu.memory_space<vmem>>[vector<16xi32>, vector<16xi32>], vector<16xf32>,
        %gather3A_1172 = tpu.vector_load_idx %arg12[%gather3A_1154, %get3A_699] : memref<892x64xf32, #tpu.memory_space<vmem>>[vector<16xi32>, vector<16xi32>], vector<16xf32>,
        %add3A_1173 = arith.addf %gather3A_1171, %gather3A_1172 : vector<16xf32>
        %add3A_1174 = arith.addf %gather3A_1170, %add3A_1173 : vector<16xf32>
        %get3A_1175 = arith.constant 224 : index
        %get3A_1176 = tpu.vector_load %arg15[%get3A_1175] {strides = array<i32>} : memref<1120xi32, #tpu.memory_space<vmem>>, vector<16xi32>,
        %reshape3A_1177 = vector.shape_cast %get3A_1176 : vector<16xi32> to vector<16x1xi32>
        %gather3A_1178 = vector.shape_cast %reshape3A_1177 : vector<16x1xi32> to vector<16xi32>
        %gather3A_1179 = tpu.dynamic_gather %get3A_679[%gather3A_1178] in [0] : vector<16xi32>, vector<16xi32> -> vector<16xi32>
        %reshape3A_1180 = vector.shape_cast %get3A_1176 : vector<16xi32> to vector<16x1xi32>
        %gather3A_1181 = vector.shape_cast %reshape3A_1180 : vector<16x1xi32> to vector<16xi32>
        %gather3A_1182 = tpu.dynamic_gather %get3A_683[%gather3A_1181] in [0] : vector<16xi32>, vector<16xi32> -> vector<16xi32>
        %reshape3A_1183 = vector.shape_cast %get3A_1176 : vector<16xi32> to vector<16x1xi32>
        %gather3A_1184 = vector.shape_cast %reshape3A_1183 : vector<16x1xi32> to vector<16xi32>
        %gather3A_1185 = tpu.dynamic_gather %get3A_687[%gather3A_1184] in [0] : vector<16xi32>, vector<16xi32> -> vector<16xi32>
        %reshape3A_1186 = vector.shape_cast %get3A_1176 : vector<16xi32> to vector<16x1xi32>
        %gather3A_1187 = vector.shape_cast %reshape3A_1186 : vector<16x1xi32> to vector<16xi32>
        %gather3A_1188 = tpu.dynamic_gather %get3A_691[%gather3A_1187] in [0] : vector<16xi32>, vector<16xi32> -> vector<16xi32>
        %gather3A_1189 = tpu.vector_load_idx %arg12[%gather3A_1182, %get3A_693] : memref<892x64xf32, #tpu.memory_space<vmem>>[vector<16xi32>, vector<16xi32>], vector<16xf32>,
        %gather3A_1190 = tpu.vector_load_idx %arg12[%gather3A_1185, %get3A_693] : memref<892x64xf32, #tpu.memory_space<vmem>>[vector<16xi32>, vector<16xi32>], vector<16xf32>,
        %gather3A_1191 = tpu.vector_load_idx %arg12[%gather3A_1188, %get3A_693] : memref<892x64xf32, #tpu.memory_space<vmem>>[vector<16xi32>, vector<16xi32>], vector<16xf32>,
        %add3A_1192 = arith.addf %gather3A_1190, %gather3A_1191 : vector<16xf32>
        %add3A_1193 = arith.addf %gather3A_1189, %add3A_1192 : vector<16xf32>
        %gather3A_1194 = tpu.vector_load_idx %arg12[%gather3A_1182, %get3A_695] : memref<892x64xf32, #tpu.memory_space<vmem>>[vector<16xi32>, vector<16xi32>], vector<16xf32>,
        %gather3A_1195 = tpu.vector_load_idx %arg12[%gather3A_1185, %get3A_695] : memref<892x64xf32, #tpu.memory_space<vmem>>[vector<16xi32>, vector<16xi32>], vector<16xf32>,
        %gather3A_1196 = tpu.vector_load_idx %arg12[%gather3A_1188, %get3A_695] : memref<892x64xf32, #tpu.memory_space<vmem>>[vector<16xi32>, vector<16xi32>], vector<16xf32>,
        %add3A_1197 = arith.addf %gather3A_1195, %gather3A_1196 : vector<16xf32>
        %add3A_1198 = arith.addf %gather3A_1194, %add3A_1197 : vector<16xf32>
        %gather3A_1199 = tpu.vector_load_idx %arg12[%gather3A_1182, %get3A_697] : memref<892x64xf32, #tpu.memory_space<vmem>>[vector<16xi32>, vector<16xi32>], vector<16xf32>,
        %gather3A_1200 = tpu.vector_load_idx %arg12[%gather3A_1185, %get3A_697] : memref<892x64xf32, #tpu.memory_space<vmem>>[vector<16xi32>, vector<16xi32>], vector<16xf32>,
        %gather3A_1201 = tpu.vector_load_idx %arg12[%gather3A_1188, %get3A_697] : memref<892x64xf32, #tpu.memory_space<vmem>>[vector<16xi32>, vector<16xi32>], vector<16xf32>,
        %add3A_1202 = arith.addf %gather3A_1200, %gather3A_1201 : vector<16xf32>
        %add3A_1203 = arith.addf %gather3A_1199, %add3A_1202 : vector<16xf32>
        %gather3A_1204 = tpu.vector_load_idx %arg12[%gather3A_1182, %get3A_699] : memref<892x64xf32, #tpu.memory_space<vmem>>[vector<16xi32>, vector<16xi32>], vector<16xf32>,
        %gather3A_1205 = tpu.vector_load_idx %arg12[%gather3A_1185, %get3A_699] : memref<892x64xf32, #tpu.memory_space<vmem>>[vector<16xi32>, vector<16xi32>], vector<16xf32>,
        %gather3A_1206 = tpu.vector_load_idx %arg12[%gather3A_1188, %get3A_699] : memref<892x64xf32, #tpu.memory_space<vmem>>[vector<16xi32>, vector<16xi32>], vector<16xf32>,
        %add3A_1207 = arith.addf %gather3A_1205, %gather3A_1206 : vector<16xf32>
        %add3A_1208 = arith.addf %gather3A_1204, %add3A_1207 : vector<16xf32>
        %get3A_1209 = arith.constant 240 : index
        %get3A_1210 = tpu.vector_load %arg15[%get3A_1209] {strides = array<i32>} : memref<1120xi32, #tpu.memory_space<vmem>>, vector<16xi32>,
        %reshape3A_1211 = vector.shape_cast %get3A_1210 : vector<16xi32> to vector<16x1xi32>
        %gather3A_1212 = vector.shape_cast %reshape3A_1211 : vector<16x1xi32> to vector<16xi32>
        %gather3A_1213 = tpu.dynamic_gather %get3A_679[%gather3A_1212] in [0] : vector<16xi32>, vector<16xi32> -> vector<16xi32>
        %reshape3A_1214 = vector.shape_cast %get3A_1210 : vector<16xi32> to vector<16x1xi32>
        %gather3A_1215 = vector.shape_cast %reshape3A_1214 : vector<16x1xi32> to vector<16xi32>
        %gather3A_1216 = tpu.dynamic_gather %get3A_683[%gather3A_1215] in [0] : vector<16xi32>, vector<16xi32> -> vector<16xi32>
        %reshape3A_1217 = vector.shape_cast %get3A_1210 : vector<16xi32> to vector<16x1xi32>
        %gather3A_1218 = vector.shape_cast %reshape3A_1217 : vector<16x1xi32> to vector<16xi32>
        %gather3A_1219 = tpu.dynamic_gather %get3A_687[%gather3A_1218] in [0] : vector<16xi32>, vector<16xi32> -> vector<16xi32>
        %reshape3A_1220 = vector.shape_cast %get3A_1210 : vector<16xi32> to vector<16x1xi32>
        %gather3A_1221 = vector.shape_cast %reshape3A_1220 : vector<16x1xi32> to vector<16xi32>
        %gather3A_1222 = tpu.dynamic_gather %get3A_691[%gather3A_1221] in [0] : vector<16xi32>, vector<16xi32> -> vector<16xi32>
        %gather3A_1223 = tpu.vector_load_idx %arg12[%gather3A_1216, %get3A_693] : memref<892x64xf32, #tpu.memory_space<vmem>>[vector<16xi32>, vector<16xi32>], vector<16xf32>,
        %gather3A_1224 = tpu.vector_load_idx %arg12[%gather3A_1219, %get3A_693] : memref<892x64xf32, #tpu.memory_space<vmem>>[vector<16xi32>, vector<16xi32>], vector<16xf32>,
        %gather3A_1225 = tpu.vector_load_idx %arg12[%gather3A_1222, %get3A_693] : memref<892x64xf32, #tpu.memory_space<vmem>>[vector<16xi32>, vector<16xi32>], vector<16xf32>,
        %add3A_1226 = arith.addf %gather3A_1224, %gather3A_1225 : vector<16xf32>
        %add3A_1227 = arith.addf %gather3A_1223, %add3A_1226 : vector<16xf32>
        %gather3A_1228 = tpu.vector_load_idx %arg12[%gather3A_1216, %get3A_695] : memref<892x64xf32, #tpu.memory_space<vmem>>[vector<16xi32>, vector<16xi32>], vector<16xf32>,
        %gather3A_1229 = tpu.vector_load_idx %arg12[%gather3A_1219, %get3A_695] : memref<892x64xf32, #tpu.memory_space<vmem>>[vector<16xi32>, vector<16xi32>], vector<16xf32>,
        %gather3A_1230 = tpu.vector_load_idx %arg12[%gather3A_1222, %get3A_695] : memref<892x64xf32, #tpu.memory_space<vmem>>[vector<16xi32>, vector<16xi32>], vector<16xf32>,
        %add3A_1231 = arith.addf %gather3A_1229, %gather3A_1230 : vector<16xf32>
        %add3A_1232 = arith.addf %gather3A_1228, %add3A_1231 : vector<16xf32>
        %gather3A_1233 = tpu.vector_load_idx %arg12[%gather3A_1216, %get3A_697] : memref<892x64xf32, #tpu.memory_space<vmem>>[vector<16xi32>, vector<16xi32>], vector<16xf32>,
        %gather3A_1234 = tpu.vector_load_idx %arg12[%gather3A_1219, %get3A_697] : memref<892x64xf32, #tpu.memory_space<vmem>>[vector<16xi32>, vector<16xi32>], vector<16xf32>,
        %gather3A_1235 = tpu.vector_load_idx %arg12[%gather3A_1222, %get3A_697] : memref<892x64xf32, #tpu.memory_space<vmem>>[vector<16xi32>, vector<16xi32>], vector<16xf32>,
        %add3A_1236 = arith.addf %gather3A_1234, %gather3A_1235 : vector<16xf32>
        %add3A_1237 = arith.addf %gather3A_1233, %add3A_1236 : vector<16xf32>
        %gather3A_1238 = tpu.vector_load_idx %arg12[%gather3A_1216, %get3A_699] : memref<892x64xf32, #tpu.memory_space<vmem>>[vector<16xi32>, vector<16xi32>], vector<16xf32>,
        %gather3A_1239 = tpu.vector_load_idx %arg12[%gather3A_1219, %get3A_699] : memref<892x64xf32, #tpu.memory_space<vmem>>[vector<16xi32>, vector<16xi32>], vector<16xf32>,
        %gather3A_1240 = tpu.vector_load_idx %arg12[%gather3A_1222, %get3A_699] : memref<892x64xf32, #tpu.memory_space<vmem>>[vector<16xi32>, vector<16xi32>], vector<16xf32>,
        %add3A_1241 = arith.addf %gather3A_1239, %gather3A_1240 : vector<16xf32>
        %add3A_1242 = arith.addf %gather3A_1238, %add3A_1241 : vector<16xf32>
        tpu.vector_store_idx %arg16[%gather3A_975, %get3A_693], %add3A_989 {add = true} : memref<408x64xf32, #tpu.memory_space<vmem>>[vector<16xi32>, vector<16xi32>], vector<16xf32>,
        tpu.vector_store_idx %arg16[%gather3A_975, %get3A_695], %add3A_994 {add = true} : memref<408x64xf32, #tpu.memory_space<vmem>>[vector<16xi32>, vector<16xi32>], vector<16xf32>,
        tpu.vector_store_idx %arg16[%gather3A_975, %get3A_697], %add3A_999 {add = true} : memref<408x64xf32, #tpu.memory_space<vmem>>[vector<16xi32>, vector<16xi32>], vector<16xf32>,
        tpu.vector_store_idx %arg16[%gather3A_975, %get3A_699], %add3A_1004 {add = true} : memref<408x64xf32, #tpu.memory_space<vmem>>[vector<16xi32>, vector<16xi32>], vector<16xf32>,
        tpu.vector_store_idx %arg16[%gather3A_1009, %get3A_693], %add3A_1023 {add = true} : memref<408x64xf32, #tpu.memory_space<vmem>>[vector<16xi32>, vector<16xi32>], vector<16xf32>,
        tpu.vector_store_idx %arg16[%gather3A_1009, %get3A_695], %add3A_1028 {add = true} : memref<408x64xf32, #tpu.memory_space<vmem>>[vector<16xi32>, vector<16xi32>], vector<16xf32>,
        tpu.vector_store_idx %arg16[%gather3A_1009, %get3A_697], %add3A_1033 {add = true} : memref<408x64xf32, #tpu.memory_space<vmem>>[vector<16xi32>, vector<16xi32>], vector<16xf32>,
        tpu.vector_store_idx %arg16[%gather3A_1009, %get3A_699], %add3A_1038 {add = true} : memref<408x64xf32, #tpu.memory_space<vmem>>[vector<16xi32>, vector<16xi32>], vector<16xf32>,
        tpu.vector_store_idx %arg16[%gather3A_1043, %get3A_693], %add3A_1057 {add = true} : memref<408x64xf32, #tpu.memory_space<vmem>>[vector<16xi32>, vector<16xi32>], vector<16xf32>,
        tpu.vector_store_idx %arg16[%gather3A_1043, %get3A_695], %add3A_1062 {add = true} : memref<408x64xf32, #tpu.memory_space<vmem>>[vector<16xi32>, vector<16xi32>], vector<16xf32>,
        tpu.vector_store_idx %arg16[%gather3A_1043, %get3A_697], %add3A_1067 {add = true} : memref<408x64xf32, #tpu.memory_space<vmem>>[vector<16xi32>, vector<16xi32>], vector<16xf32>,
        tpu.vector_store_idx %arg16[%gather3A_1043, %get3A_699], %add3A_1072 {add = true} : memref<408x64xf32, #tpu.memory_space<vmem>>[vector<16xi32>, vector<16xi32>], vector<16xf32>,
        tpu.vector_store_idx %arg16[%gather3A_1077, %get3A_693], %add3A_1091 {add = true} : memref<408x64xf32, #tpu.memory_space<vmem>>[vector<16xi32>, vector<16xi32>], vector<16xf32>,
        tpu.vector_store_idx %arg16[%gather3A_1077, %get3A_695], %add3A_1096 {add = true} : memref<408x64xf32, #tpu.memory_space<vmem>>[vector<16xi32>, vector<16xi32>], vector<16xf32>,
        tpu.vector_store_idx %arg16[%gather3A_1077, %get3A_697], %add3A_1101 {add = true} : memref<408x64xf32, #tpu.memory_space<vmem>>[vector<16xi32>, vector<16xi32>], vector<16xf32>,
        tpu.vector_store_idx %arg16[%gather3A_1077, %get3A_699], %add3A_1106 {add = true} : memref<408x64xf32, #tpu.memory_space<vmem>>[vector<16xi32>, vector<16xi32>], vector<16xf32>,
        tpu.vector_store_idx %arg16[%gather3A_1111, %get3A_693], %add3A_1125 {add = true} : memref<408x64xf32, #tpu.memory_space<vmem>>[vector<16xi32>, vector<16xi32>], vector<16xf32>,
        tpu.vector_store_idx %arg16[%gather3A_1111, %get3A_695], %add3A_1130 {add = true} : memref<408x64xf32, #tpu.memory_space<vmem>>[vector<16xi32>, vector<16xi32>], vector<16xf32>,
        tpu.vector_store_idx %arg16[%gather3A_1111, %get3A_697], %add3A_1135 {add = true} : memref<408x64xf32, #tpu.memory_space<vmem>>[vector<16xi32>, vector<16xi32>], vector<16xf32>,
        tpu.vector_store_idx %arg16[%gather3A_1111, %get3A_699], %add3A_1140 {add = true} : memref<408x64xf32, #tpu.memory_space<vmem>>[vector<16xi32>, vector<16xi32>], vector<16xf32>,
        tpu.vector_store_idx %arg16[%gather3A_1145, %get3A_693], %add3A_1159 {add = true} : memref<408x64xf32, #tpu.memory_space<vmem>>[vector<16xi32>, vector<16xi32>], vector<16xf32>,
        tpu.vector_store_idx %arg16[%gather3A_1145, %get3A_695], %add3A_1164 {add = true} : memref<408x64xf32, #tpu.memory_space<vmem>>[vector<16xi32>, vector<16xi32>], vector<16xf32>,
        tpu.vector_store_idx %arg16[%gather3A_1145, %get3A_697], %add3A_1169 {add = true} : memref<408x64xf32, #tpu.memory_space<vmem>>[vector<16xi32>, vector<16xi32>], vector<16xf32>,
        tpu.vector_store_idx %arg16[%gather3A_1145, %get3A_699], %add3A_1174 {add = true} : memref<408x64xf32, #tpu.memory_space<vmem>>[vector<16xi32>, vector<16xi32>], vector<16xf32>,
        tpu.vector_store_idx %arg16[%gather3A_1179, %get3A_693], %add3A_1193 {add = true} : memref<408x64xf32, #tpu.memory_space<vmem>>[vector<16xi32>, vector<16xi32>], vector<16xf32>,
        tpu.vector_store_idx %arg16[%gather3A_1179, %get3A_695], %add3A_1198 {add = true} : memref<408x64xf32, #tpu.memory_space<vmem>>[vector<16xi32>, vector<16xi32>], vector<16xf32>,
        tpu.vector_store_idx %arg16[%gather3A_1179, %get3A_697], %add3A_1203 {add = true} : memref<408x64xf32, #tpu.memory_space<vmem>>[vector<16xi32>, vector<16xi32>], vector<16xf32>,
        tpu.vector_store_idx %arg16[%gather3A_1179, %get3A_699], %add3A_1208 {add = true} : memref<408x64xf32, #tpu.memory_space<vmem>>[vector<16xi32>, vector<16xi32>], vector<16xf32>,
        tpu.vector_store_idx %arg16[%gather3A_1213, %get3A_693], %add3A_1227 {add = true} : memref<408x64xf32, #tpu.memory_space<vmem>>[vector<16xi32>, vector<16xi32>], vector<16xf32>,
        tpu.vector_store_idx %arg16[%gather3A_1213, %get3A_695], %add3A_1232 {add = true} : memref<408x64xf32, #tpu.memory_space<vmem>>[vector<16xi32>, vector<16xi32>], vector<16xf32>,
        tpu.vector_store_idx %arg16[%gather3A_1213, %get3A_697], %add3A_1237 {add = true} : memref<408x64xf32, #tpu.memory_space<vmem>>[vector<16xi32>, vector<16xi32>], vector<16xf32>,
        tpu.vector_store_idx %arg16[%gather3A_1213, %get3A_699], %add3A_1242 {add = true} : memref<408x64xf32, #tpu.memory_space<vmem>>[vector<16xi32>, vector<16xi32>], vector<16xf32>,
      }
      %scan3A_493 = arith.constant 25 : i32
      %mul3A_494 = arith.constant 8 : i32
      %mul3A_495 = arith.muli %add3A_352, %mul3A_494 : i32
      %add3A_496 = arith.addi %mul3A_2, %mul3A_495 : i32
      %mul3A_497 = arith.constant 51 : i32
      %mul3A_498 = arith.muli %add3A_496, %mul3A_497 : i32
      %dma_start3A_499 = arith.constant 0 : i32
      %dma_start3A_500 = tpu.memref_slice %arg11[%mul3A_498, %dma_start3A_499] : memref<208896x64xf32, #tpu.memory_space<hbm>> -> memref<408x64xf32, #tpu.memory_space<hbm>>
      %dma_start3A_501 = arith.constant 0 : i32
      %dma_start3A_502 = tpu.memref_slice %arg11[%mul3A_498, %dma_start3A_501] : memref<208896x64xf32, #tpu.memory_space<hbm>> -> memref<408x64xf32, #tpu.memory_space<hbm>>
      tpu.enqueue_dma source(%arg16 : memref<408x64xf32, #tpu.memory_space<vmem>>) target(%dma_start3A_502 : memref<408x64xf32, #tpu.memory_space<hbm>>) target_semaphore(%arg28 : memref<!tpu.dma_semaphore, #tpu.memory_space<semaphore_mem>>)
      %add3A_503 = arith.constant 2 : i32
      %add3A_504 = arith.addi %add3A_352, %add3A_503 : i32
      %lt3A_505 = arith.constant 16 : i32
      %lt3A_506 = arith.cmpi slt, %add3A_504, %lt3A_505 : i32
      %convert_element_type3A_507 = arith.extui %lt3A_506 : i1 to i32
      %cond3A_508 = arith.constant 0 : i32
      %cond3A_509 = arith.cmpi ne, %convert_element_type3A_507, %cond3A_508 : i32
      scf.if %cond3A_509 {
        %add3A_675 = arith.constant 2 : i32
        %add3A_676 = arith.addi %add3A_352, %add3A_675 : i32
        %mul3A_677 = arith.constant 8 : i32
        %mul3A_678 = arith.muli %add3A_676, %mul3A_677 : i32
        %add3A_679 = arith.addi %mul3A_2, %mul3A_678 : i32
        %mul3A_680 = arith.constant 50 : i32
        %mul3A_681 = arith.muli %add3A_679, %mul3A_680 : i32
        %dma_start3A_682 = arith.constant 0 : i32
        %dma_start3A_683 = tpu.memref_slice %arg20[%dma_start3A_682] : memref<1200xi32, #tpu.memory_space<vmem>> -> memref<400xi32, #tpu.memory_space<vmem>>
        %dma_start3A_684 = tpu.memref_slice %arg5[%mul3A_681] : memref<204800xi32, #tpu.memory_space<hbm>> -> memref<400xi32, #tpu.memory_space<hbm>>
        %dma_start3A_685 = arith.constant 0 : i32
        %dma_start3A_686 = tpu.memref_slice %arg20[%dma_start3A_685] : memref<1200xi32, #tpu.memory_space<vmem>> -> memref<400xi32, #tpu.memory_space<vmem>>
        %dma_start3A_687 = tpu.memref_slice %arg5[%mul3A_681] : memref<204800xi32, #tpu.memory_space<hbm>> -> memref<400xi32, #tpu.memory_space<hbm>>
        tpu.enqueue_dma source(%dma_start3A_687 : memref<400xi32, #tpu.memory_space<hbm>>) target(%dma_start3A_686 : memref<400xi32, #tpu.memory_space<vmem>>) target_semaphore(%arg24 : memref<!tpu.dma_semaphore, #tpu.memory_space<semaphore_mem>>)
        %dma_start3A_688 = arith.constant 400 : i32
        %dma_start3A_689 = tpu.memref_slice %arg20[%dma_start3A_688] : memref<1200xi32, #tpu.memory_space<vmem>> -> memref<400xi32, #tpu.memory_space<vmem>>
        %dma_start3A_690 = tpu.memref_slice %arg6[%mul3A_681] : memref<204800xi32, #tpu.memory_space<hbm>> -> memref<400xi32, #tpu.memory_space<hbm>>
        %dma_start3A_691 = arith.constant 400 : i32
        %dma_start3A_692 = tpu.memref_slice %arg20[%dma_start3A_691] : memref<1200xi32, #tpu.memory_space<vmem>> -> memref<400xi32, #tpu.memory_space<vmem>>
        %dma_start3A_693 = tpu.memref_slice %arg6[%mul3A_681] : memref<204800xi32, #tpu.memory_space<hbm>> -> memref<400xi32, #tpu.memory_space<hbm>>
        tpu.enqueue_dma source(%dma_start3A_693 : memref<400xi32, #tpu.memory_space<hbm>>) target(%dma_start3A_692 : memref<400xi32, #tpu.memory_space<vmem>>) target_semaphore(%arg24 : memref<!tpu.dma_semaphore, #tpu.memory_space<semaphore_mem>>)
        %dma_start3A_694 = arith.constant 800 : i32
        %dma_start3A_695 = tpu.memref_slice %arg20[%dma_start3A_694] : memref<1200xi32, #tpu.memory_space<vmem>> -> memref<400xi32, #tpu.memory_space<vmem>>
        %dma_start3A_696 = tpu.memref_slice %arg7[%mul3A_681] : memref<204800xi32, #tpu.memory_space<hbm>> -> memref<400xi32, #tpu.memory_space<hbm>>
        %dma_start3A_697 = arith.constant 800 : i32
        %dma_start3A_698 = tpu.memref_slice %arg20[%dma_start3A_697] : memref<1200xi32, #tpu.memory_space<vmem>> -> memref<400xi32, #tpu.memory_space<vmem>>
        %dma_start3A_699 = tpu.memref_slice %arg7[%mul3A_681] : memref<204800xi32, #tpu.memory_space<hbm>> -> memref<400xi32, #tpu.memory_space<hbm>>
        tpu.enqueue_dma source(%dma_start3A_699 : memref<400xi32, #tpu.memory_space<hbm>>) target(%dma_start3A_698 : memref<400xi32, #tpu.memory_space<vmem>>) target_semaphore(%arg24 : memref<!tpu.dma_semaphore, #tpu.memory_space<semaphore_mem>>)
      } else {
      }
      %mul3A_510 = arith.constant 2 : i32
      %mul3A_511 = arith.muli %scan3A_348, %mul3A_510 : i32
      %add3A_512 = arith.constant 1 : i32
      %add3A_513 = arith.addi %mul3A_511, %add3A_512 : i32
      %dma_wait3A_514 = arith.constant 1 : i32
      %dma_wait3A_515 = arith.constant 0 : i32
      %dma_wait3A_516 = tpu.memref_slice %arg17[%dma_wait3A_514, %dma_wait3A_515] : memref<408x64xf32, #tpu.memory_space<vmem>> -> memref<50x64xf32, #tpu.memory_space<vmem>>
      %dma_wait3A_517 = arith.constant 0 : i32
      %dma_wait3A_518 = arith.constant 0 : i32
      %dma_wait3A_519 = tpu.memref_slice %arg2[%dma_wait3A_517, %dma_wait3A_518] : memref<100003x64xf32, #tpu.memory_space<hbm>> -> memref<50x64xf32, #tpu.memory_space<hbm>>
      %dma_wait3A_520 = arith.constant 1 : i32
      %dma_wait3A_521 = arith.constant 0 : i32
      %dma_wait3A_522 = tpu.memref_slice %arg17[%dma_wait3A_520, %dma_wait3A_521] : memref<408x64xf32, #tpu.memory_space<vmem>> -> memref<50x64xf32, #tpu.memory_space<vmem>>
      %dma_wait3A_523 = arith.constant 0 : i32
      %dma_wait3A_524 = arith.constant 0 : i32
      %dma_wait3A_525 = tpu.memref_slice %arg2[%dma_wait3A_523, %dma_wait3A_524] : memref<100003x64xf32, #tpu.memory_space<hbm>> -> memref<50x64xf32, #tpu.memory_space<hbm>>
      tpu.wait_dma2 semaphore(%arg27 : memref<!tpu.dma_semaphore, #tpu.memory_space<semaphore_mem>>) src(%dma_wait3A_525 : memref<50x64xf32, #tpu.memory_space<hbm>>) dst(%dma_wait3A_522 : memref<50x64xf32, #tpu.memory_space<vmem>>)
      %dma_wait3A_526 = arith.constant 52 : i32
      %dma_wait3A_527 = arith.constant 0 : i32
      %dma_wait3A_528 = tpu.memref_slice %arg17[%dma_wait3A_526, %dma_wait3A_527] : memref<408x64xf32, #tpu.memory_space<vmem>> -> memref<50x64xf32, #tpu.memory_space<vmem>>
      %dma_wait3A_529 = arith.constant 0 : i32
      %dma_wait3A_530 = arith.constant 0 : i32
      %dma_wait3A_531 = tpu.memref_slice %arg2[%dma_wait3A_529, %dma_wait3A_530] : memref<100003x64xf32, #tpu.memory_space<hbm>> -> memref<50x64xf32, #tpu.memory_space<hbm>>
      %dma_wait3A_532 = arith.constant 52 : i32
      %dma_wait3A_533 = arith.constant 0 : i32
      %dma_wait3A_534 = tpu.memref_slice %arg17[%dma_wait3A_532, %dma_wait3A_533] : memref<408x64xf32, #tpu.memory_space<vmem>> -> memref<50x64xf32, #tpu.memory_space<vmem>>
      %dma_wait3A_535 = arith.constant 0 : i32
      %dma_wait3A_536 = arith.constant 0 : i32
      %dma_wait3A_537 = tpu.memref_slice %arg2[%dma_wait3A_535, %dma_wait3A_536] : memref<100003x64xf32, #tpu.memory_space<hbm>> -> memref<50x64xf32, #tpu.memory_space<hbm>>
      tpu.wait_dma2 semaphore(%arg27 : memref<!tpu.dma_semaphore, #tpu.memory_space<semaphore_mem>>) src(%dma_wait3A_537 : memref<50x64xf32, #tpu.memory_space<hbm>>) dst(%dma_wait3A_534 : memref<50x64xf32, #tpu.memory_space<vmem>>)
      %dma_wait3A_538 = arith.constant 103 : i32
      %dma_wait3A_539 = arith.constant 0 : i32
      %dma_wait3A_540 = tpu.memref_slice %arg17[%dma_wait3A_538, %dma_wait3A_539] : memref<408x64xf32, #tpu.memory_space<vmem>> -> memref<50x64xf32, #tpu.memory_space<vmem>>
      %dma_wait3A_541 = arith.constant 0 : i32
      %dma_wait3A_542 = arith.constant 0 : i32
      %dma_wait3A_543 = tpu.memref_slice %arg2[%dma_wait3A_541, %dma_wait3A_542] : memref<100003x64xf32, #tpu.memory_space<hbm>> -> memref<50x64xf32, #tpu.memory_space<hbm>>
      %dma_wait3A_544 = arith.constant 103 : i32
      %dma_wait3A_545 = arith.constant 0 : i32
      %dma_wait3A_546 = tpu.memref_slice %arg17[%dma_wait3A_544, %dma_wait3A_545] : memref<408x64xf32, #tpu.memory_space<vmem>> -> memref<50x64xf32, #tpu.memory_space<vmem>>
      %dma_wait3A_547 = arith.constant 0 : i32
      %dma_wait3A_548 = arith.constant 0 : i32
      %dma_wait3A_549 = tpu.memref_slice %arg2[%dma_wait3A_547, %dma_wait3A_548] : memref<100003x64xf32, #tpu.memory_space<hbm>> -> memref<50x64xf32, #tpu.memory_space<hbm>>
      tpu.wait_dma2 semaphore(%arg27 : memref<!tpu.dma_semaphore, #tpu.memory_space<semaphore_mem>>) src(%dma_wait3A_549 : memref<50x64xf32, #tpu.memory_space<hbm>>) dst(%dma_wait3A_546 : memref<50x64xf32, #tpu.memory_space<vmem>>)
      %dma_wait3A_550 = arith.constant 154 : i32
      %dma_wait3A_551 = arith.constant 0 : i32
      %dma_wait3A_552 = tpu.memref_slice %arg17[%dma_wait3A_550, %dma_wait3A_551] : memref<408x64xf32, #tpu.memory_space<vmem>> -> memref<50x64xf32, #tpu.memory_space<vmem>>
      %dma_wait3A_553 = arith.constant 0 : i32
      %dma_wait3A_554 = arith.constant 0 : i32
      %dma_wait3A_555 = tpu.memref_slice %arg2[%dma_wait3A_553, %dma_wait3A_554] : memref<100003x64xf32, #tpu.memory_space<hbm>> -> memref<50x64xf32, #tpu.memory_space<hbm>>
      %dma_wait3A_556 = arith.constant 154 : i32
      %dma_wait3A_557 = arith.constant 0 : i32
      %dma_wait3A_558 = tpu.memref_slice %arg17[%dma_wait3A_556, %dma_wait3A_557] : memref<408x64xf32, #tpu.memory_space<vmem>> -> memref<50x64xf32, #tpu.memory_space<vmem>>
      %dma_wait3A_559 = arith.constant 0 : i32
      %dma_wait3A_560 = arith.constant 0 : i32
      %dma_wait3A_561 = tpu.memref_slice %arg2[%dma_wait3A_559, %dma_wait3A_560] : memref<100003x64xf32, #tpu.memory_space<hbm>> -> memref<50x64xf32, #tpu.memory_space<hbm>>
      tpu.wait_dma2 semaphore(%arg27 : memref<!tpu.dma_semaphore, #tpu.memory_space<semaphore_mem>>) src(%dma_wait3A_561 : memref<50x64xf32, #tpu.memory_space<hbm>>) dst(%dma_wait3A_558 : memref<50x64xf32, #tpu.memory_space<vmem>>)
      %dma_wait3A_562 = arith.constant 205 : i32
      %dma_wait3A_563 = arith.constant 0 : i32
      %dma_wait3A_564 = tpu.memref_slice %arg17[%dma_wait3A_562, %dma_wait3A_563] : memref<408x64xf32, #tpu.memory_space<vmem>> -> memref<50x64xf32, #tpu.memory_space<vmem>>
      %dma_wait3A_565 = arith.constant 0 : i32
      %dma_wait3A_566 = arith.constant 0 : i32
      %dma_wait3A_567 = tpu.memref_slice %arg2[%dma_wait3A_565, %dma_wait3A_566] : memref<100003x64xf32, #tpu.memory_space<hbm>> -> memref<50x64xf32, #tpu.memory_space<hbm>>
      %dma_wait3A_568 = arith.constant 205 : i32
      %dma_wait3A_569 = arith.constant 0 : i32
      %dma_wait3A_570 = tpu.memref_slice %arg17[%dma_wait3A_568, %dma_wait3A_569] : memref<408x64xf32, #tpu.memory_space<vmem>> -> memref<50x64xf32, #tpu.memory_space<vmem>>
      %dma_wait3A_571 = arith.constant 0 : i32
      %dma_wait3A_572 = arith.constant 0 : i32
      %dma_wait3A_573 = tpu.memref_slice %arg2[%dma_wait3A_571, %dma_wait3A_572] : memref<100003x64xf32, #tpu.memory_space<hbm>> -> memref<50x64xf32, #tpu.memory_space<hbm>>
      tpu.wait_dma2 semaphore(%arg27 : memref<!tpu.dma_semaphore, #tpu.memory_space<semaphore_mem>>) src(%dma_wait3A_573 : memref<50x64xf32, #tpu.memory_space<hbm>>) dst(%dma_wait3A_570 : memref<50x64xf32, #tpu.memory_space<vmem>>)
      %dma_wait3A_574 = arith.constant 256 : i32
      %dma_wait3A_575 = arith.constant 0 : i32
      %dma_wait3A_576 = tpu.memref_slice %arg17[%dma_wait3A_574, %dma_wait3A_575] : memref<408x64xf32, #tpu.memory_space<vmem>> -> memref<50x64xf32, #tpu.memory_space<vmem>>
      %dma_wait3A_577 = arith.constant 0 : i32
      %dma_wait3A_578 = arith.constant 0 : i32
      %dma_wait3A_579 = tpu.memref_slice %arg2[%dma_wait3A_577, %dma_wait3A_578] : memref<100003x64xf32, #tpu.memory_space<hbm>> -> memref<50x64xf32, #tpu.memory_space<hbm>>
      %dma_wait3A_580 = arith.constant 256 : i32
      %dma_wait3A_581 = arith.constant 0 : i32
      %dma_wait3A_582 = tpu.memref_slice %arg17[%dma_wait3A_580, %dma_wait3A_581] : memref<408x64xf32, #tpu.memory_space<vmem>> -> memref<50x64xf32, #tpu.memory_space<vmem>>
      %dma_wait3A_583 = arith.constant 0 : i32
      %dma_wait3A_584 = arith.constant 0 : i32
      %dma_wait3A_585 = tpu.memref_slice %arg2[%dma_wait3A_583, %dma_wait3A_584] : memref<100003x64xf32, #tpu.memory_space<hbm>> -> memref<50x64xf32, #tpu.memory_space<hbm>>
      tpu.wait_dma2 semaphore(%arg27 : memref<!tpu.dma_semaphore, #tpu.memory_space<semaphore_mem>>) src(%dma_wait3A_585 : memref<50x64xf32, #tpu.memory_space<hbm>>) dst(%dma_wait3A_582 : memref<50x64xf32, #tpu.memory_space<vmem>>)
      %dma_wait3A_586 = arith.constant 307 : i32
      %dma_wait3A_587 = arith.constant 0 : i32
      %dma_wait3A_588 = tpu.memref_slice %arg17[%dma_wait3A_586, %dma_wait3A_587] : memref<408x64xf32, #tpu.memory_space<vmem>> -> memref<50x64xf32, #tpu.memory_space<vmem>>
      %dma_wait3A_589 = arith.constant 0 : i32
      %dma_wait3A_590 = arith.constant 0 : i32
      %dma_wait3A_591 = tpu.memref_slice %arg2[%dma_wait3A_589, %dma_wait3A_590] : memref<100003x64xf32, #tpu.memory_space<hbm>> -> memref<50x64xf32, #tpu.memory_space<hbm>>
      %dma_wait3A_592 = arith.constant 307 : i32
      %dma_wait3A_593 = arith.constant 0 : i32
      %dma_wait3A_594 = tpu.memref_slice %arg17[%dma_wait3A_592, %dma_wait3A_593] : memref<408x64xf32, #tpu.memory_space<vmem>> -> memref<50x64xf32, #tpu.memory_space<vmem>>
      %dma_wait3A_595 = arith.constant 0 : i32
      %dma_wait3A_596 = arith.constant 0 : i32
      %dma_wait3A_597 = tpu.memref_slice %arg2[%dma_wait3A_595, %dma_wait3A_596] : memref<100003x64xf32, #tpu.memory_space<hbm>> -> memref<50x64xf32, #tpu.memory_space<hbm>>
      tpu.wait_dma2 semaphore(%arg27 : memref<!tpu.dma_semaphore, #tpu.memory_space<semaphore_mem>>) src(%dma_wait3A_597 : memref<50x64xf32, #tpu.memory_space<hbm>>) dst(%dma_wait3A_594 : memref<50x64xf32, #tpu.memory_space<vmem>>)
      %dma_wait3A_598 = arith.constant 358 : i32
      %dma_wait3A_599 = arith.constant 0 : i32
      %dma_wait3A_600 = tpu.memref_slice %arg17[%dma_wait3A_598, %dma_wait3A_599] : memref<408x64xf32, #tpu.memory_space<vmem>> -> memref<50x64xf32, #tpu.memory_space<vmem>>
      %dma_wait3A_601 = arith.constant 0 : i32
      %dma_wait3A_602 = arith.constant 0 : i32
      %dma_wait3A_603 = tpu.memref_slice %arg2[%dma_wait3A_601, %dma_wait3A_602] : memref<100003x64xf32, #tpu.memory_space<hbm>> -> memref<50x64xf32, #tpu.memory_space<hbm>>
      %dma_wait3A_604 = arith.constant 358 : i32
      %dma_wait3A_605 = arith.constant 0 : i32
      %dma_wait3A_606 = tpu.memref_slice %arg17[%dma_wait3A_604, %dma_wait3A_605] : memref<408x64xf32, #tpu.memory_space<vmem>> -> memref<50x64xf32, #tpu.memory_space<vmem>>
      %dma_wait3A_607 = arith.constant 0 : i32
      %dma_wait3A_608 = arith.constant 0 : i32
      %dma_wait3A_609 = tpu.memref_slice %arg2[%dma_wait3A_607, %dma_wait3A_608] : memref<100003x64xf32, #tpu.memory_space<hbm>> -> memref<50x64xf32, #tpu.memory_space<hbm>>
      tpu.wait_dma2 semaphore(%arg27 : memref<!tpu.dma_semaphore, #tpu.memory_space<semaphore_mem>>) src(%dma_wait3A_609 : memref<50x64xf32, #tpu.memory_space<hbm>>) dst(%dma_wait3A_606 : memref<50x64xf32, #tpu.memory_space<vmem>>)
      %ge3A_610 = arith.constant 1 : i32
      %ge3A_611 = arith.cmpi sge, %add3A_513, %ge3A_610 : i32
      %convert_element_type3A_612 = arith.extui %ge3A_611 : i1 to i32
      %cond3A_613 = arith.constant 0 : i32
      %cond3A_614 = arith.cmpi ne, %convert_element_type3A_612, %cond3A_613 : i32
      scf.if %cond3A_614 {
        %dma_wait3A_675 = arith.constant 0 : i32
        %dma_wait3A_676 = arith.constant 0 : i32
        %dma_wait3A_677 = tpu.memref_slice %arg11[%dma_wait3A_675, %dma_wait3A_676] : memref<208896x64xf32, #tpu.memory_space<hbm>> -> memref<408x64xf32, #tpu.memory_space<hbm>>
        %dma_wait3A_678 = arith.constant 0 : i32
        %dma_wait3A_679 = arith.constant 0 : i32
        %dma_wait3A_680 = tpu.memref_slice %arg11[%dma_wait3A_678, %dma_wait3A_679] : memref<208896x64xf32, #tpu.memory_space<hbm>> -> memref<408x64xf32, #tpu.memory_space<hbm>>
        tpu.wait_dma2 semaphore(%arg28 : memref<!tpu.dma_semaphore, #tpu.memory_space<semaphore_mem>>) src(%arg16 : memref<408x64xf32, #tpu.memory_space<vmem>>) dst(%dma_wait3A_680 : memref<408x64xf32, #tpu.memory_space<hbm>>)
      } else {
      }
      %add3A_615 = arith.constant 1 : i32
      %add3A_616 = arith.addi %add3A_513, %add3A_615 : i32
      %lt3A_617 = arith.constant 16 : i32
      %lt3A_618 = arith.cmpi slt, %add3A_616, %lt3A_617 : i32
      %convert_element_type3A_619 = arith.extui %lt3A_618 : i1 to i32
      %cond3A_620 = arith.constant 0 : i32
      %cond3A_621 = arith.cmpi ne, %convert_element_type3A_619, %cond3A_620 : i32
      scf.if %cond3A_621 {
        %dma_wait3A_675 = arith.constant 0 : i32
        %dma_wait3A_676 = arith.constant 0 : i32
        %dma_wait3A_677 = tpu.memref_slice %arg4[%dma_wait3A_675, %dma_wait3A_676] : memref<4096x50xi32, #tpu.memory_space<hbm>> -> memref<8x50xi32, #tpu.memory_space<hbm>>
        %dma_wait3A_678 = arith.constant 0 : i32
        %dma_wait3A_679 = arith.constant 0 : i32
        %dma_wait3A_680 = tpu.memref_slice %arg4[%dma_wait3A_678, %dma_wait3A_679] : memref<4096x50xi32, #tpu.memory_space<hbm>> -> memref<8x50xi32, #tpu.memory_space<hbm>>
        tpu.wait_dma2 semaphore(%arg22 : memref<!tpu.dma_semaphore, #tpu.memory_space<semaphore_mem>>) src(%dma_wait3A_680 : memref<8x50xi32, #tpu.memory_space<hbm>>) dst(%arg18 : memref<8x50xi32, #tpu.memory_space<vmem>>)
        %dma_start3A_681 = arith.constant 0 : i32
        %dma_start3A_682 = arith.constant 1 : i32
        %dma_start3A_683 = arith.constant 0 : i32
        %dma_start3A_684 = tpu.memref_slice %arg16[%dma_start3A_682, %dma_start3A_683] : memref<408x64xf32, #tpu.memory_space<vmem>> -> memref<50x64xf32, #tpu.memory_space<vmem>>
        %dma_start3A_685 = arith.constant 0 : i32
        %dma_start3A_686 = tpu.memref_slice %arg18[%dma_start3A_681, %dma_start3A_685] : memref<8x50xi32, #tpu.memory_space<vmem>> -> memref<1x50xi32, #tpu.memory_space<vmem>>
        %dma_start3A_687 = tpu.memref_squeeze %dma_start3A_686 : memref<1x50xi32, #tpu.memory_space<vmem>> -> memref<50xi32, #tpu.memory_space<vmem>>
        %dma_start3A_688 = arith.constant 0 : i32
        %dma_start3A_689 = arith.constant 0 : i32
        %dma_start3A_690 = tpu.memref_slice %arg2[%dma_start3A_688, %dma_start3A_689] : memref<100003x64xf32, #tpu.memory_space<hbm>> -> memref<100003x64xf32, #tpu.memory_space<hbm>>
        tpu.enqueue_indirect_dma source(%dma_start3A_690 : memref<100003x64xf32, #tpu.memory_space<hbm>>) target(%dma_start3A_684 : memref<50x64xf32, #tpu.memory_space<vmem>>) offsets(%dma_start3A_687 : memref<50xi32, #tpu.memory_space<vmem>>) semaphore(%arg26 : memref<!tpu.dma_semaphore, #tpu.memory_space<semaphore_mem>>)
        %dma_start3A_691 = arith.constant 1 : i32
        %dma_start3A_692 = arith.constant 52 : i32
        %dma_start3A_693 = arith.constant 0 : i32
        %dma_start3A_694 = tpu.memref_slice %arg16[%dma_start3A_692, %dma_start3A_693] : memref<408x64xf32, #tpu.memory_space<vmem>> -> memref<50x64xf32, #tpu.memory_space<vmem>>
        %dma_start3A_695 = arith.constant 0 : i32
        %dma_start3A_696 = tpu.memref_slice %arg18[%dma_start3A_691, %dma_start3A_695] : memref<8x50xi32, #tpu.memory_space<vmem>> -> memref<1x50xi32, #tpu.memory_space<vmem>>
        %dma_start3A_697 = tpu.memref_squeeze %dma_start3A_696 : memref<1x50xi32, #tpu.memory_space<vmem>> -> memref<50xi32, #tpu.memory_space<vmem>>
        %dma_start3A_698 = arith.constant 0 : i32
        %dma_start3A_699 = arith.constant 0 : i32
        %dma_start3A_700 = tpu.memref_slice %arg2[%dma_start3A_698, %dma_start3A_699] : memref<100003x64xf32, #tpu.memory_space<hbm>> -> memref<100003x64xf32, #tpu.memory_space<hbm>>
        tpu.enqueue_indirect_dma source(%dma_start3A_700 : memref<100003x64xf32, #tpu.memory_space<hbm>>) target(%dma_start3A_694 : memref<50x64xf32, #tpu.memory_space<vmem>>) offsets(%dma_start3A_697 : memref<50xi32, #tpu.memory_space<vmem>>) semaphore(%arg26 : memref<!tpu.dma_semaphore, #tpu.memory_space<semaphore_mem>>)
        %dma_start3A_701 = arith.constant 2 : i32
        %dma_start3A_702 = arith.constant 103 : i32
        %dma_start3A_703 = arith.constant 0 : i32
        %dma_start3A_704 = tpu.memref_slice %arg16[%dma_start3A_702, %dma_start3A_703] : memref<408x64xf32, #tpu.memory_space<vmem>> -> memref<50x64xf32, #tpu.memory_space<vmem>>
        %dma_start3A_705 = arith.constant 0 : i32
        %dma_start3A_706 = tpu.memref_slice %arg18[%dma_start3A_701, %dma_start3A_705] : memref<8x50xi32, #tpu.memory_space<vmem>> -> memref<1x50xi32, #tpu.memory_space<vmem>>
        %dma_start3A_707 = tpu.memref_squeeze %dma_start3A_706 : memref<1x50xi32, #tpu.memory_space<vmem>> -> memref<50xi32, #tpu.memory_space<vmem>>
        %dma_start3A_708 = arith.constant 0 : i32
        %dma_start3A_709 = arith.constant 0 : i32
        %dma_start3A_710 = tpu.memref_slice %arg2[%dma_start3A_708, %dma_start3A_709] : memref<100003x64xf32, #tpu.memory_space<hbm>> -> memref<100003x64xf32, #tpu.memory_space<hbm>>
        tpu.enqueue_indirect_dma source(%dma_start3A_710 : memref<100003x64xf32, #tpu.memory_space<hbm>>) target(%dma_start3A_704 : memref<50x64xf32, #tpu.memory_space<vmem>>) offsets(%dma_start3A_707 : memref<50xi32, #tpu.memory_space<vmem>>) semaphore(%arg26 : memref<!tpu.dma_semaphore, #tpu.memory_space<semaphore_mem>>)
        %dma_start3A_711 = arith.constant 3 : i32
        %dma_start3A_712 = arith.constant 154 : i32
        %dma_start3A_713 = arith.constant 0 : i32
        %dma_start3A_714 = tpu.memref_slice %arg16[%dma_start3A_712, %dma_start3A_713] : memref<408x64xf32, #tpu.memory_space<vmem>> -> memref<50x64xf32, #tpu.memory_space<vmem>>
        %dma_start3A_715 = arith.constant 0 : i32
        %dma_start3A_716 = tpu.memref_slice %arg18[%dma_start3A_711, %dma_start3A_715] : memref<8x50xi32, #tpu.memory_space<vmem>> -> memref<1x50xi32, #tpu.memory_space<vmem>>
        %dma_start3A_717 = tpu.memref_squeeze %dma_start3A_716 : memref<1x50xi32, #tpu.memory_space<vmem>> -> memref<50xi32, #tpu.memory_space<vmem>>
        %dma_start3A_718 = arith.constant 0 : i32
        %dma_start3A_719 = arith.constant 0 : i32
        %dma_start3A_720 = tpu.memref_slice %arg2[%dma_start3A_718, %dma_start3A_719] : memref<100003x64xf32, #tpu.memory_space<hbm>> -> memref<100003x64xf32, #tpu.memory_space<hbm>>
        tpu.enqueue_indirect_dma source(%dma_start3A_720 : memref<100003x64xf32, #tpu.memory_space<hbm>>) target(%dma_start3A_714 : memref<50x64xf32, #tpu.memory_space<vmem>>) offsets(%dma_start3A_717 : memref<50xi32, #tpu.memory_space<vmem>>) semaphore(%arg26 : memref<!tpu.dma_semaphore, #tpu.memory_space<semaphore_mem>>)
        %dma_start3A_721 = arith.constant 4 : i32
        %dma_start3A_722 = arith.constant 205 : i32
        %dma_start3A_723 = arith.constant 0 : i32
        %dma_start3A_724 = tpu.memref_slice %arg16[%dma_start3A_722, %dma_start3A_723] : memref<408x64xf32, #tpu.memory_space<vmem>> -> memref<50x64xf32, #tpu.memory_space<vmem>>
        %dma_start3A_725 = arith.constant 0 : i32
        %dma_start3A_726 = tpu.memref_slice %arg18[%dma_start3A_721, %dma_start3A_725] : memref<8x50xi32, #tpu.memory_space<vmem>> -> memref<1x50xi32, #tpu.memory_space<vmem>>
        %dma_start3A_727 = tpu.memref_squeeze %dma_start3A_726 : memref<1x50xi32, #tpu.memory_space<vmem>> -> memref<50xi32, #tpu.memory_space<vmem>>
        %dma_start3A_728 = arith.constant 0 : i32
        %dma_start3A_729 = arith.constant 0 : i32
        %dma_start3A_730 = tpu.memref_slice %arg2[%dma_start3A_728, %dma_start3A_729] : memref<100003x64xf32, #tpu.memory_space<hbm>> -> memref<100003x64xf32, #tpu.memory_space<hbm>>
        tpu.enqueue_indirect_dma source(%dma_start3A_730 : memref<100003x64xf32, #tpu.memory_space<hbm>>) target(%dma_start3A_724 : memref<50x64xf32, #tpu.memory_space<vmem>>) offsets(%dma_start3A_727 : memref<50xi32, #tpu.memory_space<vmem>>) semaphore(%arg26 : memref<!tpu.dma_semaphore, #tpu.memory_space<semaphore_mem>>)
        %dma_start3A_731 = arith.constant 5 : i32
        %dma_start3A_732 = arith.constant 256 : i32
        %dma_start3A_733 = arith.constant 0 : i32
        %dma_start3A_734 = tpu.memref_slice %arg16[%dma_start3A_732, %dma_start3A_733] : memref<408x64xf32, #tpu.memory_space<vmem>> -> memref<50x64xf32, #tpu.memory_space<vmem>>
        %dma_start3A_735 = arith.constant 0 : i32
        %dma_start3A_736 = tpu.memref_slice %arg18[%dma_start3A_731, %dma_start3A_735] : memref<8x50xi32, #tpu.memory_space<vmem>> -> memref<1x50xi32, #tpu.memory_space<vmem>>
        %dma_start3A_737 = tpu.memref_squeeze %dma_start3A_736 : memref<1x50xi32, #tpu.memory_space<vmem>> -> memref<50xi32, #tpu.memory_space<vmem>>
        %dma_start3A_738 = arith.constant 0 : i32
        %dma_start3A_739 = arith.constant 0 : i32
        %dma_start3A_740 = tpu.memref_slice %arg2[%dma_start3A_738, %dma_start3A_739] : memref<100003x64xf32, #tpu.memory_space<hbm>> -> memref<100003x64xf32, #tpu.memory_space<hbm>>
        tpu.enqueue_indirect_dma source(%dma_start3A_740 : memref<100003x64xf32, #tpu.memory_space<hbm>>) target(%dma_start3A_734 : memref<50x64xf32, #tpu.memory_space<vmem>>) offsets(%dma_start3A_737 : memref<50xi32, #tpu.memory_space<vmem>>) semaphore(%arg26 : memref<!tpu.dma_semaphore, #tpu.memory_space<semaphore_mem>>)
        %dma_start3A_741 = arith.constant 6 : i32
        %dma_start3A_742 = arith.constant 307 : i32
        %dma_start3A_743 = arith.constant 0 : i32
        %dma_start3A_744 = tpu.memref_slice %arg16[%dma_start3A_742, %dma_start3A_743] : memref<408x64xf32, #tpu.memory_space<vmem>> -> memref<50x64xf32, #tpu.memory_space<vmem>>
        %dma_start3A_745 = arith.constant 0 : i32
        %dma_start3A_746 = tpu.memref_slice %arg18[%dma_start3A_741, %dma_start3A_745] : memref<8x50xi32, #tpu.memory_space<vmem>> -> memref<1x50xi32, #tpu.memory_space<vmem>>
        %dma_start3A_747 = tpu.memref_squeeze %dma_start3A_746 : memref<1x50xi32, #tpu.memory_space<vmem>> -> memref<50xi32, #tpu.memory_space<vmem>>
        %dma_start3A_748 = arith.constant 0 : i32
        %dma_start3A_749 = arith.constant 0 : i32
        %dma_start3A_750 = tpu.memref_slice %arg2[%dma_start3A_748, %dma_start3A_749] : memref<100003x64xf32, #tpu.memory_space<hbm>> -> memref<100003x64xf32, #tpu.memory_space<hbm>>
        tpu.enqueue_indirect_dma source(%dma_start3A_750 : memref<100003x64xf32, #tpu.memory_space<hbm>>) target(%dma_start3A_744 : memref<50x64xf32, #tpu.memory_space<vmem>>) offsets(%dma_start3A_747 : memref<50xi32, #tpu.memory_space<vmem>>) semaphore(%arg26 : memref<!tpu.dma_semaphore, #tpu.memory_space<semaphore_mem>>)
        %dma_start3A_751 = arith.constant 7 : i32
        %dma_start3A_752 = arith.constant 358 : i32
        %dma_start3A_753 = arith.constant 0 : i32
        %dma_start3A_754 = tpu.memref_slice %arg16[%dma_start3A_752, %dma_start3A_753] : memref<408x64xf32, #tpu.memory_space<vmem>> -> memref<50x64xf32, #tpu.memory_space<vmem>>
        %dma_start3A_755 = arith.constant 0 : i32
        %dma_start3A_756 = tpu.memref_slice %arg18[%dma_start3A_751, %dma_start3A_755] : memref<8x50xi32, #tpu.memory_space<vmem>> -> memref<1x50xi32, #tpu.memory_space<vmem>>
        %dma_start3A_757 = tpu.memref_squeeze %dma_start3A_756 : memref<1x50xi32, #tpu.memory_space<vmem>> -> memref<50xi32, #tpu.memory_space<vmem>>
        %dma_start3A_758 = arith.constant 0 : i32
        %dma_start3A_759 = arith.constant 0 : i32
        %dma_start3A_760 = tpu.memref_slice %arg2[%dma_start3A_758, %dma_start3A_759] : memref<100003x64xf32, #tpu.memory_space<hbm>> -> memref<100003x64xf32, #tpu.memory_space<hbm>>
        tpu.enqueue_indirect_dma source(%dma_start3A_760 : memref<100003x64xf32, #tpu.memory_space<hbm>>) target(%dma_start3A_754 : memref<50x64xf32, #tpu.memory_space<vmem>>) offsets(%dma_start3A_757 : memref<50xi32, #tpu.memory_space<vmem>>) semaphore(%arg26 : memref<!tpu.dma_semaphore, #tpu.memory_space<semaphore_mem>>)
      } else {
      }
      %add3A_622 = arith.constant 2 : i32
      %add3A_623 = arith.addi %add3A_513, %add3A_622 : i32
      %lt3A_624 = arith.constant 16 : i32
      %lt3A_625 = arith.cmpi slt, %add3A_623, %lt3A_624 : i32
      %convert_element_type3A_626 = arith.extui %lt3A_625 : i1 to i32
      %cond3A_627 = arith.constant 0 : i32
      %cond3A_628 = arith.cmpi ne, %convert_element_type3A_626, %cond3A_627 : i32
      scf.if %cond3A_628 {
        %add3A_675 = arith.constant 2 : i32
        %add3A_676 = arith.addi %add3A_513, %add3A_675 : i32
        %mul3A_677 = arith.constant 8 : i32
        %mul3A_678 = arith.muli %add3A_676, %mul3A_677 : i32
        %add3A_679 = arith.addi %mul3A_2, %mul3A_678 : i32
        %dma_start3A_680 = arith.constant 0 : i32
        %dma_start3A_681 = tpu.memref_slice %arg4[%add3A_679, %dma_start3A_680] : memref<4096x50xi32, #tpu.memory_space<hbm>> -> memref<8x50xi32, #tpu.memory_space<hbm>>
        %dma_start3A_682 = arith.constant 0 : i32
        %dma_start3A_683 = tpu.memref_slice %arg4[%add3A_679, %dma_start3A_682] : memref<4096x50xi32, #tpu.memory_space<hbm>> -> memref<8x50xi32, #tpu.memory_space<hbm>>
        tpu.enqueue_dma source(%dma_start3A_683 : memref<8x50xi32, #tpu.memory_space<hbm>>) target(%arg19 : memref<8x50xi32, #tpu.memory_space<vmem>>) target_semaphore(%arg23 : memref<!tpu.dma_semaphore, #tpu.memory_space<semaphore_mem>>)
      } else {
      }
      %dma_wait3A_629 = arith.constant 0 : i32
      %dma_wait3A_630 = tpu.memref_slice %arg21[%dma_wait3A_629] : memref<1200xi32, #tpu.memory_space<vmem>> -> memref<400xi32, #tpu.memory_space<vmem>>
      %dma_wait3A_631 = arith.constant 0 : i32
      %dma_wait3A_632 = tpu.memref_slice %arg5[%dma_wait3A_631] : memref<204800xi32, #tpu.memory_space<hbm>> -> memref<400xi32, #tpu.memory_space<hbm>>
      %dma_wait3A_633 = arith.constant 0 : i32
      %dma_wait3A_634 = tpu.memref_slice %arg21[%dma_wait3A_633] : memref<1200xi32, #tpu.memory_space<vmem>> -> memref<400xi32, #tpu.memory_space<vmem>>
      %dma_wait3A_635 = arith.constant 0 : i32
      %dma_wait3A_636 = tpu.memref_slice %arg5[%dma_wait3A_635] : memref<204800xi32, #tpu.memory_space<hbm>> -> memref<400xi32, #tpu.memory_space<hbm>>
      tpu.wait_dma2 semaphore(%arg25 : memref<!tpu.dma_semaphore, #tpu.memory_space<semaphore_mem>>) src(%dma_wait3A_636 : memref<400xi32, #tpu.memory_space<hbm>>) dst(%dma_wait3A_634 : memref<400xi32, #tpu.memory_space<vmem>>)
      %dma_wait3A_637 = arith.constant 400 : i32
      %dma_wait3A_638 = tpu.memref_slice %arg21[%dma_wait3A_637] : memref<1200xi32, #tpu.memory_space<vmem>> -> memref<400xi32, #tpu.memory_space<vmem>>
      %dma_wait3A_639 = arith.constant 0 : i32
      %dma_wait3A_640 = tpu.memref_slice %arg6[%dma_wait3A_639] : memref<204800xi32, #tpu.memory_space<hbm>> -> memref<400xi32, #tpu.memory_space<hbm>>
      %dma_wait3A_641 = arith.constant 400 : i32
      %dma_wait3A_642 = tpu.memref_slice %arg21[%dma_wait3A_641] : memref<1200xi32, #tpu.memory_space<vmem>> -> memref<400xi32, #tpu.memory_space<vmem>>
      %dma_wait3A_643 = arith.constant 0 : i32
      %dma_wait3A_644 = tpu.memref_slice %arg6[%dma_wait3A_643] : memref<204800xi32, #tpu.memory_space<hbm>> -> memref<400xi32, #tpu.memory_space<hbm>>
      tpu.wait_dma2 semaphore(%arg25 : memref<!tpu.dma_semaphore, #tpu.memory_space<semaphore_mem>>) src(%dma_wait3A_644 : memref<400xi32, #tpu.memory_space<hbm>>) dst(%dma_wait3A_642 : memref<400xi32, #tpu.memory_space<vmem>>)
      %dma_wait3A_645 = arith.constant 800 : i32
      %dma_wait3A_646 = tpu.memref_slice %arg21[%dma_wait3A_645] : memref<1200xi32, #tpu.memory_space<vmem>> -> memref<400xi32, #tpu.memory_space<vmem>>
      %dma_wait3A_647 = arith.constant 0 : i32
      %dma_wait3A_648 = tpu.memref_slice %arg7[%dma_wait3A_647] : memref<204800xi32, #tpu.memory_space<hbm>> -> memref<400xi32, #tpu.memory_space<hbm>>
      %dma_wait3A_649 = arith.constant 800 : i32
      %dma_wait3A_650 = tpu.memref_slice %arg21[%dma_wait3A_649] : memref<1200xi32, #tpu.memory_space<vmem>> -> memref<400xi32, #tpu.memory_space<vmem>>
      %dma_wait3A_651 = arith.constant 0 : i32
      %dma_wait3A_652 = tpu.memref_slice %arg7[%dma_wait3A_651] : memref<204800xi32, #tpu.memory_space<hbm>> -> memref<400xi32, #tpu.memory_space<hbm>>
      tpu.wait_dma2 semaphore(%arg25 : memref<!tpu.dma_semaphore, #tpu.memory_space<semaphore_mem>>) src(%dma_wait3A_652 : memref<400xi32, #tpu.memory_space<hbm>>) dst(%dma_wait3A_650 : memref<400xi32, #tpu.memory_space<vmem>>)
      %scan3A_653 = arith.constant 0 : i32
      %scan3A_654 = arith.constant 0 : i32
      %scan3A_655 = arith.constant 25 : i32
      %scan3A_656 = arith.addi %scan3A_654, %scan3A_655 : i32
      %scan3A_657 = arith.constant 1 : i32
      scf.for %scan3A_675 = %scan3A_654 to %scan3A_656 step %scan3A_657  : i32 {
        %mul3A_676 = arith.constant 16 : i32
        %mul3A_677 = arith.muli %scan3A_675, %mul3A_676 : i32
        %multiple_of3A = tpu.assume_multiple %mul3A_677, 16 : i32
        %get3A_678 = arith.index_cast %multiple_of3A : i32 to index
        %get3A_679 = tpu.vector_load %arg14[%get3A_678] {strides = array<i32>} : memref<400xi32, #tpu.memory_space<vmem>>, vector<16xi32>,
        %add3A_680 = arith.constant 0 : i32
        %add3A_681 = arith.addi %add3A_680, %multiple_of3A : i32
        %get3A_682 = arith.index_cast %add3A_681 : i32 to index
        %get3A_683 = tpu.vector_load %arg21[%get3A_682] {strides = array<i32>} : memref<1200xi32, #tpu.memory_space<vmem>>, vector<16xi32>,
        %add3A_684 = arith.constant 400 : i32
        %add3A_685 = arith.addi %add3A_684, %multiple_of3A : i32
        %get3A_686 = arith.index_cast %add3A_685 : i32 to index
        %get3A_687 = tpu.vector_load %arg21[%get3A_686] {strides = array<i32>} : memref<1200xi32, #tpu.memory_space<vmem>>, vector<16xi32>,
        %add3A_688 = arith.constant 800 : i32
        %add3A_689 = arith.addi %add3A_688, %multiple_of3A : i32
        %get3A_690 = arith.index_cast %add3A_689 : i32 to index
        %get3A_691 = tpu.vector_load %arg21[%get3A_690] {strides = array<i32>} : memref<1200xi32, #tpu.memory_space<vmem>>, vector<16xi32>,
        %get3A_692 = arith.constant 1056 : index
        %get3A_693 = tpu.vector_load %arg15[%get3A_692] {strides = array<i32>} : memref<1120xi32, #tpu.memory_space<vmem>>, vector<16xi32>,
        %get3A_694 = arith.constant 1072 : index
        %get3A_695 = tpu.vector_load %arg15[%get3A_694] {strides = array<i32>} : memref<1120xi32, #tpu.memory_space<vmem>>, vector<16xi32>,
        %get3A_696 = arith.constant 1088 : index
        %get3A_697 = tpu.vector_load %arg15[%get3A_696] {strides = array<i32>} : memref<1120xi32, #tpu.memory_space<vmem>>, vector<16xi32>,
        %get3A_698 = arith.constant 1104 : index
        %get3A_699 = tpu.vector_load %arg15[%get3A_698] {strides = array<i32>} : memref<1120xi32, #tpu.memory_space<vmem>>, vector<16xi32>,
        %get3A_700 = arith.constant 0 : index
        %get3A_701 = tpu.vector_load %arg15[%get3A_700] {strides = array<i32>} : memref<1120xi32, #tpu.memory_space<vmem>>, vector<16xi32>,
        %reshape3A = vector.shape_cast %get3A_701 : vector<16xi32> to vector<16x1xi32>
        %gather3A_702 = vector.shape_cast %reshape3A : vector<16x1xi32> to vector<16xi32>
        %gather3A_703 = tpu.dynamic_gather %get3A_679[%gather3A_702] in [0] : vector<16xi32>, vector<16xi32> -> vector<16xi32>
        %reshape3A_704 = vector.shape_cast %get3A_701 : vector<16xi32> to vector<16x1xi32>
        %gather3A_705 = vector.shape_cast %reshape3A_704 : vector<16x1xi32> to vector<16xi32>
        %gather3A_706 = tpu.dynamic_gather %get3A_683[%gather3A_705] in [0] : vector<16xi32>, vector<16xi32> -> vector<16xi32>
        %reshape3A_707 = vector.shape_cast %get3A_701 : vector<16xi32> to vector<16x1xi32>
        %gather3A_708 = vector.shape_cast %reshape3A_707 : vector<16x1xi32> to vector<16xi32>
        %gather3A_709 = tpu.dynamic_gather %get3A_687[%gather3A_708] in [0] : vector<16xi32>, vector<16xi32> -> vector<16xi32>
        %reshape3A_710 = vector.shape_cast %get3A_701 : vector<16xi32> to vector<16x1xi32>
        %gather3A_711 = vector.shape_cast %reshape3A_710 : vector<16x1xi32> to vector<16xi32>
        %gather3A_712 = tpu.dynamic_gather %get3A_691[%gather3A_711] in [0] : vector<16xi32>, vector<16xi32> -> vector<16xi32>
        %gather3A_713 = tpu.vector_load_idx %arg12[%gather3A_706, %get3A_693] : memref<892x64xf32, #tpu.memory_space<vmem>>[vector<16xi32>, vector<16xi32>], vector<16xf32>,
        %gather3A_714 = tpu.vector_load_idx %arg12[%gather3A_709, %get3A_693] : memref<892x64xf32, #tpu.memory_space<vmem>>[vector<16xi32>, vector<16xi32>], vector<16xf32>,
        %gather3A_715 = tpu.vector_load_idx %arg12[%gather3A_712, %get3A_693] : memref<892x64xf32, #tpu.memory_space<vmem>>[vector<16xi32>, vector<16xi32>], vector<16xf32>,
        %add3A_716 = arith.addf %gather3A_714, %gather3A_715 : vector<16xf32>
        %add3A_717 = arith.addf %gather3A_713, %add3A_716 : vector<16xf32>
        %gather3A_718 = tpu.vector_load_idx %arg12[%gather3A_706, %get3A_695] : memref<892x64xf32, #tpu.memory_space<vmem>>[vector<16xi32>, vector<16xi32>], vector<16xf32>,
        %gather3A_719 = tpu.vector_load_idx %arg12[%gather3A_709, %get3A_695] : memref<892x64xf32, #tpu.memory_space<vmem>>[vector<16xi32>, vector<16xi32>], vector<16xf32>,
        %gather3A_720 = tpu.vector_load_idx %arg12[%gather3A_712, %get3A_695] : memref<892x64xf32, #tpu.memory_space<vmem>>[vector<16xi32>, vector<16xi32>], vector<16xf32>,
        %add3A_721 = arith.addf %gather3A_719, %gather3A_720 : vector<16xf32>
        %add3A_722 = arith.addf %gather3A_718, %add3A_721 : vector<16xf32>
        %gather3A_723 = tpu.vector_load_idx %arg12[%gather3A_706, %get3A_697] : memref<892x64xf32, #tpu.memory_space<vmem>>[vector<16xi32>, vector<16xi32>], vector<16xf32>,
        %gather3A_724 = tpu.vector_load_idx %arg12[%gather3A_709, %get3A_697] : memref<892x64xf32, #tpu.memory_space<vmem>>[vector<16xi32>, vector<16xi32>], vector<16xf32>,
        %gather3A_725 = tpu.vector_load_idx %arg12[%gather3A_712, %get3A_697] : memref<892x64xf32, #tpu.memory_space<vmem>>[vector<16xi32>, vector<16xi32>], vector<16xf32>,
        %add3A_726 = arith.addf %gather3A_724, %gather3A_725 : vector<16xf32>
        %add3A_727 = arith.addf %gather3A_723, %add3A_726 : vector<16xf32>
        %gather3A_728 = tpu.vector_load_idx %arg12[%gather3A_706, %get3A_699] : memref<892x64xf32, #tpu.memory_space<vmem>>[vector<16xi32>, vector<16xi32>], vector<16xf32>,
        %gather3A_729 = tpu.vector_load_idx %arg12[%gather3A_709, %get3A_699] : memref<892x64xf32, #tpu.memory_space<vmem>>[vector<16xi32>, vector<16xi32>], vector<16xf32>,
        %gather3A_730 = tpu.vector_load_idx %arg12[%gather3A_712, %get3A_699] : memref<892x64xf32, #tpu.memory_space<vmem>>[vector<16xi32>, vector<16xi32>], vector<16xf32>,
        %add3A_731 = arith.addf %gather3A_729, %gather3A_730 : vector<16xf32>
        %add3A_732 = arith.addf %gather3A_728, %add3A_731 : vector<16xf32>
        %get3A_733 = arith.constant 16 : index
        %get3A_734 = tpu.vector_load %arg15[%get3A_733] {strides = array<i32>} : memref<1120xi32, #tpu.memory_space<vmem>>, vector<16xi32>,
        %reshape3A_735 = vector.shape_cast %get3A_734 : vector<16xi32> to vector<16x1xi32>
        %gather3A_736 = vector.shape_cast %reshape3A_735 : vector<16x1xi32> to vector<16xi32>
        %gather3A_737 = tpu.dynamic_gather %get3A_679[%gather3A_736] in [0] : vector<16xi32>, vector<16xi32> -> vector<16xi32>
        %reshape3A_738 = vector.shape_cast %get3A_734 : vector<16xi32> to vector<16x1xi32>
        %gather3A_739 = vector.shape_cast %reshape3A_738 : vector<16x1xi32> to vector<16xi32>
        %gather3A_740 = tpu.dynamic_gather %get3A_683[%gather3A_739] in [0] : vector<16xi32>, vector<16xi32> -> vector<16xi32>
        %reshape3A_741 = vector.shape_cast %get3A_734 : vector<16xi32> to vector<16x1xi32>
        %gather3A_742 = vector.shape_cast %reshape3A_741 : vector<16x1xi32> to vector<16xi32>
        %gather3A_743 = tpu.dynamic_gather %get3A_687[%gather3A_742] in [0] : vector<16xi32>, vector<16xi32> -> vector<16xi32>
        %reshape3A_744 = vector.shape_cast %get3A_734 : vector<16xi32> to vector<16x1xi32>
        %gather3A_745 = vector.shape_cast %reshape3A_744 : vector<16x1xi32> to vector<16xi32>
        %gather3A_746 = tpu.dynamic_gather %get3A_691[%gather3A_745] in [0] : vector<16xi32>, vector<16xi32> -> vector<16xi32>
        %gather3A_747 = tpu.vector_load_idx %arg12[%gather3A_740, %get3A_693] : memref<892x64xf32, #tpu.memory_space<vmem>>[vector<16xi32>, vector<16xi32>], vector<16xf32>,
        %gather3A_748 = tpu.vector_load_idx %arg12[%gather3A_743, %get3A_693] : memref<892x64xf32, #tpu.memory_space<vmem>>[vector<16xi32>, vector<16xi32>], vector<16xf32>,
        %gather3A_749 = tpu.vector_load_idx %arg12[%gather3A_746, %get3A_693] : memref<892x64xf32, #tpu.memory_space<vmem>>[vector<16xi32>, vector<16xi32>], vector<16xf32>,
        %add3A_750 = arith.addf %gather3A_748, %gather3A_749 : vector<16xf32>
        %add3A_751 = arith.addf %gather3A_747, %add3A_750 : vector<16xf32>
        %gather3A_752 = tpu.vector_load_idx %arg12[%gather3A_740, %get3A_695] : memref<892x64xf32, #tpu.memory_space<vmem>>[vector<16xi32>, vector<16xi32>], vector<16xf32>,
        %gather3A_753 = tpu.vector_load_idx %arg12[%gather3A_743, %get3A_695] : memref<892x64xf32, #tpu.memory_space<vmem>>[vector<16xi32>, vector<16xi32>], vector<16xf32>,
        %gather3A_754 = tpu.vector_load_idx %arg12[%gather3A_746, %get3A_695] : memref<892x64xf32, #tpu.memory_space<vmem>>[vector<16xi32>, vector<16xi32>], vector<16xf32>,
        %add3A_755 = arith.addf %gather3A_753, %gather3A_754 : vector<16xf32>
        %add3A_756 = arith.addf %gather3A_752, %add3A_755 : vector<16xf32>
        %gather3A_757 = tpu.vector_load_idx %arg12[%gather3A_740, %get3A_697] : memref<892x64xf32, #tpu.memory_space<vmem>>[vector<16xi32>, vector<16xi32>], vector<16xf32>,
        %gather3A_758 = tpu.vector_load_idx %arg12[%gather3A_743, %get3A_697] : memref<892x64xf32, #tpu.memory_space<vmem>>[vector<16xi32>, vector<16xi32>], vector<16xf32>,
        %gather3A_759 = tpu.vector_load_idx %arg12[%gather3A_746, %get3A_697] : memref<892x64xf32, #tpu.memory_space<vmem>>[vector<16xi32>, vector<16xi32>], vector<16xf32>,
        %add3A_760 = arith.addf %gather3A_758, %gather3A_759 : vector<16xf32>
        %add3A_761 = arith.addf %gather3A_757, %add3A_760 : vector<16xf32>
        %gather3A_762 = tpu.vector_load_idx %arg12[%gather3A_740, %get3A_699] : memref<892x64xf32, #tpu.memory_space<vmem>>[vector<16xi32>, vector<16xi32>], vector<16xf32>,
        %gather3A_763 = tpu.vector_load_idx %arg12[%gather3A_743, %get3A_699] : memref<892x64xf32, #tpu.memory_space<vmem>>[vector<16xi32>, vector<16xi32>], vector<16xf32>,
        %gather3A_764 = tpu.vector_load_idx %arg12[%gather3A_746, %get3A_699] : memref<892x64xf32, #tpu.memory_space<vmem>>[vector<16xi32>, vector<16xi32>], vector<16xf32>,
        %add3A_765 = arith.addf %gather3A_763, %gather3A_764 : vector<16xf32>
        %add3A_766 = arith.addf %gather3A_762, %add3A_765 : vector<16xf32>
        %get3A_767 = arith.constant 32 : index
        %get3A_768 = tpu.vector_load %arg15[%get3A_767] {strides = array<i32>} : memref<1120xi32, #tpu.memory_space<vmem>>, vector<16xi32>,
        %reshape3A_769 = vector.shape_cast %get3A_768 : vector<16xi32> to vector<16x1xi32>
        %gather3A_770 = vector.shape_cast %reshape3A_769 : vector<16x1xi32> to vector<16xi32>
        %gather3A_771 = tpu.dynamic_gather %get3A_679[%gather3A_770] in [0] : vector<16xi32>, vector<16xi32> -> vector<16xi32>
        %reshape3A_772 = vector.shape_cast %get3A_768 : vector<16xi32> to vector<16x1xi32>
        %gather3A_773 = vector.shape_cast %reshape3A_772 : vector<16x1xi32> to vector<16xi32>
        %gather3A_774 = tpu.dynamic_gather %get3A_683[%gather3A_773] in [0] : vector<16xi32>, vector<16xi32> -> vector<16xi32>
        %reshape3A_775 = vector.shape_cast %get3A_768 : vector<16xi32> to vector<16x1xi32>
        %gather3A_776 = vector.shape_cast %reshape3A_775 : vector<16x1xi32> to vector<16xi32>
        %gather3A_777 = tpu.dynamic_gather %get3A_687[%gather3A_776] in [0] : vector<16xi32>, vector<16xi32> -> vector<16xi32>
        %reshape3A_778 = vector.shape_cast %get3A_768 : vector<16xi32> to vector<16x1xi32>
        %gather3A_779 = vector.shape_cast %reshape3A_778 : vector<16x1xi32> to vector<16xi32>
        %gather3A_780 = tpu.dynamic_gather %get3A_691[%gather3A_779] in [0] : vector<16xi32>, vector<16xi32> -> vector<16xi32>
        %gather3A_781 = tpu.vector_load_idx %arg12[%gather3A_774, %get3A_693] : memref<892x64xf32, #tpu.memory_space<vmem>>[vector<16xi32>, vector<16xi32>], vector<16xf32>,
        %gather3A_782 = tpu.vector_load_idx %arg12[%gather3A_777, %get3A_693] : memref<892x64xf32, #tpu.memory_space<vmem>>[vector<16xi32>, vector<16xi32>], vector<16xf32>,
        %gather3A_783 = tpu.vector_load_idx %arg12[%gather3A_780, %get3A_693] : memref<892x64xf32, #tpu.memory_space<vmem>>[vector<16xi32>, vector<16xi32>], vector<16xf32>,
        %add3A_784 = arith.addf %gather3A_782, %gather3A_783 : vector<16xf32>
        %add3A_785 = arith.addf %gather3A_781, %add3A_784 : vector<16xf32>
        %gather3A_786 = tpu.vector_load_idx %arg12[%gather3A_774, %get3A_695] : memref<892x64xf32, #tpu.memory_space<vmem>>[vector<16xi32>, vector<16xi32>], vector<16xf32>,
        %gather3A_787 = tpu.vector_load_idx %arg12[%gather3A_777, %get3A_695] : memref<892x64xf32, #tpu.memory_space<vmem>>[vector<16xi32>, vector<16xi32>], vector<16xf32>,
        %gather3A_788 = tpu.vector_load_idx %arg12[%gather3A_780, %get3A_695] : memref<892x64xf32, #tpu.memory_space<vmem>>[vector<16xi32>, vector<16xi32>], vector<16xf32>,
        %add3A_789 = arith.addf %gather3A_787, %gather3A_788 : vector<16xf32>
        %add3A_790 = arith.addf %gather3A_786, %add3A_789 : vector<16xf32>
        %gather3A_791 = tpu.vector_load_idx %arg12[%gather3A_774, %get3A_697] : memref<892x64xf32, #tpu.memory_space<vmem>>[vector<16xi32>, vector<16xi32>], vector<16xf32>,
        %gather3A_792 = tpu.vector_load_idx %arg12[%gather3A_777, %get3A_697] : memref<892x64xf32, #tpu.memory_space<vmem>>[vector<16xi32>, vector<16xi32>], vector<16xf32>,
        %gather3A_793 = tpu.vector_load_idx %arg12[%gather3A_780, %get3A_697] : memref<892x64xf32, #tpu.memory_space<vmem>>[vector<16xi32>, vector<16xi32>], vector<16xf32>,
        %add3A_794 = arith.addf %gather3A_792, %gather3A_793 : vector<16xf32>
        %add3A_795 = arith.addf %gather3A_791, %add3A_794 : vector<16xf32>
        %gather3A_796 = tpu.vector_load_idx %arg12[%gather3A_774, %get3A_699] : memref<892x64xf32, #tpu.memory_space<vmem>>[vector<16xi32>, vector<16xi32>], vector<16xf32>,
        %gather3A_797 = tpu.vector_load_idx %arg12[%gather3A_777, %get3A_699] : memref<892x64xf32, #tpu.memory_space<vmem>>[vector<16xi32>, vector<16xi32>], vector<16xf32>,
        %gather3A_798 = tpu.vector_load_idx %arg12[%gather3A_780, %get3A_699] : memref<892x64xf32, #tpu.memory_space<vmem>>[vector<16xi32>, vector<16xi32>], vector<16xf32>,
        %add3A_799 = arith.addf %gather3A_797, %gather3A_798 : vector<16xf32>
        %add3A_800 = arith.addf %gather3A_796, %add3A_799 : vector<16xf32>
        %get3A_801 = arith.constant 48 : index
        %get3A_802 = tpu.vector_load %arg15[%get3A_801] {strides = array<i32>} : memref<1120xi32, #tpu.memory_space<vmem>>, vector<16xi32>,
        %reshape3A_803 = vector.shape_cast %get3A_802 : vector<16xi32> to vector<16x1xi32>
        %gather3A_804 = vector.shape_cast %reshape3A_803 : vector<16x1xi32> to vector<16xi32>
        %gather3A_805 = tpu.dynamic_gather %get3A_679[%gather3A_804] in [0] : vector<16xi32>, vector<16xi32> -> vector<16xi32>
        %reshape3A_806 = vector.shape_cast %get3A_802 : vector<16xi32> to vector<16x1xi32>
        %gather3A_807 = vector.shape_cast %reshape3A_806 : vector<16x1xi32> to vector<16xi32>
        %gather3A_808 = tpu.dynamic_gather %get3A_683[%gather3A_807] in [0] : vector<16xi32>, vector<16xi32> -> vector<16xi32>
        %reshape3A_809 = vector.shape_cast %get3A_802 : vector<16xi32> to vector<16x1xi32>
        %gather3A_810 = vector.shape_cast %reshape3A_809 : vector<16x1xi32> to vector<16xi32>
        %gather3A_811 = tpu.dynamic_gather %get3A_687[%gather3A_810] in [0] : vector<16xi32>, vector<16xi32> -> vector<16xi32>
        %reshape3A_812 = vector.shape_cast %get3A_802 : vector<16xi32> to vector<16x1xi32>
        %gather3A_813 = vector.shape_cast %reshape3A_812 : vector<16x1xi32> to vector<16xi32>
        %gather3A_814 = tpu.dynamic_gather %get3A_691[%gather3A_813] in [0] : vector<16xi32>, vector<16xi32> -> vector<16xi32>
        %gather3A_815 = tpu.vector_load_idx %arg12[%gather3A_808, %get3A_693] : memref<892x64xf32, #tpu.memory_space<vmem>>[vector<16xi32>, vector<16xi32>], vector<16xf32>,
        %gather3A_816 = tpu.vector_load_idx %arg12[%gather3A_811, %get3A_693] : memref<892x64xf32, #tpu.memory_space<vmem>>[vector<16xi32>, vector<16xi32>], vector<16xf32>,
        %gather3A_817 = tpu.vector_load_idx %arg12[%gather3A_814, %get3A_693] : memref<892x64xf32, #tpu.memory_space<vmem>>[vector<16xi32>, vector<16xi32>], vector<16xf32>,
        %add3A_818 = arith.addf %gather3A_816, %gather3A_817 : vector<16xf32>
        %add3A_819 = arith.addf %gather3A_815, %add3A_818 : vector<16xf32>
        %gather3A_820 = tpu.vector_load_idx %arg12[%gather3A_808, %get3A_695] : memref<892x64xf32, #tpu.memory_space<vmem>>[vector<16xi32>, vector<16xi32>], vector<16xf32>,
        %gather3A_821 = tpu.vector_load_idx %arg12[%gather3A_811, %get3A_695] : memref<892x64xf32, #tpu.memory_space<vmem>>[vector<16xi32>, vector<16xi32>], vector<16xf32>,
        %gather3A_822 = tpu.vector_load_idx %arg12[%gather3A_814, %get3A_695] : memref<892x64xf32, #tpu.memory_space<vmem>>[vector<16xi32>, vector<16xi32>], vector<16xf32>,
        %add3A_823 = arith.addf %gather3A_821, %gather3A_822 : vector<16xf32>
        %add3A_824 = arith.addf %gather3A_820, %add3A_823 : vector<16xf32>
        %gather3A_825 = tpu.vector_load_idx %arg12[%gather3A_808, %get3A_697] : memref<892x64xf32, #tpu.memory_space<vmem>>[vector<16xi32>, vector<16xi32>], vector<16xf32>,
        %gather3A_826 = tpu.vector_load_idx %arg12[%gather3A_811, %get3A_697] : memref<892x64xf32, #tpu.memory_space<vmem>>[vector<16xi32>, vector<16xi32>], vector<16xf32>,
        %gather3A_827 = tpu.vector_load_idx %arg12[%gather3A_814, %get3A_697] : memref<892x64xf32, #tpu.memory_space<vmem>>[vector<16xi32>, vector<16xi32>], vector<16xf32>,
        %add3A_828 = arith.addf %gather3A_826, %gather3A_827 : vector<16xf32>
        %add3A_829 = arith.addf %gather3A_825, %add3A_828 : vector<16xf32>
        %gather3A_830 = tpu.vector_load_idx %arg12[%gather3A_808, %get3A_699] : memref<892x64xf32, #tpu.memory_space<vmem>>[vector<16xi32>, vector<16xi32>], vector<16xf32>,
        %gather3A_831 = tpu.vector_load_idx %arg12[%gather3A_811, %get3A_699] : memref<892x64xf32, #tpu.memory_space<vmem>>[vector<16xi32>, vector<16xi32>], vector<16xf32>,
        %gather3A_832 = tpu.vector_load_idx %arg12[%gather3A_814, %get3A_699] : memref<892x64xf32, #tpu.memory_space<vmem>>[vector<16xi32>, vector<16xi32>], vector<16xf32>,
        %add3A_833 = arith.addf %gather3A_831, %gather3A_832 : vector<16xf32>
        %add3A_834 = arith.addf %gather3A_830, %add3A_833 : vector<16xf32>
        %get3A_835 = arith.constant 64 : index
        %get3A_836 = tpu.vector_load %arg15[%get3A_835] {strides = array<i32>} : memref<1120xi32, #tpu.memory_space<vmem>>, vector<16xi32>,
        %reshape3A_837 = vector.shape_cast %get3A_836 : vector<16xi32> to vector<16x1xi32>
        %gather3A_838 = vector.shape_cast %reshape3A_837 : vector<16x1xi32> to vector<16xi32>
        %gather3A_839 = tpu.dynamic_gather %get3A_679[%gather3A_838] in [0] : vector<16xi32>, vector<16xi32> -> vector<16xi32>
        %reshape3A_840 = vector.shape_cast %get3A_836 : vector<16xi32> to vector<16x1xi32>
        %gather3A_841 = vector.shape_cast %reshape3A_840 : vector<16x1xi32> to vector<16xi32>
        %gather3A_842 = tpu.dynamic_gather %get3A_683[%gather3A_841] in [0] : vector<16xi32>, vector<16xi32> -> vector<16xi32>
        %reshape3A_843 = vector.shape_cast %get3A_836 : vector<16xi32> to vector<16x1xi32>
        %gather3A_844 = vector.shape_cast %reshape3A_843 : vector<16x1xi32> to vector<16xi32>
        %gather3A_845 = tpu.dynamic_gather %get3A_687[%gather3A_844] in [0] : vector<16xi32>, vector<16xi32> -> vector<16xi32>
        %reshape3A_846 = vector.shape_cast %get3A_836 : vector<16xi32> to vector<16x1xi32>
        %gather3A_847 = vector.shape_cast %reshape3A_846 : vector<16x1xi32> to vector<16xi32>
        %gather3A_848 = tpu.dynamic_gather %get3A_691[%gather3A_847] in [0] : vector<16xi32>, vector<16xi32> -> vector<16xi32>
        %gather3A_849 = tpu.vector_load_idx %arg12[%gather3A_842, %get3A_693] : memref<892x64xf32, #tpu.memory_space<vmem>>[vector<16xi32>, vector<16xi32>], vector<16xf32>,
        %gather3A_850 = tpu.vector_load_idx %arg12[%gather3A_845, %get3A_693] : memref<892x64xf32, #tpu.memory_space<vmem>>[vector<16xi32>, vector<16xi32>], vector<16xf32>,
        %gather3A_851 = tpu.vector_load_idx %arg12[%gather3A_848, %get3A_693] : memref<892x64xf32, #tpu.memory_space<vmem>>[vector<16xi32>, vector<16xi32>], vector<16xf32>,
        %add3A_852 = arith.addf %gather3A_850, %gather3A_851 : vector<16xf32>
        %add3A_853 = arith.addf %gather3A_849, %add3A_852 : vector<16xf32>
        %gather3A_854 = tpu.vector_load_idx %arg12[%gather3A_842, %get3A_695] : memref<892x64xf32, #tpu.memory_space<vmem>>[vector<16xi32>, vector<16xi32>], vector<16xf32>,
        %gather3A_855 = tpu.vector_load_idx %arg12[%gather3A_845, %get3A_695] : memref<892x64xf32, #tpu.memory_space<vmem>>[vector<16xi32>, vector<16xi32>], vector<16xf32>,
        %gather3A_856 = tpu.vector_load_idx %arg12[%gather3A_848, %get3A_695] : memref<892x64xf32, #tpu.memory_space<vmem>>[vector<16xi32>, vector<16xi32>], vector<16xf32>,
        %add3A_857 = arith.addf %gather3A_855, %gather3A_856 : vector<16xf32>
        %add3A_858 = arith.addf %gather3A_854, %add3A_857 : vector<16xf32>
        %gather3A_859 = tpu.vector_load_idx %arg12[%gather3A_842, %get3A_697] : memref<892x64xf32, #tpu.memory_space<vmem>>[vector<16xi32>, vector<16xi32>], vector<16xf32>,
        %gather3A_860 = tpu.vector_load_idx %arg12[%gather3A_845, %get3A_697] : memref<892x64xf32, #tpu.memory_space<vmem>>[vector<16xi32>, vector<16xi32>], vector<16xf32>,
        %gather3A_861 = tpu.vector_load_idx %arg12[%gather3A_848, %get3A_697] : memref<892x64xf32, #tpu.memory_space<vmem>>[vector<16xi32>, vector<16xi32>], vector<16xf32>,
        %add3A_862 = arith.addf %gather3A_860, %gather3A_861 : vector<16xf32>
        %add3A_863 = arith.addf %gather3A_859, %add3A_862 : vector<16xf32>
        %gather3A_864 = tpu.vector_load_idx %arg12[%gather3A_842, %get3A_699] : memref<892x64xf32, #tpu.memory_space<vmem>>[vector<16xi32>, vector<16xi32>], vector<16xf32>,
        %gather3A_865 = tpu.vector_load_idx %arg12[%gather3A_845, %get3A_699] : memref<892x64xf32, #tpu.memory_space<vmem>>[vector<16xi32>, vector<16xi32>], vector<16xf32>,
        %gather3A_866 = tpu.vector_load_idx %arg12[%gather3A_848, %get3A_699] : memref<892x64xf32, #tpu.memory_space<vmem>>[vector<16xi32>, vector<16xi32>], vector<16xf32>,
        %add3A_867 = arith.addf %gather3A_865, %gather3A_866 : vector<16xf32>
        %add3A_868 = arith.addf %gather3A_864, %add3A_867 : vector<16xf32>
        %get3A_869 = arith.constant 80 : index
        %get3A_870 = tpu.vector_load %arg15[%get3A_869] {strides = array<i32>} : memref<1120xi32, #tpu.memory_space<vmem>>, vector<16xi32>,
        %reshape3A_871 = vector.shape_cast %get3A_870 : vector<16xi32> to vector<16x1xi32>
        %gather3A_872 = vector.shape_cast %reshape3A_871 : vector<16x1xi32> to vector<16xi32>
        %gather3A_873 = tpu.dynamic_gather %get3A_679[%gather3A_872] in [0] : vector<16xi32>, vector<16xi32> -> vector<16xi32>
        %reshape3A_874 = vector.shape_cast %get3A_870 : vector<16xi32> to vector<16x1xi32>
        %gather3A_875 = vector.shape_cast %reshape3A_874 : vector<16x1xi32> to vector<16xi32>
        %gather3A_876 = tpu.dynamic_gather %get3A_683[%gather3A_875] in [0] : vector<16xi32>, vector<16xi32> -> vector<16xi32>
        %reshape3A_877 = vector.shape_cast %get3A_870 : vector<16xi32> to vector<16x1xi32>
        %gather3A_878 = vector.shape_cast %reshape3A_877 : vector<16x1xi32> to vector<16xi32>
        %gather3A_879 = tpu.dynamic_gather %get3A_687[%gather3A_878] in [0] : vector<16xi32>, vector<16xi32> -> vector<16xi32>
        %reshape3A_880 = vector.shape_cast %get3A_870 : vector<16xi32> to vector<16x1xi32>
        %gather3A_881 = vector.shape_cast %reshape3A_880 : vector<16x1xi32> to vector<16xi32>
        %gather3A_882 = tpu.dynamic_gather %get3A_691[%gather3A_881] in [0] : vector<16xi32>, vector<16xi32> -> vector<16xi32>
        %gather3A_883 = tpu.vector_load_idx %arg12[%gather3A_876, %get3A_693] : memref<892x64xf32, #tpu.memory_space<vmem>>[vector<16xi32>, vector<16xi32>], vector<16xf32>,
        %gather3A_884 = tpu.vector_load_idx %arg12[%gather3A_879, %get3A_693] : memref<892x64xf32, #tpu.memory_space<vmem>>[vector<16xi32>, vector<16xi32>], vector<16xf32>,
        %gather3A_885 = tpu.vector_load_idx %arg12[%gather3A_882, %get3A_693] : memref<892x64xf32, #tpu.memory_space<vmem>>[vector<16xi32>, vector<16xi32>], vector<16xf32>,
        %add3A_886 = arith.addf %gather3A_884, %gather3A_885 : vector<16xf32>
        %add3A_887 = arith.addf %gather3A_883, %add3A_886 : vector<16xf32>
        %gather3A_888 = tpu.vector_load_idx %arg12[%gather3A_876, %get3A_695] : memref<892x64xf32, #tpu.memory_space<vmem>>[vector<16xi32>, vector<16xi32>], vector<16xf32>,
        %gather3A_889 = tpu.vector_load_idx %arg12[%gather3A_879, %get3A_695] : memref<892x64xf32, #tpu.memory_space<vmem>>[vector<16xi32>, vector<16xi32>], vector<16xf32>,
        %gather3A_890 = tpu.vector_load_idx %arg12[%gather3A_882, %get3A_695] : memref<892x64xf32, #tpu.memory_space<vmem>>[vector<16xi32>, vector<16xi32>], vector<16xf32>,
        %add3A_891 = arith.addf %gather3A_889, %gather3A_890 : vector<16xf32>
        %add3A_892 = arith.addf %gather3A_888, %add3A_891 : vector<16xf32>
        %gather3A_893 = tpu.vector_load_idx %arg12[%gather3A_876, %get3A_697] : memref<892x64xf32, #tpu.memory_space<vmem>>[vector<16xi32>, vector<16xi32>], vector<16xf32>,
        %gather3A_894 = tpu.vector_load_idx %arg12[%gather3A_879, %get3A_697] : memref<892x64xf32, #tpu.memory_space<vmem>>[vector<16xi32>, vector<16xi32>], vector<16xf32>,
        %gather3A_895 = tpu.vector_load_idx %arg12[%gather3A_882, %get3A_697] : memref<892x64xf32, #tpu.memory_space<vmem>>[vector<16xi32>, vector<16xi32>], vector<16xf32>,
        %add3A_896 = arith.addf %gather3A_894, %gather3A_895 : vector<16xf32>
        %add3A_897 = arith.addf %gather3A_893, %add3A_896 : vector<16xf32>
        %gather3A_898 = tpu.vector_load_idx %arg12[%gather3A_876, %get3A_699] : memref<892x64xf32, #tpu.memory_space<vmem>>[vector<16xi32>, vector<16xi32>], vector<16xf32>,
        %gather3A_899 = tpu.vector_load_idx %arg12[%gather3A_879, %get3A_699] : memref<892x64xf32, #tpu.memory_space<vmem>>[vector<16xi32>, vector<16xi32>], vector<16xf32>,
        %gather3A_900 = tpu.vector_load_idx %arg12[%gather3A_882, %get3A_699] : memref<892x64xf32, #tpu.memory_space<vmem>>[vector<16xi32>, vector<16xi32>], vector<16xf32>,
        %add3A_901 = arith.addf %gather3A_899, %gather3A_900 : vector<16xf32>
        %add3A_902 = arith.addf %gather3A_898, %add3A_901 : vector<16xf32>
        %get3A_903 = arith.constant 96 : index
        %get3A_904 = tpu.vector_load %arg15[%get3A_903] {strides = array<i32>} : memref<1120xi32, #tpu.memory_space<vmem>>, vector<16xi32>,
        %reshape3A_905 = vector.shape_cast %get3A_904 : vector<16xi32> to vector<16x1xi32>
        %gather3A_906 = vector.shape_cast %reshape3A_905 : vector<16x1xi32> to vector<16xi32>
        %gather3A_907 = tpu.dynamic_gather %get3A_679[%gather3A_906] in [0] : vector<16xi32>, vector<16xi32> -> vector<16xi32>
        %reshape3A_908 = vector.shape_cast %get3A_904 : vector<16xi32> to vector<16x1xi32>
        %gather3A_909 = vector.shape_cast %reshape3A_908 : vector<16x1xi32> to vector<16xi32>
        %gather3A_910 = tpu.dynamic_gather %get3A_683[%gather3A_909] in [0] : vector<16xi32>, vector<16xi32> -> vector<16xi32>
        %reshape3A_911 = vector.shape_cast %get3A_904 : vector<16xi32> to vector<16x1xi32>
        %gather3A_912 = vector.shape_cast %reshape3A_911 : vector<16x1xi32> to vector<16xi32>
        %gather3A_913 = tpu.dynamic_gather %get3A_687[%gather3A_912] in [0] : vector<16xi32>, vector<16xi32> -> vector<16xi32>
        %reshape3A_914 = vector.shape_cast %get3A_904 : vector<16xi32> to vector<16x1xi32>
        %gather3A_915 = vector.shape_cast %reshape3A_914 : vector<16x1xi32> to vector<16xi32>
        %gather3A_916 = tpu.dynamic_gather %get3A_691[%gather3A_915] in [0] : vector<16xi32>, vector<16xi32> -> vector<16xi32>
        %gather3A_917 = tpu.vector_load_idx %arg12[%gather3A_910, %get3A_693] : memref<892x64xf32, #tpu.memory_space<vmem>>[vector<16xi32>, vector<16xi32>], vector<16xf32>,
        %gather3A_918 = tpu.vector_load_idx %arg12[%gather3A_913, %get3A_693] : memref<892x64xf32, #tpu.memory_space<vmem>>[vector<16xi32>, vector<16xi32>], vector<16xf32>,
        %gather3A_919 = tpu.vector_load_idx %arg12[%gather3A_916, %get3A_693] : memref<892x64xf32, #tpu.memory_space<vmem>>[vector<16xi32>, vector<16xi32>], vector<16xf32>,
        %add3A_920 = arith.addf %gather3A_918, %gather3A_919 : vector<16xf32>
        %add3A_921 = arith.addf %gather3A_917, %add3A_920 : vector<16xf32>
        %gather3A_922 = tpu.vector_load_idx %arg12[%gather3A_910, %get3A_695] : memref<892x64xf32, #tpu.memory_space<vmem>>[vector<16xi32>, vector<16xi32>], vector<16xf32>,
        %gather3A_923 = tpu.vector_load_idx %arg12[%gather3A_913, %get3A_695] : memref<892x64xf32, #tpu.memory_space<vmem>>[vector<16xi32>, vector<16xi32>], vector<16xf32>,
        %gather3A_924 = tpu.vector_load_idx %arg12[%gather3A_916, %get3A_695] : memref<892x64xf32, #tpu.memory_space<vmem>>[vector<16xi32>, vector<16xi32>], vector<16xf32>,
        %add3A_925 = arith.addf %gather3A_923, %gather3A_924 : vector<16xf32>
        %add3A_926 = arith.addf %gather3A_922, %add3A_925 : vector<16xf32>
        %gather3A_927 = tpu.vector_load_idx %arg12[%gather3A_910, %get3A_697] : memref<892x64xf32, #tpu.memory_space<vmem>>[vector<16xi32>, vector<16xi32>], vector<16xf32>,
        %gather3A_928 = tpu.vector_load_idx %arg12[%gather3A_913, %get3A_697] : memref<892x64xf32, #tpu.memory_space<vmem>>[vector<16xi32>, vector<16xi32>], vector<16xf32>,
        %gather3A_929 = tpu.vector_load_idx %arg12[%gather3A_916, %get3A_697] : memref<892x64xf32, #tpu.memory_space<vmem>>[vector<16xi32>, vector<16xi32>], vector<16xf32>,
        %add3A_930 = arith.addf %gather3A_928, %gather3A_929 : vector<16xf32>
        %add3A_931 = arith.addf %gather3A_927, %add3A_930 : vector<16xf32>
        %gather3A_932 = tpu.vector_load_idx %arg12[%gather3A_910, %get3A_699] : memref<892x64xf32, #tpu.memory_space<vmem>>[vector<16xi32>, vector<16xi32>], vector<16xf32>,
        %gather3A_933 = tpu.vector_load_idx %arg12[%gather3A_913, %get3A_699] : memref<892x64xf32, #tpu.memory_space<vmem>>[vector<16xi32>, vector<16xi32>], vector<16xf32>,
        %gather3A_934 = tpu.vector_load_idx %arg12[%gather3A_916, %get3A_699] : memref<892x64xf32, #tpu.memory_space<vmem>>[vector<16xi32>, vector<16xi32>], vector<16xf32>,
        %add3A_935 = arith.addf %gather3A_933, %gather3A_934 : vector<16xf32>
        %add3A_936 = arith.addf %gather3A_932, %add3A_935 : vector<16xf32>
        %get3A_937 = arith.constant 112 : index
        %get3A_938 = tpu.vector_load %arg15[%get3A_937] {strides = array<i32>} : memref<1120xi32, #tpu.memory_space<vmem>>, vector<16xi32>,
        %reshape3A_939 = vector.shape_cast %get3A_938 : vector<16xi32> to vector<16x1xi32>
        %gather3A_940 = vector.shape_cast %reshape3A_939 : vector<16x1xi32> to vector<16xi32>
        %gather3A_941 = tpu.dynamic_gather %get3A_679[%gather3A_940] in [0] : vector<16xi32>, vector<16xi32> -> vector<16xi32>
        %reshape3A_942 = vector.shape_cast %get3A_938 : vector<16xi32> to vector<16x1xi32>
        %gather3A_943 = vector.shape_cast %reshape3A_942 : vector<16x1xi32> to vector<16xi32>
        %gather3A_944 = tpu.dynamic_gather %get3A_683[%gather3A_943] in [0] : vector<16xi32>, vector<16xi32> -> vector<16xi32>
        %reshape3A_945 = vector.shape_cast %get3A_938 : vector<16xi32> to vector<16x1xi32>
        %gather3A_946 = vector.shape_cast %reshape3A_945 : vector<16x1xi32> to vector<16xi32>
        %gather3A_947 = tpu.dynamic_gather %get3A_687[%gather3A_946] in [0] : vector<16xi32>, vector<16xi32> -> vector<16xi32>
        %reshape3A_948 = vector.shape_cast %get3A_938 : vector<16xi32> to vector<16x1xi32>
        %gather3A_949 = vector.shape_cast %reshape3A_948 : vector<16x1xi32> to vector<16xi32>
        %gather3A_950 = tpu.dynamic_gather %get3A_691[%gather3A_949] in [0] : vector<16xi32>, vector<16xi32> -> vector<16xi32>
        %gather3A_951 = tpu.vector_load_idx %arg12[%gather3A_944, %get3A_693] : memref<892x64xf32, #tpu.memory_space<vmem>>[vector<16xi32>, vector<16xi32>], vector<16xf32>,
        %gather3A_952 = tpu.vector_load_idx %arg12[%gather3A_947, %get3A_693] : memref<892x64xf32, #tpu.memory_space<vmem>>[vector<16xi32>, vector<16xi32>], vector<16xf32>,
        %gather3A_953 = tpu.vector_load_idx %arg12[%gather3A_950, %get3A_693] : memref<892x64xf32, #tpu.memory_space<vmem>>[vector<16xi32>, vector<16xi32>], vector<16xf32>,
        %add3A_954 = arith.addf %gather3A_952, %gather3A_953 : vector<16xf32>
        %add3A_955 = arith.addf %gather3A_951, %add3A_954 : vector<16xf32>
        %gather3A_956 = tpu.vector_load_idx %arg12[%gather3A_944, %get3A_695] : memref<892x64xf32, #tpu.memory_space<vmem>>[vector<16xi32>, vector<16xi32>], vector<16xf32>,
        %gather3A_957 = tpu.vector_load_idx %arg12[%gather3A_947, %get3A_695] : memref<892x64xf32, #tpu.memory_space<vmem>>[vector<16xi32>, vector<16xi32>], vector<16xf32>,
        %gather3A_958 = tpu.vector_load_idx %arg12[%gather3A_950, %get3A_695] : memref<892x64xf32, #tpu.memory_space<vmem>>[vector<16xi32>, vector<16xi32>], vector<16xf32>,
        %add3A_959 = arith.addf %gather3A_957, %gather3A_958 : vector<16xf32>
        %add3A_960 = arith.addf %gather3A_956, %add3A_959 : vector<16xf32>
        %gather3A_961 = tpu.vector_load_idx %arg12[%gather3A_944, %get3A_697] : memref<892x64xf32, #tpu.memory_space<vmem>>[vector<16xi32>, vector<16xi32>], vector<16xf32>,
        %gather3A_962 = tpu.vector_load_idx %arg12[%gather3A_947, %get3A_697] : memref<892x64xf32, #tpu.memory_space<vmem>>[vector<16xi32>, vector<16xi32>], vector<16xf32>,
        %gather3A_963 = tpu.vector_load_idx %arg12[%gather3A_950, %get3A_697] : memref<892x64xf32, #tpu.memory_space<vmem>>[vector<16xi32>, vector<16xi32>], vector<16xf32>,
        %add3A_964 = arith.addf %gather3A_962, %gather3A_963 : vector<16xf32>
        %add3A_965 = arith.addf %gather3A_961, %add3A_964 : vector<16xf32>
        %gather3A_966 = tpu.vector_load_idx %arg12[%gather3A_944, %get3A_699] : memref<892x64xf32, #tpu.memory_space<vmem>>[vector<16xi32>, vector<16xi32>], vector<16xf32>,
        %gather3A_967 = tpu.vector_load_idx %arg12[%gather3A_947, %get3A_699] : memref<892x64xf32, #tpu.memory_space<vmem>>[vector<16xi32>, vector<16xi32>], vector<16xf32>,
        %gather3A_968 = tpu.vector_load_idx %arg12[%gather3A_950, %get3A_699] : memref<892x64xf32, #tpu.memory_space<vmem>>[vector<16xi32>, vector<16xi32>], vector<16xf32>,
        %add3A_969 = arith.addf %gather3A_967, %gather3A_968 : vector<16xf32>
        %add3A_970 = arith.addf %gather3A_966, %add3A_969 : vector<16xf32>
        tpu.vector_store_idx %arg17[%gather3A_703, %get3A_693], %add3A_717 {add = true} : memref<408x64xf32, #tpu.memory_space<vmem>>[vector<16xi32>, vector<16xi32>], vector<16xf32>,
        tpu.vector_store_idx %arg17[%gather3A_703, %get3A_695], %add3A_722 {add = true} : memref<408x64xf32, #tpu.memory_space<vmem>>[vector<16xi32>, vector<16xi32>], vector<16xf32>,
        tpu.vector_store_idx %arg17[%gather3A_703, %get3A_697], %add3A_727 {add = true} : memref<408x64xf32, #tpu.memory_space<vmem>>[vector<16xi32>, vector<16xi32>], vector<16xf32>,
        tpu.vector_store_idx %arg17[%gather3A_703, %get3A_699], %add3A_732 {add = true} : memref<408x64xf32, #tpu.memory_space<vmem>>[vector<16xi32>, vector<16xi32>], vector<16xf32>,
        tpu.vector_store_idx %arg17[%gather3A_737, %get3A_693], %add3A_751 {add = true} : memref<408x64xf32, #tpu.memory_space<vmem>>[vector<16xi32>, vector<16xi32>], vector<16xf32>,
        tpu.vector_store_idx %arg17[%gather3A_737, %get3A_695], %add3A_756 {add = true} : memref<408x64xf32, #tpu.memory_space<vmem>>[vector<16xi32>, vector<16xi32>], vector<16xf32>,
        tpu.vector_store_idx %arg17[%gather3A_737, %get3A_697], %add3A_761 {add = true} : memref<408x64xf32, #tpu.memory_space<vmem>>[vector<16xi32>, vector<16xi32>], vector<16xf32>,
        tpu.vector_store_idx %arg17[%gather3A_737, %get3A_699], %add3A_766 {add = true} : memref<408x64xf32, #tpu.memory_space<vmem>>[vector<16xi32>, vector<16xi32>], vector<16xf32>,
        tpu.vector_store_idx %arg17[%gather3A_771, %get3A_693], %add3A_785 {add = true} : memref<408x64xf32, #tpu.memory_space<vmem>>[vector<16xi32>, vector<16xi32>], vector<16xf32>,
        tpu.vector_store_idx %arg17[%gather3A_771, %get3A_695], %add3A_790 {add = true} : memref<408x64xf32, #tpu.memory_space<vmem>>[vector<16xi32>, vector<16xi32>], vector<16xf32>,
        tpu.vector_store_idx %arg17[%gather3A_771, %get3A_697], %add3A_795 {add = true} : memref<408x64xf32, #tpu.memory_space<vmem>>[vector<16xi32>, vector<16xi32>], vector<16xf32>,
        tpu.vector_store_idx %arg17[%gather3A_771, %get3A_699], %add3A_800 {add = true} : memref<408x64xf32, #tpu.memory_space<vmem>>[vector<16xi32>, vector<16xi32>], vector<16xf32>,
        tpu.vector_store_idx %arg17[%gather3A_805, %get3A_693], %add3A_819 {add = true} : memref<408x64xf32, #tpu.memory_space<vmem>>[vector<16xi32>, vector<16xi32>], vector<16xf32>,
        tpu.vector_store_idx %arg17[%gather3A_805, %get3A_695], %add3A_824 {add = true} : memref<408x64xf32, #tpu.memory_space<vmem>>[vector<16xi32>, vector<16xi32>], vector<16xf32>,
        tpu.vector_store_idx %arg17[%gather3A_805, %get3A_697], %add3A_829 {add = true} : memref<408x64xf32, #tpu.memory_space<vmem>>[vector<16xi32>, vector<16xi32>], vector<16xf32>,
        tpu.vector_store_idx %arg17[%gather3A_805, %get3A_699], %add3A_834 {add = true} : memref<408x64xf32, #tpu.memory_space<vmem>>[vector<16xi32>, vector<16xi32>], vector<16xf32>,
        tpu.vector_store_idx %arg17[%gather3A_839, %get3A_693], %add3A_853 {add = true} : memref<408x64xf32, #tpu.memory_space<vmem>>[vector<16xi32>, vector<16xi32>], vector<16xf32>,
        tpu.vector_store_idx %arg17[%gather3A_839, %get3A_695], %add3A_858 {add = true} : memref<408x64xf32, #tpu.memory_space<vmem>>[vector<16xi32>, vector<16xi32>], vector<16xf32>,
        tpu.vector_store_idx %arg17[%gather3A_839, %get3A_697], %add3A_863 {add = true} : memref<408x64xf32, #tpu.memory_space<vmem>>[vector<16xi32>, vector<16xi32>], vector<16xf32>,
        tpu.vector_store_idx %arg17[%gather3A_839, %get3A_699], %add3A_868 {add = true} : memref<408x64xf32, #tpu.memory_space<vmem>>[vector<16xi32>, vector<16xi32>], vector<16xf32>,
        tpu.vector_store_idx %arg17[%gather3A_873, %get3A_693], %add3A_887 {add = true} : memref<408x64xf32, #tpu.memory_space<vmem>>[vector<16xi32>, vector<16xi32>], vector<16xf32>,
        tpu.vector_store_idx %arg17[%gather3A_873, %get3A_695], %add3A_892 {add = true} : memref<408x64xf32, #tpu.memory_space<vmem>>[vector<16xi32>, vector<16xi32>], vector<16xf32>,
        tpu.vector_store_idx %arg17[%gather3A_873, %get3A_697], %add3A_897 {add = true} : memref<408x64xf32, #tpu.memory_space<vmem>>[vector<16xi32>, vector<16xi32>], vector<16xf32>,
        tpu.vector_store_idx %arg17[%gather3A_873, %get3A_699], %add3A_902 {add = true} : memref<408x64xf32, #tpu.memory_space<vmem>>[vector<16xi32>, vector<16xi32>], vector<16xf32>,
        tpu.vector_store_idx %arg17[%gather3A_907, %get3A_693], %add3A_921 {add = true} : memref<408x64xf32, #tpu.memory_space<vmem>>[vector<16xi32>, vector<16xi32>], vector<16xf32>,
        tpu.vector_store_idx %arg17[%gather3A_907, %get3A_695], %add3A_926 {add = true} : memref<408x64xf32, #tpu.memory_space<vmem>>[vector<16xi32>, vector<16xi32>], vector<16xf32>,
        tpu.vector_store_idx %arg17[%gather3A_907, %get3A_697], %add3A_931 {add = true} : memref<408x64xf32, #tpu.memory_space<vmem>>[vector<16xi32>, vector<16xi32>], vector<16xf32>,
        tpu.vector_store_idx %arg17[%gather3A_907, %get3A_699], %add3A_936 {add = true} : memref<408x64xf32, #tpu.memory_space<vmem>>[vector<16xi32>, vector<16xi32>], vector<16xf32>,
        tpu.vector_store_idx %arg17[%gather3A_941, %get3A_693], %add3A_955 {add = true} : memref<408x64xf32, #tpu.memory_space<vmem>>[vector<16xi32>, vector<16xi32>], vector<16xf32>,
        tpu.vector_store_idx %arg17[%gather3A_941, %get3A_695], %add3A_960 {add = true} : memref<408x64xf32, #tpu.memory_space<vmem>>[vector<16xi32>, vector<16xi32>], vector<16xf32>,
        tpu.vector_store_idx %arg17[%gather3A_941, %get3A_697], %add3A_965 {add = true} : memref<408x64xf32, #tpu.memory_space<vmem>>[vector<16xi32>, vector<16xi32>], vector<16xf32>,
        tpu.vector_store_idx %arg17[%gather3A_941, %get3A_699], %add3A_970 {add = true} : memref<408x64xf32, #tpu.memory_space<vmem>>[vector<16xi32>, vector<16xi32>], vector<16xf32>,
        %get3A_971 = arith.constant 128 : index
        %get3A_972 = tpu.vector_load %arg15[%get3A_971] {strides = array<i32>} : memref<1120xi32, #tpu.memory_space<vmem>>, vector<16xi32>,
        %reshape3A_973 = vector.shape_cast %get3A_972 : vector<16xi32> to vector<16x1xi32>
        %gather3A_974 = vector.shape_cast %reshape3A_973 : vector<16x1xi32> to vector<16xi32>
        %gather3A_975 = tpu.dynamic_gather %get3A_679[%gather3A_974] in [0] : vector<16xi32>, vector<16xi32> -> vector<16xi32>
        %reshape3A_976 = vector.shape_cast %get3A_972 : vector<16xi32> to vector<16x1xi32>
        %gather3A_977 = vector.shape_cast %reshape3A_976 : vector<16x1xi32> to vector<16xi32>
        %gather3A_978 = tpu.dynamic_gather %get3A_683[%gather3A_977] in [0] : vector<16xi32>, vector<16xi32> -> vector<16xi32>
        %reshape3A_979 = vector.shape_cast %get3A_972 : vector<16xi32> to vector<16x1xi32>
        %gather3A_980 = vector.shape_cast %reshape3A_979 : vector<16x1xi32> to vector<16xi32>
        %gather3A_981 = tpu.dynamic_gather %get3A_687[%gather3A_980] in [0] : vector<16xi32>, vector<16xi32> -> vector<16xi32>
        %reshape3A_982 = vector.shape_cast %get3A_972 : vector<16xi32> to vector<16x1xi32>
        %gather3A_983 = vector.shape_cast %reshape3A_982 : vector<16x1xi32> to vector<16xi32>
        %gather3A_984 = tpu.dynamic_gather %get3A_691[%gather3A_983] in [0] : vector<16xi32>, vector<16xi32> -> vector<16xi32>
        %gather3A_985 = tpu.vector_load_idx %arg12[%gather3A_978, %get3A_693] : memref<892x64xf32, #tpu.memory_space<vmem>>[vector<16xi32>, vector<16xi32>], vector<16xf32>,
        %gather3A_986 = tpu.vector_load_idx %arg12[%gather3A_981, %get3A_693] : memref<892x64xf32, #tpu.memory_space<vmem>>[vector<16xi32>, vector<16xi32>], vector<16xf32>,
        %gather3A_987 = tpu.vector_load_idx %arg12[%gather3A_984, %get3A_693] : memref<892x64xf32, #tpu.memory_space<vmem>>[vector<16xi32>, vector<16xi32>], vector<16xf32>,
        %add3A_988 = arith.addf %gather3A_986, %gather3A_987 : vector<16xf32>
        %add3A_989 = arith.addf %gather3A_985, %add3A_988 : vector<16xf32>
        %gather3A_990 = tpu.vector_load_idx %arg12[%gather3A_978, %get3A_695] : memref<892x64xf32, #tpu.memory_space<vmem>>[vector<16xi32>, vector<16xi32>], vector<16xf32>,
        %gather3A_991 = tpu.vector_load_idx %arg12[%gather3A_981, %get3A_695] : memref<892x64xf32, #tpu.memory_space<vmem>>[vector<16xi32>, vector<16xi32>], vector<16xf32>,
        %gather3A_992 = tpu.vector_load_idx %arg12[%gather3A_984, %get3A_695] : memref<892x64xf32, #tpu.memory_space<vmem>>[vector<16xi32>, vector<16xi32>], vector<16xf32>,
        %add3A_993 = arith.addf %gather3A_991, %gather3A_992 : vector<16xf32>
        %add3A_994 = arith.addf %gather3A_990, %add3A_993 : vector<16xf32>
        %gather3A_995 = tpu.vector_load_idx %arg12[%gather3A_978, %get3A_697] : memref<892x64xf32, #tpu.memory_space<vmem>>[vector<16xi32>, vector<16xi32>], vector<16xf32>,
        %gather3A_996 = tpu.vector_load_idx %arg12[%gather3A_981, %get3A_697] : memref<892x64xf32, #tpu.memory_space<vmem>>[vector<16xi32>, vector<16xi32>], vector<16xf32>,
        %gather3A_997 = tpu.vector_load_idx %arg12[%gather3A_984, %get3A_697] : memref<892x64xf32, #tpu.memory_space<vmem>>[vector<16xi32>, vector<16xi32>], vector<16xf32>,
        %add3A_998 = arith.addf %gather3A_996, %gather3A_997 : vector<16xf32>
        %add3A_999 = arith.addf %gather3A_995, %add3A_998 : vector<16xf32>
        %gather3A_1000 = tpu.vector_load_idx %arg12[%gather3A_978, %get3A_699] : memref<892x64xf32, #tpu.memory_space<vmem>>[vector<16xi32>, vector<16xi32>], vector<16xf32>,
        %gather3A_1001 = tpu.vector_load_idx %arg12[%gather3A_981, %get3A_699] : memref<892x64xf32, #tpu.memory_space<vmem>>[vector<16xi32>, vector<16xi32>], vector<16xf32>,
        %gather3A_1002 = tpu.vector_load_idx %arg12[%gather3A_984, %get3A_699] : memref<892x64xf32, #tpu.memory_space<vmem>>[vector<16xi32>, vector<16xi32>], vector<16xf32>,
        %add3A_1003 = arith.addf %gather3A_1001, %gather3A_1002 : vector<16xf32>
        %add3A_1004 = arith.addf %gather3A_1000, %add3A_1003 : vector<16xf32>
        %get3A_1005 = arith.constant 144 : index
        %get3A_1006 = tpu.vector_load %arg15[%get3A_1005] {strides = array<i32>} : memref<1120xi32, #tpu.memory_space<vmem>>, vector<16xi32>,
        %reshape3A_1007 = vector.shape_cast %get3A_1006 : vector<16xi32> to vector<16x1xi32>
        %gather3A_1008 = vector.shape_cast %reshape3A_1007 : vector<16x1xi32> to vector<16xi32>
        %gather3A_1009 = tpu.dynamic_gather %get3A_679[%gather3A_1008] in [0] : vector<16xi32>, vector<16xi32> -> vector<16xi32>
        %reshape3A_1010 = vector.shape_cast %get3A_1006 : vector<16xi32> to vector<16x1xi32>
        %gather3A_1011 = vector.shape_cast %reshape3A_1010 : vector<16x1xi32> to vector<16xi32>
        %gather3A_1012 = tpu.dynamic_gather %get3A_683[%gather3A_1011] in [0] : vector<16xi32>, vector<16xi32> -> vector<16xi32>
        %reshape3A_1013 = vector.shape_cast %get3A_1006 : vector<16xi32> to vector<16x1xi32>
        %gather3A_1014 = vector.shape_cast %reshape3A_1013 : vector<16x1xi32> to vector<16xi32>
        %gather3A_1015 = tpu.dynamic_gather %get3A_687[%gather3A_1014] in [0] : vector<16xi32>, vector<16xi32> -> vector<16xi32>
        %reshape3A_1016 = vector.shape_cast %get3A_1006 : vector<16xi32> to vector<16x1xi32>
        %gather3A_1017 = vector.shape_cast %reshape3A_1016 : vector<16x1xi32> to vector<16xi32>
        %gather3A_1018 = tpu.dynamic_gather %get3A_691[%gather3A_1017] in [0] : vector<16xi32>, vector<16xi32> -> vector<16xi32>
        %gather3A_1019 = tpu.vector_load_idx %arg12[%gather3A_1012, %get3A_693] : memref<892x64xf32, #tpu.memory_space<vmem>>[vector<16xi32>, vector<16xi32>], vector<16xf32>,
        %gather3A_1020 = tpu.vector_load_idx %arg12[%gather3A_1015, %get3A_693] : memref<892x64xf32, #tpu.memory_space<vmem>>[vector<16xi32>, vector<16xi32>], vector<16xf32>,
        %gather3A_1021 = tpu.vector_load_idx %arg12[%gather3A_1018, %get3A_693] : memref<892x64xf32, #tpu.memory_space<vmem>>[vector<16xi32>, vector<16xi32>], vector<16xf32>,
        %add3A_1022 = arith.addf %gather3A_1020, %gather3A_1021 : vector<16xf32>
        %add3A_1023 = arith.addf %gather3A_1019, %add3A_1022 : vector<16xf32>
        %gather3A_1024 = tpu.vector_load_idx %arg12[%gather3A_1012, %get3A_695] : memref<892x64xf32, #tpu.memory_space<vmem>>[vector<16xi32>, vector<16xi32>], vector<16xf32>,
        %gather3A_1025 = tpu.vector_load_idx %arg12[%gather3A_1015, %get3A_695] : memref<892x64xf32, #tpu.memory_space<vmem>>[vector<16xi32>, vector<16xi32>], vector<16xf32>,
        %gather3A_1026 = tpu.vector_load_idx %arg12[%gather3A_1018, %get3A_695] : memref<892x64xf32, #tpu.memory_space<vmem>>[vector<16xi32>, vector<16xi32>], vector<16xf32>,
        %add3A_1027 = arith.addf %gather3A_1025, %gather3A_1026 : vector<16xf32>
        %add3A_1028 = arith.addf %gather3A_1024, %add3A_1027 : vector<16xf32>
        %gather3A_1029 = tpu.vector_load_idx %arg12[%gather3A_1012, %get3A_697] : memref<892x64xf32, #tpu.memory_space<vmem>>[vector<16xi32>, vector<16xi32>], vector<16xf32>,
        %gather3A_1030 = tpu.vector_load_idx %arg12[%gather3A_1015, %get3A_697] : memref<892x64xf32, #tpu.memory_space<vmem>>[vector<16xi32>, vector<16xi32>], vector<16xf32>,
        %gather3A_1031 = tpu.vector_load_idx %arg12[%gather3A_1018, %get3A_697] : memref<892x64xf32, #tpu.memory_space<vmem>>[vector<16xi32>, vector<16xi32>], vector<16xf32>,
        %add3A_1032 = arith.addf %gather3A_1030, %gather3A_1031 : vector<16xf32>
        %add3A_1033 = arith.addf %gather3A_1029, %add3A_1032 : vector<16xf32>
        %gather3A_1034 = tpu.vector_load_idx %arg12[%gather3A_1012, %get3A_699] : memref<892x64xf32, #tpu.memory_space<vmem>>[vector<16xi32>, vector<16xi32>], vector<16xf32>,
        %gather3A_1035 = tpu.vector_load_idx %arg12[%gather3A_1015, %get3A_699] : memref<892x64xf32, #tpu.memory_space<vmem>>[vector<16xi32>, vector<16xi32>], vector<16xf32>,
        %gather3A_1036 = tpu.vector_load_idx %arg12[%gather3A_1018, %get3A_699] : memref<892x64xf32, #tpu.memory_space<vmem>>[vector<16xi32>, vector<16xi32>], vector<16xf32>,
        %add3A_1037 = arith.addf %gather3A_1035, %gather3A_1036 : vector<16xf32>
        %add3A_1038 = arith.addf %gather3A_1034, %add3A_1037 : vector<16xf32>
        %get3A_1039 = arith.constant 160 : index
        %get3A_1040 = tpu.vector_load %arg15[%get3A_1039] {strides = array<i32>} : memref<1120xi32, #tpu.memory_space<vmem>>, vector<16xi32>,
        %reshape3A_1041 = vector.shape_cast %get3A_1040 : vector<16xi32> to vector<16x1xi32>
        %gather3A_1042 = vector.shape_cast %reshape3A_1041 : vector<16x1xi32> to vector<16xi32>
        %gather3A_1043 = tpu.dynamic_gather %get3A_679[%gather3A_1042] in [0] : vector<16xi32>, vector<16xi32> -> vector<16xi32>
        %reshape3A_1044 = vector.shape_cast %get3A_1040 : vector<16xi32> to vector<16x1xi32>
        %gather3A_1045 = vector.shape_cast %reshape3A_1044 : vector<16x1xi32> to vector<16xi32>
        %gather3A_1046 = tpu.dynamic_gather %get3A_683[%gather3A_1045] in [0] : vector<16xi32>, vector<16xi32> -> vector<16xi32>
        %reshape3A_1047 = vector.shape_cast %get3A_1040 : vector<16xi32> to vector<16x1xi32>
        %gather3A_1048 = vector.shape_cast %reshape3A_1047 : vector<16x1xi32> to vector<16xi32>
        %gather3A_1049 = tpu.dynamic_gather %get3A_687[%gather3A_1048] in [0] : vector<16xi32>, vector<16xi32> -> vector<16xi32>
        %reshape3A_1050 = vector.shape_cast %get3A_1040 : vector<16xi32> to vector<16x1xi32>
        %gather3A_1051 = vector.shape_cast %reshape3A_1050 : vector<16x1xi32> to vector<16xi32>
        %gather3A_1052 = tpu.dynamic_gather %get3A_691[%gather3A_1051] in [0] : vector<16xi32>, vector<16xi32> -> vector<16xi32>
        %gather3A_1053 = tpu.vector_load_idx %arg12[%gather3A_1046, %get3A_693] : memref<892x64xf32, #tpu.memory_space<vmem>>[vector<16xi32>, vector<16xi32>], vector<16xf32>,
        %gather3A_1054 = tpu.vector_load_idx %arg12[%gather3A_1049, %get3A_693] : memref<892x64xf32, #tpu.memory_space<vmem>>[vector<16xi32>, vector<16xi32>], vector<16xf32>,
        %gather3A_1055 = tpu.vector_load_idx %arg12[%gather3A_1052, %get3A_693] : memref<892x64xf32, #tpu.memory_space<vmem>>[vector<16xi32>, vector<16xi32>], vector<16xf32>,
        %add3A_1056 = arith.addf %gather3A_1054, %gather3A_1055 : vector<16xf32>
        %add3A_1057 = arith.addf %gather3A_1053, %add3A_1056 : vector<16xf32>
        %gather3A_1058 = tpu.vector_load_idx %arg12[%gather3A_1046, %get3A_695] : memref<892x64xf32, #tpu.memory_space<vmem>>[vector<16xi32>, vector<16xi32>], vector<16xf32>,
        %gather3A_1059 = tpu.vector_load_idx %arg12[%gather3A_1049, %get3A_695] : memref<892x64xf32, #tpu.memory_space<vmem>>[vector<16xi32>, vector<16xi32>], vector<16xf32>,
        %gather3A_1060 = tpu.vector_load_idx %arg12[%gather3A_1052, %get3A_695] : memref<892x64xf32, #tpu.memory_space<vmem>>[vector<16xi32>, vector<16xi32>], vector<16xf32>,
        %add3A_1061 = arith.addf %gather3A_1059, %gather3A_1060 : vector<16xf32>
        %add3A_1062 = arith.addf %gather3A_1058, %add3A_1061 : vector<16xf32>
        %gather3A_1063 = tpu.vector_load_idx %arg12[%gather3A_1046, %get3A_697] : memref<892x64xf32, #tpu.memory_space<vmem>>[vector<16xi32>, vector<16xi32>], vector<16xf32>,
        %gather3A_1064 = tpu.vector_load_idx %arg12[%gather3A_1049, %get3A_697] : memref<892x64xf32, #tpu.memory_space<vmem>>[vector<16xi32>, vector<16xi32>], vector<16xf32>,
        %gather3A_1065 = tpu.vector_load_idx %arg12[%gather3A_1052, %get3A_697] : memref<892x64xf32, #tpu.memory_space<vmem>>[vector<16xi32>, vector<16xi32>], vector<16xf32>,
        %add3A_1066 = arith.addf %gather3A_1064, %gather3A_1065 : vector<16xf32>
        %add3A_1067 = arith.addf %gather3A_1063, %add3A_1066 : vector<16xf32>
        %gather3A_1068 = tpu.vector_load_idx %arg12[%gather3A_1046, %get3A_699] : memref<892x64xf32, #tpu.memory_space<vmem>>[vector<16xi32>, vector<16xi32>], vector<16xf32>,
        %gather3A_1069 = tpu.vector_load_idx %arg12[%gather3A_1049, %get3A_699] : memref<892x64xf32, #tpu.memory_space<vmem>>[vector<16xi32>, vector<16xi32>], vector<16xf32>,
        %gather3A_1070 = tpu.vector_load_idx %arg12[%gather3A_1052, %get3A_699] : memref<892x64xf32, #tpu.memory_space<vmem>>[vector<16xi32>, vector<16xi32>], vector<16xf32>,
        %add3A_1071 = arith.addf %gather3A_1069, %gather3A_1070 : vector<16xf32>
        %add3A_1072 = arith.addf %gather3A_1068, %add3A_1071 : vector<16xf32>
        %get3A_1073 = arith.constant 176 : index
        %get3A_1074 = tpu.vector_load %arg15[%get3A_1073] {strides = array<i32>} : memref<1120xi32, #tpu.memory_space<vmem>>, vector<16xi32>,
        %reshape3A_1075 = vector.shape_cast %get3A_1074 : vector<16xi32> to vector<16x1xi32>
        %gather3A_1076 = vector.shape_cast %reshape3A_1075 : vector<16x1xi32> to vector<16xi32>
        %gather3A_1077 = tpu.dynamic_gather %get3A_679[%gather3A_1076] in [0] : vector<16xi32>, vector<16xi32> -> vector<16xi32>
        %reshape3A_1078 = vector.shape_cast %get3A_1074 : vector<16xi32> to vector<16x1xi32>
        %gather3A_1079 = vector.shape_cast %reshape3A_1078 : vector<16x1xi32> to vector<16xi32>
        %gather3A_1080 = tpu.dynamic_gather %get3A_683[%gather3A_1079] in [0] : vector<16xi32>, vector<16xi32> -> vector<16xi32>
        %reshape3A_1081 = vector.shape_cast %get3A_1074 : vector<16xi32> to vector<16x1xi32>
        %gather3A_1082 = vector.shape_cast %reshape3A_1081 : vector<16x1xi32> to vector<16xi32>
        %gather3A_1083 = tpu.dynamic_gather %get3A_687[%gather3A_1082] in [0] : vector<16xi32>, vector<16xi32> -> vector<16xi32>
        %reshape3A_1084 = vector.shape_cast %get3A_1074 : vector<16xi32> to vector<16x1xi32>
        %gather3A_1085 = vector.shape_cast %reshape3A_1084 : vector<16x1xi32> to vector<16xi32>
        %gather3A_1086 = tpu.dynamic_gather %get3A_691[%gather3A_1085] in [0] : vector<16xi32>, vector<16xi32> -> vector<16xi32>
        %gather3A_1087 = tpu.vector_load_idx %arg12[%gather3A_1080, %get3A_693] : memref<892x64xf32, #tpu.memory_space<vmem>>[vector<16xi32>, vector<16xi32>], vector<16xf32>,
        %gather3A_1088 = tpu.vector_load_idx %arg12[%gather3A_1083, %get3A_693] : memref<892x64xf32, #tpu.memory_space<vmem>>[vector<16xi32>, vector<16xi32>], vector<16xf32>,
        %gather3A_1089 = tpu.vector_load_idx %arg12[%gather3A_1086, %get3A_693] : memref<892x64xf32, #tpu.memory_space<vmem>>[vector<16xi32>, vector<16xi32>], vector<16xf32>,
        %add3A_1090 = arith.addf %gather3A_1088, %gather3A_1089 : vector<16xf32>
        %add3A_1091 = arith.addf %gather3A_1087, %add3A_1090 : vector<16xf32>
        %gather3A_1092 = tpu.vector_load_idx %arg12[%gather3A_1080, %get3A_695] : memref<892x64xf32, #tpu.memory_space<vmem>>[vector<16xi32>, vector<16xi32>], vector<16xf32>,
        %gather3A_1093 = tpu.vector_load_idx %arg12[%gather3A_1083, %get3A_695] : memref<892x64xf32, #tpu.memory_space<vmem>>[vector<16xi32>, vector<16xi32>], vector<16xf32>,
        %gather3A_1094 = tpu.vector_load_idx %arg12[%gather3A_1086, %get3A_695] : memref<892x64xf32, #tpu.memory_space<vmem>>[vector<16xi32>, vector<16xi32>], vector<16xf32>,
        %add3A_1095 = arith.addf %gather3A_1093, %gather3A_1094 : vector<16xf32>
        %add3A_1096 = arith.addf %gather3A_1092, %add3A_1095 : vector<16xf32>
        %gather3A_1097 = tpu.vector_load_idx %arg12[%gather3A_1080, %get3A_697] : memref<892x64xf32, #tpu.memory_space<vmem>>[vector<16xi32>, vector<16xi32>], vector<16xf32>,
        %gather3A_1098 = tpu.vector_load_idx %arg12[%gather3A_1083, %get3A_697] : memref<892x64xf32, #tpu.memory_space<vmem>>[vector<16xi32>, vector<16xi32>], vector<16xf32>,
        %gather3A_1099 = tpu.vector_load_idx %arg12[%gather3A_1086, %get3A_697] : memref<892x64xf32, #tpu.memory_space<vmem>>[vector<16xi32>, vector<16xi32>], vector<16xf32>,
        %add3A_1100 = arith.addf %gather3A_1098, %gather3A_1099 : vector<16xf32>
        %add3A_1101 = arith.addf %gather3A_1097, %add3A_1100 : vector<16xf32>
        %gather3A_1102 = tpu.vector_load_idx %arg12[%gather3A_1080, %get3A_699] : memref<892x64xf32, #tpu.memory_space<vmem>>[vector<16xi32>, vector<16xi32>], vector<16xf32>,
        %gather3A_1103 = tpu.vector_load_idx %arg12[%gather3A_1083, %get3A_699] : memref<892x64xf32, #tpu.memory_space<vmem>>[vector<16xi32>, vector<16xi32>], vector<16xf32>,
        %gather3A_1104 = tpu.vector_load_idx %arg12[%gather3A_1086, %get3A_699] : memref<892x64xf32, #tpu.memory_space<vmem>>[vector<16xi32>, vector<16xi32>], vector<16xf32>,
        %add3A_1105 = arith.addf %gather3A_1103, %gather3A_1104 : vector<16xf32>
        %add3A_1106 = arith.addf %gather3A_1102, %add3A_1105 : vector<16xf32>
        %get3A_1107 = arith.constant 192 : index
        %get3A_1108 = tpu.vector_load %arg15[%get3A_1107] {strides = array<i32>} : memref<1120xi32, #tpu.memory_space<vmem>>, vector<16xi32>,
        %reshape3A_1109 = vector.shape_cast %get3A_1108 : vector<16xi32> to vector<16x1xi32>
        %gather3A_1110 = vector.shape_cast %reshape3A_1109 : vector<16x1xi32> to vector<16xi32>
        %gather3A_1111 = tpu.dynamic_gather %get3A_679[%gather3A_1110] in [0] : vector<16xi32>, vector<16xi32> -> vector<16xi32>
        %reshape3A_1112 = vector.shape_cast %get3A_1108 : vector<16xi32> to vector<16x1xi32>
        %gather3A_1113 = vector.shape_cast %reshape3A_1112 : vector<16x1xi32> to vector<16xi32>
        %gather3A_1114 = tpu.dynamic_gather %get3A_683[%gather3A_1113] in [0] : vector<16xi32>, vector<16xi32> -> vector<16xi32>
        %reshape3A_1115 = vector.shape_cast %get3A_1108 : vector<16xi32> to vector<16x1xi32>
        %gather3A_1116 = vector.shape_cast %reshape3A_1115 : vector<16x1xi32> to vector<16xi32>
        %gather3A_1117 = tpu.dynamic_gather %get3A_687[%gather3A_1116] in [0] : vector<16xi32>, vector<16xi32> -> vector<16xi32>
        %reshape3A_1118 = vector.shape_cast %get3A_1108 : vector<16xi32> to vector<16x1xi32>
        %gather3A_1119 = vector.shape_cast %reshape3A_1118 : vector<16x1xi32> to vector<16xi32>
        %gather3A_1120 = tpu.dynamic_gather %get3A_691[%gather3A_1119] in [0] : vector<16xi32>, vector<16xi32> -> vector<16xi32>
        %gather3A_1121 = tpu.vector_load_idx %arg12[%gather3A_1114, %get3A_693] : memref<892x64xf32, #tpu.memory_space<vmem>>[vector<16xi32>, vector<16xi32>], vector<16xf32>,
        %gather3A_1122 = tpu.vector_load_idx %arg12[%gather3A_1117, %get3A_693] : memref<892x64xf32, #tpu.memory_space<vmem>>[vector<16xi32>, vector<16xi32>], vector<16xf32>,
        %gather3A_1123 = tpu.vector_load_idx %arg12[%gather3A_1120, %get3A_693] : memref<892x64xf32, #tpu.memory_space<vmem>>[vector<16xi32>, vector<16xi32>], vector<16xf32>,
        %add3A_1124 = arith.addf %gather3A_1122, %gather3A_1123 : vector<16xf32>
        %add3A_1125 = arith.addf %gather3A_1121, %add3A_1124 : vector<16xf32>
        %gather3A_1126 = tpu.vector_load_idx %arg12[%gather3A_1114, %get3A_695] : memref<892x64xf32, #tpu.memory_space<vmem>>[vector<16xi32>, vector<16xi32>], vector<16xf32>,
        %gather3A_1127 = tpu.vector_load_idx %arg12[%gather3A_1117, %get3A_695] : memref<892x64xf32, #tpu.memory_space<vmem>>[vector<16xi32>, vector<16xi32>], vector<16xf32>,
        %gather3A_1128 = tpu.vector_load_idx %arg12[%gather3A_1120, %get3A_695] : memref<892x64xf32, #tpu.memory_space<vmem>>[vector<16xi32>, vector<16xi32>], vector<16xf32>,
        %add3A_1129 = arith.addf %gather3A_1127, %gather3A_1128 : vector<16xf32>
        %add3A_1130 = arith.addf %gather3A_1126, %add3A_1129 : vector<16xf32>
        %gather3A_1131 = tpu.vector_load_idx %arg12[%gather3A_1114, %get3A_697] : memref<892x64xf32, #tpu.memory_space<vmem>>[vector<16xi32>, vector<16xi32>], vector<16xf32>,
        %gather3A_1132 = tpu.vector_load_idx %arg12[%gather3A_1117, %get3A_697] : memref<892x64xf32, #tpu.memory_space<vmem>>[vector<16xi32>, vector<16xi32>], vector<16xf32>,
        %gather3A_1133 = tpu.vector_load_idx %arg12[%gather3A_1120, %get3A_697] : memref<892x64xf32, #tpu.memory_space<vmem>>[vector<16xi32>, vector<16xi32>], vector<16xf32>,
        %add3A_1134 = arith.addf %gather3A_1132, %gather3A_1133 : vector<16xf32>
        %add3A_1135 = arith.addf %gather3A_1131, %add3A_1134 : vector<16xf32>
        %gather3A_1136 = tpu.vector_load_idx %arg12[%gather3A_1114, %get3A_699] : memref<892x64xf32, #tpu.memory_space<vmem>>[vector<16xi32>, vector<16xi32>], vector<16xf32>,
        %gather3A_1137 = tpu.vector_load_idx %arg12[%gather3A_1117, %get3A_699] : memref<892x64xf32, #tpu.memory_space<vmem>>[vector<16xi32>, vector<16xi32>], vector<16xf32>,
        %gather3A_1138 = tpu.vector_load_idx %arg12[%gather3A_1120, %get3A_699] : memref<892x64xf32, #tpu.memory_space<vmem>>[vector<16xi32>, vector<16xi32>], vector<16xf32>,
        %add3A_1139 = arith.addf %gather3A_1137, %gather3A_1138 : vector<16xf32>
        %add3A_1140 = arith.addf %gather3A_1136, %add3A_1139 : vector<16xf32>
        %get3A_1141 = arith.constant 208 : index
        %get3A_1142 = tpu.vector_load %arg15[%get3A_1141] {strides = array<i32>} : memref<1120xi32, #tpu.memory_space<vmem>>, vector<16xi32>,
        %reshape3A_1143 = vector.shape_cast %get3A_1142 : vector<16xi32> to vector<16x1xi32>
        %gather3A_1144 = vector.shape_cast %reshape3A_1143 : vector<16x1xi32> to vector<16xi32>
        %gather3A_1145 = tpu.dynamic_gather %get3A_679[%gather3A_1144] in [0] : vector<16xi32>, vector<16xi32> -> vector<16xi32>
        %reshape3A_1146 = vector.shape_cast %get3A_1142 : vector<16xi32> to vector<16x1xi32>
        %gather3A_1147 = vector.shape_cast %reshape3A_1146 : vector<16x1xi32> to vector<16xi32>
        %gather3A_1148 = tpu.dynamic_gather %get3A_683[%gather3A_1147] in [0] : vector<16xi32>, vector<16xi32> -> vector<16xi32>
        %reshape3A_1149 = vector.shape_cast %get3A_1142 : vector<16xi32> to vector<16x1xi32>
        %gather3A_1150 = vector.shape_cast %reshape3A_1149 : vector<16x1xi32> to vector<16xi32>
        %gather3A_1151 = tpu.dynamic_gather %get3A_687[%gather3A_1150] in [0] : vector<16xi32>, vector<16xi32> -> vector<16xi32>
        %reshape3A_1152 = vector.shape_cast %get3A_1142 : vector<16xi32> to vector<16x1xi32>
        %gather3A_1153 = vector.shape_cast %reshape3A_1152 : vector<16x1xi32> to vector<16xi32>
        %gather3A_1154 = tpu.dynamic_gather %get3A_691[%gather3A_1153] in [0] : vector<16xi32>, vector<16xi32> -> vector<16xi32>
        %gather3A_1155 = tpu.vector_load_idx %arg12[%gather3A_1148, %get3A_693] : memref<892x64xf32, #tpu.memory_space<vmem>>[vector<16xi32>, vector<16xi32>], vector<16xf32>,
        %gather3A_1156 = tpu.vector_load_idx %arg12[%gather3A_1151, %get3A_693] : memref<892x64xf32, #tpu.memory_space<vmem>>[vector<16xi32>, vector<16xi32>], vector<16xf32>,
        %gather3A_1157 = tpu.vector_load_idx %arg12[%gather3A_1154, %get3A_693] : memref<892x64xf32, #tpu.memory_space<vmem>>[vector<16xi32>, vector<16xi32>], vector<16xf32>,
        %add3A_1158 = arith.addf %gather3A_1156, %gather3A_1157 : vector<16xf32>
        %add3A_1159 = arith.addf %gather3A_1155, %add3A_1158 : vector<16xf32>
        %gather3A_1160 = tpu.vector_load_idx %arg12[%gather3A_1148, %get3A_695] : memref<892x64xf32, #tpu.memory_space<vmem>>[vector<16xi32>, vector<16xi32>], vector<16xf32>,
        %gather3A_1161 = tpu.vector_load_idx %arg12[%gather3A_1151, %get3A_695] : memref<892x64xf32, #tpu.memory_space<vmem>>[vector<16xi32>, vector<16xi32>], vector<16xf32>,
        %gather3A_1162 = tpu.vector_load_idx %arg12[%gather3A_1154, %get3A_695] : memref<892x64xf32, #tpu.memory_space<vmem>>[vector<16xi32>, vector<16xi32>], vector<16xf32>,
        %add3A_1163 = arith.addf %gather3A_1161, %gather3A_1162 : vector<16xf32>
        %add3A_1164 = arith.addf %gather3A_1160, %add3A_1163 : vector<16xf32>
        %gather3A_1165 = tpu.vector_load_idx %arg12[%gather3A_1148, %get3A_697] : memref<892x64xf32, #tpu.memory_space<vmem>>[vector<16xi32>, vector<16xi32>], vector<16xf32>,
        %gather3A_1166 = tpu.vector_load_idx %arg12[%gather3A_1151, %get3A_697] : memref<892x64xf32, #tpu.memory_space<vmem>>[vector<16xi32>, vector<16xi32>], vector<16xf32>,
        %gather3A_1167 = tpu.vector_load_idx %arg12[%gather3A_1154, %get3A_697] : memref<892x64xf32, #tpu.memory_space<vmem>>[vector<16xi32>, vector<16xi32>], vector<16xf32>,
        %add3A_1168 = arith.addf %gather3A_1166, %gather3A_1167 : vector<16xf32>
        %add3A_1169 = arith.addf %gather3A_1165, %add3A_1168 : vector<16xf32>
        %gather3A_1170 = tpu.vector_load_idx %arg12[%gather3A_1148, %get3A_699] : memref<892x64xf32, #tpu.memory_space<vmem>>[vector<16xi32>, vector<16xi32>], vector<16xf32>,
        %gather3A_1171 = tpu.vector_load_idx %arg12[%gather3A_1151, %get3A_699] : memref<892x64xf32, #tpu.memory_space<vmem>>[vector<16xi32>, vector<16xi32>], vector<16xf32>,
        %gather3A_1172 = tpu.vector_load_idx %arg12[%gather3A_1154, %get3A_699] : memref<892x64xf32, #tpu.memory_space<vmem>>[vector<16xi32>, vector<16xi32>], vector<16xf32>,
        %add3A_1173 = arith.addf %gather3A_1171, %gather3A_1172 : vector<16xf32>
        %add3A_1174 = arith.addf %gather3A_1170, %add3A_1173 : vector<16xf32>
        %get3A_1175 = arith.constant 224 : index
        %get3A_1176 = tpu.vector_load %arg15[%get3A_1175] {strides = array<i32>} : memref<1120xi32, #tpu.memory_space<vmem>>, vector<16xi32>,
        %reshape3A_1177 = vector.shape_cast %get3A_1176 : vector<16xi32> to vector<16x1xi32>
        %gather3A_1178 = vector.shape_cast %reshape3A_1177 : vector<16x1xi32> to vector<16xi32>
        %gather3A_1179 = tpu.dynamic_gather %get3A_679[%gather3A_1178] in [0] : vector<16xi32>, vector<16xi32> -> vector<16xi32>
        %reshape3A_1180 = vector.shape_cast %get3A_1176 : vector<16xi32> to vector<16x1xi32>
        %gather3A_1181 = vector.shape_cast %reshape3A_1180 : vector<16x1xi32> to vector<16xi32>
        %gather3A_1182 = tpu.dynamic_gather %get3A_683[%gather3A_1181] in [0] : vector<16xi32>, vector<16xi32> -> vector<16xi32>
        %reshape3A_1183 = vector.shape_cast %get3A_1176 : vector<16xi32> to vector<16x1xi32>
        %gather3A_1184 = vector.shape_cast %reshape3A_1183 : vector<16x1xi32> to vector<16xi32>
        %gather3A_1185 = tpu.dynamic_gather %get3A_687[%gather3A_1184] in [0] : vector<16xi32>, vector<16xi32> -> vector<16xi32>
        %reshape3A_1186 = vector.shape_cast %get3A_1176 : vector<16xi32> to vector<16x1xi32>
        %gather3A_1187 = vector.shape_cast %reshape3A_1186 : vector<16x1xi32> to vector<16xi32>
        %gather3A_1188 = tpu.dynamic_gather %get3A_691[%gather3A_1187] in [0] : vector<16xi32>, vector<16xi32> -> vector<16xi32>
        %gather3A_1189 = tpu.vector_load_idx %arg12[%gather3A_1182, %get3A_693] : memref<892x64xf32, #tpu.memory_space<vmem>>[vector<16xi32>, vector<16xi32>], vector<16xf32>,
        %gather3A_1190 = tpu.vector_load_idx %arg12[%gather3A_1185, %get3A_693] : memref<892x64xf32, #tpu.memory_space<vmem>>[vector<16xi32>, vector<16xi32>], vector<16xf32>,
        %gather3A_1191 = tpu.vector_load_idx %arg12[%gather3A_1188, %get3A_693] : memref<892x64xf32, #tpu.memory_space<vmem>>[vector<16xi32>, vector<16xi32>], vector<16xf32>,
        %add3A_1192 = arith.addf %gather3A_1190, %gather3A_1191 : vector<16xf32>
        %add3A_1193 = arith.addf %gather3A_1189, %add3A_1192 : vector<16xf32>
        %gather3A_1194 = tpu.vector_load_idx %arg12[%gather3A_1182, %get3A_695] : memref<892x64xf32, #tpu.memory_space<vmem>>[vector<16xi32>, vector<16xi32>], vector<16xf32>,
        %gather3A_1195 = tpu.vector_load_idx %arg12[%gather3A_1185, %get3A_695] : memref<892x64xf32, #tpu.memory_space<vmem>>[vector<16xi32>, vector<16xi32>], vector<16xf32>,
        %gather3A_1196 = tpu.vector_load_idx %arg12[%gather3A_1188, %get3A_695] : memref<892x64xf32, #tpu.memory_space<vmem>>[vector<16xi32>, vector<16xi32>], vector<16xf32>,
        %add3A_1197 = arith.addf %gather3A_1195, %gather3A_1196 : vector<16xf32>
        %add3A_1198 = arith.addf %gather3A_1194, %add3A_1197 : vector<16xf32>
        %gather3A_1199 = tpu.vector_load_idx %arg12[%gather3A_1182, %get3A_697] : memref<892x64xf32, #tpu.memory_space<vmem>>[vector<16xi32>, vector<16xi32>], vector<16xf32>,
        %gather3A_1200 = tpu.vector_load_idx %arg12[%gather3A_1185, %get3A_697] : memref<892x64xf32, #tpu.memory_space<vmem>>[vector<16xi32>, vector<16xi32>], vector<16xf32>,
        %gather3A_1201 = tpu.vector_load_idx %arg12[%gather3A_1188, %get3A_697] : memref<892x64xf32, #tpu.memory_space<vmem>>[vector<16xi32>, vector<16xi32>], vector<16xf32>,
        %add3A_1202 = arith.addf %gather3A_1200, %gather3A_1201 : vector<16xf32>
        %add3A_1203 = arith.addf %gather3A_1199, %add3A_1202 : vector<16xf32>
        %gather3A_1204 = tpu.vector_load_idx %arg12[%gather3A_1182, %get3A_699] : memref<892x64xf32, #tpu.memory_space<vmem>>[vector<16xi32>, vector<16xi32>], vector<16xf32>,
        %gather3A_1205 = tpu.vector_load_idx %arg12[%gather3A_1185, %get3A_699] : memref<892x64xf32, #tpu.memory_space<vmem>>[vector<16xi32>, vector<16xi32>], vector<16xf32>,
        %gather3A_1206 = tpu.vector_load_idx %arg12[%gather3A_1188, %get3A_699] : memref<892x64xf32, #tpu.memory_space<vmem>>[vector<16xi32>, vector<16xi32>], vector<16xf32>,
        %add3A_1207 = arith.addf %gather3A_1205, %gather3A_1206 : vector<16xf32>
        %add3A_1208 = arith.addf %gather3A_1204, %add3A_1207 : vector<16xf32>
        %get3A_1209 = arith.constant 240 : index
        %get3A_1210 = tpu.vector_load %arg15[%get3A_1209] {strides = array<i32>} : memref<1120xi32, #tpu.memory_space<vmem>>, vector<16xi32>,
        %reshape3A_1211 = vector.shape_cast %get3A_1210 : vector<16xi32> to vector<16x1xi32>
        %gather3A_1212 = vector.shape_cast %reshape3A_1211 : vector<16x1xi32> to vector<16xi32>
        %gather3A_1213 = tpu.dynamic_gather %get3A_679[%gather3A_1212] in [0] : vector<16xi32>, vector<16xi32> -> vector<16xi32>
        %reshape3A_1214 = vector.shape_cast %get3A_1210 : vector<16xi32> to vector<16x1xi32>
        %gather3A_1215 = vector.shape_cast %reshape3A_1214 : vector<16x1xi32> to vector<16xi32>
        %gather3A_1216 = tpu.dynamic_gather %get3A_683[%gather3A_1215] in [0] : vector<16xi32>, vector<16xi32> -> vector<16xi32>
        %reshape3A_1217 = vector.shape_cast %get3A_1210 : vector<16xi32> to vector<16x1xi32>
        %gather3A_1218 = vector.shape_cast %reshape3A_1217 : vector<16x1xi32> to vector<16xi32>
        %gather3A_1219 = tpu.dynamic_gather %get3A_687[%gather3A_1218] in [0] : vector<16xi32>, vector<16xi32> -> vector<16xi32>
        %reshape3A_1220 = vector.shape_cast %get3A_1210 : vector<16xi32> to vector<16x1xi32>
        %gather3A_1221 = vector.shape_cast %reshape3A_1220 : vector<16x1xi32> to vector<16xi32>
        %gather3A_1222 = tpu.dynamic_gather %get3A_691[%gather3A_1221] in [0] : vector<16xi32>, vector<16xi32> -> vector<16xi32>
        %gather3A_1223 = tpu.vector_load_idx %arg12[%gather3A_1216, %get3A_693] : memref<892x64xf32, #tpu.memory_space<vmem>>[vector<16xi32>, vector<16xi32>], vector<16xf32>,
        %gather3A_1224 = tpu.vector_load_idx %arg12[%gather3A_1219, %get3A_693] : memref<892x64xf32, #tpu.memory_space<vmem>>[vector<16xi32>, vector<16xi32>], vector<16xf32>,
        %gather3A_1225 = tpu.vector_load_idx %arg12[%gather3A_1222, %get3A_693] : memref<892x64xf32, #tpu.memory_space<vmem>>[vector<16xi32>, vector<16xi32>], vector<16xf32>,
        %add3A_1226 = arith.addf %gather3A_1224, %gather3A_1225 : vector<16xf32>
        %add3A_1227 = arith.addf %gather3A_1223, %add3A_1226 : vector<16xf32>
        %gather3A_1228 = tpu.vector_load_idx %arg12[%gather3A_1216, %get3A_695] : memref<892x64xf32, #tpu.memory_space<vmem>>[vector<16xi32>, vector<16xi32>], vector<16xf32>,
        %gather3A_1229 = tpu.vector_load_idx %arg12[%gather3A_1219, %get3A_695] : memref<892x64xf32, #tpu.memory_space<vmem>>[vector<16xi32>, vector<16xi32>], vector<16xf32>,
        %gather3A_1230 = tpu.vector_load_idx %arg12[%gather3A_1222, %get3A_695] : memref<892x64xf32, #tpu.memory_space<vmem>>[vector<16xi32>, vector<16xi32>], vector<16xf32>,
        %add3A_1231 = arith.addf %gather3A_1229, %gather3A_1230 : vector<16xf32>
        %add3A_1232 = arith.addf %gather3A_1228, %add3A_1231 : vector<16xf32>
        %gather3A_1233 = tpu.vector_load_idx %arg12[%gather3A_1216, %get3A_697] : memref<892x64xf32, #tpu.memory_space<vmem>>[vector<16xi32>, vector<16xi32>], vector<16xf32>,
        %gather3A_1234 = tpu.vector_load_idx %arg12[%gather3A_1219, %get3A_697] : memref<892x64xf32, #tpu.memory_space<vmem>>[vector<16xi32>, vector<16xi32>], vector<16xf32>,
        %gather3A_1235 = tpu.vector_load_idx %arg12[%gather3A_1222, %get3A_697] : memref<892x64xf32, #tpu.memory_space<vmem>>[vector<16xi32>, vector<16xi32>], vector<16xf32>,
        %add3A_1236 = arith.addf %gather3A_1234, %gather3A_1235 : vector<16xf32>
        %add3A_1237 = arith.addf %gather3A_1233, %add3A_1236 : vector<16xf32>
        %gather3A_1238 = tpu.vector_load_idx %arg12[%gather3A_1216, %get3A_699] : memref<892x64xf32, #tpu.memory_space<vmem>>[vector<16xi32>, vector<16xi32>], vector<16xf32>,
        %gather3A_1239 = tpu.vector_load_idx %arg12[%gather3A_1219, %get3A_699] : memref<892x64xf32, #tpu.memory_space<vmem>>[vector<16xi32>, vector<16xi32>], vector<16xf32>,
        %gather3A_1240 = tpu.vector_load_idx %arg12[%gather3A_1222, %get3A_699] : memref<892x64xf32, #tpu.memory_space<vmem>>[vector<16xi32>, vector<16xi32>], vector<16xf32>,
        %add3A_1241 = arith.addf %gather3A_1239, %gather3A_1240 : vector<16xf32>
        %add3A_1242 = arith.addf %gather3A_1238, %add3A_1241 : vector<16xf32>
        tpu.vector_store_idx %arg17[%gather3A_975, %get3A_693], %add3A_989 {add = true} : memref<408x64xf32, #tpu.memory_space<vmem>>[vector<16xi32>, vector<16xi32>], vector<16xf32>,
        tpu.vector_store_idx %arg17[%gather3A_975, %get3A_695], %add3A_994 {add = true} : memref<408x64xf32, #tpu.memory_space<vmem>>[vector<16xi32>, vector<16xi32>], vector<16xf32>,
        tpu.vector_store_idx %arg17[%gather3A_975, %get3A_697], %add3A_999 {add = true} : memref<408x64xf32, #tpu.memory_space<vmem>>[vector<16xi32>, vector<16xi32>], vector<16xf32>,
        tpu.vector_store_idx %arg17[%gather3A_975, %get3A_699], %add3A_1004 {add = true} : memref<408x64xf32, #tpu.memory_space<vmem>>[vector<16xi32>, vector<16xi32>], vector<16xf32>,
        tpu.vector_store_idx %arg17[%gather3A_1009, %get3A_693], %add3A_1023 {add = true} : memref<408x64xf32, #tpu.memory_space<vmem>>[vector<16xi32>, vector<16xi32>], vector<16xf32>,
        tpu.vector_store_idx %arg17[%gather3A_1009, %get3A_695], %add3A_1028 {add = true} : memref<408x64xf32, #tpu.memory_space<vmem>>[vector<16xi32>, vector<16xi32>], vector<16xf32>,
        tpu.vector_store_idx %arg17[%gather3A_1009, %get3A_697], %add3A_1033 {add = true} : memref<408x64xf32, #tpu.memory_space<vmem>>[vector<16xi32>, vector<16xi32>], vector<16xf32>,
        tpu.vector_store_idx %arg17[%gather3A_1009, %get3A_699], %add3A_1038 {add = true} : memref<408x64xf32, #tpu.memory_space<vmem>>[vector<16xi32>, vector<16xi32>], vector<16xf32>,
        tpu.vector_store_idx %arg17[%gather3A_1043, %get3A_693], %add3A_1057 {add = true} : memref<408x64xf32, #tpu.memory_space<vmem>>[vector<16xi32>, vector<16xi32>], vector<16xf32>,
        tpu.vector_store_idx %arg17[%gather3A_1043, %get3A_695], %add3A_1062 {add = true} : memref<408x64xf32, #tpu.memory_space<vmem>>[vector<16xi32>, vector<16xi32>], vector<16xf32>,
        tpu.vector_store_idx %arg17[%gather3A_1043, %get3A_697], %add3A_1067 {add = true} : memref<408x64xf32, #tpu.memory_space<vmem>>[vector<16xi32>, vector<16xi32>], vector<16xf32>,
        tpu.vector_store_idx %arg17[%gather3A_1043, %get3A_699], %add3A_1072 {add = true} : memref<408x64xf32, #tpu.memory_space<vmem>>[vector<16xi32>, vector<16xi32>], vector<16xf32>,
        tpu.vector_store_idx %arg17[%gather3A_1077, %get3A_693], %add3A_1091 {add = true} : memref<408x64xf32, #tpu.memory_space<vmem>>[vector<16xi32>, vector<16xi32>], vector<16xf32>,
        tpu.vector_store_idx %arg17[%gather3A_1077, %get3A_695], %add3A_1096 {add = true} : memref<408x64xf32, #tpu.memory_space<vmem>>[vector<16xi32>, vector<16xi32>], vector<16xf32>,
        tpu.vector_store_idx %arg17[%gather3A_1077, %get3A_697], %add3A_1101 {add = true} : memref<408x64xf32, #tpu.memory_space<vmem>>[vector<16xi32>, vector<16xi32>], vector<16xf32>,
        tpu.vector_store_idx %arg17[%gather3A_1077, %get3A_699], %add3A_1106 {add = true} : memref<408x64xf32, #tpu.memory_space<vmem>>[vector<16xi32>, vector<16xi32>], vector<16xf32>,
        tpu.vector_store_idx %arg17[%gather3A_1111, %get3A_693], %add3A_1125 {add = true} : memref<408x64xf32, #tpu.memory_space<vmem>>[vector<16xi32>, vector<16xi32>], vector<16xf32>,
        tpu.vector_store_idx %arg17[%gather3A_1111, %get3A_695], %add3A_1130 {add = true} : memref<408x64xf32, #tpu.memory_space<vmem>>[vector<16xi32>, vector<16xi32>], vector<16xf32>,
        tpu.vector_store_idx %arg17[%gather3A_1111, %get3A_697], %add3A_1135 {add = true} : memref<408x64xf32, #tpu.memory_space<vmem>>[vector<16xi32>, vector<16xi32>], vector<16xf32>,
        tpu.vector_store_idx %arg17[%gather3A_1111, %get3A_699], %add3A_1140 {add = true} : memref<408x64xf32, #tpu.memory_space<vmem>>[vector<16xi32>, vector<16xi32>], vector<16xf32>,
        tpu.vector_store_idx %arg17[%gather3A_1145, %get3A_693], %add3A_1159 {add = true} : memref<408x64xf32, #tpu.memory_space<vmem>>[vector<16xi32>, vector<16xi32>], vector<16xf32>,
        tpu.vector_store_idx %arg17[%gather3A_1145, %get3A_695], %add3A_1164 {add = true} : memref<408x64xf32, #tpu.memory_space<vmem>>[vector<16xi32>, vector<16xi32>], vector<16xf32>,
        tpu.vector_store_idx %arg17[%gather3A_1145, %get3A_697], %add3A_1169 {add = true} : memref<408x64xf32, #tpu.memory_space<vmem>>[vector<16xi32>, vector<16xi32>], vector<16xf32>,
        tpu.vector_store_idx %arg17[%gather3A_1145, %get3A_699], %add3A_1174 {add = true} : memref<408x64xf32, #tpu.memory_space<vmem>>[vector<16xi32>, vector<16xi32>], vector<16xf32>,
        tpu.vector_store_idx %arg17[%gather3A_1179, %get3A_693], %add3A_1193 {add = true} : memref<408x64xf32, #tpu.memory_space<vmem>>[vector<16xi32>, vector<16xi32>], vector<16xf32>,
        tpu.vector_store_idx %arg17[%gather3A_1179, %get3A_695], %add3A_1198 {add = true} : memref<408x64xf32, #tpu.memory_space<vmem>>[vector<16xi32>, vector<16xi32>], vector<16xf32>,
        tpu.vector_store_idx %arg17[%gather3A_1179, %get3A_697], %add3A_1203 {add = true} : memref<408x64xf32, #tpu.memory_space<vmem>>[vector<16xi32>, vector<16xi32>], vector<16xf32>,
        tpu.vector_store_idx %arg17[%gather3A_1179, %get3A_699], %add3A_1208 {add = true} : memref<408x64xf32, #tpu.memory_space<vmem>>[vector<16xi32>, vector<16xi32>], vector<16xf32>,
        tpu.vector_store_idx %arg17[%gather3A_1213, %get3A_693], %add3A_1227 {add = true} : memref<408x64xf32, #tpu.memory_space<vmem>>[vector<16xi32>, vector<16xi32>], vector<16xf32>,
        tpu.vector_store_idx %arg17[%gather3A_1213, %get3A_695], %add3A_1232 {add = true} : memref<408x64xf32, #tpu.memory_space<vmem>>[vector<16xi32>, vector<16xi32>], vector<16xf32>,
        tpu.vector_store_idx %arg17[%gather3A_1213, %get3A_697], %add3A_1237 {add = true} : memref<408x64xf32, #tpu.memory_space<vmem>>[vector<16xi32>, vector<16xi32>], vector<16xf32>,
        tpu.vector_store_idx %arg17[%gather3A_1213, %get3A_699], %add3A_1242 {add = true} : memref<408x64xf32, #tpu.memory_space<vmem>>[vector<16xi32>, vector<16xi32>], vector<16xf32>,
      }
      %scan3A_658 = arith.constant 25 : i32
      %mul3A_659 = arith.constant 8 : i32
      %mul3A_660 = arith.muli %add3A_513, %mul3A_659 : i32
      %add3A_661 = arith.addi %mul3A_2, %mul3A_660 : i32
      %mul3A_662 = arith.constant 51 : i32
      %mul3A_663 = arith.muli %add3A_661, %mul3A_662 : i32
      %dma_start3A_664 = arith.constant 0 : i32
      %dma_start3A_665 = tpu.memref_slice %arg11[%mul3A_663, %dma_start3A_664] : memref<208896x64xf32, #tpu.memory_space<hbm>> -> memref<408x64xf32, #tpu.memory_space<hbm>>
      %dma_start3A_666 = arith.constant 0 : i32
      %dma_start3A_667 = tpu.memref_slice %arg11[%mul3A_663, %dma_start3A_666] : memref<208896x64xf32, #tpu.memory_space<hbm>> -> memref<408x64xf32, #tpu.memory_space<hbm>>
      tpu.enqueue_dma source(%arg17 : memref<408x64xf32, #tpu.memory_space<vmem>>) target(%dma_start3A_667 : memref<408x64xf32, #tpu.memory_space<hbm>>) target_semaphore(%arg29 : memref<!tpu.dma_semaphore, #tpu.memory_space<semaphore_mem>>)
      %add3A_668 = arith.constant 2 : i32
      %add3A_669 = arith.addi %add3A_513, %add3A_668 : i32
      %lt3A_670 = arith.constant 16 : i32
      %lt3A_671 = arith.cmpi slt, %add3A_669, %lt3A_670 : i32
      %convert_element_type3A_672 = arith.extui %lt3A_671 : i1 to i32
      %cond3A_673 = arith.constant 0 : i32
      %cond3A_674 = arith.cmpi ne, %convert_element_type3A_672, %cond3A_673 : i32
      scf.if %cond3A_674 {
        %add3A_675 = arith.constant 2 : i32
        %add3A_676 = arith.addi %add3A_513, %add3A_675 : i32
        %mul3A_677 = arith.constant 8 : i32
        %mul3A_678 = arith.muli %add3A_676, %mul3A_677 : i32
        %add3A_679 = arith.addi %mul3A_2, %mul3A_678 : i32
        %mul3A_680 = arith.constant 50 : i32
        %mul3A_681 = arith.muli %add3A_679, %mul3A_680 : i32
        %dma_start3A_682 = arith.constant 0 : i32
        %dma_start3A_683 = tpu.memref_slice %arg21[%dma_start3A_682] : memref<1200xi32, #tpu.memory_space<vmem>> -> memref<400xi32, #tpu.memory_space<vmem>>
        %dma_start3A_684 = tpu.memref_slice %arg5[%mul3A_681] : memref<204800xi32, #tpu.memory_space<hbm>> -> memref<400xi32, #tpu.memory_space<hbm>>
        %dma_start3A_685 = arith.constant 0 : i32
        %dma_start3A_686 = tpu.memref_slice %arg21[%dma_start3A_685] : memref<1200xi32, #tpu.memory_space<vmem>> -> memref<400xi32, #tpu.memory_space<vmem>>
        %dma_start3A_687 = tpu.memref_slice %arg5[%mul3A_681] : memref<204800xi32, #tpu.memory_space<hbm>> -> memref<400xi32, #tpu.memory_space<hbm>>
        tpu.enqueue_dma source(%dma_start3A_687 : memref<400xi32, #tpu.memory_space<hbm>>) target(%dma_start3A_686 : memref<400xi32, #tpu.memory_space<vmem>>) target_semaphore(%arg25 : memref<!tpu.dma_semaphore, #tpu.memory_space<semaphore_mem>>)
        %dma_start3A_688 = arith.constant 400 : i32
        %dma_start3A_689 = tpu.memref_slice %arg21[%dma_start3A_688] : memref<1200xi32, #tpu.memory_space<vmem>> -> memref<400xi32, #tpu.memory_space<vmem>>
        %dma_start3A_690 = tpu.memref_slice %arg6[%mul3A_681] : memref<204800xi32, #tpu.memory_space<hbm>> -> memref<400xi32, #tpu.memory_space<hbm>>
        %dma_start3A_691 = arith.constant 400 : i32
        %dma_start3A_692 = tpu.memref_slice %arg21[%dma_start3A_691] : memref<1200xi32, #tpu.memory_space<vmem>> -> memref<400xi32, #tpu.memory_space<vmem>>
        %dma_start3A_693 = tpu.memref_slice %arg6[%mul3A_681] : memref<204800xi32, #tpu.memory_space<hbm>> -> memref<400xi32, #tpu.memory_space<hbm>>
        tpu.enqueue_dma source(%dma_start3A_693 : memref<400xi32, #tpu.memory_space<hbm>>) target(%dma_start3A_692 : memref<400xi32, #tpu.memory_space<vmem>>) target_semaphore(%arg25 : memref<!tpu.dma_semaphore, #tpu.memory_space<semaphore_mem>>)
        %dma_start3A_694 = arith.constant 800 : i32
        %dma_start3A_695 = tpu.memref_slice %arg21[%dma_start3A_694] : memref<1200xi32, #tpu.memory_space<vmem>> -> memref<400xi32, #tpu.memory_space<vmem>>
        %dma_start3A_696 = tpu.memref_slice %arg7[%mul3A_681] : memref<204800xi32, #tpu.memory_space<hbm>> -> memref<400xi32, #tpu.memory_space<hbm>>
        %dma_start3A_697 = arith.constant 800 : i32
        %dma_start3A_698 = tpu.memref_slice %arg21[%dma_start3A_697] : memref<1200xi32, #tpu.memory_space<vmem>> -> memref<400xi32, #tpu.memory_space<vmem>>
        %dma_start3A_699 = tpu.memref_slice %arg7[%mul3A_681] : memref<204800xi32, #tpu.memory_space<hbm>> -> memref<400xi32, #tpu.memory_space<hbm>>
        tpu.enqueue_dma source(%dma_start3A_699 : memref<400xi32, #tpu.memory_space<hbm>>) target(%dma_start3A_698 : memref<400xi32, #tpu.memory_space<vmem>>) target_semaphore(%arg25 : memref<!tpu.dma_semaphore, #tpu.memory_space<semaphore_mem>>)
      } else {
      }
    }
    %scan3A_341 = arith.constant 8 : i32
    %dma_wait3A_342 = arith.constant 0 : i32
    %dma_wait3A_343 = arith.constant 0 : i32
    %dma_wait3A_344 = tpu.memref_slice %arg11[%dma_wait3A_342, %dma_wait3A_343] : memref<208896x64xf32, #tpu.memory_space<hbm>> -> memref<408x64xf32, #tpu.memory_space<hbm>>
    %dma_wait3A_345 = arith.constant 0 : i32
    %dma_wait3A_346 = arith.constant 0 : i32
    %dma_wait3A_347 = tpu.memref_slice %arg11[%dma_wait3A_345, %dma_wait3A_346] : memref<208896x64xf32, #tpu.memory_space<hbm>> -> memref<408x64xf32, #tpu.memory_space<hbm>>
    tpu.wait_dma2 semaphore(%arg29 : memref<!tpu.dma_semaphore, #tpu.memory_space<semaphore_mem>>) src(%arg17 : memref<408x64xf32, #tpu.memory_space<vmem>>) dst(%dma_wait3A_347 : memref<408x64xf32, #tpu.memory_space<hbm>>)
    return
  }
}

</mosaic_0001>

<sc_bundles>
// kernel: kernel.3.cloned.1.call-start
scs
__scs_entry_jumppad:
0x0: {  	(pc) =	sbr.rel $0x88, $3  }
0x1: {  	(tag) =	ssettag $0x0;
	lr =	simm.s32 $0x1  }
0x2: {  	[smem:$0x3F97] =	sst lr;
	_ =	strace $0xD0000000  }
0x3: {  	_ = 	snop  }
0x4: {  	_ = 	snop  }
0x5: {  	_ = 	snop  }
0x6: {  	_ = 	snop  }
0x7: {  	_ = 	snop  }
__scs_overlays_trampoline_lowered:
0x8: {  	[smem:$0x3FA6] =	sst s0  }
0x9: {  	[smem:$0x3FA7] =	sst s1  }
0xa: {  	[smem:$0x3FA8] =	sst s2  }
0xb: {  	[smem:$0x3FA9] =	sst s3  }
0xc: {  	[smem:$0x3FAA] =	sst s4  }
0xd: {  	[smem:$0x3FAB] =	sst s5  }
0xe: {  	[smem:$0x3FAC] =	sst s6  }
0xf: {  	[smem:$0x3FAD] =	sst s7  }
0x10: {  	[smem:$0x3FAE] =	sst s8  }
0x11: {  	[smem:$0x3FAF] =	sst s9;
	s0 =	simm.s32 @!p0 $0x0  }
0x12: {  	s1 =	sld [smem:$0x3F95];
	s0 =	simm.s32 @p0 $0x1  }
0x13: {  	[smem:$0x3FB0] =	sst s0;
	s0 =	simm.s32 @!p1 $0x0  }
0x14: {  	s2 =	sld [smem:$0x3F94];
	s0 =	simm.s32 @p1 $0x1  }
0x15: {  	[smem:$0x3FB1] =	sst s0;
	s0 =	simm.s32 @!p2 $0x0  }
0x16: {  	s3 =	sld [smem:$0x3FDB];
	s0 =	simm.s32 @p2 $0x1  }
0x17: {  	s4 =	simm.s32 $0x1BF5;
	[smem:$0x3FB3] =	sst s0  }
0x18: {  	s0 =	sld [smem:$0x3F96];
	_ =	swait.ge [sflag:s4], $0x0  }
0x19: {  	s7 =	sld [smem:$0x3F97]  }
0x1a: {  	s8 =	sadd.s32 $0xFFFFE003, lr  }
0x1b: {  	s9 =	sadd.s32 $0xFFFFFEF7, lr;
	s5 =	simm.s32 $0xFFFFFFFF;
	p2 =	slt.u32 s8, $0xFFFFF086  }
0x1c: {  	p1 =	slt.u32 s9, $0xF7A;
	s5 =	simm.s32 @!p2 $0x0  }
0x1d: {  	s5 =	simm.s32 @p1 $0x1;
	p0 =	seq.s32 s7, s2  }
0x1e: {  	s7 =	smul.u32 @!p0 $0xF7A, s2;
	p2 =	seq.s32 @!p0 s5, $0x0  }
0x1f: {  	s9 =	smul.u32 $0xF7A, s1;
	s8 =	simm.s32 @!p0 $0x1BF5;
	p2 =	por !p2, p0  }
0x20: {  	[sflag:s8] =	ssyncset.s32 @!p0 $0xFFFFF086;
	s6 =	sadd.s32 @!p0 s3, s7;
	s7 =	simm.s32 @!p0 $0x108  }
0x21: {  	s3 =	sadd.s32 s3, s9;
	s6 =	sadd.s32 @!p0 $0x88, s6;
	s7 =	simm.s32 @p2 $0x1082  }
0x22: {  	[simem:s7], [sflag:s8] =	dma.local @!p0 [hbm:s6], $0xF7A  }
0x23: {  	s9 =	sor.u32 $0xD0000000, s2;
	s6 =	simm.s32 $0x108;
	_ =	swait.ge @!p0 [sflag:s8], $0x0  }
0x24: {  	s3 =	sadd.s32 $0x88, s3;
	s6 =	simm.s32 @!p1 $0x1082;
	[sflag:s4] =	ssyncset.s32 $0xFFFFF086  }
0x25: {  	[simem:s6], [sflag:s4] =	dma.local [hbm:s3], $0xF7A  }
0x26: {  	[smem:$0x3F97] =	sst s1;
	(tag) =	ssettag s2;
	_ =	strace s9  }
0x27: {  	s1 =	sld [smem:$0x3FA7]  }
0x28: {  	s2 =	sld [smem:$0x3FA8]  }
0x29: {  	s4 =	sld [smem:$0x3FAA]  }
0x2a: {  	p0 =	seq.s32 s5, $0x0;
	s5 =	sld [smem:$0x3FAB]  }
0x2b: {  	s6 =	sld [smem:$0x3FAC]  }
0x2c: {  	s7 =	sld [smem:$0x3FAD]  }
0x2d: {  	s3 =	simm.s32 $0x108;
	s8 =	sld [smem:$0x3FAE]  }
0x2e: {  	s3 =	simm.s32 @!p0 $0x1082;
	s9 =	sld [smem:$0x3FAF]  }
0x2f: {  	lr =	sadd.s32 s0, s3;
	s0 =	sld [smem:$0x3FA6]  }
0x30: {  	s3 =	sld [smem:$0x3FA9]  }
0x31: {  	[smem:$0x3FB2] =	sst s10  }
0x32: {  	s10 =	sld [smem:$0x3FB0];
	_ =	sdelay $0x3  }
0x33: {  	p0 =	seq.s32 s10, $0x1;
	s10 =	sld [smem:$0x3FB2];
	_ =	sdelay $0x3  }
0x34: {  	[smem:$0x3FB2] =	sst s10  }
0x35: {  	s10 =	sld [smem:$0x3FB1];
	_ =	sdelay $0x3  }
0x36: {  	p1 =	seq.s32 s10, $0x1;
	s10 =	sld [smem:$0x3FB2];
	_ =	sdelay $0x3  }
0x37: {  	[smem:$0x3FB2] =	sst s10  }
0x38: {  	s10 =	sld [smem:$0x3FB3]  }
0x39: {  	_ = 	snop;
	(pc) =	sbr.ind lr, $3  }
0x3a: {  	_ = 	snop  }
0x3b: {  	_ = 	snop  }
0x3c: {  	p2 =	seq.s32 s10, $0x1;
	s10 =	sld [smem:$0x3FB2]  }
0x3d: {  	_ =	shalt  }
0x3e: {  	_ =	shalt  }
0x3f: {  	_ =	shalt  }
0x40: {  	_ =	shalt  }
0x41: {  	_ =	shalt  }
0x42: {  	_ =	shalt  }
0x43: {  	_ =	shalt  }
0x44: {  	_ =	shalt  }
0x45: {  	_ =	shalt  }
0x46: {  	_ =	shalt  }
0x47: {  	_ =	shalt  }
0x48: {  	_ =	shalt  }
0x49: {  	_ =	shalt  }
0x4a: {  	_ =	shalt  }
0x4b: {  	_ =	shalt  }
0x4c: {  	_ =	shalt  }
0x4d: {  	_ =	shalt  }
0x4e: {  	_ =	shalt  }
0x4f: {  	_ =	shalt  }
0x50: {  	_ =	shalt  }
0x51: {  	_ =	shalt  }
0x52: {  	_ =	shalt  }
0x53: {  	_ =	shalt  }
0x54: {  	_ =	shalt  }
0x55: {  	_ =	shalt  }
0x56: {  	_ =	shalt  }
0x57: {  	_ =	shalt  }
0x58: {  	_ =	shalt  }
0x59: {  	_ =	shalt  }
0x5a: {  	_ =	shalt  }
0x5b: {  	_ =	shalt  }
0x5c: {  	_ =	shalt  }
0x5d: {  	_ =	shalt  }
0x5e: {  	_ =	shalt  }
0x5f: {  	_ =	shalt  }
0x60: {  	_ =	shalt  }
0x61: {  	_ =	shalt  }
0x62: {  	_ =	shalt  }
0x63: {  	_ =	shalt  }
0x64: {  	_ =	shalt  }
0x65: {  	_ =	shalt  }
0x66: {  	_ =	shalt  }
0x67: {  	_ =	shalt  }
0x68: {  	_ =	shalt  }
0x69: {  	_ =	shalt  }
0x6a: {  	_ =	shalt  }
0x6b: {  	_ =	shalt  }
0x6c: {  	_ =	shalt  }
0x6d: {  	_ =	shalt  }
0x6e: {  	_ =	shalt  }
0x6f: {  	_ =	shalt  }
0x70: {  	_ =	shalt  }
0x71: {  	_ =	shalt  }
0x72: {  	_ =	shalt  }
0x73: {  	_ =	shalt  }
0x74: {  	_ =	shalt  }
0x75: {  	_ =	shalt  }
0x76: {  	_ =	shalt  }
0x77: {  	_ =	shalt  }
0x78: {  	_ =	shalt  }
0x79: {  	_ =	shalt  }
0x7a: {  	_ =	shalt  }
0x7b: {  	_ =	shalt  }
0x7c: {  	_ =	shalt  }
0x7d: {  	_ =	shalt  }
0x7e: {  	_ =	shalt  }
0x7f: {  	_ =	shalt  }
0x80: {  	_ =	shalt  }
0x81: {  	_ =	shalt  }
0x82: {  	_ =	shalt  }
0x83: {  	_ =	shalt  }
0x84: {  	_ =	shalt  }
0x85: {  	_ =	shalt  }
0x86: {  	_ =	shalt  }
0x87: {  	_ =	shalt  }
.Lfunc_end0:
.L_simem_size_0:
called_computation.1_lowered:
.L_overlay_start_0:
0x88: {  	s2 =	sld [smem:$0x3FD9]  }
0x89: {  	s3 =	sld [smem:$0x3FFE];
	_ =	sdelay $0x1  }
0x8a: {  	s1 =	srdreg.scid  }
0x8b: {  	s0 =	sand.u32 $0x1, s1  }
0x8c: {  	s17 =	sshll.u32 s0, $0xA;
	s2 =	sadd.s32 s3, s2  }
0x8d: {  	s2 =	sadd.s32 s2, s17  }
0x8e: {  	[smem:$0x3FBE] =	sst s2  }
0x8f: {  	_ = 	snop  }
0x90: {  	s2 =	sld [smem:$0x3FC0]  }
0x91: {  	s18 =	sld [smem:$0x3FD0];
	(tm) =	ssettm $0x1  }
0x92: {  	s4 =	sld [smem:$0x3FFB];
	_ =	sdelay $0x3  }
0x93: {  	_ =	strace s4  }
0x94: {  	s4 =	sld [smem:$0x3FFC];
	_ =	sdelay $0x3  }
0x95: {  	_ =	strace s4  }
0x96: {  	s4 =	sld [smem:$0x3FFD];
	_ =	sdelay $0x3  }
0x97: {  	_ =	strace s4  }
0x98: {  	_ =	strace $0x8FFFFFFF  }
0x99: {  	s19 =	sld [smem:$0x3FDB];
	_ =	sdelay $0x1  }
0x9a: {  	s5 =	simm.s32 $_scs_section_size  }
0x9b: {  	s6 =	simm.s32 $_size__tile_overlayer_lowered;
	s7 =	simm.s32 $_tile_overlayer_lowered  }
0x9c: {  	s22 =	simm.s32 $0x1BFF;
	s21 =	sshll.u32 s7, $0x1;
	s4 =	sadd.s32 s5, s19  }
0x9d: {  	s8 =	simm.s32 $0x0;
	s20 =	sshll.u32 s6, $0x1;
	s6 =	sadd.s32 s21, s4  }
0x9e: {  	[timem:s8], [sflag:s22] =	dma.local [hbm:s6], s20  }
0x9f: {  	_ =	swait.ge [sflag:s22], s20  }
0xa0: {  	s5 =	ssub.s32 $0x0, s20;
	[sflag:s22] =	ssyncset.done $0x0  }
0xa1: {  	[sflag:s22] =	ssyncadd.s32 s5;
	_ =	sdelay $0x1  }
0xa2: {  	s23 =	simm.s32 $0x1B8B  }
0xa3: {  	_ =	swait.ge [sflag:s23], $0x1  }
0xa4: {  	[sflag:s23] =	ssyncset.done $0x0  }
0xa5: {  	s25 =	simm.s32 $0x1B8E;
	s24 =	sld [smem:$0x3FFE];
	[sflag:s23] =	ssyncadd.s32 $0xFFFFFFFF  }
0xa6: {  	s26 =	simm.s32 $execute0_lowered;
	[smem:$0x3FD2] =	sst s25  }
0xa7: {  	s6 =	sshll.u32 s26, $0x1;
	_ =	strace $0x80000046;
	[dreg:$0x1] =	wrdreg $0xFFFFFFFF  }
0xa8: {  	s28 =	simm.s32 $_size_execute0_lowered;
	s4 =	sadd.s32 s4, s6;
	[dreg:$0x0] =	wrdreg $0x0  }
0xa9: {  	s6 =	sshll.u32 s28, $0x1;
	[dreg:$0x2] =	wrdreg s4  }
0xaa: {  	[dreg:$0x3] =	wrdreg s6  }
0xab: {  	[dreg:$0x4] =	wrdreg $0xC0  }
0xac: {  	_ =	task [dreg:s8], $0x5FFFF  }
0xad: {  	[dreg:$0x1] =	wrdreg $0xFFFFFFFF  }
0xae: {  	[dreg:$0x0] =	wrdreg $0x60  }
0xaf: {  	[dreg:$0x2] =	wrdreg s24  }
0xb0: {  	[dreg:$0x3] =	wrdreg s2  }
0xb1: {  	[dreg:$0x4] =	wrdreg s18  }
0xb2: {  	[dreg:$0x5] =	wrdreg $0x9  }
0xb3: {  	_ =	task.clear_ibuf [dreg:s8], $0x6FFFF;
	_ =	strace $0x90000046  }
0xb4: {  	s29 =	simm.s32 $0x9;
	_ =	strace $0x80000048  }
0xb5: {  	_ =	swait.ge [sflag:s29], $0x1  }
0xb6: {  	[sflag:s29] =	ssyncadd.s32 $0xFFFFFFFF  }
0xb7: {  	_ =	strace $0x90000048  }
0xb8: {  	_ =	sfence  }
0xb9: {  	s30 =	sld [smem:$0x0];
	_ =	sdelay $0x2  }
0xba: {  	s31 =	sshll.u32 s1, $0xD;
	s1 =	sshrl.u32 s1, $0x2  }
0xbb: {  	s3 =	sand.u32 $0x4000, s31;
	s1 =	sadd.s32 s1, s30  }
0xbc: {  	s0 =	sor.u32 s3, s0;
	s1 =	sshll.u32 s1, $0x11  }
0xbd: {  	s0 =	sor.u32 s1, s0  }
0xbe: {  	s0 =	sadd.s32 $0x8F2B, s0  }
0xbf: {  	[sflag:s0] =	ssyncadd.remote.s32 $0x1  }
0xc0: {  	_ =	sfence.sel $0xFFFF  }
0xc1: {  	[dreg:$0x0] =	wrdreg $0xFFFFFFFF;
	(pc) =	sbr.abs _section_cstart, $3  }
0xc2: {  	[dreg:$0x1] =	wrdreg $0xFFFFFFFF  }
0xc3: {  	_ =	task.clear_ibuf [dreg:s8], $0x2FFFF;
	_ =	strace $0x9FFFFFFF  }
0xc4: {  	(tm) =	ssettm $0x7FFFFFFF  }
0xc5: {  	_ =	shalt  }
tec
execute0_lowered:
.L_overlay_start_1:
0x0: {  	(tag) =	ssettag $0x1  }
0x1: {  	s0 =	rddreg [dreg:$0x0]  }
0x2: {  	s2 =	rddreg [dreg:$0x2];
	s3 =	simm.s32 $0x0  }
0x3: {  	s16 =	srdreg.scid;
	s4 =	stileid.u32;
	s28 =	simm.s32 $0xE530  }
0x4: {  	s29 =	simm.s32 $0x14B30;
	s30 =	simm.s32 $0x5;
	s31 =	simm.s32 $0x3  }
0x5: {  	[smem:$0x7FF] =	sst s3;
	s5 =	sadd.s32 $0x1CA00, s0;
	s1 =	sadd.s32 $0x1200, s0  }
0x6: {  	s7 =	sadd.s32 $0x15A00, s0;
	s8 =	sadd.s32 $0xF600, s0;
	s4 =	sshll.u32 s4, $0x1  }
0x7: {  	s9 =	sadd.s32 $0x2E00, s0;
	s10 =	sadd.s32 $0x9200, s0;
	s6 =	sadd.s32 $0xE0200, s0  }
0x8: {  	_ =	strace $0x80000047;
	[dreg:$0x4] =	wrdreg s1;
	s1 =	sand.u32 $0x1, s16  }
0x9: {  	s0 =	sadd.s32 $0xE0000, s0;
	[dreg:$0x5] =	wrdreg s6;
	s4 =	sor.u32 s1, s4  }
0xa: {  	s14 =	simm.s32 $0x4;
	[dreg:$0x6] =	wrdreg s0;
	s17 =	smul.u32 $0x380, s4  }
0xb: {  	s1 =	ssub.s32 $0x2, s1;
	s12 =	sshll.u32 s4, $0x7;
	s4 =	smul.u32 $0x320, s4  }
0xc: {  	s6 =	simm.s32 $0x2;
	s18 =	sshrl.u32 s1, $0x1;
	s19 =	sadd.s32 s7, s17  }
0xd: {  	s11 =	sor.u32 $0x8, s12;
	s21 =	sadd.s32 s8, s4;
	[dreg:$0x7] =	wrdreg s19  }
0xe: {  	s0 =	ssub.s32 s1, s18;
	s22 =	sadd.s32 s9, s4;
	[dreg:$0x8] =	wrdreg s21  }
0xf: {  	s13 =	smul.u32 $0x32, s11;
	s4 =	sadd.s32 s10, s4;
	[dreg:$0x9] =	wrdreg s22  }
0x10: {  	s20 =	smul.u32 $0x7, s11;
	s0 =	smax.u32 s0, $0x1;
	[dreg:$0xa] =	wrdreg s4  }
0x11: {  	s11 =	simm.s32 $0x6;
	s17 =	simm.s32 $0x0;
	[dreg:$0xf] =	wrdreg s0  }
0x12: {  	s4 =	simm.s32 $0x32;
	s23 =	sshrl.u32 s13, $0x3;
	s1 =	sadd.s32 s7, s20  }
.Ltmp0:
0x13: {  	[dreg:$0xb] =	wrdreg s1;
	s24 =	sadd.s32 s8, s23;
	(pc) =	sbr.rel .LBB2_1-.Ltmp0, $4  }
0x14: {  	s0 =	simm.s32 $0x1B440;
	s25 =	sadd.s32 s9, s23;
	[dreg:$0xc] =	wrdreg s24  }
0x15: {  	s13 =	simm.s32 $0x7;
	s26 =	sadd.s32 s10, s23;
	[dreg:$0xd] =	wrdreg s25  }
0x16: {  	s1 =	simm.s32 $0x1B2F0;
	s23 =	simm.s32 $0x197F0;
	[dreg:$0xe] =	wrdreg s26  }
0x17: {  	s25 =	simm.s32 $0xDF00;
	s24 =	simm.s32 $0x1B478;
	s26 =	simm.s32 $0x1A4B0  }
.LBB2_8:
0x18: {  	s16 =	simm.s32 $0x8  }
0x19: {  	_ =	swait.ge [sflag:s16], $0x6600  }
0x1a: {  	s17 =	rddreg [dreg:$0x10]  }
0x1b: {  	s15 =	rddreg [dreg:$0xf];
	s17 =	sadd.s32 $0x1, s17  }
0x1c: {  	p0 =	sne.s32 s17, s15  }
.Ltmp1:
0x1d: {  	_ = 	snop;
	(pc) =	sbr.rel @!p0 .LBB2_9-.Ltmp1, $3  }
0x1e: {  	_ =	sdelay $0x1  }
0x1f: {  	[sflag:s16] =	ssyncset.done $0x0  }
0x20: {  	[sflag:s16] =	ssyncadd.s32 $0xFFFF9A00  }
.LBB2_1:
0x21: {  	[dreg:$0x10] =	wrdreg s17  }
0x22: {  	s15 =	rddreg [dreg:$0x4];
	s16 =	simm.s32 $0x9  }
0x23: {  	[tilespmem:s3], [sflag:$0x9] =	stream.linear.gather [hbm4b:s15+s3], $0xDF00, $0x38;
	[tilespmem:$0x1BE10] =	vst v63  }
0x24: {  	_ =	swait.ge [sflag:s16], $0xDF00  }
0x25: {  	[sflag:s16] =	ssyncset.done $0x0  }
0x26: {  	s18 =	simm.s32 $0xDF40;
	s17 =	rddreg [dreg:$0x5];
	[sflag:s16] =	ssyncadd.s32 $0xFFFF2100  }
0x27: {  	[tilespmem:s18], [sflag:$0x9] =	stream.linear.gather [hbm4b:s17+s3], $0x190, $0x38;
	[tilespmem:$0x1BE10] =	vst v63  }
0x28: {  	_ =	swait.ge [sflag:s16], $0x190  }
0x29: {  	[sflag:s16] =	ssyncset.done $0x0  }
0x2a: {  	[sflag:s16] =	ssyncadd.s32 $0xFFFFFE70  }
0x2b: {  	s19 =	rddreg [dreg:$0x1]  }
0x2c: {  	[tilespmem:s25], [sflag:$0x9] =	stream.linear.gather [hbm4b:s19+s3], $0x40, $0x38;
	[tilespmem:$0x1BE10] =	vst v63  }
0x2d: {  	_ =	swait.ge [sflag:s16], $0x40  }
0x2e: {  	[sflag:s16] =	ssyncset.done $0x0  }
0x2f: {  	s21 =	simm.s32 $0xE0D0;
	s20 =	rddreg [dreg:$0x6];
	[sflag:s16] =	ssyncadd.s32 $0xFFFFFFC0  }
0x30: {  	[tilespmem:s21], [sflag:$0x9] =	stream.linear.gather [hbm4b:s20+s3], $0x460, $0x38;
	[tilespmem:$0x1BE10] =	vst v63  }
0x31: {  	_ =	swait.ge [sflag:s16], $0x460  }
0x32: {  	[sflag:s16] =	ssyncset.done $0x0  }
0x33: {  	[sflag:s16] =	ssyncadd.s32 $0xFFFFFBA0  }
0x34: {  	v0 =	vld [tilespmem:$0xE4E0]  }
0x35: {  	v1 =	vld [tilespmem:$0xE0D0];
	_ =	sdelay $0x4  }
0x36: {  	v2 =	vld [tilespmem:$0xE4D0];
	v3 =	vand.u32 $0xFFFFFFF8, v1;
	v0 =	vshll.u32 v0, $0x6  }
0x37: {  	v4 =	vand.u32 $0x7, v1;
	v49 =	vadd.s32 v0, v3  }
0x38: {  	v5 =	vor.u32 v4, v49;
	_ =	sdelay $0x2  }
0x39: {  	v1 =	vshll.u32 v2, $0x6  }
0x3a: {  	v2 =	vadd.s32 v1, v3  }
0x3b: {  	v2 =	vor.u32 v4, v2;
	v50 =	vld.idx.msk [tilespmem:v5+s25+$0x0], $0xffff;
	_ =	sdelay $0x4  }
0x3c: {  	[tilespmem:v2+s28+$0x0] =	vst.idx.msk $0xffff, v50  }
0x3d: {  	[tilespmem:v2+s29+$0x0] =	vst.idx.msk $0xffff, v50  }
0x3e: {  	v2 =	vld [tilespmem:$0xE0E0];
	_ =	sdelay $0x4  }
0x3f: {  	v51 =	vand.u32 $0xFFFFFFF8, v2  }
0x40: {  	v2 =	vand.u32 $0x7, v2;
	v52 =	vadd.s32 v0, v51  }
0x41: {  	v4 =	vor.u32 v2, v52;
	_ =	sdelay $0x3  }
0x42: {  	v3 =	vadd.s32 v1, v51  }
0x43: {  	v2 =	vor.u32 v2, v3;
	v4 =	vld.idx.msk [tilespmem:v4+s25+$0x0], $0xffff;
	_ =	sdelay $0x4  }
0x44: {  	[tilespmem:v2+s28+$0x0] =	vst.idx.msk $0xffff, v4  }
0x45: {  	[tilespmem:v2+s29+$0x0] =	vst.idx.msk $0xffff, v4  }
0x46: {  	v2 =	vld [tilespmem:$0xE0F0];
	_ =	sdelay $0x4  }
0x47: {  	v53 =	vand.u32 $0xFFFFFFF8, v2  }
0x48: {  	v2 =	vand.u32 $0x7, v2;
	v54 =	vadd.s32 v0, v53  }
0x49: {  	v4 =	vor.u32 v2, v54;
	_ =	sdelay $0x3  }
0x4a: {  	v3 =	vadd.s32 v1, v53  }
0x4b: {  	v2 =	vor.u32 v2, v3;
	v4 =	vld.idx.msk [tilespmem:v4+s25+$0x0], $0xffff;
	_ =	sdelay $0x4  }
0x4c: {  	[tilespmem:v2+s28+$0x0] =	vst.idx.msk $0xffff, v4  }
0x4d: {  	[tilespmem:v2+s29+$0x0] =	vst.idx.msk $0xffff, v4  }
0x4e: {  	v2 =	vld [tilespmem:$0xE100];
	_ =	sdelay $0x4  }
0x4f: {  	v55 =	vand.u32 $0xFFFFFFF8, v2  }
0x50: {  	v2 =	vand.u32 $0x7, v2;
	v56 =	vadd.s32 v0, v55  }
0x51: {  	v4 =	vor.u32 v2, v56;
	_ =	sdelay $0x3  }
0x52: {  	v3 =	vadd.s32 v1, v55  }
0x53: {  	v2 =	vor.u32 v2, v3;
	v4 =	vld.idx.msk [tilespmem:v4+s25+$0x0], $0xffff;
	_ =	sdelay $0x4  }
0x54: {  	[tilespmem:v2+s28+$0x0] =	vst.idx.msk $0xffff, v4  }
0x55: {  	[tilespmem:v2+s29+$0x0] =	vst.idx.msk $0xffff, v4  }
0x56: {  	v2 =	vld [tilespmem:$0xE110];
	_ =	sdelay $0x4  }
0x57: {  	v57 =	vand.u32 $0xFFFFFFF8, v2  }
0x58: {  	v2 =	vand.u32 $0x7, v2;
	v58 =	vadd.s32 v0, v57  }
0x59: {  	v4 =	vor.u32 v2, v58;
	_ =	sdelay $0x3  }
0x5a: {  	v3 =	vadd.s32 v1, v57  }
0x5b: {  	v2 =	vor.u32 v2, v3;
	v4 =	vld.idx.msk [tilespmem:v4+s25+$0x0], $0xffff;
	_ =	sdelay $0x4  }
0x5c: {  	[tilespmem:v2+s28+$0x0] =	vst.idx.msk $0xffff, v4  }
0x5d: {  	[tilespmem:v2+s29+$0x0] =	vst.idx.msk $0xffff, v4  }
0x5e: {  	v2 =	vld [tilespmem:$0xE120];
	_ =	sdelay $0x4  }
0x5f: {  	v59 =	vand.u32 $0xFFFFFFF8, v2  }
0x60: {  	v2 =	vand.u32 $0x7, v2;
	v60 =	vadd.s32 v0, v59  }
0x61: {  	v4 =	vor.u32 v2, v60;
	_ =	sdelay $0x3  }
0x62: {  	v3 =	vadd.s32 v1, v59  }
0x63: {  	v2 =	vor.u32 v2, v3;
	v4 =	vld.idx.msk [tilespmem:v4+s25+$0x0], $0xffff;
	_ =	sdelay $0x4  }
0x64: {  	[tilespmem:v2+s28+$0x0] =	vst.idx.msk $0xffff, v4  }
0x65: {  	[tilespmem:v2+s29+$0x0] =	vst.idx.msk $0xffff, v4  }
0x66: {  	v2 =	vld [tilespmem:$0xE130];
	_ =	sdelay $0x4  }
0x67: {  	v61 =	vand.u32 $0xFFFFFFF8, v2  }
0x68: {  	v2 =	vand.u32 $0x7, v2;
	v62 =	vadd.s32 v0, v61  }
0x69: {  	v4 =	vor.u32 v2, v62;
	_ =	sdelay $0x3  }
0x6a: {  	v3 =	vadd.s32 v1, v61  }
0x6b: {  	v2 =	vor.u32 v2, v3;
	v4 =	vld.idx.msk [tilespmem:v4+s25+$0x0], $0xffff;
	_ =	sdelay $0x4  }
0x6c: {  	[tilespmem:v2+s28+$0x0] =	vst.idx.msk $0xffff, v4  }
0x6d: {  	[tilespmem:v2+s29+$0x0] =	vst.idx.msk $0xffff, v4  }
0x6e: {  	v2 =	vld [tilespmem:$0xE140];
	_ =	sdelay $0x4  }
0x6f: {  	v63 =	vand.u32 $0xFFFFFFF8, v2  }
0x70: {  	v2 =	vand.u32 $0x7, v2;
	v8 =	vadd.s32 v0, v63  }
0x71: {  	v4 =	vor.u32 v2, v8;
	_ =	sdelay $0x3  }
0x72: {  	v3 =	vadd.s32 v1, v63  }
0x73: {  	v2 =	vor.u32 v2, v3;
	v4 =	vld.idx.msk [tilespmem:v4+s25+$0x0], $0xffff;
	_ =	sdelay $0x4  }
0x74: {  	[tilespmem:v2+s28+$0x0] =	vst.idx.msk $0xffff, v4  }
0x75: {  	[tilespmem:v2+s29+$0x0] =	vst.idx.msk $0xffff, v4  }
0x76: {  	v2 =	vld [tilespmem:$0xE150];
	_ =	sdelay $0x4  }
0x77: {  	v9 =	vand.u32 $0xFFFFFFF8, v2  }
0x78: {  	v2 =	vand.u32 $0x7, v2;
	v10 =	vadd.s32 v0, v9  }
0x79: {  	v4 =	vor.u32 v2, v10;
	_ =	sdelay $0x3  }
0x7a: {  	v3 =	vadd.s32 v1, v9  }
0x7b: {  	v2 =	vor.u32 v2, v3;
	v4 =	vld.idx.msk [tilespmem:v4+s25+$0x0], $0xffff;
	_ =	sdelay $0x4  }
0x7c: {  	[tilespmem:v2+s28+$0x0] =	vst.idx.msk $0xffff, v4  }
0x7d: {  	[tilespmem:v2+s29+$0x0] =	vst.idx.msk $0xffff, v4  }
0x7e: {  	v2 =	vld [tilespmem:$0xE160];
	_ =	sdelay $0x4  }
0x7f: {  	v11 =	vand.u32 $0xFFFFFFF8, v2  }
0x80: {  	v2 =	vand.u32 $0x7, v2;
	v12 =	vadd.s32 v0, v11  }
0x81: {  	v4 =	vor.u32 v2, v12;
	_ =	sdelay $0x3  }
0x82: {  	v3 =	vadd.s32 v1, v11  }
0x83: {  	v2 =	vor.u32 v2, v3;
	v4 =	vld.idx.msk [tilespmem:v4+s25+$0x0], $0xffff;
	_ =	sdelay $0x4  }
0x84: {  	[tilespmem:v2+s28+$0x0] =	vst.idx.msk $0xffff, v4  }
0x85: {  	[tilespmem:v2+s29+$0x0] =	vst.idx.msk $0xffff, v4  }
0x86: {  	v2 =	vld [tilespmem:$0xE170];
	_ =	sdelay $0x4  }
0x87: {  	v13 =	vand.u32 $0xFFFFFFF8, v2  }
0x88: {  	v2 =	vand.u32 $0x7, v2;
	v14 =	vadd.s32 v0, v13  }
0x89: {  	v4 =	vor.u32 v2, v14;
	_ =	sdelay $0x3  }
0x8a: {  	v3 =	vadd.s32 v1, v13  }
0x8b: {  	v2 =	vor.u32 v2, v3;
	v4 =	vld.idx.msk [tilespmem:v4+s25+$0x0], $0xffff;
	_ =	sdelay $0x4  }
0x8c: {  	[tilespmem:v2+s28+$0x0] =	vst.idx.msk $0xffff, v4  }
0x8d: {  	[tilespmem:v2+s29+$0x0] =	vst.idx.msk $0xffff, v4  }
0x8e: {  	v2 =	vld [tilespmem:$0xE180];
	_ =	sdelay $0x4  }
0x8f: {  	v15 =	vand.u32 $0xFFFFFFF8, v2  }
0x90: {  	v2 =	vand.u32 $0x7, v2;
	v16 =	vadd.s32 v0, v15  }
0x91: {  	v4 =	vor.u32 v2, v16;
	_ =	sdelay $0x3  }
0x92: {  	v3 =	vadd.s32 v1, v15  }
0x93: {  	v2 =	vor.u32 v2, v3;
	v4 =	vld.idx.msk [tilespmem:v4+s25+$0x0], $0xffff;
	_ =	sdelay $0x4  }
0x94: {  	[tilespmem:v2+s28+$0x0] =	vst.idx.msk $0xffff, v4  }
0x95: {  	[tilespmem:v2+s29+$0x0] =	vst.idx.msk $0xffff, v4  }
0x96: {  	v2 =	vld [tilespmem:$0xE190];
	_ =	sdelay $0x4  }
0x97: {  	v17 =	vand.u32 $0xFFFFFFF8, v2  }
0x98: {  	v2 =	vand.u32 $0x7, v2;
	v18 =	vadd.s32 v0, v17  }
0x99: {  	v4 =	vor.u32 v2, v18;
	_ =	sdelay $0x3  }
0x9a: {  	v3 =	vadd.s32 v1, v17  }
0x9b: {  	v2 =	vor.u32 v2, v3;
	v4 =	vld.idx.msk [tilespmem:v4+s25+$0x0], $0xffff;
	_ =	sdelay $0x4  }
0x9c: {  	[tilespmem:v2+s28+$0x0] =	vst.idx.msk $0xffff, v4  }
0x9d: {  	[tilespmem:v2+s29+$0x0] =	vst.idx.msk $0xffff, v4  }
0x9e: {  	v2 =	vld [tilespmem:$0xE1A0];
	_ =	sdelay $0x4  }
0x9f: {  	v19 =	vand.u32 $0xFFFFFFF8, v2  }
0xa0: {  	v2 =	vand.u32 $0x7, v2;
	v20 =	vadd.s32 v0, v19  }
0xa1: {  	v4 =	vor.u32 v2, v20;
	_ =	sdelay $0x3  }
0xa2: {  	v3 =	vadd.s32 v1, v19  }
0xa3: {  	v2 =	vor.u32 v2, v3;
	v4 =	vld.idx.msk [tilespmem:v4+s25+$0x0], $0xffff;
	_ =	sdelay $0x4  }
0xa4: {  	[tilespmem:v2+s28+$0x0] =	vst.idx.msk $0xffff, v4  }
0xa5: {  	[tilespmem:v2+s29+$0x0] =	vst.idx.msk $0xffff, v4  }
0xa6: {  	v2 =	vld [tilespmem:$0xE1B0];
	_ =	sdelay $0x4  }
0xa7: {  	v21 =	vand.u32 $0xFFFFFFF8, v2  }
0xa8: {  	v2 =	vand.u32 $0x7, v2;
	v22 =	vadd.s32 v0, v21  }
0xa9: {  	v4 =	vor.u32 v2, v22;
	_ =	sdelay $0x3  }
0xaa: {  	v3 =	vadd.s32 v1, v21  }
0xab: {  	v2 =	vor.u32 v2, v3;
	v4 =	vld.idx.msk [tilespmem:v4+s25+$0x0], $0xffff;
	_ =	sdelay $0x4  }
0xac: {  	[tilespmem:v2+s28+$0x0] =	vst.idx.msk $0xffff, v4  }
0xad: {  	[tilespmem:v2+s29+$0x0] =	vst.idx.msk $0xffff, v4  }
0xae: {  	v2 =	vld [tilespmem:$0xE1C0];
	_ =	sdelay $0x4  }
0xaf: {  	v23 =	vand.u32 $0xFFFFFFF8, v2  }
0xb0: {  	v2 =	vand.u32 $0x7, v2;
	v24 =	vadd.s32 v0, v23  }
0xb1: {  	v4 =	vor.u32 v2, v24;
	_ =	sdelay $0x3  }
0xb2: {  	v3 =	vadd.s32 v1, v23  }
0xb3: {  	v2 =	vor.u32 v2, v3;
	v4 =	vld.idx.msk [tilespmem:v4+s25+$0x0], $0xffff;
	_ =	sdelay $0x4  }
0xb4: {  	[tilespmem:v2+s28+$0x0] =	vst.idx.msk $0xffff, v4  }
0xb5: {  	[tilespmem:v2+s29+$0x0] =	vst.idx.msk $0xffff, v4  }
0xb6: {  	v2 =	vld [tilespmem:$0xE1D0];
	_ =	sdelay $0x4  }
0xb7: {  	v25 =	vand.u32 $0xFFFFFFF8, v2  }
0xb8: {  	v2 =	vand.u32 $0x7, v2;
	v26 =	vadd.s32 v0, v25  }
0xb9: {  	v4 =	vor.u32 v2, v26;
	_ =	sdelay $0x3  }
0xba: {  	v3 =	vadd.s32 v1, v25  }
0xbb: {  	v2 =	vor.u32 v2, v3;
	v4 =	vld.idx.msk [tilespmem:v4+s25+$0x0], $0xffff;
	_ =	sdelay $0x4  }
0xbc: {  	[tilespmem:v2+s28+$0x0] =	vst.idx.msk $0xffff, v4  }
0xbd: {  	[tilespmem:v2+s29+$0x0] =	vst.idx.msk $0xffff, v4  }
0xbe: {  	v2 =	vld [tilespmem:$0xE1E0];
	_ =	sdelay $0x4  }
0xbf: {  	v27 =	vand.u32 $0xFFFFFFF8, v2  }
0xc0: {  	v2 =	vand.u32 $0x7, v2;
	v28 =	vadd.s32 v0, v27  }
0xc1: {  	v4 =	vor.u32 v2, v28;
	_ =	sdelay $0x3  }
0xc2: {  	v3 =	vadd.s32 v1, v27  }
0xc3: {  	v2 =	vor.u32 v2, v3;
	v4 =	vld.idx.msk [tilespmem:v4+s25+$0x0], $0xffff;
	_ =	sdelay $0x4  }
0xc4: {  	[tilespmem:v2+s28+$0x0] =	vst.idx.msk $0xffff, v4  }
0xc5: {  	[tilespmem:v2+s29+$0x0] =	vst.idx.msk $0xffff, v4  }
0xc6: {  	v2 =	vld [tilespmem:$0xE1F0];
	_ =	sdelay $0x4  }
0xc7: {  	v29 =	vand.u32 $0xFFFFFFF8, v2  }
0xc8: {  	v2 =	vand.u32 $0x7, v2;
	v30 =	vadd.s32 v0, v29  }
0xc9: {  	v4 =	vor.u32 v2, v30;
	_ =	sdelay $0x3  }
0xca: {  	v3 =	vadd.s32 v1, v29  }
0xcb: {  	v2 =	vor.u32 v2, v3;
	v4 =	vld.idx.msk [tilespmem:v4+s25+$0x0], $0xffff;
	_ =	sdelay $0x4  }
0xcc: {  	[tilespmem:v2+s28+$0x0] =	vst.idx.msk $0xffff, v4  }
0xcd: {  	[tilespmem:v2+s29+$0x0] =	vst.idx.msk $0xffff, v4  }
0xce: {  	v2 =	vld [tilespmem:$0xE200];
	_ =	sdelay $0x4  }
0xcf: {  	v31 =	vand.u32 $0xFFFFFFF8, v2  }
0xd0: {  	v2 =	vand.u32 $0x7, v2;
	v32 =	vadd.s32 v0, v31  }
0xd1: {  	v4 =	vor.u32 v2, v32;
	_ =	sdelay $0x3  }
0xd2: {  	v3 =	vadd.s32 v1, v31  }
0xd3: {  	v2 =	vor.u32 v2, v3;
	v4 =	vld.idx.msk [tilespmem:v4+s25+$0x0], $0xffff;
	_ =	sdelay $0x4  }
0xd4: {  	[tilespmem:v2+s28+$0x0] =	vst.idx.msk $0xffff, v4  }
0xd5: {  	[tilespmem:v2+s29+$0x0] =	vst.idx.msk $0xffff, v4  }
0xd6: {  	v2 =	vld [tilespmem:$0xE210];
	_ =	sdelay $0x4  }
0xd7: {  	v33 =	vand.u32 $0xFFFFFFF8, v2  }
0xd8: {  	v2 =	vand.u32 $0x7, v2;
	v34 =	vadd.s32 v0, v33  }
0xd9: {  	v4 =	vor.u32 v2, v34;
	_ =	sdelay $0x3  }
0xda: {  	v3 =	vadd.s32 v1, v33  }
0xdb: {  	v2 =	vor.u32 v2, v3;
	v4 =	vld.idx.msk [tilespmem:v4+s25+$0x0], $0xffff;
	_ =	sdelay $0x4  }
0xdc: {  	[tilespmem:v2+s28+$0x0] =	vst.idx.msk $0xffff, v4  }
0xdd: {  	[tilespmem:v2+s29+$0x0] =	vst.idx.msk $0xffff, v4  }
0xde: {  	v2 =	vld [tilespmem:$0xE220];
	_ =	sdelay $0x4  }
0xdf: {  	v35 =	vand.u32 $0xFFFFFFF8, v2  }
0xe0: {  	v2 =	vand.u32 $0x7, v2;
	v36 =	vadd.s32 v0, v35  }
0xe1: {  	v4 =	vor.u32 v2, v36;
	_ =	sdelay $0x3  }
0xe2: {  	v3 =	vadd.s32 v1, v35  }
0xe3: {  	v2 =	vor.u32 v2, v3;
	v4 =	vld.idx.msk [tilespmem:v4+s25+$0x0], $0xffff;
	_ =	sdelay $0x4  }
0xe4: {  	[tilespmem:v2+s28+$0x0] =	vst.idx.msk $0xffff, v4  }
0xe5: {  	[tilespmem:v2+s29+$0x0] =	vst.idx.msk $0xffff, v4  }
0xe6: {  	v2 =	vld [tilespmem:$0xE230];
	_ =	sdelay $0x4  }
0xe7: {  	v37 =	vand.u32 $0xFFFFFFF8, v2  }
0xe8: {  	v2 =	vand.u32 $0x7, v2;
	v38 =	vadd.s32 v0, v37  }
0xe9: {  	v4 =	vor.u32 v2, v38;
	_ =	sdelay $0x3  }
0xea: {  	v3 =	vadd.s32 v1, v37  }
0xeb: {  	v2 =	vor.u32 v2, v3;
	v4 =	vld.idx.msk [tilespmem:v4+s25+$0x0], $0xffff;
	_ =	sdelay $0x4  }
0xec: {  	[tilespmem:v2+s28+$0x0] =	vst.idx.msk $0xffff, v4  }
0xed: {  	[tilespmem:v2+s29+$0x0] =	vst.idx.msk $0xffff, v4  }
0xee: {  	v2 =	vld [tilespmem:$0xE240];
	_ =	sdelay $0x4  }
0xef: {  	v39 =	vand.u32 $0xFFFFFFF8, v2  }
0xf0: {  	v2 =	vand.u32 $0x7, v2;
	v40 =	vadd.s32 v0, v39  }
0xf1: {  	v4 =	vor.u32 v2, v40;
	_ =	sdelay $0x3  }
0xf2: {  	v3 =	vadd.s32 v1, v39  }
0xf3: {  	v2 =	vor.u32 v2, v3;
	v4 =	vld.idx.msk [tilespmem:v4+s25+$0x0], $0xffff;
	_ =	sdelay $0x4  }
0xf4: {  	[tilespmem:v2+s28+$0x0] =	vst.idx.msk $0xffff, v4  }
0xf5: {  	[tilespmem:v2+s29+$0x0] =	vst.idx.msk $0xffff, v4  }
0xf6: {  	v2 =	vld [tilespmem:$0xE250];
	_ =	sdelay $0x4  }
0xf7: {  	v41 =	vand.u32 $0xFFFFFFF8, v2  }
0xf8: {  	v2 =	vand.u32 $0x7, v2;
	v42 =	vadd.s32 v0, v41  }
0xf9: {  	v4 =	vor.u32 v2, v42;
	_ =	sdelay $0x3  }
0xfa: {  	v3 =	vadd.s32 v1, v41  }
0xfb: {  	v2 =	vor.u32 v2, v3;
	v4 =	vld.idx.msk [tilespmem:v4+s25+$0x0], $0xffff;
	_ =	sdelay $0x4  }
0xfc: {  	[tilespmem:v2+s28+$0x0] =	vst.idx.msk $0xffff, v4  }
0xfd: {  	[tilespmem:v2+s29+$0x0] =	vst.idx.msk $0xffff, v4  }
0xfe: {  	v2 =	vld [tilespmem:$0xE260];
	_ =	sdelay $0x4  }
0xff: {  	v43 =	vand.u32 $0xFFFFFFF8, v2  }
0x100: {  	v2 =	vand.u32 $0x7, v2;
	v44 =	vadd.s32 v0, v43  }
0x101: {  	v4 =	vor.u32 v2, v44;
	_ =	sdelay $0x3  }
0x102: {  	v3 =	vadd.s32 v1, v43  }
0x103: {  	v2 =	vor.u32 v2, v3;
	v4 =	vld.idx.msk [tilespmem:v4+s25+$0x0], $0xffff;
	_ =	sdelay $0x4  }
0x104: {  	[tilespmem:v2+s28+$0x0] =	vst.idx.msk $0xffff, v4  }
0x105: {  	[tilespmem:v2+s29+$0x0] =	vst.idx.msk $0xffff, v4  }
0x106: {  	v2 =	vld [tilespmem:$0xE270];
	_ =	sdelay $0x4  }
0x107: {  	v45 =	vand.u32 $0xFFFFFFF8, v2  }
0x108: {  	v2 =	vand.u32 $0x7, v2;
	v46 =	vadd.s32 v0, v45  }
0x109: {  	v4 =	vor.u32 v2, v46;
	_ =	sdelay $0x3  }
0x10a: {  	v3 =	vadd.s32 v1, v45  }
0x10b: {  	v2 =	vor.u32 v2, v3;
	v4 =	vld.idx.msk [tilespmem:v4+s25+$0x0], $0xffff;
	_ =	sdelay $0x4  }
0x10c: {  	[tilespmem:v2+s28+$0x0] =	vst.idx.msk $0xffff, v4  }
0x10d: {  	[tilespmem:v2+s29+$0x0] =	vst.idx.msk $0xffff, v4  }
0x10e: {  	v2 =	vld [tilespmem:$0xE280];
	_ =	sdelay $0x4  }
0x10f: {  	v47 =	vand.u32 $0xFFFFFFF8, v2  }
0x110: {  	v2 =	vand.u32 $0x7, v2;
	v48 =	vadd.s32 v0, v47  }
0x111: {  	v4 =	vor.u32 v2, v48;
	_ =	sdelay $0x3  }
0x112: {  	v3 =	vadd.s32 v1, v47  }
0x113: {  	v2 =	vor.u32 v2, v3;
	v4 =	vld.idx.msk [tilespmem:v4+s25+$0x0], $0xffff;
	_ =	sdelay $0x4  }
0x114: {  	[tilespmem:v2+s28+$0x0] =	vst.idx.msk $0xffff, v4  }
0x115: {  	[tilespmem:v2+s29+$0x0] =	vst.idx.msk $0xffff, v4  }
0x116: {  	v2 =	vld [tilespmem:$0xE290];
	_ =	sdelay $0x4  }
0x117: {  	v49 =	vand.u32 $0xFFFFFFF8, v2  }
0x118: {  	v2 =	vand.u32 $0x7, v2;
	v50 =	vadd.s32 v0, v49  }
0x119: {  	v4 =	vor.u32 v2, v50;
	_ =	sdelay $0x3  }
0x11a: {  	v3 =	vadd.s32 v1, v49  }
0x11b: {  	v2 =	vor.u32 v2, v3;
	v4 =	vld.idx.msk [tilespmem:v4+s25+$0x0], $0xffff;
	_ =	sdelay $0x4  }
0x11c: {  	[tilespmem:v2+s28+$0x0] =	vst.idx.msk $0xffff, v4  }
0x11d: {  	[tilespmem:v2+s29+$0x0] =	vst.idx.msk $0xffff, v4  }
0x11e: {  	v2 =	vld [tilespmem:$0xE2A0];
	_ =	sdelay $0x4  }
0x11f: {  	v51 =	vand.u32 $0xFFFFFFF8, v2  }
0x120: {  	v2 =	vand.u32 $0x7, v2;
	v52 =	vadd.s32 v0, v51  }
0x121: {  	v4 =	vor.u32 v2, v52;
	_ =	sdelay $0x3  }
0x122: {  	v3 =	vadd.s32 v1, v51  }
0x123: {  	v2 =	vor.u32 v2, v3;
	v4 =	vld.idx.msk [tilespmem:v4+s25+$0x0], $0xffff;
	_ =	sdelay $0x4  }
0x124: {  	[tilespmem:v2+s28+$0x0] =	vst.idx.msk $0xffff, v4  }
0x125: {  	[tilespmem:v2+s29+$0x0] =	vst.idx.msk $0xffff, v4  }
0x126: {  	v2 =	vld [tilespmem:$0xE2B0];
	_ =	sdelay $0x4  }
0x127: {  	v53 =	vand.u32 $0xFFFFFFF8, v2  }
0x128: {  	v2 =	vand.u32 $0x7, v2;
	v54 =	vadd.s32 v0, v53  }
0x129: {  	v4 =	vor.u32 v2, v54;
	_ =	sdelay $0x3  }
0x12a: {  	v3 =	vadd.s32 v1, v53  }
0x12b: {  	v2 =	vor.u32 v2, v3;
	v4 =	vld.idx.msk [tilespmem:v4+s25+$0x0], $0xffff;
	_ =	sdelay $0x4  }
0x12c: {  	[tilespmem:v2+s28+$0x0] =	vst.idx.msk $0xffff, v4  }
0x12d: {  	[tilespmem:v2+s29+$0x0] =	vst.idx.msk $0xffff, v4  }
0x12e: {  	v2 =	vld [tilespmem:$0xE2C0];
	_ =	sdelay $0x4  }
0x12f: {  	v55 =	vand.u32 $0xFFFFFFF8, v2  }
0x130: {  	v2 =	vand.u32 $0x7, v2;
	v56 =	vadd.s32 v0, v55  }
0x131: {  	v4 =	vor.u32 v2, v56;
	_ =	sdelay $0x3  }
0x132: {  	v3 =	vadd.s32 v1, v55  }
0x133: {  	v2 =	vor.u32 v2, v3;
	v4 =	vld.idx.msk [tilespmem:v4+s25+$0x0], $0xffff;
	_ =	sdelay $0x4  }
0x134: {  	[tilespmem:v2+s28+$0x0] =	vst.idx.msk $0xffff, v4  }
0x135: {  	[tilespmem:v2+s29+$0x0] =	vst.idx.msk $0xffff, v4  }
0x136: {  	v2 =	vld [tilespmem:$0xE2D0];
	_ =	sdelay $0x4  }
0x137: {  	v57 =	vand.u32 $0xFFFFFFF8, v2  }
0x138: {  	v2 =	vand.u32 $0x7, v2;
	v58 =	vadd.s32 v0, v57  }
0x139: {  	v4 =	vor.u32 v2, v58;
	_ =	sdelay $0x3  }
0x13a: {  	v3 =	vadd.s32 v1, v57  }
0x13b: {  	v2 =	vor.u32 v2, v3;
	v4 =	vld.idx.msk [tilespmem:v4+s25+$0x0], $0xffff;
	_ =	sdelay $0x4  }
0x13c: {  	[tilespmem:v2+s28+$0x0] =	vst.idx.msk $0xffff, v4  }
0x13d: {  	[tilespmem:v2+s29+$0x0] =	vst.idx.msk $0xffff, v4  }
0x13e: {  	v2 =	vld [tilespmem:$0xE2E0];
	_ =	sdelay $0x4  }
0x13f: {  	v59 =	vand.u32 $0xFFFFFFF8, v2  }
0x140: {  	v2 =	vand.u32 $0x7, v2;
	v60 =	vadd.s32 v0, v59  }
0x141: {  	v4 =	vor.u32 v2, v60;
	_ =	sdelay $0x3  }
0x142: {  	v3 =	vadd.s32 v1, v59  }
0x143: {  	v2 =	vor.u32 v2, v3;
	v4 =	vld.idx.msk [tilespmem:v4+s25+$0x0], $0xffff;
	_ =	sdelay $0x4  }
0x144: {  	[tilespmem:v2+s28+$0x0] =	vst.idx.msk $0xffff, v4  }
0x145: {  	[tilespmem:v2+s29+$0x0] =	vst.idx.msk $0xffff, v4  }
0x146: {  	v2 =	vld [tilespmem:$0xE2F0];
	_ =	sdelay $0x4  }
0x147: {  	v61 =	vand.u32 $0xFFFFFFF8, v2  }
0x148: {  	v2 =	vand.u32 $0x7, v2;
	v62 =	vadd.s32 v0, v61  }
0x149: {  	v4 =	vor.u32 v2, v62;
	_ =	sdelay $0x3  }
0x14a: {  	v3 =	vadd.s32 v1, v61  }
0x14b: {  	v2 =	vor.u32 v2, v3;
	v4 =	vld.idx.msk [tilespmem:v4+s25+$0x0], $0xffff;
	_ =	sdelay $0x4  }
0x14c: {  	[tilespmem:v2+s28+$0x0] =	vst.idx.msk $0xffff, v4  }
0x14d: {  	[tilespmem:v2+s29+$0x0] =	vst.idx.msk $0xffff, v4  }
0x14e: {  	v2 =	vld [tilespmem:$0xE300];
	_ =	sdelay $0x4  }
0x14f: {  	v63 =	vand.u32 $0xFFFFFFF8, v2  }
0x150: {  	v2 =	vand.u32 $0x7, v2;
	v8 =	vadd.s32 v0, v63  }
0x151: {  	v4 =	vor.u32 v2, v8;
	_ =	sdelay $0x3  }
0x152: {  	v3 =	vadd.s32 v1, v63  }
0x153: {  	v2 =	vor.u32 v2, v3;
	v4 =	vld.idx.msk [tilespmem:v4+s25+$0x0], $0xffff;
	_ =	sdelay $0x4  }
0x154: {  	[tilespmem:v2+s28+$0x0] =	vst.idx.msk $0xffff, v4  }
0x155: {  	[tilespmem:v2+s29+$0x0] =	vst.idx.msk $0xffff, v4  }
0x156: {  	v2 =	vld [tilespmem:$0xE310];
	_ =	sdelay $0x4  }
0x157: {  	v9 =	vand.u32 $0xFFFFFFF8, v2  }
0x158: {  	v2 =	vand.u32 $0x7, v2;
	v10 =	vadd.s32 v0, v9  }
0x159: {  	v4 =	vor.u32 v2, v10;
	_ =	sdelay $0x3  }
0x15a: {  	v3 =	vadd.s32 v1, v9  }
0x15b: {  	v2 =	vor.u32 v2, v3;
	v4 =	vld.idx.msk [tilespmem:v4+s25+$0x0], $0xffff;
	_ =	sdelay $0x4  }
0x15c: {  	[tilespmem:v2+s28+$0x0] =	vst.idx.msk $0xffff, v4  }
0x15d: {  	[tilespmem:v2+s29+$0x0] =	vst.idx.msk $0xffff, v4  }
0x15e: {  	v2 =	vld [tilespmem:$0xE320];
	_ =	sdelay $0x4  }
0x15f: {  	v11 =	vand.u32 $0xFFFFFFF8, v2  }
0x160: {  	v2 =	vand.u32 $0x7, v2;
	v12 =	vadd.s32 v0, v11  }
0x161: {  	v4 =	vor.u32 v2, v12;
	_ =	sdelay $0x3  }
0x162: {  	v3 =	vadd.s32 v1, v11  }
0x163: {  	v2 =	vor.u32 v2, v3;
	v4 =	vld.idx.msk [tilespmem:v4+s25+$0x0], $0xffff;
	_ =	sdelay $0x4  }
0x164: {  	[tilespmem:v2+s28+$0x0] =	vst.idx.msk $0xffff, v4  }
0x165: {  	[tilespmem:v2+s29+$0x0] =	vst.idx.msk $0xffff, v4  }
0x166: {  	v2 =	vld [tilespmem:$0xE330];
	_ =	sdelay $0x4  }
0x167: {  	v13 =	vand.u32 $0xFFFFFFF8, v2  }
0x168: {  	v2 =	vand.u32 $0x7, v2;
	v14 =	vadd.s32 v0, v13  }
0x169: {  	v4 =	vor.u32 v2, v14;
	_ =	sdelay $0x3  }
0x16a: {  	v3 =	vadd.s32 v1, v13  }
0x16b: {  	v2 =	vor.u32 v2, v3;
	v4 =	vld.idx.msk [tilespmem:v4+s25+$0x0], $0xffff;
	_ =	sdelay $0x4  }
0x16c: {  	[tilespmem:v2+s28+$0x0] =	vst.idx.msk $0xffff, v4  }
0x16d: {  	[tilespmem:v2+s29+$0x0] =	vst.idx.msk $0xffff, v4  }
0x16e: {  	v2 =	vld [tilespmem:$0xE340];
	_ =	sdelay $0x4  }
0x16f: {  	v15 =	vand.u32 $0xFFFFFFF8, v2  }
0x170: {  	v2 =	vand.u32 $0x7, v2;
	v16 =	vadd.s32 v0, v15  }
0x171: {  	v4 =	vor.u32 v2, v16;
	_ =	sdelay $0x3  }
0x172: {  	v3 =	vadd.s32 v1, v15  }
0x173: {  	v2 =	vor.u32 v2, v3;
	v4 =	vld.idx.msk [tilespmem:v4+s25+$0x0], $0xffff;
	_ =	sdelay $0x4  }
0x174: {  	[tilespmem:v2+s28+$0x0] =	vst.idx.msk $0xffff, v4  }
0x175: {  	[tilespmem:v2+s29+$0x0] =	vst.idx.msk $0xffff, v4  }
0x176: {  	v2 =	vld [tilespmem:$0xE350];
	_ =	sdelay $0x4  }
0x177: {  	v17 =	vand.u32 $0xFFFFFFF8, v2  }
0x178: {  	v2 =	vand.u32 $0x7, v2;
	v18 =	vadd.s32 v0, v17  }
0x179: {  	v4 =	vor.u32 v2, v18;
	_ =	sdelay $0x3  }
0x17a: {  	v3 =	vadd.s32 v1, v17  }
0x17b: {  	v2 =	vor.u32 v2, v3;
	v4 =	vld.idx.msk [tilespmem:v4+s25+$0x0], $0xffff;
	_ =	sdelay $0x4  }
0x17c: {  	[tilespmem:v2+s28+$0x0] =	vst.idx.msk $0xffff, v4  }
0x17d: {  	[tilespmem:v2+s29+$0x0] =	vst.idx.msk $0xffff, v4  }
0x17e: {  	v2 =	vld [tilespmem:$0xE360];
	_ =	sdelay $0x4  }
0x17f: {  	v19 =	vand.u32 $0xFFFFFFF8, v2  }
0x180: {  	v2 =	vand.u32 $0x7, v2;
	v20 =	vadd.s32 v0, v19  }
0x181: {  	v4 =	vor.u32 v2, v20;
	_ =	sdelay $0x3  }
0x182: {  	v3 =	vadd.s32 v1, v19  }
0x183: {  	v2 =	vor.u32 v2, v3;
	v4 =	vld.idx.msk [tilespmem:v4+s25+$0x0], $0xffff;
	_ =	sdelay $0x4  }
0x184: {  	[tilespmem:v2+s28+$0x0] =	vst.idx.msk $0xffff, v4  }
0x185: {  	[tilespmem:v2+s29+$0x0] =	vst.idx.msk $0xffff, v4  }
0x186: {  	v2 =	vld [tilespmem:$0xE370];
	_ =	sdelay $0x4  }
0x187: {  	v21 =	vand.u32 $0xFFFFFFF8, v2  }
0x188: {  	v2 =	vand.u32 $0x7, v2;
	v22 =	vadd.s32 v0, v21  }
0x189: {  	v4 =	vor.u32 v2, v22;
	_ =	sdelay $0x3  }
0x18a: {  	v3 =	vadd.s32 v1, v21  }
0x18b: {  	v2 =	vor.u32 v2, v3;
	v4 =	vld.idx.msk [tilespmem:v4+s25+$0x0], $0xffff;
	_ =	sdelay $0x4  }
0x18c: {  	[tilespmem:v2+s28+$0x0] =	vst.idx.msk $0xffff, v4  }
0x18d: {  	[tilespmem:v2+s29+$0x0] =	vst.idx.msk $0xffff, v4  }
0x18e: {  	v2 =	vld [tilespmem:$0xE380];
	_ =	sdelay $0x4  }
0x18f: {  	v23 =	vand.u32 $0xFFFFFFF8, v2  }
0x190: {  	v2 =	vand.u32 $0x7, v2;
	v24 =	vadd.s32 v0, v23  }
0x191: {  	v4 =	vor.u32 v2, v24;
	_ =	sdelay $0x3  }
0x192: {  	v3 =	vadd.s32 v1, v23  }
0x193: {  	v2 =	vor.u32 v2, v3;
	v4 =	vld.idx.msk [tilespmem:v4+s25+$0x0], $0xffff;
	_ =	sdelay $0x4  }
0x194: {  	[tilespmem:v2+s28+$0x0] =	vst.idx.msk $0xffff, v4  }
0x195: {  	[tilespmem:v2+s29+$0x0] =	vst.idx.msk $0xffff, v4  }
0x196: {  	v2 =	vld [tilespmem:$0xE390];
	_ =	sdelay $0x4  }
0x197: {  	v25 =	vand.u32 $0xFFFFFFF8, v2  }
0x198: {  	v2 =	vand.u32 $0x7, v2;
	v26 =	vadd.s32 v0, v25  }
0x199: {  	v4 =	vor.u32 v2, v26;
	_ =	sdelay $0x3  }
0x19a: {  	v3 =	vadd.s32 v1, v25  }
0x19b: {  	v2 =	vor.u32 v2, v3;
	v4 =	vld.idx.msk [tilespmem:v4+s25+$0x0], $0xffff;
	_ =	sdelay $0x4  }
0x19c: {  	[tilespmem:v2+s28+$0x0] =	vst.idx.msk $0xffff, v4  }
0x19d: {  	[tilespmem:v2+s29+$0x0] =	vst.idx.msk $0xffff, v4  }
0x19e: {  	v2 =	vld [tilespmem:$0xE3A0];
	_ =	sdelay $0x4  }
0x19f: {  	v27 =	vand.u32 $0xFFFFFFF8, v2  }
0x1a0: {  	v2 =	vand.u32 $0x7, v2;
	v28 =	vadd.s32 v0, v27  }
0x1a1: {  	v4 =	vor.u32 v2, v28;
	_ =	sdelay $0x3  }
0x1a2: {  	v3 =	vadd.s32 v1, v27  }
0x1a3: {  	v2 =	vor.u32 v2, v3;
	v4 =	vld.idx.msk [tilespmem:v4+s25+$0x0], $0xffff;
	_ =	sdelay $0x4  }
0x1a4: {  	[tilespmem:v2+s28+$0x0] =	vst.idx.msk $0xffff, v4  }
0x1a5: {  	[tilespmem:v2+s29+$0x0] =	vst.idx.msk $0xffff, v4  }
0x1a6: {  	v2 =	vld [tilespmem:$0xE3B0];
	_ =	sdelay $0x4  }
0x1a7: {  	v29 =	vand.u32 $0xFFFFFFF8, v2  }
0x1a8: {  	v2 =	vand.u32 $0x7, v2;
	v30 =	vadd.s32 v0, v29  }
0x1a9: {  	v4 =	vor.u32 v2, v30;
	_ =	sdelay $0x3  }
0x1aa: {  	v3 =	vadd.s32 v1, v29  }
0x1ab: {  	v2 =	vor.u32 v2, v3;
	v4 =	vld.idx.msk [tilespmem:v4+s25+$0x0], $0xffff;
	_ =	sdelay $0x4  }
0x1ac: {  	[tilespmem:v2+s28+$0x0] =	vst.idx.msk $0xffff, v4  }
0x1ad: {  	[tilespmem:v2+s29+$0x0] =	vst.idx.msk $0xffff, v4  }
0x1ae: {  	v2 =	vld [tilespmem:$0xE3C0];
	_ =	sdelay $0x4  }
0x1af: {  	v31 =	vand.u32 $0xFFFFFFF8, v2  }
0x1b0: {  	v2 =	vand.u32 $0x7, v2;
	v32 =	vadd.s32 v0, v31  }
0x1b1: {  	v4 =	vor.u32 v2, v32;
	_ =	sdelay $0x3  }
0x1b2: {  	v3 =	vadd.s32 v1, v31  }
0x1b3: {  	v2 =	vor.u32 v2, v3;
	v4 =	vld.idx.msk [tilespmem:v4+s25+$0x0], $0xffff;
	_ =	sdelay $0x4  }
0x1b4: {  	[tilespmem:v2+s28+$0x0] =	vst.idx.msk $0xffff, v4  }
0x1b5: {  	[tilespmem:v2+s29+$0x0] =	vst.idx.msk $0xffff, v4  }
0x1b6: {  	v2 =	vld [tilespmem:$0xE3D0];
	_ =	sdelay $0x4  }
0x1b7: {  	v33 =	vand.u32 $0xFFFFFFF8, v2  }
0x1b8: {  	v2 =	vand.u32 $0x7, v2;
	v34 =	vadd.s32 v0, v33  }
0x1b9: {  	v4 =	vor.u32 v2, v34;
	_ =	sdelay $0x3  }
0x1ba: {  	v3 =	vadd.s32 v1, v33  }
0x1bb: {  	v2 =	vor.u32 v2, v3;
	v4 =	vld.idx.msk [tilespmem:v4+s25+$0x0], $0xffff;
	_ =	sdelay $0x4  }
0x1bc: {  	[tilespmem:v2+s28+$0x0] =	vst.idx.msk $0xffff, v4  }
0x1bd: {  	[tilespmem:v2+s29+$0x0] =	vst.idx.msk $0xffff, v4  }
0x1be: {  	v2 =	vld [tilespmem:$0xE3E0];
	_ =	sdelay $0x4  }
0x1bf: {  	v35 =	vand.u32 $0xFFFFFFF8, v2  }
0x1c0: {  	v2 =	vand.u32 $0x7, v2;
	v36 =	vadd.s32 v0, v35  }
0x1c1: {  	v4 =	vor.u32 v2, v36;
	_ =	sdelay $0x3  }
0x1c2: {  	v3 =	vadd.s32 v1, v35  }
0x1c3: {  	v2 =	vor.u32 v2, v3;
	v4 =	vld.idx.msk [tilespmem:v4+s25+$0x0], $0xffff;
	_ =	sdelay $0x4  }
0x1c4: {  	[tilespmem:v2+s28+$0x0] =	vst.idx.msk $0xffff, v4  }
0x1c5: {  	[tilespmem:v2+s29+$0x0] =	vst.idx.msk $0xffff, v4  }
0x1c6: {  	v2 =	vld [tilespmem:$0xE3F0];
	_ =	sdelay $0x4  }
0x1c7: {  	v37 =	vand.u32 $0xFFFFFFF8, v2  }
0x1c8: {  	v2 =	vand.u32 $0x7, v2;
	v38 =	vadd.s32 v0, v37  }
0x1c9: {  	v4 =	vor.u32 v2, v38;
	_ =	sdelay $0x3  }
0x1ca: {  	v3 =	vadd.s32 v1, v37  }
0x1cb: {  	v2 =	vor.u32 v2, v3;
	v4 =	vld.idx.msk [tilespmem:v4+s25+$0x0], $0xffff;
	_ =	sdelay $0x4  }
0x1cc: {  	[tilespmem:v2+s28+$0x0] =	vst.idx.msk $0xffff, v4  }
0x1cd: {  	[tilespmem:v2+s29+$0x0] =	vst.idx.msk $0xffff, v4  }
0x1ce: {  	v2 =	vld [tilespmem:$0xE400];
	_ =	sdelay $0x4  }
0x1cf: {  	v39 =	vand.u32 $0xFFFFFFF8, v2  }
0x1d0: {  	v2 =	vand.u32 $0x7, v2;
	v40 =	vadd.s32 v0, v39  }
0x1d1: {  	v4 =	vor.u32 v2, v40;
	_ =	sdelay $0x3  }
0x1d2: {  	v3 =	vadd.s32 v1, v39  }
0x1d3: {  	v2 =	vor.u32 v2, v3;
	v4 =	vld.idx.msk [tilespmem:v4+s25+$0x0], $0xffff;
	_ =	sdelay $0x4  }
0x1d4: {  	[tilespmem:v2+s28+$0x0] =	vst.idx.msk $0xffff, v4  }
0x1d5: {  	[tilespmem:v2+s29+$0x0] =	vst.idx.msk $0xffff, v4  }
0x1d6: {  	v2 =	vld [tilespmem:$0xE410];
	_ =	sdelay $0x4  }
0x1d7: {  	v41 =	vand.u32 $0xFFFFFFF8, v2  }
0x1d8: {  	v2 =	vand.u32 $0x7, v2;
	v42 =	vadd.s32 v0, v41  }
0x1d9: {  	v4 =	vor.u32 v2, v42;
	_ =	sdelay $0x3  }
0x1da: {  	v3 =	vadd.s32 v1, v41  }
0x1db: {  	v2 =	vor.u32 v2, v3;
	v4 =	vld.idx.msk [tilespmem:v4+s25+$0x0], $0xffff;
	_ =	sdelay $0x4  }
0x1dc: {  	[tilespmem:v2+s28+$0x0] =	vst.idx.msk $0xffff, v4  }
0x1dd: {  	[tilespmem:v2+s29+$0x0] =	vst.idx.msk $0xffff, v4  }
0x1de: {  	v2 =	vld [tilespmem:$0xE420];
	_ =	sdelay $0x4  }
0x1df: {  	v43 =	vand.u32 $0xFFFFFFF8, v2  }
0x1e0: {  	v2 =	vand.u32 $0x7, v2;
	v44 =	vadd.s32 v0, v43  }
0x1e1: {  	v4 =	vor.u32 v2, v44;
	_ =	sdelay $0x3  }
0x1e2: {  	v3 =	vadd.s32 v1, v43  }
0x1e3: {  	v2 =	vor.u32 v2, v3;
	v4 =	vld.idx.msk [tilespmem:v4+s25+$0x0], $0xffff;
	_ =	sdelay $0x4  }
0x1e4: {  	[tilespmem:v2+s28+$0x0] =	vst.idx.msk $0xffff, v4  }
0x1e5: {  	[tilespmem:v2+s29+$0x0] =	vst.idx.msk $0xffff, v4  }
0x1e6: {  	v2 =	vld [tilespmem:$0xE430];
	_ =	sdelay $0x4  }
0x1e7: {  	v45 =	vand.u32 $0xFFFFFFF8, v2  }
0x1e8: {  	v2 =	vand.u32 $0x7, v2;
	v46 =	vadd.s32 v0, v45  }
0x1e9: {  	v4 =	vor.u32 v2, v46;
	_ =	sdelay $0x3  }
0x1ea: {  	v3 =	vadd.s32 v1, v45  }
0x1eb: {  	v2 =	vor.u32 v2, v3;
	v4 =	vld.idx.msk [tilespmem:v4+s25+$0x0], $0xffff;
	_ =	sdelay $0x4  }
0x1ec: {  	[tilespmem:v2+s28+$0x0] =	vst.idx.msk $0xffff, v4  }
0x1ed: {  	[tilespmem:v2+s29+$0x0] =	vst.idx.msk $0xffff, v4  }
0x1ee: {  	v2 =	vld [tilespmem:$0xE440];
	_ =	sdelay $0x4  }
0x1ef: {  	v47 =	vand.u32 $0xFFFFFFF8, v2  }
0x1f0: {  	v2 =	vand.u32 $0x7, v2;
	v48 =	vadd.s32 v0, v47  }
0x1f1: {  	v4 =	vor.u32 v2, v48;
	_ =	sdelay $0x3  }
0x1f2: {  	v3 =	vadd.s32 v1, v47  }
0x1f3: {  	v2 =	vor.u32 v2, v3;
	v4 =	vld.idx.msk [tilespmem:v4+s25+$0x0], $0xffff;
	_ =	sdelay $0x4  }
0x1f4: {  	[tilespmem:v2+s28+$0x0] =	vst.idx.msk $0xffff, v4  }
0x1f5: {  	[tilespmem:v2+s29+$0x0] =	vst.idx.msk $0xffff, v4  }
0x1f6: {  	v2 =	vld [tilespmem:$0xE450];
	_ =	sdelay $0x4  }
0x1f7: {  	v49 =	vand.u32 $0xFFFFFFF8, v2  }
0x1f8: {  	v2 =	vand.u32 $0x7, v2;
	v50 =	vadd.s32 v0, v49  }
0x1f9: {  	v4 =	vor.u32 v2, v50;
	_ =	sdelay $0x3  }
0x1fa: {  	v3 =	vadd.s32 v1, v49  }
0x1fb: {  	v2 =	vor.u32 v2, v3;
	v4 =	vld.idx.msk [tilespmem:v4+s25+$0x0], $0xffff;
	_ =	sdelay $0x4  }
0x1fc: {  	[tilespmem:v2+s28+$0x0] =	vst.idx.msk $0xffff, v4  }
0x1fd: {  	[tilespmem:v2+s29+$0x0] =	vst.idx.msk $0xffff, v4  }
0x1fe: {  	v2 =	vld [tilespmem:$0xE460];
	_ =	sdelay $0x4  }
0x1ff: {  	v51 =	vand.u32 $0xFFFFFFF8, v2  }
0x200: {  	v2 =	vand.u32 $0x7, v2;
	v52 =	vadd.s32 v0, v51  }
0x201: {  	v4 =	vor.u32 v2, v52;
	_ =	sdelay $0x3  }
0x202: {  	v3 =	vadd.s32 v1, v51  }
0x203: {  	v2 =	vor.u32 v2, v3;
	v4 =	vld.idx.msk [tilespmem:v4+s25+$0x0], $0xffff;
	_ =	sdelay $0x4  }
0x204: {  	[tilespmem:v2+s28+$0x0] =	vst.idx.msk $0xffff, v4  }
0x205: {  	[tilespmem:v2+s29+$0x0] =	vst.idx.msk $0xffff, v4  }
0x206: {  	v2 =	vld [tilespmem:$0xE470];
	_ =	sdelay $0x4  }
0x207: {  	v53 =	vand.u32 $0xFFFFFFF8, v2  }
0x208: {  	v2 =	vand.u32 $0x7, v2;
	v54 =	vadd.s32 v0, v53  }
0x209: {  	v4 =	vor.u32 v2, v54;
	_ =	sdelay $0x3  }
0x20a: {  	v3 =	vadd.s32 v1, v53  }
0x20b: {  	v2 =	vor.u32 v2, v3;
	v4 =	vld.idx.msk [tilespmem:v4+s25+$0x0], $0xffff;
	_ =	sdelay $0x4  }
0x20c: {  	[tilespmem:v2+s28+$0x0] =	vst.idx.msk $0xffff, v4  }
0x20d: {  	[tilespmem:v2+s29+$0x0] =	vst.idx.msk $0xffff, v4  }
0x20e: {  	v2 =	vld [tilespmem:$0xE480];
	_ =	sdelay $0x4  }
0x20f: {  	v55 =	vand.u32 $0xFFFFFFF8, v2  }
0x210: {  	v2 =	vand.u32 $0x7, v2;
	v56 =	vadd.s32 v0, v55  }
0x211: {  	v4 =	vor.u32 v2, v56;
	_ =	sdelay $0x3  }
0x212: {  	v3 =	vadd.s32 v1, v55  }
0x213: {  	v2 =	vor.u32 v2, v3;
	v4 =	vld.idx.msk [tilespmem:v4+s25+$0x0], $0xffff;
	_ =	sdelay $0x4  }
0x214: {  	[tilespmem:v2+s28+$0x0] =	vst.idx.msk $0xffff, v4  }
0x215: {  	[tilespmem:v2+s29+$0x0] =	vst.idx.msk $0xffff, v4  }
0x216: {  	v2 =	vld [tilespmem:$0xE490];
	_ =	sdelay $0x4  }
0x217: {  	v57 =	vand.u32 $0xFFFFFFF8, v2  }
0x218: {  	v2 =	vand.u32 $0x7, v2;
	v58 =	vadd.s32 v0, v57  }
0x219: {  	v4 =	vor.u32 v2, v58;
	_ =	sdelay $0x3  }
0x21a: {  	v3 =	vadd.s32 v1, v57  }
0x21b: {  	v2 =	vor.u32 v2, v3;
	v4 =	vld.idx.msk [tilespmem:v4+s25+$0x0], $0xffff;
	_ =	sdelay $0x4  }
0x21c: {  	[tilespmem:v2+s28+$0x0] =	vst.idx.msk $0xffff, v4  }
0x21d: {  	[tilespmem:v2+s29+$0x0] =	vst.idx.msk $0xffff, v4  }
0x21e: {  	v2 =	vld [tilespmem:$0xE4A0];
	_ =	sdelay $0x4  }
0x21f: {  	v59 =	vand.u32 $0xFFFFFFF8, v2  }
0x220: {  	v2 =	vand.u32 $0x7, v2;
	v60 =	vadd.s32 v0, v59  }
0x221: {  	v4 =	vor.u32 v2, v60;
	_ =	sdelay $0x3  }
0x222: {  	v3 =	vadd.s32 v1, v59  }
0x223: {  	v2 =	vor.u32 v2, v3;
	v4 =	vld.idx.msk [tilespmem:v4+s25+$0x0], $0xffff;
	_ =	sdelay $0x4  }
0x224: {  	[tilespmem:v2+s28+$0x0] =	vst.idx.msk $0xffff, v4  }
0x225: {  	[tilespmem:v2+s29+$0x0] =	vst.idx.msk $0xffff, v4  }
0x226: {  	v2 =	vld [tilespmem:$0xE4B0];
	_ =	sdelay $0x4  }
0x227: {  	v61 =	vand.u32 $0xFFFFFFF8, v2  }
0x228: {  	v2 =	vand.u32 $0x7, v2;
	v62 =	vadd.s32 v0, v61  }
0x229: {  	v4 =	vor.u32 v2, v62;
	_ =	sdelay $0x3  }
0x22a: {  	v3 =	vadd.s32 v1, v61  }
0x22b: {  	v2 =	vor.u32 v2, v3;
	v4 =	vld.idx.msk [tilespmem:v4+s25+$0x0], $0xffff;
	_ =	sdelay $0x4  }
0x22c: {  	[tilespmem:v2+s28+$0x0] =	vst.idx.msk $0xffff, v4  }
0x22d: {  	[tilespmem:v2+s29+$0x0] =	vst.idx.msk $0xffff, v4  }
0x22e: {  	v2 =	vld [tilespmem:$0xE4C0];
	_ =	sdelay $0x4  }
0x22f: {  	v63 =	vand.u32 $0xFFFFFFF8, v2  }
0x230: {  	v2 =	vand.u32 $0x7, v2;
	v0 =	vadd.s32 v0, v63  }
0x231: {  	v0 =	vor.u32 v2, v0;
	_ =	sdelay $0x3  }
0x232: {  	v1 =	vadd.s32 v1, v63  }
0x233: {  	v1 =	vor.u32 v2, v1;
	v0 =	vld.idx.msk [tilespmem:v0+s25+$0x0], $0xffff;
	_ =	sdelay $0x4  }
0x234: {  	[tilespmem:v1+s28+$0x0] =	vst.idx.msk $0xffff, v0  }
0x235: {  	s22 =	rddreg [dreg:$0x7];
	s16 =	simm.s32 $0x1B130;
	[tilespmem:v1+s29+$0x0] =	vst.idx.msk $0xffff, v0  }
0x236: {  	[tilespmem:s16], [sflag:$0x1] =	stream.linear.gather [hbm4b:s22+s3], $0x1C0, $0x38;
	[tilespmem:$0x1BE10] =	vst v63  }
0x237: {  	s18 =	simm.s32 $0x1B4B0;
	s17 =	rddreg [dreg:$0x8]  }
0x238: {  	[tilespmem:s18], [sflag:$0x3] =	stream.linear.gather [hbm4b:s17+s3], $0x190, $0x38;
	[tilespmem:$0x1BE10] =	vst v63  }
0x239: {  	s20 =	simm.s32 $0x1B640;
	s19 =	rddreg [dreg:$0x9]  }
0x23a: {  	[tilespmem:s20], [sflag:$0x3] =	stream.linear.gather [hbm4b:s19+s3], $0x190, $0x38;
	[tilespmem:$0x1BE10] =	vst v63  }
0x23b: {  	s21 =	rddreg [dreg:$0xa];
	s22 =	simm.s32 $0x1B7D0  }
0x23c: {  	[tilespmem:s22], [sflag:$0x3] =	stream.linear.gather [hbm4b:s21+s3], $0x190, $0x38;
	[tilespmem:$0x1BE10] =	vst v63  }
0x23d: {  	s18 =	rddreg [dreg:$0xb]  }
0x23e: {  	[tilespmem:s1], [sflag:$0x2] =	stream.linear.gather [hbm4b:s18+s3], $0x1C0, $0x38;
	[tilespmem:$0x1BE10] =	vst v63  }
0x23f: {  	s19 =	rddreg [dreg:$0xc];
	s20 =	simm.s32 $0x1B960  }
0x240: {  	[tilespmem:s20], [sflag:$0x4] =	stream.linear.gather [hbm4b:s19+s3], $0x190, $0x38;
	[tilespmem:$0x1BE10] =	vst v63  }
0x241: {  	s21 =	rddreg [dreg:$0xd];
	s22 =	simm.s32 $0x1BAF0  }
0x242: {  	[tilespmem:s22], [sflag:$0x4] =	stream.linear.gather [hbm4b:s21+s3], $0x190, $0x38;
	[tilespmem:$0x1BE10] =	vst v63  }
0x243: {  	s17 =	rddreg [dreg:$0xe];
	s18 =	simm.s32 $0x1BC80;
	s19 =	simm.s32 $0x1  }
0x244: {  	[tilespmem:s18], [sflag:$0x4] =	stream.linear.gather [hbm4b:s17+s3], $0x190, $0x38;
	[tilespmem:$0x1BE10] =	vst v63  }
0x245: {  	_ =	swait.ge [sflag:s19], $0x1C0  }
0x246: {  	[sflag:s19] =	ssyncset.done $0x0  }
0x247: {  	s20 =	simm.s32 $0xE570;
	[sflag:s19] =	ssyncadd.s32 $0xFFFFFE40  }
0x248: {  	[tilespmem:s20], [sflag:$0x5] =	stream.indirect.gather [hbm4b:s5+s4], $0x40, s16, s4, $0xb8;
	[tilespmem:$0x1BE10] =	vst v63  }
0x249: {  	s21 =	simm.s32 $0x1B168;
	s22 =	simm.s32 $0xF230  }
0x24a: {  	[tilespmem:s22], [sflag:$0x5] =	stream.indirect.gather [hbm4b:s5+s4], $0x40, s21, s4, $0xb8;
	[tilespmem:$0x1BE10] =	vst v63  }
0x24b: {  	s17 =	simm.s32 $0x1B1A0;
	s18 =	simm.s32 $0xFEF0  }
0x24c: {  	[tilespmem:s18], [sflag:$0x5] =	stream.indirect.gather [hbm4b:s5+s4], $0x40, s17, s4, $0xb8;
	[tilespmem:$0x1BE10] =	vst v63  }
0x24d: {  	s19 =	simm.s32 $0x1B1D8;
	s20 =	simm.s32 $0x10BB0  }
0x24e: {  	[tilespmem:s20], [sflag:$0x5] =	stream.indirect.gather [hbm4b:s5+s4], $0x40, s19, s4, $0xb8;
	[tilespmem:$0x1BE10] =	vst v63  }
0x24f: {  	s21 =	simm.s32 $0x1B210;
	s22 =	simm.s32 $0x11870  }
0x250: {  	[tilespmem:s22], [sflag:$0x5] =	stream.indirect.gather [hbm4b:s5+s4], $0x40, s21, s4, $0xb8;
	[tilespmem:$0x1BE10] =	vst v63  }
0x251: {  	s17 =	simm.s32 $0x1B248;
	s18 =	simm.s32 $0x12530  }
0x252: {  	[tilespmem:s18], [sflag:$0x5] =	stream.indirect.gather [hbm4b:s5+s4], $0x40, s17, s4, $0xb8;
	[tilespmem:$0x1BE10] =	vst v63  }
0x253: {  	s19 =	simm.s32 $0x1B280;
	s20 =	simm.s32 $0x131F0  }
0x254: {  	[tilespmem:s20], [sflag:$0x5] =	stream.indirect.gather [hbm4b:s5+s4], $0x40, s19, s4, $0xb8;
	[tilespmem:$0x1BE10] =	vst v63  }
0x255: {  	s15 =	simm.s32 $0x0;
	s21 =	simm.s32 $0x1B2B8;
	s22 =	simm.s32 $0x13EB0  }
0x256: {  	[tilespmem:s22], [sflag:$0x5] =	stream.indirect.gather [hbm4b:s5+s4], $0x40, s21, s4, $0xb8;
	[tilespmem:$0x1BE10] =	vst v63  }
.LBB2_2:
0x257: {  	_ =	swait.ge [sflag:s30], $0xC80  }
0x258: {  	[sflag:s30] =	ssyncset.done $0x0  }
0x259: {  	[sflag:s30] =	ssyncadd.s32 $0xFFFFF380  }
0x25a: {  	_ =	swait.ge [sflag:s30], $0xC80  }
0x25b: {  	[sflag:s30] =	ssyncset.done $0x0  }
0x25c: {  	[sflag:s30] =	ssyncadd.s32 $0xFFFFF380  }
0x25d: {  	_ =	swait.ge [sflag:s30], $0xC80  }
0x25e: {  	[sflag:s30] =	ssyncset.done $0x0  }
0x25f: {  	[sflag:s30] =	ssyncadd.s32 $0xFFFFF380  }
0x260: {  	_ =	swait.ge [sflag:s30], $0xC80  }
0x261: {  	[sflag:s30] =	ssyncset.done $0x0  }
0x262: {  	[sflag:s30] =	ssyncadd.s32 $0xFFFFF380  }
0x263: {  	_ =	swait.ge [sflag:s30], $0xC80  }
0x264: {  	[sflag:s30] =	ssyncset.done $0x0  }
0x265: {  	[sflag:s30] =	ssyncadd.s32 $0xFFFFF380  }
0x266: {  	_ =	swait.ge [sflag:s30], $0xC80  }
0x267: {  	[sflag:s30] =	ssyncset.done $0x0  }
0x268: {  	[sflag:s30] =	ssyncadd.s32 $0xFFFFF380  }
0x269: {  	_ =	swait.ge [sflag:s30], $0xC80  }
0x26a: {  	[sflag:s30] =	ssyncset.done $0x0  }
0x26b: {  	[sflag:s30] =	ssyncadd.s32 $0xFFFFF380  }
0x26c: {  	_ =	swait.ge [sflag:s30], $0xC80  }
0x26d: {  	p0 =	seq.s32 s15, $0x0;
	[sflag:s30] =	ssyncset.done $0x0  }
0x26e: {  	s16 =	simm.s32 @!p0 $0x8;
	[sflag:s30] =	ssyncadd.s32 $0xFFFFF380  }
0x26f: {  	_ =	swait.ge @!p0 [sflag:s16], $0x6600  }
0x270: {  	[sflag:s16] =	ssyncset.done @!p0 $0x0  }
0x271: {  	[sflag:s16] =	ssyncadd.s32 @!p0 $0xFFFF9A00  }
0x272: {  	_ =	swait.ge [sflag:s6], $0x1C0  }
0x273: {  	[sflag:s6] =	ssyncset.done $0x0  }
0x274: {  	s17 =	simm.s32 $0x14B70;
	[sflag:s6] =	ssyncadd.s32 $0xFFFFFE40  }
0x275: {  	[tilespmem:s17], [sflag:$0x6] =	stream.indirect.gather [hbm4b:s5+s4], $0x40, s1, s4, $0xb8;
	[tilespmem:$0x1BE10] =	vst v63  }
0x276: {  	s18 =	simm.s32 $0x1B328;
	s17 =	simm.s32 $0x15830  }
0x277: {  	[tilespmem:s17], [sflag:$0x6] =	stream.indirect.gather [hbm4b:s5+s4], $0x40, s18, s4, $0xb8;
	[tilespmem:$0x1BE10] =	vst v63  }
0x278: {  	s19 =	simm.s32 $0x1B360;
	s20 =	simm.s32 $0x164F0  }
0x279: {  	[tilespmem:s20], [sflag:$0x6] =	stream.indirect.gather [hbm4b:s5+s4], $0x40, s19, s4, $0xb8;
	[tilespmem:$0x1BE10] =	vst v63  }
0x27a: {  	s21 =	simm.s32 $0x1B398;
	s22 =	simm.s32 $0x171B0  }
0x27b: {  	[tilespmem:s22], [sflag:$0x6] =	stream.indirect.gather [hbm4b:s5+s4], $0x40, s21, s4, $0xb8;
	[tilespmem:$0x1BE10] =	vst v63  }
0x27c: {  	p0 =	seq.s32 s15, $0x7;
	s22 =	sshll.u32 s15, $0x1  }
0x27d: {  	s18 =	simm.s32 $0x1B3D0;
	s19 =	simm.s32 $0x17E70;
	s16 =	sadd.s32 $0x2, s22  }
0x27e: {  	[tilespmem:s19], [sflag:$0x6] =	stream.indirect.gather [hbm4b:s5+s4], $0x40, s18, s4, $0xb8;
	[tilespmem:$0x1BE10] =	vst v63  }
0x27f: {  	s20 =	simm.s32 $0x1B408;
	s21 =	simm.s32 $0x18B30;
	s16 =	sshll.u32 @!p0 s16, $0x3  }
0x280: {  	[tilespmem:s21], [sflag:$0x6] =	stream.indirect.gather [hbm4b:s5+s4], $0x40, s20, s4, $0xb8;
	[tilespmem:$0x1BE10] =	vst v63  }
0x281: {  	s17 =	sadd.s32 @!p0 s12, s16  }
0x282: {  	[tilespmem:s23], [sflag:$0x6] =	stream.indirect.gather [hbm4b:s5+s4], $0x40, s0, s4, $0xb8;
	[tilespmem:$0x1BE10] =	vst v63  }
0x283: {  	s16 =	smul.u32 @!p0 $0x7, s17  }
0x284: {  	[tilespmem:s26], [sflag:$0x6] =	stream.indirect.gather [hbm4b:s5+s4], $0x40, s24, s4, $0xb8;
	[tilespmem:$0x1BE10] =	vst v63  }
0x285: {  	s18 =	simm.s32 @!p0 $0x0;
	s19 =	simm.s32 @!p0 $0x1B130;
	s16 =	sadd.s32 @!p0 s7, s16  }
0x286: {  	[tilespmem:s19], [sflag:$0x1] =	stream.linear.gather @!p0 [hbm4b:s16+s18], $0x1C0, $0x38;
	[tilespmem:$0x1BE10] =	vst v63  }
0x287: {  	_ =	swait.ge [sflag:s31], $0x190  }
0x288: {  	[sflag:s31] =	ssyncset.done $0x0  }
0x289: {  	[sflag:s31] =	ssyncadd.s32 $0xFFFFFE70  }
0x28a: {  	_ =	swait.ge [sflag:s31], $0x190  }
0x28b: {  	[sflag:s31] =	ssyncset.done $0x0  }
0x28c: {  	[sflag:s31] =	ssyncadd.s32 $0xFFFFFE70  }
0x28d: {  	_ =	swait.ge [sflag:s31], $0x190  }
0x28e: {  	[sflag:s31] =	ssyncset.done $0x0  }
0x28f: {  	s16 =	simm.s32 $0x0;
	[sflag:s31] =	ssyncadd.s32 $0xFFFFFE70  }
.LBB2_3:
0x290: {  	v12 =	vld [tilespmem:$0xE0D0]  }
0x291: {  	s18 =	sshra.s32 s16, $0x2;
	v1 =	vld [tilespmem:$0xE4F0]  }
0x292: {  	v11 =	vld [tilespmem:s18+$0x1B4B0]  }
0x293: {  	v10 =	vld [tilespmem:s18+$0x1B640]  }
0x294: {  	v9 =	vld [tilespmem:s18+$0x1B7D0]  }
0x295: {  	v21 =	vld [tilespmem:$0xE0E0];
	_ =	sdelay $0x2  }
0x296: {  	v3 =	vld [tilespmem:$0xE500];
	v2 =	vperm.xlane v11, v12  }
0x297: {  	v0 =	vand.u32 $0xFFFFFFF8, v1;
	v4 =	vperm.xlane v10, v12;
	v5 =	vperm.xlane v9, v12  }
0x298: {  	v1 =	vand.u32 $0x7, v1;
	v27 =	vperm.xlane v10, v21;
	v13 =	vshll.u32 v2, $0x6  }
0x299: {  	v14 =	vshll.u32 v4, $0x6;
	v15 =	vshll.u32 v5, $0x6;
	v2 =	vadd.s32 v0, v13  }
0x29a: {  	v6 =	vld [tilespmem:$0xE510];
	v27 =	vshll.u32 v27, $0x6;
	v56 =	vadd.s32 v0, v14;
	v7 =	vor.u32 v1, v2  }
0x29b: {  	v57 =	vadd.s32 v0, v15;
	v16 =	vor.u32 v1, v56;
	v2 =	vand.u32 $0xFFFFFFF8, v3  }
0x29c: {  	v17 =	vld [tilespmem:$0xE520];
	v18 =	vor.u32 v1, v57;
	v3 =	vand.u32 $0x7, v3;
	v58 =	vadd.s32 v2, v13  }
0x29d: {  	v8 =	vld [tilespmem:s18+$0xDF40];
	v59 =	vadd.s32 v2, v14;
	v33 =	vadd.s32 v2, v27;
	v19 =	vor.u32 v3, v58  }
0x29e: {  	v5 =	vadd.s32 v2, v15;
	v20 =	vor.u32 v3, v59;
	v46 =	vor.u32 v3, v33;
	v33 =	vld [tilespmem:$0xE0F0]  }
0x29f: {  	v4 =	vand.u32 $0xFFFFFFF8, v6;
	v23 =	vor.u32 v3, v5;
	v22 =	vld.idx.msk [tilespmem:v7+s3+$0x0], $0xffff  }
0x2a0: {  	v60 =	vadd.s32 v4, v13;
	v5 =	vand.u32 $0x7, v6;
	v16 =	vld.idx.msk [tilespmem:v16+s3+$0x0], $0xffff  }
0x2a1: {  	v37 =	vperm.xlane v9, v21;
	v61 =	vadd.s32 v4, v14;
	v24 =	vor.u32 v5, v60;
	v18 =	vld.idx.msk [tilespmem:v18+s3+$0x0], $0xffff  }
0x2a2: {  	v62 =	vadd.s32 v4, v15;
	v6 =	vand.u32 $0xFFFFFFF8, v17;
	v25 =	vor.u32 v5, v61;
	v19 =	vld.idx.msk [tilespmem:v19+s3+$0x0], $0xffff  }
0x2a3: {  	v26 =	vor.u32 v5, v62;
	v13 =	vadd.s32 v6, v13;
	v7 =	vand.u32 $0x7, v17;
	v63 =	vld.idx.msk [tilespmem:v20+s3+$0x0], $0xffff  }
0x2a4: {  	v36 =	vperm.xlane v11, v21;
	v14 =	vadd.s32 v6, v14;
	v13 =	vor.u32 v7, v13;
	v23 =	vld.idx.msk [tilespmem:v23+s3+$0x0], $0xffff  }
0x2a5: {  	v31 =	vshll.u32 v37, $0x6;
	v15 =	vadd.s32 v6, v15;
	v14 =	vor.u32 v7, v14;
	v50 =	vld.idx.msk [tilespmem:v46+s3+$0x0], $0xffff  }
0x2a6: {  	v30 =	vadd.s32 v0, v27;
	v51 =	vadd.s32 v6, v27;
	v28 =	vor.u32 v7, v15;
	v24 =	vld.idx.msk [tilespmem:v24+s3+$0x0], $0xffff  }
0x2a7: {  	v34 =	vadd.s32 v4, v27;
	v42 =	vadd.s32 v4, v31;
	v53 =	vor.u32 v7, v51;
	v25 =	vld.idx.msk [tilespmem:v25+s3+$0x0], $0xffff  }
0x2a8: {  	v38 =	vor.u32 v1, v30;
	v47 =	vadd.s32 v2, v31;
	v15 =	vadd.s32 v0, v31;
	v26 =	vld.idx.msk [tilespmem:v26+s3+$0x0], $0xffff  }
0x2a9: {  	v41 =	vor.u32 v5, v34;
	v20 =	vshll.u32 v36, $0x6;
	v44 =	vor.u32 v1, v15;
	v32 =	vld.idx.msk [tilespmem:v13+s3+$0x0], $0xffff  }
0x2aa: {  	v49 =	vor.u32 v5, v42;
	v54 =	vadd.s32 v6, v31;
	v29 =	vadd.s32 v0, v20;
	v39 =	vld.idx.msk [tilespmem:v14+s3+$0x0], $0xffff  }
0x2ab: {  	v56 =	vperm.xlane v9, v33;
	v45 =	vadd.s32 v2, v20;
	v29 =	vor.u32 v1, v29;
	v28 =	vld.idx.msk [tilespmem:v28+s3+$0x0], $0xffff  }
0x2ac: {  	v35 =	vor.u32 v7, v54;
	v55 =	vperm.xlane v10, v33;
	v30 =	vor.u32 v3, v45;
	v60 =	vld.idx.msk [tilespmem:v53+s3+$0x0], $0xffff  }
0x2ad: {  	v15 =	vperm.xlane v8, v12;
	v37 =	vshll.u32 v56, $0x6;
	v17 =	vadd.f32 v23, v63;
	v63 =	vld.idx.msk [tilespmem:v38+s3+$0x0], $0xffff  }
0x2ae: {  	v52 =	vperm.xlane v11, v33;
	v31 =	vshll.u32 v55, $0x6;
	v59 =	vadd.s32 v0, v37;
	v40 =	vld.idx.msk [tilespmem:v44+s3+$0x0], $0xffff  }
0x2af: {  	v16 =	vadd.f32 v18, v16;
	v45 =	vadd.s32 v2, v31;
	v61 =	vor.u32 v1, v59;
	v38 =	vld [tilespmem:$0xE100]  }
0x2b0: {  	v62 =	vadd.s32 v4, v20;
	v20 =	vadd.s32 v6, v20;
	v46 =	vor.u32 v3, v45;
	v48 =	vld.idx.msk [tilespmem:v29+s3+$0x0], $0xffff  }
0x2b1: {  	v12 =	vadd.f32 v16, v22;
	v22 =	vor.u32 v3, v47;
	v25 =	vadd.f32 v26, v25;
	v43 =	vld.idx.msk [tilespmem:v30+s3+$0x0], $0xffff  }
0x2b2: {  	v27 =	vshll.u32 v52, $0x6;
	v53 =	vadd.s32 v4, v37;
	v13 =	vadd.f32 v17, v19;
	v19 =	vld.idx.msk [tilespmem:v41+s3+$0x0], $0xffff  }
0x2b3: {  	v36 =	vadd.s32 v0, v31;
	v34 =	vor.u32 v5, v53;
	v14 =	vadd.f32 v25, v24;
	v25 =	vld.idx.msk [tilespmem:v49+s3+$0x0], $0xffff  }
0x2b4: {  	v20 =	vor.u32 v7, v20;
	v57 =	vadd.s32 v0, v27;
	v58 =	vor.u32 v1, v36;
	v51 =	vld.idx.msk [tilespmem:v61+s3+$0x0], $0xffff  }
0x2b5: {  	v47 =	vadd.s32 v2, v37;
	v29 =	vor.u32 v5, v62;
	v62 =	vadd.s32 v2, v27;
	v23 =	vld.idx.msk [tilespmem:v46+s3+$0x0], $0xffff  }
0x2b6: {  	v37 =	vadd.s32 v6, v37;
	v44 =	vor.u32 v3, v62;
	v49 =	vadd.s32 v4, v27;
	v22 =	vld.idx.msk [tilespmem:v22+s3+$0x0], $0xffff  }
0x2b7: {  	v18 =	vadd.f32 v28, v39;
	v28 =	vor.u32 v1, v57;
	v17 =	vadd.f32 v40, v63;
	v63 =	vld.idx.msk [tilespmem:v35+s3+$0x0], $0xffff  }
0x2b8: {  	v37 =	vor.u32 v7, v37;
	v27 =	vadd.s32 v6, v27;
	v36 =	vor.u32 v5, v49;
	v34 =	vld.idx.msk [tilespmem:v34+s3+$0x0], $0xffff  }
0x2b9: {  	v39 =	vadd.s32 v4, v31;
	v27 =	vor.u32 v7, v27;
	v16 =	vadd.f32 v18, v32;
	v32 =	vld.idx.msk [tilespmem:v20+s3+$0x0], $0xffff  }
0x2ba: {  	v31 =	vadd.s32 v6, v31;
	v52 =	vor.u32 v5, v39;
	v55 =	vperm.xlane v11, v38;
	v29 =	vld.idx.msk [tilespmem:v29+s3+$0x0], $0xffff  }
0x2bb: {  	v31 =	vor.u32 v7, v31;
	v56 =	vperm.xlane v10, v38;
	v40 =	vperm.xlane v9, v38;
	v54 =	vld.idx.msk [tilespmem:v44+s3+$0x0], $0xffff  }
0x2bc: {  	v20 =	vperm.xlane v8, v21;
	v17 =	vadd.f32 v17, v48;
	v35 =	vshll.u32 v55, $0x6;
	v28 =	vld.idx.msk [tilespmem:v28+s3+$0x0], $0xffff  }
0x2bd: {  	v48 =	vor.u32 v3, v47;
	v39 =	vshll.u32 v56, $0x6;
	v57 =	vadd.s32 v0, v35;
	v36 =	vld.idx.msk [tilespmem:v36+s3+$0x0], $0xffff  }
0x2be: {  	v41 =	vadd.s32 v0, v39;
	v42 =	vadd.s32 v2, v35;
	v62 =	vadd.s32 v2, v39;
	v27 =	vld.idx.msk [tilespmem:v27+s3+$0x0], $0xffff  }
0x2bf: {  	v47 =	vadd.s32 v4, v35;
	v35 =	vadd.s32 v6, v35;
	v22 =	vadd.f32 v22, v50;
	v50 =	vld.idx.msk [tilespmem:v58+s3+$0x0], $0xffff  }
0x2c0: {  	v49 =	vadd.s32 v4, v39;
	v39 =	vadd.s32 v6, v39;
	v35 =	vor.u32 v7, v35;
	v24 =	vld.idx.msk [tilespmem:v52+s3+$0x0], $0xffff  }
0x2c1: {  	v40 =	vshll.u32 v40, $0x6;
	v19 =	vadd.f32 v25, v19;
	v39 =	vor.u32 v7, v39;
	v31 =	vld.idx.msk [tilespmem:v31+s3+$0x0], $0xffff  }
0x2c2: {  	v59 =	vadd.s32 v0, v40;
	v21 =	vadd.f32 v63, v60;
	v58 =	vor.u32 v1, v41;
	v60 =	vld.idx.msk [tilespmem:v37+s3+$0x0], $0xffff  }
0x2c3: {  	v45 =	vadd.s32 v2, v40;
	v26 =	vor.u32 v1, v57;
	v41 =	vor.u32 v1, v59;
	v30 =	vld.idx.msk [tilespmem:v48+s3+$0x0], $0xffff  }
0x2c4: {  	v61 =	vor.u32 v3, v42;
	v46 =	vor.u32 v3, v45;
	v18 =	vadd.f32 v22, v43;
	v43 =	vld [tilespmem:$0xE110]  }
0x2c5: {  	v63 =	vor.u32 v3, v62;
	v19 =	vadd.f32 v19, v29;
	v21 =	vadd.f32 v21, v32;
	v35 =	vld.idx.msk [tilespmem:v35+s3+$0x0], $0xffff  }
0x2c6: {  	v48 =	vor.u32 v5, v47;
	v29 =	vperm.xlane v8, v38;
	v38 =	vld.idx.msk [tilespmem:v39+s3+$0x0], $0xffff;
	v22 =	vadd.f32 v51, v50  }
0x2c7: {  	v24 =	vadd.f32 v34, v24;
	v32 =	vld.idx.msk [tilespmem:v58+s3+$0x0], $0xffff;
	v50 =	vor.u32 v5, v49;
	v51 =	vadd.s32 v4, v40  }
0x2c8: {  	v41 =	vld.idx.msk [tilespmem:v41+s3+$0x0], $0xffff;
	v31 =	vadd.f32 v60, v31;
	v40 =	vadd.s32 v6, v40;
	v52 =	vor.u32 v5, v51  }
0x2c9: {  	v40 =	vor.u32 v7, v40;
	v23 =	vadd.f32 v30, v23;
	v30 =	vld.idx.msk [tilespmem:v26+s3+$0x0], $0xffff;
	v53 =	vperm.xlane v11, v43  }
0x2ca: {  	v22 =	vadd.f32 v22, v28;
	v24 =	vadd.f32 v24, v36;
	v36 =	vld.idx.msk [tilespmem:v61+s3+$0x0], $0xffff;
	v55 =	vperm.xlane v10, v43  }
0x2cb: {  	v28 =	vld.idx.msk [tilespmem:v63+s3+$0x0], $0xffff;
	v44 =	vperm.xlane v9, v43;
	v26 =	vadd.f32 v31, v27;
	v42 =	vshll.u32 v53, $0x6  }
0x2cc: {  	v23 =	vadd.f32 v23, v54;
	v54 =	vld.idx.msk [tilespmem:v46+s3+$0x0], $0xffff;
	v46 =	vshll.u32 v55, $0x6;
	v56 =	vadd.s32 v0, v42  }
0x2cd: {  	v34 =	vld.idx.msk [tilespmem:v48+s3+$0x0], $0xffff;
	v44 =	vshll.u32 v44, $0x6;
	v57 =	vadd.s32 v0, v46;
	v47 =	vor.u32 v1, v56  }
0x2ce: {  	v48 =	vld [tilespmem:$0xE120];
	v59 =	vadd.s32 v0, v44;
	v61 =	vadd.s32 v2, v42;
	v58 =	vor.u32 v1, v57  }
0x2cf: {  	v45 =	vld.idx.msk [tilespmem:v50+s3+$0x0], $0xffff;
	v32 =	vadd.f32 v41, v32;
	v63 =	vadd.s32 v2, v46;
	v60 =	vor.u32 v1, v59  }
0x2d0: {  	v49 =	vadd.s32 v2, v44;
	v55 =	vadd.s32 v4, v46;
	v37 =	vld.idx.msk [tilespmem:v52+s3+$0x0], $0xffff;
	v62 =	vor.u32 v3, v61  }
0x2d1: {  	v52 =	vld.idx.msk [tilespmem:v40+s3+$0x0], $0xffff;
	v53 =	vor.u32 v3, v63;
	v56 =	vor.u32 v5, v55;
	v28 =	vadd.f32 v54, v28  }
0x2d2: {  	v57 =	vadd.s32 v4, v44;
	v44 =	vadd.s32 v6, v44;
	v27 =	vadd.f32 v32, v30;
	v32 =	vld.idx.msk [tilespmem:v47+s3+$0x0], $0xffff  }
0x2d3: {  	v46 =	vadd.s32 v6, v46;
	v44 =	vor.u32 v7, v44;
	v28 =	vadd.f32 v28, v36;
	v36 =	vld.idx.msk [tilespmem:v58+s3+$0x0], $0xffff  }
0x2d4: {  	v46 =	vor.u32 v7, v46;
	v39 =	vld.idx.msk [tilespmem:v60+s3+$0x0], $0xffff  }
0x2d5: {  	v61 =	vadd.s32 v6, v42;
	v54 =	vor.u32 v3, v49;
	v41 =	vld.idx.msk [tilespmem:v62+s3+$0x0], $0xffff  }
0x2d6: {  	v25 =	vperm.xlane v8, v33;
	v50 =	vperm.xlane v10, v48;
	v51 =	vor.u32 v7, v61;
	v40 =	vld.idx.msk [tilespmem:v53+s3+$0x0], $0xffff  }
0x2d7: {  	v47 =	vor.u32 v5, v57;
	v37 =	vadd.f32 v37, v45;
	v33 =	vadd.f32 v52, v38;
	v38 =	vld.idx.msk [tilespmem:v56+s3+$0x0], $0xffff  }
0x2d8: {  	v50 =	vshll.u32 v50, $0x6;
	v58 =	vadd.s32 v4, v42;
	v62 =	vperm.xlane v9, v48;
	v56 =	vld.idx.msk [tilespmem:v44+s3+$0x0], $0xffff  }
0x2d9: {  	v63 =	vadd.s32 v0, v50;
	v59 =	vor.u32 v5, v58;
	v31 =	vadd.f32 v37, v34;
	v34 =	vld.idx.msk [tilespmem:v46+s3+$0x0], $0xffff  }
0x2da: {  	v52 =	vperm.xlane v11, v48;
	v53 =	vor.u32 v1, v63;
	v42 =	vshll.u32 v62, $0x6;
	v60 =	vld.idx.msk [tilespmem:v54+s3+$0x0], $0xffff  }
0x2db: {  	v30 =	vadd.f32 v33, v35;
	v62 =	vadd.s32 v2, v50;
	v54 =	vadd.s32 v0, v42  }
0x2dc: {  	v45 =	vor.u32 v3, v62;
	v57 =	vor.u32 v1, v54;
	v47 =	vld.idx.msk [tilespmem:v47+s3+$0x0], $0xffff;
	v55 =	vadd.f32 v39, v36  }
0x2dd: {  	v49 =	vld [tilespmem:$0xE130];
	v54 =	vadd.s32 v2, v42;
	v39 =	vshll.u32 v52, $0x6;
	v36 =	vperm.xlane v8, v43  }
0x2de: {  	v46 =	vor.u32 v3, v54;
	v59 =	vld.idx.msk [tilespmem:v59+s3+$0x0], $0xffff;
	v32 =	vadd.f32 v55, v32;
	v55 =	vadd.s32 v4, v50  }
0x2df: {  	v61 =	vld.idx.msk [tilespmem:v51+s3+$0x0], $0xffff;
	v37 =	vadd.f32 v56, v34;
	v58 =	vadd.f32 v60, v40;
	v60 =	vadd.s32 v0, v39  }
0x2e0: {  	v63 =	vld.idx.msk [tilespmem:v53+s3+$0x0], $0xffff;
	v56 =	vadd.s32 v4, v42;
	v50 =	vadd.s32 v6, v50;
	v43 =	vor.u32 v1, v60  }
0x2e1: {  	v42 =	vadd.s32 v6, v42;
	v44 =	vld.idx.msk [tilespmem:v57+s3+$0x0], $0xffff;
	v38 =	vadd.f32 v47, v38;
	v47 =	vor.u32 v5, v55  }
0x2e2: {  	v45 =	vld.idx.msk [tilespmem:v45+s3+$0x0], $0xffff;
	v57 =	vadd.s32 v2, v39;
	v33 =	vadd.f32 v58, v41;
	v58 =	vor.u32 v5, v56  }
0x2e3: {  	v46 =	vld.idx.msk [tilespmem:v46+s3+$0x0], $0xffff;
	v34 =	vadd.f32 v38, v59;
	v38 =	vor.u32 v3, v57;
	v59 =	vadd.s32 v4, v39  }
0x2e4: {  	v35 =	vadd.f32 v37, v61;
	v61 =	vperm.xlane v11, v49;
	v56 =	vld [tilespmem:$0xE140];
	v60 =	vor.u32 v5, v59  }
0x2e5: {  	v50 =	vor.u32 v7, v50;
	v42 =	vor.u32 v7, v42;
	v37 =	vperm.xlane v8, v48;
	v43 =	vld.idx.msk [tilespmem:v43+s3+$0x0], $0xffff  }
0x2e6: {  	v51 =	vshll.u32 v61, $0x6;
	v41 =	vadd.f32 v44, v63;
	v63 =	vperm.xlane v10, v49;
	v62 =	vld.idx.msk [tilespmem:v47+s3+$0x0], $0xffff  }
0x2e7: {  	v39 =	vadd.s32 v6, v39;
	v57 =	vperm.xlane v9, v49;
	v61 =	vadd.s32 v2, v51;
	v40 =	vld.idx.msk [tilespmem:v58+s3+$0x0], $0xffff  }
0x2e8: {  	v54 =	vor.u32 v7, v39;
	v58 =	vadd.s32 v0, v51;
	v47 =	vshll.u32 v63, $0x6;
	v53 =	vld.idx.msk [tilespmem:v38+s3+$0x0], $0xffff  }
0x2e9: {  	v52 =	vshll.u32 v57, $0x6;
	v55 =	vor.u32 v1, v58;
	v59 =	vadd.s32 v0, v47;
	v48 =	vld.idx.msk [tilespmem:v60+s3+$0x0], $0xffff  }
0x2ea: {  	v42 =	vld.idx.msk [tilespmem:v42+s3+$0x0], $0xffff;
	v60 =	vadd.s32 v0, v52;
	v38 =	vadd.f32 v41, v43;
	v43 =	vor.u32 v1, v59  }
0x2eb: {  	v45 =	vadd.f32 v46, v45;
	v63 =	vadd.s32 v2, v47;
	v41 =	vld.idx.msk [tilespmem:v50+s3+$0x0], $0xffff;
	v46 =	vor.u32 v1, v60  }
0x2ec: {  	v50 =	vor.u32 v3, v63;
	v40 =	vadd.f32 v40, v62;
	v62 =	vor.u32 v3, v61  }
0x2ed: {  	v61 =	vadd.s32 v4, v47;
	v47 =	vadd.s32 v6, v47;
	v39 =	vadd.f32 v45, v53;
	v45 =	vld.idx.msk [tilespmem:v54+s3+$0x0], $0xffff  }
0x2ee: {  	v59 =	vadd.s32 v2, v52;
	v47 =	vor.u32 v7, v47;
	v40 =	vadd.f32 v40, v48;
	v48 =	vld.idx.msk [tilespmem:v55+s3+$0x0], $0xffff  }
0x2ef: {  	v57 =	vadd.s32 v4, v52;
	v58 =	vperm.xlane v10, v56;
	v53 =	vor.u32 v3, v59;
	v43 =	vld.idx.msk [tilespmem:v43+s3+$0x0], $0xffff  }
0x2f0: {  	v60 =	vadd.s32 v4, v51;
	v55 =	vor.u32 v5, v57;
	v41 =	vadd.f32 v42, v41;
	v42 =	vld.idx.msk [tilespmem:v46+s3+$0x0], $0xffff  }
0x2f1: {  	v51 =	vadd.s32 v6, v51;
	v46 =	vor.u32 v5, v61;
	v44 =	vld.idx.msk [tilespmem:v62+s3+$0x0], $0xffff;
	v62 =	vperm.xlane v11, v56  }
0x2f2: {  	v58 =	vshll.u32 v58, $0x6;
	v52 =	vadd.s32 v6, v52;
	v51 =	vor.u32 v7, v51;
	v50 =	vld.idx.msk [tilespmem:v50+s3+$0x0], $0xffff  }
0x2f3: {  	v54 =	vor.u32 v5, v60;
	v59 =	vperm.xlane v9, v56;
	v47 =	vld.idx.msk [tilespmem:v47+s3+$0x0], $0xffff;
	v57 =	vshll.u32 v62, $0x6  }
0x2f4: {  	v52 =	vor.u32 v7, v52;
	v61 =	vadd.s32 v0, v58;
	v53 =	vld.idx.msk [tilespmem:v53+s3+$0x0], $0xffff;
	v60 =	vadd.s32 v0, v57  }
0x2f5: {  	v59 =	vshll.u32 v59, $0x6;
	v41 =	vadd.f32 v41, v45;
	v45 =	vld.idx.msk [tilespmem:v55+s3+$0x0], $0xffff;
	v60 =	vor.u32 v1, v60  }
0x2f6: {  	v55 =	vor.u32 v1, v61;
	v61 =	vadd.s32 v0, v59;
	v46 =	vld.idx.msk [tilespmem:v46+s3+$0x0], $0xffff  }
0x2f7: {  	v42 =	vadd.f32 v42, v43;
	v43 =	vld.idx.msk [tilespmem:v51+s3+$0x0], $0xffff;
	v51 =	vor.u32 v1, v61;
	v61 =	vadd.s32 v2, v57  }
0x2f8: {  	v15 =	vshll.u32 v15, $0x6;
	v54 =	vld.idx.msk [tilespmem:v54+s3+$0x0], $0xffff;
	v62 =	vadd.s32 v2, v58;
	v61 =	vor.u32 v3, v61  }
0x2f9: {  	v42 =	vadd.f32 v42, v48;
	v48 =	vld.idx.msk [tilespmem:v52+s3+$0x0], $0xffff;
	v52 =	vor.u32 v3, v62;
	v62 =	vadd.s32 v2, v59  }
0x2fa: {  	v50 =	vadd.f32 v53, v50;
	v53 =	vld.idx.msk [tilespmem:v60+s3+$0x0], $0xffff;
	v60 =	vor.u32 v3, v62;
	v62 =	vadd.s32 v4, v57  }
0x2fb: {  	v45 =	vadd.f32 v45, v46;
	v46 =	vld.idx.msk [tilespmem:v55+s3+$0x0], $0xffff;
	v55 =	vor.u32 v5, v62;
	v62 =	vadd.s32 v4, v58  }
0x2fc: {  	v44 =	vadd.f32 v50, v44;
	v50 =	vld.idx.msk [tilespmem:v51+s3+$0x0], $0xffff;
	v51 =	vor.u32 v5, v62;
	v62 =	vadd.s32 v4, v59  }
0x2fd: {  	v57 =	vadd.s32 v6, v57;
	v45 =	vadd.f32 v45, v54;
	v54 =	vld.idx.msk [tilespmem:v61+s3+$0x0], $0xffff;
	v61 =	vor.u32 v5, v62  }
0x2fe: {  	v63 =	vadd.s32 v6, v58;
	v47 =	vadd.f32 v48, v47;
	v48 =	vld.idx.msk [tilespmem:v52+s3+$0x0], $0xffff;
	v52 =	vor.u32 v7, v57  }
0x2ff: {  	v20 =	vshll.u32 v20, $0x6;
	v57 =	vor.u32 v7, v63;
	v59 =	vadd.s32 v6, v59;
	v58 =	vld.idx.msk [tilespmem:v60+s3+$0x0], $0xffff  }
0x300: {  	v62 =	vadd.s32 v0, v15;
	v43 =	vadd.f32 v47, v43;
	v47 =	vld.idx.msk [tilespmem:v55+s3+$0x0], $0xffff;
	v55 =	vor.u32 v7, v59  }
0x301: {  	v49 =	vperm.xlane v8, v49;
	v60 =	vadd.s32 v2, v15;
	v59 =	vor.u32 v1, v62;
	v51 =	vld.idx.msk [tilespmem:v51+s3+$0x0], $0xffff  }
0x302: {  	v46 =	vadd.f32 v50, v46;
	v60 =	vor.u32 v3, v60;
	v50 =	vld.idx.msk [tilespmem:v61+s3+$0x0], $0xffff;
	v61 =	vadd.s32 v4, v15  }
0x303: {  	v56 =	vperm.xlane v8, v56;
	v52 =	vld.idx.msk [tilespmem:v52+s3+$0x0], $0xffff;
	v15 =	vadd.s32 v6, v15;
	v61 =	vor.u32 v5, v61  }
0x304: {  	v63 =	vadd.s32 v0, v20;
	v46 =	vadd.f32 v46, v53;
	v53 =	vld.idx.msk [tilespmem:v57+s3+$0x0], $0xffff;
	v15 =	vor.u32 v7, v15  }
0x305: {  	v62 =	vadd.s32 v2, v20;
	v57 =	vor.u32 v1, v63;
	v63 =	vadd.s32 v4, v20;
	v55 =	vld.idx.msk [tilespmem:v55+s3+$0x0], $0xffff  }
0x306: {  	v20 =	vadd.s32 v6, v20;
	[tilespmem:v59+s28+$0x0] =	vst.idx.add.f32.msk $0xffff, v12;
	v12 =	vor.u32 v3, v62  }
0x307: {  	v25 =	vshll.u32 v25, $0x6;
	v48 =	vadd.f32 v58, v48;
	[tilespmem:v60+s28+$0x0] =	vst.idx.add.f32.msk $0xffff, v13;
	v60 =	vor.u32 v5, v63  }
0x308: {  	v62 =	vadd.s32 v0, v25;
	[tilespmem:v61+s28+$0x0] =	vst.idx.add.f32.msk $0xffff, v14;
	v61 =	vor.u32 v7, v20  }
0x309: {  	v63 =	vadd.s32 v2, v25;
	[tilespmem:v15+s28+$0x0] =	vst.idx.add.f32.msk $0xffff, v16;
	v15 =	vor.u32 v1, v62  }
0x30a: {  	v20 =	vadd.s32 v4, v25;
	v16 =	vor.u32 v3, v63;
	[tilespmem:v57+s28+$0x0] =	vst.idx.add.f32.msk $0xffff, v17  }
0x30b: {  	v58 =	vshll.u32 v29, $0x6;
	v57 =	vadd.s32 v6, v25;
	[tilespmem:v12+s28+$0x0] =	vst.idx.add.f32.msk $0xffff, v18;
	v12 =	vor.u32 v5, v20  }
0x30c: {  	v59 =	vor.u32 v7, v57;
	[tilespmem:v60+s28+$0x0] =	vst.idx.add.f32.msk $0xffff, v19;
	v60 =	vadd.s32 v0, v58  }
0x30d: {  	v62 =	vadd.s32 v2, v58;
	[tilespmem:v61+s28+$0x0] =	vst.idx.add.f32.msk $0xffff, v21;
	v61 =	vor.u32 v1, v60  }
0x30e: {  	v63 =	vor.u32 v3, v62;
	v20 =	vadd.s32 v4, v58;
	[tilespmem:v15+s28+$0x0] =	vst.idx.add.f32.msk $0xffff, v22  }
0x30f: {  	v21 =	vor.u32 v5, v20;
	v22 =	vadd.s32 v6, v58;
	[tilespmem:v16+s28+$0x0] =	vst.idx.add.f32.msk $0xffff, v23;
	v23 =	vshll.u32 v36, $0x6  }
0x310: {  	v25 =	vor.u32 v7, v22;
	[tilespmem:v12+s28+$0x0] =	vst.idx.add.f32.msk $0xffff, v24;
	v29 =	vadd.s32 v0, v23  }
0x311: {  	v57 =	vadd.s32 v2, v23;
	[tilespmem:v59+s28+$0x0] =	vst.idx.add.f32.msk $0xffff, v26;
	v36 =	vor.u32 v1, v29  }
0x312: {  	v58 =	vor.u32 v3, v57;
	v59 =	vadd.s32 v4, v23;
	[tilespmem:v61+s28+$0x0] =	vst.idx.add.f32.msk $0xffff, v27  }
0x313: {  	v62 =	vshll.u32 v37, $0x6;
	v60 =	vor.u32 v5, v59;
	v61 =	vadd.s32 v6, v23;
	[tilespmem:v63+s28+$0x0] =	vst.idx.add.f32.msk $0xffff, v28  }
0x314: {  	v20 =	vadd.s32 v0, v62;
	v63 =	vor.u32 v7, v61;
	[tilespmem:v21+s28+$0x0] =	vst.idx.add.f32.msk $0xffff, v31  }
0x315: {  	v22 =	vadd.s32 v2, v62;
	v21 =	vor.u32 v1, v20;
	[tilespmem:v25+s28+$0x0] =	vst.idx.add.f32.msk $0xffff, v30  }
0x316: {  	v24 =	vadd.s32 v4, v62;
	v23 =	vor.u32 v3, v22;
	[tilespmem:v36+s28+$0x0] =	vst.idx.add.f32.msk $0xffff, v32  }
0x317: {  	v26 =	vadd.s32 v6, v62;
	v27 =	vshll.u32 v49, $0x6;
	v25 =	vor.u32 v5, v24;
	[tilespmem:v58+s28+$0x0] =	vst.idx.add.f32.msk $0xffff, v33  }
0x318: {  	v28 =	vor.u32 v7, v26;
	v29 =	vadd.s32 v0, v27;
	[tilespmem:v60+s28+$0x0] =	vst.idx.add.f32.msk $0xffff, v34  }
0x319: {  	v31 =	vadd.s32 v2, v27;
	v30 =	vor.u32 v1, v29;
	[tilespmem:v63+s28+$0x0] =	vst.idx.add.f32.msk $0xffff, v35  }
0x31a: {  	v32 =	vor.u32 v3, v31;
	v33 =	vadd.s32 v4, v27;
	[tilespmem:v21+s28+$0x0] =	vst.idx.add.f32.msk $0xffff, v38  }
0x31b: {  	v36 =	vshll.u32 v56, $0x6;
	v34 =	vor.u32 v5, v33;
	v35 =	vadd.s32 v6, v27;
	[tilespmem:v23+s28+$0x0] =	vst.idx.add.f32.msk $0xffff, v39  }
0x31c: {  	v37 =	vor.u32 v7, v35;
	v38 =	vadd.s32 v0, v36;
	[tilespmem:v25+s28+$0x0] =	vst.idx.add.f32.msk $0xffff, v40  }
0x31d: {  	v39 =	vor.u32 v1, v38;
	v40 =	vadd.s32 v2, v36;
	[tilespmem:v28+s28+$0x0] =	vst.idx.add.f32.msk $0xffff, v41  }
0x31e: {  	v41 =	vor.u32 v3, v40;
	[tilespmem:v30+s28+$0x0] =	vst.idx.add.f32.msk $0xffff, v42;
	v42 =	vadd.s32 v4, v36  }
0x31f: {  	v49 =	vadd.s32 v6, v36;
	[tilespmem:v32+s28+$0x0] =	vst.idx.add.f32.msk $0xffff, v44;
	v44 =	vor.u32 v5, v42  }
0x320: {  	v50 =	vadd.f32 v50, v51;
	v51 =	vor.u32 v7, v49;
	[tilespmem:v34+s28+$0x0] =	vst.idx.add.f32.msk $0xffff, v45  }
0x321: {  	v57 =	vadd.f32 v55, v53;
	v56 =	vadd.f32 v48, v54;
	[tilespmem:v37+s28+$0x0] =	vst.idx.add.f32.msk $0xffff, v43  }
0x322: {  	v58 =	vadd.f32 v50, v47;
	[tilespmem:v39+s28+$0x0] =	vst.idx.add.f32.msk $0xffff, v46  }
0x323: {  	v59 =	vadd.f32 v57, v52;
	[tilespmem:v41+s28+$0x0] =	vst.idx.add.f32.msk $0xffff, v56  }
0x324: {  	[tilespmem:v44+s28+$0x0] =	vst.idx.add.f32.msk $0xffff, v58  }
0x325: {  	[tilespmem:v51+s28+$0x0] =	vst.idx.add.f32.msk $0xffff, v59  }
0x326: {  	v12 =	vld [tilespmem:$0xE150];
	_ =	sdelay $0x4  }
0x327: {  	v60 =	vperm.xlane v11, v12  }
0x328: {  	v61 =	vperm.xlane v10, v12  }
0x329: {  	v62 =	vperm.xlane v9, v12;
	v63 =	vshll.u32 v60, $0x6  }
0x32a: {  	v14 =	vshll.u32 v61, $0x6;
	v13 =	vadd.s32 v0, v63  }
0x32b: {  	v15 =	vshll.u32 v62, $0x6;
	v26 =	vadd.s32 v0, v14;
	v25 =	vor.u32 v1, v13  }
0x32c: {  	v28 =	vadd.s32 v0, v15;
	v27 =	vor.u32 v1, v26  }
0x32d: {  	v30 =	vadd.s32 v2, v63;
	v29 =	vor.u32 v1, v28  }
0x32e: {  	v32 =	vadd.s32 v2, v14;
	v31 =	vor.u32 v3, v30  }
0x32f: {  	v34 =	vadd.s32 v2, v15;
	v33 =	vor.u32 v3, v32;
	v13 =	vld [tilespmem:$0xE160]  }
0x330: {  	v35 =	vadd.s32 v4, v63;
	v22 =	vor.u32 v3, v34;
	v17 =	vld.idx.msk [tilespmem:v25+s3+$0x0], $0xffff  }
0x331: {  	v36 =	vadd.s32 v4, v14;
	v23 =	vor.u32 v5, v35;
	v18 =	vld.idx.msk [tilespmem:v27+s3+$0x0], $0xffff  }
0x332: {  	v16 =	vadd.s32 v6, v63;
	v24 =	vor.u32 v5, v36;
	v19 =	vld.idx.msk [tilespmem:v29+s3+$0x0], $0xffff  }
0x333: {  	v14 =	vadd.s32 v6, v14;
	v16 =	vor.u32 v7, v16;
	v20 =	vld.idx.msk [tilespmem:v31+s3+$0x0], $0xffff  }
0x334: {  	v37 =	vadd.s32 v4, v15;
	v15 =	vadd.s32 v6, v15;
	v14 =	vor.u32 v7, v14;
	v21 =	vld.idx.msk [tilespmem:v33+s3+$0x0], $0xffff  }
0x335: {  	v15 =	vor.u32 v7, v15;
	v38 =	vperm.xlane v11, v13;
	v22 =	vld.idx.msk [tilespmem:v22+s3+$0x0], $0xffff  }
0x336: {  	v39 =	vperm.xlane v10, v13;
	v23 =	vld.idx.msk [tilespmem:v23+s3+$0x0], $0xffff  }
0x337: {  	v25 =	vor.u32 v5, v37;
	v40 =	vperm.xlane v9, v13;
	v24 =	vld.idx.msk [tilespmem:v24+s3+$0x0], $0xffff;
	v26 =	vshll.u32 v38, $0x6  }
0x338: {  	v31 =	vld.idx.msk [tilespmem:v16+s3+$0x0], $0xffff;
	v27 =	vshll.u32 v39, $0x6;
	v41 =	vadd.s32 v0, v26  }
0x339: {  	v32 =	vld.idx.msk [tilespmem:v14+s3+$0x0], $0xffff;
	v28 =	vshll.u32 v40, $0x6;
	v42 =	vadd.s32 v0, v27;
	v29 =	vor.u32 v1, v41  }
0x33a: {  	v33 =	vld.idx.msk [tilespmem:v15+s3+$0x0], $0xffff;
	v44 =	vadd.s32 v0, v28;
	v43 =	vor.u32 v1, v42  }
0x33b: {  	v14 =	vld [tilespmem:$0xE170];
	v45 =	vadd.s32 v2, v26;
	v30 =	vor.u32 v1, v44;
	v21 =	vadd.f32 v22, v21  }
0x33c: {  	v47 =	vadd.s32 v2, v27;
	v46 =	vor.u32 v3, v45;
	v25 =	vld.idx.msk [tilespmem:v25+s3+$0x0], $0xffff  }
0x33d: {  	v49 =	vadd.s32 v2, v28;
	v48 =	vor.u32 v3, v47;
	v15 =	vadd.f32 v21, v20;
	v20 =	vld [tilespmem:$0xE180]  }
0x33e: {  	v50 =	vadd.s32 v4, v26;
	v35 =	vor.u32 v3, v49;
	v29 =	vld.idx.msk [tilespmem:v29+s3+$0x0], $0xffff  }
0x33f: {  	v52 =	vadd.s32 v4, v27;
	v53 =	vadd.s32 v4, v28;
	v51 =	vor.u32 v5, v50;
	v37 =	vld.idx.msk [tilespmem:v43+s3+$0x0], $0xffff  }
0x340: {  	v26 =	vadd.s32 v6, v26;
	v27 =	vadd.s32 v6, v27;
	v36 =	vor.u32 v5, v52;
	v30 =	vld.idx.msk [tilespmem:v30+s3+$0x0], $0xffff  }
0x341: {  	v28 =	vadd.s32 v6, v28;
	v54 =	vor.u32 v5, v53;
	v55 =	vperm.xlane v11, v14;
	v39 =	vld.idx.msk [tilespmem:v46+s3+$0x0], $0xffff  }
0x342: {  	v26 =	vor.u32 v7, v26;
	v56 =	vperm.xlane v10, v14;
	v58 =	vperm.xlane v9, v14;
	v34 =	vld.idx.msk [tilespmem:v48+s3+$0x0], $0xffff  }
0x343: {  	v27 =	vor.u32 v7, v27;
	v57 =	vor.u32 v7, v28;
	v18 =	vadd.f32 v19, v18;
	v35 =	vld.idx.msk [tilespmem:v35+s3+$0x0], $0xffff  }
0x344: {  	v38 =	vshll.u32 v55, $0x6;
	v40 =	vshll.u32 v56, $0x6;
	v28 =	vshll.u32 v58, $0x6;
	v41 =	vld.idx.msk [tilespmem:v51+s3+$0x0], $0xffff  }
0x345: {  	v17 =	vadd.f32 v18, v17;
	v59 =	vadd.s32 v0, v38;
	v60 =	vadd.s32 v0, v40;
	v36 =	vld.idx.msk [tilespmem:v36+s3+$0x0], $0xffff  }
0x346: {  	v62 =	vadd.s32 v0, v28;
	v50 =	vadd.s32 v2, v40;
	v42 =	vld.idx.msk [tilespmem:v54+s3+$0x0], $0xffff;
	v19 =	vor.u32 v1, v59  }
0x347: {  	v53 =	vadd.s32 v2, v28;
	v56 =	vadd.s32 v4, v38;
	v26 =	vld.idx.msk [tilespmem:v26+s3+$0x0], $0xffff;
	v61 =	vor.u32 v1, v60  }
0x348: {  	v58 =	vadd.s32 v4, v40;
	v27 =	vld.idx.msk [tilespmem:v27+s3+$0x0], $0xffff;
	v63 =	vor.u32 v1, v62;
	v48 =	vadd.s32 v2, v38  }
0x349: {  	v44 =	vld.idx.msk [tilespmem:v57+s3+$0x0], $0xffff;
	v52 =	vor.u32 v3, v50;
	v54 =	vadd.f32 v33, v32;
	v55 =	vor.u32 v3, v53  }
0x34a: {  	v60 =	vadd.s32 v4, v28;
	v50 =	vadd.s32 v6, v28;
	v28 =	vld [tilespmem:$0xE190];
	v51 =	vadd.f32 v25, v24  }
0x34b: {  	v57 =	vor.u32 v5, v56;
	v59 =	vor.u32 v5, v58;
	v62 =	vadd.s32 v6, v38;
	v32 =	vld.idx.msk [tilespmem:v19+s3+$0x0], $0xffff  }
0x34c: {  	v49 =	vor.u32 v3, v48;
	v48 =	vadd.s32 v6, v40;
	v16 =	vadd.f32 v51, v23;
	v23 =	vld.idx.msk [tilespmem:v61+s3+$0x0], $0xffff  }
0x34d: {  	v18 =	vadd.f32 v54, v31;
	v33 =	vor.u32 v7, v48;
	v51 =	vperm.xlane v10, v20;
	v25 =	vld.idx.msk [tilespmem:v63+s3+$0x0], $0xffff  }
0x34e: {  	v53 =	vperm.xlane v9, v20;
	v30 =	vadd.f32 v30, v37;
	v61 =	vor.u32 v5, v60;
	v38 =	vld.idx.msk [tilespmem:v52+s3+$0x0], $0xffff  }
0x34f: {  	v63 =	vor.u32 v7, v62;
	v43 =	vld.idx.msk [tilespmem:v55+s3+$0x0], $0xffff;
	v52 =	vor.u32 v7, v50;
	v31 =	vshll.u32 v51, $0x6  }
0x350: {  	v45 =	vld.idx.msk [tilespmem:v57+s3+$0x0], $0xffff;
	v46 =	vshll.u32 v53, $0x6;
	v56 =	vadd.f32 v35, v34;
	v27 =	vadd.f32 v44, v27  }
0x351: {  	v37 =	vld.idx.msk [tilespmem:v49+s3+$0x0], $0xffff;
	v49 =	vperm.xlane v11, v20;
	v55 =	vadd.s32 v0, v31;
	v58 =	vadd.s32 v0, v46  }
0x352: {  	v35 =	vld [tilespmem:$0xE1A0];
	v62 =	vadd.s32 v2, v31;
	v19 =	vadd.f32 v30, v29;
	v57 =	vor.u32 v1, v55  }
0x353: {  	v29 =	vld.idx.msk [tilespmem:v59+s3+$0x0], $0xffff;
	v59 =	vadd.f32 v42, v36;
	v60 =	vor.u32 v1, v58;
	v40 =	vshll.u32 v49, $0x6  }
0x354: {  	v33 =	vld.idx.msk [tilespmem:v33+s3+$0x0], $0xffff;
	v21 =	vadd.f32 v56, v39;
	v56 =	vadd.s32 v4, v46;
	v54 =	vadd.s32 v0, v40  }
0x355: {  	v22 =	vadd.f32 v59, v41;
	v53 =	vadd.s32 v4, v40;
	v47 =	vld.idx.msk [tilespmem:v61+s3+$0x0], $0xffff;
	v30 =	vor.u32 v1, v54  }
0x356: {  	v58 =	vadd.s32 v6, v40;
	v34 =	vld.idx.msk [tilespmem:v63+s3+$0x0], $0xffff;
	v61 =	vadd.s32 v2, v40;
	v63 =	vor.u32 v3, v62  }
0x357: {  	v39 =	vld.idx.msk [tilespmem:v52+s3+$0x0], $0xffff;
	v52 =	vadd.s32 v2, v46;
	v25 =	vadd.f32 v25, v23;
	v44 =	vor.u32 v5, v53  }
0x358: {  	v54 =	vadd.s32 v4, v31;
	v23 =	vadd.f32 v27, v26;
	v59 =	vor.u32 v7, v58;
	v48 =	vld.idx.msk [tilespmem:v57+s3+$0x0], $0xffff  }
0x359: {  	v31 =	vadd.s32 v6, v31;
	v62 =	vperm.xlane v10, v28;
	v42 =	vor.u32 v3, v61;
	v27 =	vld.idx.msk [tilespmem:v60+s3+$0x0], $0xffff  }
0x35a: {  	v38 =	vadd.f32 v43, v38;
	v41 =	vor.u32 v3, v52;
	v55 =	vor.u32 v5, v54;
	v30 =	vld.idx.msk [tilespmem:v30+s3+$0x0], $0xffff  }
0x35b: {  	v31 =	vor.u32 v7, v31;
	v61 =	vadd.s32 v6, v46;
	v60 =	vperm.xlane v11, v28;
	v40 =	vld.idx.msk [tilespmem:v63+s3+$0x0], $0xffff  }
0x35c: {  	v24 =	vadd.f32 v25, v32;
	v57 =	vor.u32 v5, v56;
	v46 =	vshll.u32 v62, $0x6;
	v44 =	vld.idx.msk [tilespmem:v44+s3+$0x0], $0xffff  }
0x35d: {  	v58 =	vadd.s32 v2, v46;
	v36 =	vshll.u32 v60, $0x6;
	v62 =	vadd.f32 v47, v29;
	v47 =	vld.idx.msk [tilespmem:v59+s3+$0x0], $0xffff  }
0x35e: {  	v63 =	vperm.xlane v9, v28;
	v53 =	vadd.s32 v0, v36;
	v32 =	vld.idx.msk [tilespmem:v42+s3+$0x0], $0xffff;
	v42 =	vor.u32 v7, v61  }
0x35f: {  	v59 =	vor.u32 v3, v58;
	v58 =	vadd.s32 v6, v46;
	v41 =	vld.idx.msk [tilespmem:v41+s3+$0x0], $0xffff;
	v54 =	vor.u32 v1, v53  }
0x360: {  	v56 =	vadd.s32 v2, v36;
	v43 =	vld.idx.msk [tilespmem:v55+s3+$0x0], $0xffff;
	v61 =	vadd.s32 v0, v46;
	v52 =	vor.u32 v7, v58  }
0x361: {  	v33 =	vadd.f32 v39, v33;
	v31 =	vld.idx.msk [tilespmem:v31+s3+$0x0], $0xffff;
	v49 =	vshll.u32 v63, $0x6;
	v63 =	vor.u32 v1, v61  }
0x362: {  	v25 =	vadd.f32 v38, v37;
	v50 =	vld.idx.msk [tilespmem:v57+s3+$0x0], $0xffff;
	v26 =	vadd.f32 v62, v45;
	v57 =	vor.u32 v3, v56  }
0x363: {  	v48 =	vadd.f32 v27, v48;
	v61 =	vadd.s32 v4, v36;
	v27 =	vadd.f32 v33, v34;
	v38 =	vld.idx.msk [tilespmem:v42+s3+$0x0], $0xffff  }
0x364: {  	v55 =	vadd.s32 v0, v49;
	v60 =	vadd.s32 v2, v49;
	v62 =	vor.u32 v5, v61;
	v51 =	vld.idx.msk [tilespmem:v54+s3+$0x0], $0xffff  }
0x365: {  	v56 =	vadd.s32 v4, v49;
	v61 =	vperm.xlane v10, v35;
	v37 =	vor.u32 v1, v55;
	v52 =	vld.idx.msk [tilespmem:v52+s3+$0x0], $0xffff  }
0x366: {  	v45 =	vor.u32 v3, v60;
	v60 =	vadd.s32 v6, v49;
	v29 =	vadd.f32 v48, v30;
	v33 =	vld.idx.msk [tilespmem:v63+s3+$0x0], $0xffff  }
0x367: {  	v40 =	vadd.f32 v41, v40;
	v42 =	vor.u32 v5, v56;
	v63 =	vadd.s32 v4, v46;
	v41 =	vld.idx.msk [tilespmem:v57+s3+$0x0], $0xffff  }
0x368: {  	v57 =	vadd.s32 v6, v36;
	v36 =	vld.idx.msk [tilespmem:v59+s3+$0x0], $0xffff;
	v59 =	vperm.xlane v11, v35;
	v48 =	vor.u32 v5, v63  }
0x369: {  	v43 =	vadd.f32 v50, v43;
	v39 =	vor.u32 v7, v57;
	v53 =	vld.idx.msk [tilespmem:v62+s3+$0x0], $0xffff;
	v63 =	vperm.xlane v9, v35  }
0x36a: {  	v62 =	vor.u32 v7, v60;
	v30 =	vadd.f32 v40, v32;
	v37 =	vld.idx.msk [tilespmem:v37+s3+$0x0], $0xffff;
	v46 =	vshll.u32 v59, $0x6  }
0x36b: {  	v45 =	vld.idx.msk [tilespmem:v45+s3+$0x0], $0xffff;
	v57 =	vadd.s32 v0, v46;
	v54 =	vshll.u32 v63, $0x6;
	v60 =	vadd.s32 v2, v46  }
0x36c: {  	v42 =	vld.idx.msk [tilespmem:v42+s3+$0x0], $0xffff;
	v49 =	vor.u32 v1, v57;
	v59 =	vadd.s32 v0, v54;
	v38 =	vadd.f32 v38, v31  }
0x36d: {  	v31 =	vadd.f32 v43, v44;
	v57 =	vadd.s32 v2, v54;
	v56 =	vor.u32 v1, v59;
	v40 =	vld.idx.msk [tilespmem:v48+s3+$0x0], $0xffff  }
0x36e: {  	v48 =	vshll.u32 v61, $0x6;
	v50 =	vld.idx.msk [tilespmem:v39+s3+$0x0], $0xffff;
	v61 =	vor.u32 v3, v60;
	v32 =	vadd.f32 v38, v47  }
0x36f: {  	v43 =	vld.idx.msk [tilespmem:v62+s3+$0x0], $0xffff;
	v58 =	vadd.s32 v0, v48;
	v33 =	vadd.f32 v37, v33;
	v37 =	vor.u32 v3, v57  }
0x370: {  	v39 =	vld [tilespmem:$0xE1B0];
	v60 =	vadd.s32 v4, v54;
	v62 =	vadd.s32 v2, v48;
	v55 =	vor.u32 v1, v58  }
0x371: {  	v36 =	vadd.f32 v45, v36;
	v63 =	vor.u32 v3, v62;
	v58 =	vadd.s32 v4, v46;
	v47 =	vld.idx.msk [tilespmem:v49+s3+$0x0], $0xffff  }
0x372: {  	v54 =	vadd.s32 v6, v54;
	v49 =	vor.u32 v5, v58;
	v33 =	vadd.f32 v33, v51;
	v51 =	vld.idx.msk [tilespmem:v56+s3+$0x0], $0xffff  }
0x373: {  	v59 =	vadd.s32 v4, v48;
	v34 =	vadd.f32 v36, v41;
	v36 =	vor.u32 v5, v60;
	v41 =	vld.idx.msk [tilespmem:v61+s3+$0x0], $0xffff  }
0x374: {  	v62 =	vadd.s32 v6, v48;
	v61 =	vadd.s32 v6, v46;
	v40 =	vadd.f32 v42, v40;
	v42 =	vld.idx.msk [tilespmem:v37+s3+$0x0], $0xffff  }
0x375: {  	v60 =	vperm.xlane v10, v39;
	v38 =	vor.u32 v7, v61;
	v61 =	vperm.xlane v9, v39;
	v45 =	vld.idx.msk [tilespmem:v55+s3+$0x0], $0xffff  }
0x376: {  	v54 =	vor.u32 v7, v54;
	v37 =	vor.u32 v7, v62;
	v46 =	vld.idx.msk [tilespmem:v63+s3+$0x0], $0xffff;
	v63 =	vperm.xlane v11, v39  }
0x377: {  	v55 =	vor.u32 v5, v59;
	v44 =	vshll.u32 v60, $0x6;
	v49 =	vld.idx.msk [tilespmem:v49+s3+$0x0], $0xffff;
	v56 =	vshll.u32 v61, $0x6  }
0x378: {  	v58 =	vld.idx.msk [tilespmem:v36+s3+$0x0], $0xffff;
	v48 =	vshll.u32 v63, $0x6;
	v63 =	vadd.s32 v0, v44;
	v60 =	vadd.s32 v0, v56  }
0x379: {  	v36 =	vadd.f32 v40, v53;
	v53 =	vor.u32 v1, v63;
	v59 =	vor.u32 v1, v60;
	v60 =	vld [tilespmem:$0xE1C0]  }
0x37a: {  	v43 =	vadd.f32 v43, v52;
	v62 =	vadd.s32 v0, v48;
	v61 =	vadd.s32 v2, v48;
	v40 =	vld.idx.msk [tilespmem:v38+s3+$0x0], $0xffff  }
0x37b: {  	v63 =	vadd.s32 v4, v48;
	v48 =	vadd.s32 v6, v48;
	v57 =	vor.u32 v1, v62;
	v52 =	vld.idx.msk [tilespmem:v37+s3+$0x0], $0xffff  }
0x37c: {  	v37 =	vadd.f32 v43, v50;
	v43 =	vld.idx.msk [tilespmem:v54+s3+$0x0], $0xffff;
	v62 =	vadd.s32 v2, v56;
	v54 =	vor.u32 v5, v63  }
0x37d: {  	v48 =	vor.u32 v7, v48;
	v55 =	vld.idx.msk [tilespmem:v55+s3+$0x0], $0xffff;
	v38 =	vadd.f32 v51, v45;
	v45 =	vor.u32 v3, v61  }
0x37e: {  	v51 =	vadd.s32 v2, v44;
	v61 =	vadd.s32 v4, v56;
	v42 =	vadd.f32 v42, v46;
	v53 =	vld.idx.msk [tilespmem:v53+s3+$0x0], $0xffff  }
0x37f: {  	v56 =	vadd.s32 v6, v56;
	v50 =	vor.u32 v3, v51;
	v51 =	vor.u32 v3, v62;
	v46 =	vld.idx.msk [tilespmem:v59+s3+$0x0], $0xffff  }
0x380: {  	v38 =	vadd.f32 v38, v47;
	v59 =	vor.u32 v5, v61;
	v11 =	vperm.xlane v11, v60;
	v47 =	vld.idx.msk [tilespmem:v57+s3+$0x0], $0xffff  }
0x381: {  	v9 =	vperm.xlane v9, v60;
	v57 =	vadd.s32 v4, v44;
	v44 =	vadd.s32 v6, v44;
	v54 =	vld.idx.msk [tilespmem:v54+s3+$0x0], $0xffff  }
0x382: {  	v10 =	vperm.xlane v10, v60;
	v57 =	vor.u32 v5, v57;
	v45 =	vld.idx.msk [tilespmem:v45+s3+$0x0], $0xffff;
	v44 =	vor.u32 v7, v44  }
0x383: {  	v61 =	vshll.u32 v11, $0x6;
	v63 =	vshll.u32 v9, $0x6;
	v9 =	vadd.f32 v42, v41;
	v41 =	vld.idx.msk [tilespmem:v48+s3+$0x0], $0xffff  }
0x384: {  	v11 =	vor.u32 v7, v56;
	v50 =	vld.idx.msk [tilespmem:v50+s3+$0x0], $0xffff;
	v56 =	vadd.s32 v0, v61  }
0x385: {  	v62 =	vshll.u32 v10, $0x6;
	v51 =	vld.idx.msk [tilespmem:v51+s3+$0x0], $0xffff;
	v48 =	vadd.s32 v2, v61;
	v56 =	vor.u32 v1, v56  }
0x386: {  	v55 =	vadd.f32 v58, v55;
	v10 =	vadd.s32 v0, v62;
	v48 =	vor.u32 v3, v48;
	v58 =	vld.idx.msk [tilespmem:v59+s3+$0x0], $0xffff  }
0x387: {  	v12 =	vperm.xlane v8, v12;
	v59 =	vor.u32 v1, v10;
	v10 =	vadd.s32 v0, v63;
	v57 =	vld.idx.msk [tilespmem:v57+s3+$0x0], $0xffff  }
0x388: {  	v42 =	vor.u32 v1, v10;
	v10 =	vadd.f32 v55, v49;
	v49 =	vadd.s32 v2, v62;
	v44 =	vld.idx.msk [tilespmem:v44+s3+$0x0], $0xffff  }
0x389: {  	v43 =	vadd.f32 v43, v52;
	v52 =	vld.idx.msk [tilespmem:v11+s3+$0x0], $0xffff;
	v49 =	vor.u32 v3, v49;
	v11 =	vadd.s32 v2, v63  }
0x38a: {  	v46 =	vadd.f32 v46, v53;
	v55 =	vor.u32 v3, v11;
	v53 =	vld.idx.msk [tilespmem:v56+s3+$0x0], $0xffff;
	v56 =	vadd.s32 v4, v61  }
0x38b: {  	v40 =	vadd.f32 v43, v40;
	v11 =	vld.idx.msk [tilespmem:v48+s3+$0x0], $0xffff;
	v61 =	vadd.s32 v6, v61;
	v56 =	vor.u32 v5, v56  }
0x38c: {  	v50 =	vadd.f32 v51, v50;
	v43 =	vld.idx.msk [tilespmem:v59+s3+$0x0], $0xffff;
	v59 =	vadd.s32 v4, v62;
	v51 =	vor.u32 v7, v61  }
0x38d: {  	v46 =	vadd.f32 v46, v47;
	v42 =	vld.idx.msk [tilespmem:v42+s3+$0x0], $0xffff;
	v47 =	vor.u32 v5, v59;
	v59 =	vadd.s32 v4, v63  }
0x38e: {  	v62 =	vadd.s32 v6, v62;
	v48 =	vor.u32 v5, v59;
	v49 =	vld.idx.msk [tilespmem:v49+s3+$0x0], $0xffff  }
0x38f: {  	v12 =	vshll.u32 v12, $0x6;
	v61 =	vadd.s32 v6, v63;
	v59 =	vor.u32 v7, v62;
	v55 =	vld.idx.msk [tilespmem:v55+s3+$0x0], $0xffff  }
0x390: {  	v45 =	vadd.f32 v50, v45;
	v50 =	vld.idx.msk [tilespmem:v56+s3+$0x0], $0xffff;
	v56 =	vor.u32 v7, v61;
	v61 =	vadd.s32 v0, v12  }
0x391: {  	v13 =	vperm.xlane v8, v13;
	v14 =	vperm.xlane v8, v14;
	v51 =	vld.idx.msk [tilespmem:v51+s3+$0x0], $0xffff;
	v61 =	vor.u32 v1, v61  }
0x392: {  	v20 =	vperm.xlane v8, v20;
	v28 =	vperm.xlane v8, v28;
	v44 =	vadd.f32 v52, v44;
	v47 =	vld.idx.msk [tilespmem:v47+s3+$0x0], $0xffff  }
0x393: {  	v35 =	vperm.xlane v8, v35;
	v39 =	vperm.xlane v8, v39;
	v57 =	vadd.f32 v58, v57;
	v48 =	vld.idx.msk [tilespmem:v48+s3+$0x0], $0xffff  }
0x394: {  	v63 =	vadd.s32 v4, v12;
	v62 =	vadd.s32 v2, v12;
	v41 =	vadd.f32 v44, v41;
	v44 =	vld.idx.msk [tilespmem:v59+s3+$0x0], $0xffff  }
0x395: {  	v52 =	vadd.f32 v57, v54;
	v54 =	vor.u32 v3, v62;
	v42 =	vadd.f32 v42, v43;
	v43 =	vld.idx.msk [tilespmem:v56+s3+$0x0], $0xffff  }
0x396: {  	v13 =	vshll.u32 v13, $0x6;
	v12 =	vadd.s32 v6, v12;
	[tilespmem:v61+s28+$0x0] =	vst.idx.add.f32.msk $0xffff, v17;
	v17 =	vor.u32 v5, v63  }
0x397: {  	v8 =	vperm.xlane v8, v60;
	v12 =	vor.u32 v7, v12;
	v61 =	vadd.s32 v0, v13  }
0x398: {  	v62 =	vadd.s32 v2, v13;
	v42 =	vadd.f32 v42, v53;
	v53 =	vor.u32 v1, v61  }
0x399: {  	v49 =	vadd.f32 v55, v49;
	v55 =	vor.u32 v3, v62;
	v63 =	vadd.s32 v4, v13  }
0x39a: {  	v14 =	vshll.u32 v14, $0x6;
	v13 =	vadd.s32 v6, v13;
	[tilespmem:v54+s28+$0x0] =	vst.idx.add.f32.msk $0xffff, v15;
	v59 =	vor.u32 v5, v63  }
0x39b: {  	v60 =	vadd.s32 v0, v14;
	v13 =	vor.u32 v7, v13;
	[tilespmem:v17+s28+$0x0] =	vst.idx.add.f32.msk $0xffff, v16  }
0x39c: {  	v62 =	vadd.s32 v2, v14;
	v61 =	vor.u32 v1, v60;
	[tilespmem:v12+s28+$0x0] =	vst.idx.add.f32.msk $0xffff, v18  }
0x39d: {  	v63 =	vadd.s32 v4, v14;
	v16 =	vor.u32 v3, v62;
	[tilespmem:v53+s28+$0x0] =	vst.idx.add.f32.msk $0xffff, v19  }
0x39e: {  	v14 =	vadd.s32 v6, v14;
	v17 =	vor.u32 v5, v63;
	[tilespmem:v55+s28+$0x0] =	vst.idx.add.f32.msk $0xffff, v21;
	v21 =	vshll.u32 v20, $0x6  }
0x39f: {  	v14 =	vor.u32 v7, v14;
	[tilespmem:v59+s28+$0x0] =	vst.idx.add.f32.msk $0xffff, v22;
	v53 =	vadd.s32 v0, v21  }
0x3a0: {  	v55 =	vadd.s32 v2, v21;
	[tilespmem:v13+s28+$0x0] =	vst.idx.add.f32.msk $0xffff, v23;
	v54 =	vor.u32 v1, v53  }
0x3a1: {  	v57 =	vadd.s32 v4, v21;
	v56 =	vor.u32 v3, v55;
	[tilespmem:v61+s28+$0x0] =	vst.idx.add.f32.msk $0xffff, v24  }
0x3a2: {  	v58 =	vadd.s32 v6, v21;
	v59 =	vshll.u32 v28, $0x6;
	v15 =	vor.u32 v5, v57;
	[tilespmem:v16+s28+$0x0] =	vst.idx.add.f32.msk $0xffff, v25  }
0x3a3: {  	v60 =	vadd.s32 v0, v59;
	v16 =	vor.u32 v7, v58;
	[tilespmem:v17+s28+$0x0] =	vst.idx.add.f32.msk $0xffff, v26  }
0x3a4: {  	v62 =	vadd.s32 v2, v59;
	v61 =	vor.u32 v1, v60;
	[tilespmem:v14+s28+$0x0] =	vst.idx.add.f32.msk $0xffff, v27  }
0x3a5: {  	v21 =	vadd.s32 v4, v59;
	v63 =	vor.u32 v3, v62;
	[tilespmem:v54+s28+$0x0] =	vst.idx.add.f32.msk $0xffff, v29  }
0x3a6: {  	v23 =	vadd.s32 v6, v59;
	v22 =	vor.u32 v5, v21;
	v24 =	vshll.u32 v35, $0x6;
	[tilespmem:v56+s28+$0x0] =	vst.idx.add.f32.msk $0xffff, v30  }
0x3a7: {  	v25 =	vor.u32 v7, v23;
	v26 =	vadd.s32 v0, v24;
	[tilespmem:v15+s28+$0x0] =	vst.idx.add.f32.msk $0xffff, v31  }
0x3a8: {  	v28 =	vadd.s32 v2, v24;
	v27 =	vor.u32 v1, v26;
	[tilespmem:v16+s28+$0x0] =	vst.idx.add.f32.msk $0xffff, v32  }
0x3a9: {  	v29 =	vor.u32 v3, v28;
	v30 =	vadd.s32 v4, v24;
	[tilespmem:v61+s28+$0x0] =	vst.idx.add.f32.msk $0xffff, v33  }
0x3aa: {  	v31 =	vor.u32 v5, v30;
	v32 =	vadd.s32 v6, v24;
	v33 =	vshll.u32 v39, $0x6;
	[tilespmem:v63+s28+$0x0] =	vst.idx.add.f32.msk $0xffff, v34  }
0x3ab: {  	v34 =	vor.u32 v7, v32;
	v35 =	vadd.s32 v0, v33;
	[tilespmem:v22+s28+$0x0] =	vst.idx.add.f32.msk $0xffff, v36  }
0x3ac: {  	v36 =	vor.u32 v1, v35;
	[tilespmem:v25+s28+$0x0] =	vst.idx.add.f32.msk $0xffff, v37;
	v37 =	vadd.s32 v2, v33  }
0x3ad: {  	v53 =	vadd.s32 v4, v33;
	[tilespmem:v27+s28+$0x0] =	vst.idx.add.f32.msk $0xffff, v38;
	v39 =	vor.u32 v3, v37  }
0x3ae: {  	v8 =	vshll.u32 v8, $0x6;
	v55 =	vadd.s32 v6, v33;
	v54 =	vor.u32 v5, v53;
	[tilespmem:v29+s28+$0x0] =	vst.idx.add.f32.msk $0xffff, v9  }
0x3af: {  	v0 =	vadd.s32 v0, v8;
	v56 =	vor.u32 v7, v55;
	[tilespmem:v31+s28+$0x0] =	vst.idx.add.f32.msk $0xffff, v10  }
0x3b0: {  	v57 =	vadd.s32 v2, v8;
	v0 =	vor.u32 v1, v0;
	[tilespmem:v34+s28+$0x0] =	vst.idx.add.f32.msk $0xffff, v40  }
0x3b1: {  	v58 =	vadd.s32 v4, v8;
	v1 =	vor.u32 v3, v57;
	[tilespmem:v36+s28+$0x0] =	vst.idx.add.f32.msk $0xffff, v46  }
0x3b2: {  	v59 =	vadd.s32 v6, v8;
	v2 =	vor.u32 v5, v58;
	[tilespmem:v39+s28+$0x0] =	vst.idx.add.f32.msk $0xffff, v45  }
0x3b3: {  	p1 =	sne.s32 s16, $0x600;
	v60 =	vadd.f32 v48, v47;
	v3 =	vor.u32 v7, v59;
	[tilespmem:v54+s28+$0x0] =	vst.idx.add.f32.msk $0xffff, v52  }
.Ltmp2:
0x3b4: {  	v62 =	vadd.f32 v43, v44;
	v61 =	vadd.f32 v49, v11;
	[tilespmem:v56+s28+$0x0] =	vst.idx.add.f32.msk $0xffff, v41;
	(pc) =	sbr.rel @p1 .LBB2_3-.Ltmp2, $4  }
0x3b5: {  	v4 =	vadd.f32 v60, v50;
	[tilespmem:v0+s28+$0x0] =	vst.idx.add.f32.msk $0xffff, v42  }
0x3b6: {  	v63 =	vadd.f32 v62, v51;
	[tilespmem:v1+s28+$0x0] =	vst.idx.add.f32.msk $0xffff, v61  }
0x3b7: {  	[tilespmem:v2+s28+$0x0] =	vst.idx.add.f32.msk $0xffff, v4  }
0x3b8: {  	s16 =	sadd.s32 $0x40, s16;
	[tilespmem:v3+s28+$0x0] =	vst.idx.add.f32.msk $0xffff, v63  }
0x3b9: {  	s16 =	sshll.u32 s15, $0x4  }
0x3ba: {  	s17 =	smul.u32 @!p0 $0x32, s17;
	s18 =	sadd.s32 s12, s16  }
0x3bb: {  	s18 =	smul.u32 $0x198, s18;
	_ =	sdelay $0x1  }
0x3bc: {  	s17 =	sshrl.u32 @!p0 s17, $0x3;
	s18 =	sadd.s32 s2, s18  }
0x3bd: {  	[hbm4b:s18+s3] =	stream.linear.scatter [tilespmem:s28], [sflag:$0x7], $0x6600, $0x38;
	[tilespmem:$0x1BE10] =	vst v63  }
0x3be: {  	s20 =	simm.s32 @!p0 $0x1B4B0;
	s19 =	sadd.s32 @!p0 s8, s17;
	s18 =	simm.s32 @!p0 $0x0  }
0x3bf: {  	[tilespmem:s20], [sflag:$0x3] =	stream.linear.gather @!p0 [hbm4b:s19+s18], $0x190, $0x38;
	[tilespmem:$0x1BE10] =	vst v63  }
0x3c0: {  	s19 =	sadd.s32 @!p0 s9, s17;
	s20 =	simm.s32 @!p0 $0x1B640  }
0x3c1: {  	[tilespmem:s20], [sflag:$0x3] =	stream.linear.gather @!p0 [hbm4b:s19+s18], $0x190, $0x38;
	[tilespmem:$0x1BE10] =	vst v63  }
0x3c2: {  	s17 =	sadd.s32 @!p0 s10, s17;
	s19 =	simm.s32 @!p0 $0x1B7D0  }
0x3c3: {  	[tilespmem:s19], [sflag:$0x3] =	stream.linear.gather @!p0 [hbm4b:s17+s18], $0x190, $0x38;
	[tilespmem:$0x1BE10] =	vst v63  }
0x3c4: {  	_ =	swait.ge [sflag:s11], $0xC80  }
0x3c5: {  	[sflag:s11] =	ssyncset.done $0x0  }
0x3c6: {  	[sflag:s11] =	ssyncadd.s32 $0xFFFFF380  }
0x3c7: {  	_ =	swait.ge [sflag:s11], $0xC80  }
0x3c8: {  	[sflag:s11] =	ssyncset.done $0x0  }
0x3c9: {  	[sflag:s11] =	ssyncadd.s32 $0xFFFFF380  }
0x3ca: {  	_ =	swait.ge [sflag:s11], $0xC80  }
0x3cb: {  	[sflag:s11] =	ssyncset.done $0x0  }
0x3cc: {  	[sflag:s11] =	ssyncadd.s32 $0xFFFFF380  }
0x3cd: {  	_ =	swait.ge [sflag:s11], $0xC80  }
0x3ce: {  	[sflag:s11] =	ssyncset.done $0x0  }
0x3cf: {  	[sflag:s11] =	ssyncadd.s32 $0xFFFFF380  }
0x3d0: {  	_ =	swait.ge [sflag:s11], $0xC80  }
0x3d1: {  	[sflag:s11] =	ssyncset.done $0x0  }
0x3d2: {  	[sflag:s11] =	ssyncadd.s32 $0xFFFFF380  }
0x3d3: {  	_ =	swait.ge [sflag:s11], $0xC80  }
0x3d4: {  	[sflag:s11] =	ssyncset.done $0x0  }
0x3d5: {  	[sflag:s11] =	ssyncadd.s32 $0xFFFFF380  }
0x3d6: {  	_ =	swait.ge [sflag:s11], $0xC80  }
0x3d7: {  	[sflag:s11] =	ssyncset.done $0x0  }
0x3d8: {  	[sflag:s11] =	ssyncadd.s32 $0xFFFFF380  }
0x3d9: {  	_ =	swait.ge [sflag:s11], $0xC80  }
0x3da: {  	[sflag:s11] =	ssyncset.done $0x0  }
0x3db: {  	[sflag:s11] =	ssyncadd.s32 $0xFFFFF380  }
0x3dc: {  	_ =	swait.ge [sflag:s13], $0x6600  }
0x3dd: {  	[sflag:s13] =	ssyncset.done $0x0  }
0x3de: {  	s17 =	simm.s32 @!p0 $0x1;
	[sflag:s13] =	ssyncadd.s32 $0xFFFF9A00  }
0x3df: {  	_ =	swait.ge @!p0 [sflag:s17], $0x1C0  }
0x3e0: {  	s20 =	simm.s32 @!p0 $0xE570;
	[sflag:s17] =	ssyncset.done @!p0 $0x0  }
0x3e1: {  	s19 =	simm.s32 @!p0 $0x32;
	[sflag:s17] =	ssyncadd.s32 @!p0 $0xFFFFFE40;
	s17 =	simm.s32 @!p0 $0x1B130  }
0x3e2: {  	[tilespmem:s20], [sflag:$0x5] =	stream.indirect.gather @!p0 [hbm4b:s5+s19], $0x40, s17, s19, $0xb8;
	[tilespmem:$0x1BE10] =	vst v63  }
0x3e3: {  	s17 =	simm.s32 @!p0 $0x1B168;
	s20 =	simm.s32 @!p0 $0xF230  }
0x3e4: {  	[tilespmem:s20], [sflag:$0x5] =	stream.indirect.gather @!p0 [hbm4b:s5+s19], $0x40, s17, s19, $0xb8;
	[tilespmem:$0x1BE10] =	vst v63  }
0x3e5: {  	s17 =	simm.s32 @!p0 $0x1B1A0;
	s20 =	simm.s32 @!p0 $0xFEF0  }
0x3e6: {  	[tilespmem:s20], [sflag:$0x5] =	stream.indirect.gather @!p0 [hbm4b:s5+s19], $0x40, s17, s19, $0xb8;
	[tilespmem:$0x1BE10] =	vst v63  }
0x3e7: {  	s17 =	simm.s32 @!p0 $0x1B1D8;
	s20 =	simm.s32 @!p0 $0x10BB0  }
0x3e8: {  	[tilespmem:s20], [sflag:$0x5] =	stream.indirect.gather @!p0 [hbm4b:s5+s19], $0x40, s17, s19, $0xb8;
	[tilespmem:$0x1BE10] =	vst v63  }
0x3e9: {  	s17 =	simm.s32 @!p0 $0x1B210;
	s20 =	simm.s32 @!p0 $0x11870  }
0x3ea: {  	[tilespmem:s20], [sflag:$0x5] =	stream.indirect.gather @!p0 [hbm4b:s5+s19], $0x40, s17, s19, $0xb8;
	[tilespmem:$0x1BE10] =	vst v63  }
0x3eb: {  	s17 =	simm.s32 @!p0 $0x1B248;
	s20 =	simm.s32 @!p0 $0x12530  }
0x3ec: {  	[tilespmem:s20], [sflag:$0x5] =	stream.indirect.gather @!p0 [hbm4b:s5+s19], $0x40, s17, s19, $0xb8;
	[tilespmem:$0x1BE10] =	vst v63  }
0x3ed: {  	s17 =	simm.s32 @!p0 $0x1B280;
	s20 =	simm.s32 @!p0 $0x131F0  }
0x3ee: {  	[tilespmem:s20], [sflag:$0x5] =	stream.indirect.gather @!p0 [hbm4b:s5+s19], $0x40, s17, s19, $0xb8;
	[tilespmem:$0x1BE10] =	vst v63  }
0x3ef: {  	s17 =	sadd.s32 @!p0 $0x18, s16  }
0x3f0: {  	s20 =	sadd.s32 @!p0 s12, s17  }
0x3f1: {  	s21 =	simm.s32 @!p0 $0x1B2B8;
	s22 =	simm.s32 @!p0 $0x13EB0;
	s20 =	smul.u32 @!p0 $0x7, s20  }
0x3f2: {  	[tilespmem:s22], [sflag:$0x5] =	stream.indirect.gather @!p0 [hbm4b:s5+s19], $0x40, s21, s19, $0xb8;
	[tilespmem:$0x1BE10] =	vst v63  }
0x3f3: {  	s19 =	sadd.s32 @!p0 s7, s20;
	s20 =	simm.s32 @!p0 $0x1B2F0  }
0x3f4: {  	[tilespmem:s20], [sflag:$0x2] =	stream.linear.gather @!p0 [hbm4b:s19+s18], $0x1C0, $0x38;
	[tilespmem:$0x1BE10] =	vst v63  }
0x3f5: {  	_ =	swait.ge [sflag:s14], $0x190  }
0x3f6: {  	[sflag:s14] =	ssyncset.done $0x0  }
0x3f7: {  	[sflag:s14] =	ssyncadd.s32 $0xFFFFFE70  }
0x3f8: {  	_ =	swait.ge [sflag:s14], $0x190  }
0x3f9: {  	[sflag:s14] =	ssyncset.done $0x0  }
0x3fa: {  	[sflag:s14] =	ssyncadd.s32 $0xFFFFFE70  }
0x3fb: {  	_ =	swait.ge [sflag:s14], $0x190  }
0x3fc: {  	[sflag:s14] =	ssyncset.done $0x0  }
0x3fd: {  	s17 =	simm.s32 @p0 $0x88;
	s18 =	simm.s32 $0x0;
	[sflag:s14] =	ssyncadd.s32 $0xFFFFFE70  }
.LBB2_5:
0x3fe: {  	v12 =	vld [tilespmem:$0xE0D0]  }
0x3ff: {  	s19 =	sshra.s32 s18, $0x2;
	v1 =	vld [tilespmem:$0xE4F0]  }
0x400: {  	v11 =	vld [tilespmem:s19+$0x1B960]  }
0x401: {  	v10 =	vld [tilespmem:s19+$0x1BAF0]  }
0x402: {  	v9 =	vld [tilespmem:s19+$0x1BC80]  }
0x403: {  	v21 =	vld [tilespmem:$0xE0E0];
	_ =	sdelay $0x2  }
0x404: {  	v3 =	vld [tilespmem:$0xE500];
	v2 =	vperm.xlane v11, v12  }
0x405: {  	v0 =	vand.u32 $0xFFFFFFF8, v1;
	v4 =	vperm.xlane v10, v12;
	v5 =	vperm.xlane v9, v12  }
0x406: {  	v1 =	vand.u32 $0x7, v1;
	v27 =	vperm.xlane v10, v21;
	v13 =	vshll.u32 v2, $0x6  }
0x407: {  	v14 =	vshll.u32 v4, $0x6;
	v15 =	vshll.u32 v5, $0x6;
	v2 =	vadd.s32 v0, v13  }
0x408: {  	v6 =	vld [tilespmem:$0xE510];
	v27 =	vshll.u32 v27, $0x6;
	v56 =	vadd.s32 v0, v14;
	v7 =	vor.u32 v1, v2  }
0x409: {  	v57 =	vadd.s32 v0, v15;
	v16 =	vor.u32 v1, v56;
	v2 =	vand.u32 $0xFFFFFFF8, v3  }
0x40a: {  	v17 =	vld [tilespmem:$0xE520];
	v18 =	vor.u32 v1, v57;
	v3 =	vand.u32 $0x7, v3;
	v58 =	vadd.s32 v2, v13  }
0x40b: {  	v8 =	vld [tilespmem:s19+$0xDF40];
	v59 =	vadd.s32 v2, v14;
	v33 =	vadd.s32 v2, v27;
	v19 =	vor.u32 v3, v58  }
0x40c: {  	v5 =	vadd.s32 v2, v15;
	v20 =	vor.u32 v3, v59;
	v46 =	vor.u32 v3, v33;
	v33 =	vld [tilespmem:$0xE0F0]  }
0x40d: {  	v4 =	vand.u32 $0xFFFFFFF8, v6;
	v23 =	vor.u32 v3, v5;
	v22 =	vld.idx.msk [tilespmem:v7+s3+$0x0], $0xffff  }
0x40e: {  	v60 =	vadd.s32 v4, v13;
	v5 =	vand.u32 $0x7, v6;
	v16 =	vld.idx.msk [tilespmem:v16+s3+$0x0], $0xffff  }
0x40f: {  	v37 =	vperm.xlane v9, v21;
	v61 =	vadd.s32 v4, v14;
	v24 =	vor.u32 v5, v60;
	v18 =	vld.idx.msk [tilespmem:v18+s3+$0x0], $0xffff  }
0x410: {  	v62 =	vadd.s32 v4, v15;
	v6 =	vand.u32 $0xFFFFFFF8, v17;
	v25 =	vor.u32 v5, v61;
	v19 =	vld.idx.msk [tilespmem:v19+s3+$0x0], $0xffff  }
0x411: {  	v26 =	vor.u32 v5, v62;
	v13 =	vadd.s32 v6, v13;
	v7 =	vand.u32 $0x7, v17;
	v63 =	vld.idx.msk [tilespmem:v20+s3+$0x0], $0xffff  }
0x412: {  	v36 =	vperm.xlane v11, v21;
	v14 =	vadd.s32 v6, v14;
	v13 =	vor.u32 v7, v13;
	v23 =	vld.idx.msk [tilespmem:v23+s3+$0x0], $0xffff  }
0x413: {  	v31 =	vshll.u32 v37, $0x6;
	v15 =	vadd.s32 v6, v15;
	v14 =	vor.u32 v7, v14;
	v50 =	vld.idx.msk [tilespmem:v46+s3+$0x0], $0xffff  }
0x414: {  	v30 =	vadd.s32 v0, v27;
	v51 =	vadd.s32 v6, v27;
	v28 =	vor.u32 v7, v15;
	v24 =	vld.idx.msk [tilespmem:v24+s3+$0x0], $0xffff  }
0x415: {  	v34 =	vadd.s32 v4, v27;
	v42 =	vadd.s32 v4, v31;
	v53 =	vor.u32 v7, v51;
	v25 =	vld.idx.msk [tilespmem:v25+s3+$0x0], $0xffff  }
0x416: {  	v38 =	vor.u32 v1, v30;
	v47 =	vadd.s32 v2, v31;
	v15 =	vadd.s32 v0, v31;
	v26 =	vld.idx.msk [tilespmem:v26+s3+$0x0], $0xffff  }
0x417: {  	v41 =	vor.u32 v5, v34;
	v20 =	vshll.u32 v36, $0x6;
	v44 =	vor.u32 v1, v15;
	v32 =	vld.idx.msk [tilespmem:v13+s3+$0x0], $0xffff  }
0x418: {  	v49 =	vor.u32 v5, v42;
	v54 =	vadd.s32 v6, v31;
	v29 =	vadd.s32 v0, v20;
	v39 =	vld.idx.msk [tilespmem:v14+s3+$0x0], $0xffff  }
0x419: {  	v56 =	vperm.xlane v9, v33;
	v45 =	vadd.s32 v2, v20;
	v29 =	vor.u32 v1, v29;
	v28 =	vld.idx.msk [tilespmem:v28+s3+$0x0], $0xffff  }
0x41a: {  	v35 =	vor.u32 v7, v54;
	v55 =	vperm.xlane v10, v33;
	v30 =	vor.u32 v3, v45;
	v60 =	vld.idx.msk [tilespmem:v53+s3+$0x0], $0xffff  }
0x41b: {  	v15 =	vperm.xlane v8, v12;
	v37 =	vshll.u32 v56, $0x6;
	v17 =	vadd.f32 v23, v63;
	v63 =	vld.idx.msk [tilespmem:v38+s3+$0x0], $0xffff  }
0x41c: {  	v52 =	vperm.xlane v11, v33;
	v31 =	vshll.u32 v55, $0x6;
	v59 =	vadd.s32 v0, v37;
	v40 =	vld.idx.msk [tilespmem:v44+s3+$0x0], $0xffff  }
0x41d: {  	v16 =	vadd.f32 v18, v16;
	v45 =	vadd.s32 v2, v31;
	v61 =	vor.u32 v1, v59;
	v38 =	vld [tilespmem:$0xE100]  }
0x41e: {  	v62 =	vadd.s32 v4, v20;
	v20 =	vadd.s32 v6, v20;
	v46 =	vor.u32 v3, v45;
	v48 =	vld.idx.msk [tilespmem:v29+s3+$0x0], $0xffff  }
0x41f: {  	v12 =	vadd.f32 v16, v22;
	v22 =	vor.u32 v3, v47;
	v25 =	vadd.f32 v26, v25;
	v43 =	vld.idx.msk [tilespmem:v30+s3+$0x0], $0xffff  }
0x420: {  	v27 =	vshll.u32 v52, $0x6;
	v53 =	vadd.s32 v4, v37;
	v13 =	vadd.f32 v17, v19;
	v19 =	vld.idx.msk [tilespmem:v41+s3+$0x0], $0xffff  }
0x421: {  	v36 =	vadd.s32 v0, v31;
	v34 =	vor.u32 v5, v53;
	v14 =	vadd.f32 v25, v24;
	v25 =	vld.idx.msk [tilespmem:v49+s3+$0x0], $0xffff  }
0x422: {  	v20 =	vor.u32 v7, v20;
	v57 =	vadd.s32 v0, v27;
	v58 =	vor.u32 v1, v36;
	v51 =	vld.idx.msk [tilespmem:v61+s3+$0x0], $0xffff  }
0x423: {  	v47 =	vadd.s32 v2, v37;
	v29 =	vor.u32 v5, v62;
	v62 =	vadd.s32 v2, v27;
	v23 =	vld.idx.msk [tilespmem:v46+s3+$0x0], $0xffff  }
0x424: {  	v37 =	vadd.s32 v6, v37;
	v44 =	vor.u32 v3, v62;
	v49 =	vadd.s32 v4, v27;
	v22 =	vld.idx.msk [tilespmem:v22+s3+$0x0], $0xffff  }
0x425: {  	v18 =	vadd.f32 v28, v39;
	v28 =	vor.u32 v1, v57;
	v17 =	vadd.f32 v40, v63;
	v63 =	vld.idx.msk [tilespmem:v35+s3+$0x0], $0xffff  }
0x426: {  	v37 =	vor.u32 v7, v37;
	v27 =	vadd.s32 v6, v27;
	v36 =	vor.u32 v5, v49;
	v34 =	vld.idx.msk [tilespmem:v34+s3+$0x0], $0xffff  }
0x427: {  	v39 =	vadd.s32 v4, v31;
	v27 =	vor.u32 v7, v27;
	v16 =	vadd.f32 v18, v32;
	v32 =	vld.idx.msk [tilespmem:v20+s3+$0x0], $0xffff  }
0x428: {  	v31 =	vadd.s32 v6, v31;
	v52 =	vor.u32 v5, v39;
	v55 =	vperm.xlane v11, v38;
	v29 =	vld.idx.msk [tilespmem:v29+s3+$0x0], $0xffff  }
0x429: {  	v31 =	vor.u32 v7, v31;
	v56 =	vperm.xlane v10, v38;
	v40 =	vperm.xlane v9, v38;
	v54 =	vld.idx.msk [tilespmem:v44+s3+$0x0], $0xffff  }
0x42a: {  	v20 =	vperm.xlane v8, v21;
	v17 =	vadd.f32 v17, v48;
	v35 =	vshll.u32 v55, $0x6;
	v28 =	vld.idx.msk [tilespmem:v28+s3+$0x0], $0xffff  }
0x42b: {  	v48 =	vor.u32 v3, v47;
	v39 =	vshll.u32 v56, $0x6;
	v57 =	vadd.s32 v0, v35;
	v36 =	vld.idx.msk [tilespmem:v36+s3+$0x0], $0xffff  }
0x42c: {  	v41 =	vadd.s32 v0, v39;
	v42 =	vadd.s32 v2, v35;
	v62 =	vadd.s32 v2, v39;
	v27 =	vld.idx.msk [tilespmem:v27+s3+$0x0], $0xffff  }
0x42d: {  	v47 =	vadd.s32 v4, v35;
	v35 =	vadd.s32 v6, v35;
	v22 =	vadd.f32 v22, v50;
	v50 =	vld.idx.msk [tilespmem:v58+s3+$0x0], $0xffff  }
0x42e: {  	v49 =	vadd.s32 v4, v39;
	v39 =	vadd.s32 v6, v39;
	v35 =	vor.u32 v7, v35;
	v24 =	vld.idx.msk [tilespmem:v52+s3+$0x0], $0xffff  }
0x42f: {  	v40 =	vshll.u32 v40, $0x6;
	v19 =	vadd.f32 v25, v19;
	v39 =	vor.u32 v7, v39;
	v31 =	vld.idx.msk [tilespmem:v31+s3+$0x0], $0xffff  }
0x430: {  	v59 =	vadd.s32 v0, v40;
	v21 =	vadd.f32 v63, v60;
	v58 =	vor.u32 v1, v41;
	v60 =	vld.idx.msk [tilespmem:v37+s3+$0x0], $0xffff  }
0x431: {  	v45 =	vadd.s32 v2, v40;
	v26 =	vor.u32 v1, v57;
	v41 =	vor.u32 v1, v59;
	v30 =	vld.idx.msk [tilespmem:v48+s3+$0x0], $0xffff  }
0x432: {  	v61 =	vor.u32 v3, v42;
	v46 =	vor.u32 v3, v45;
	v18 =	vadd.f32 v22, v43;
	v43 =	vld [tilespmem:$0xE110]  }
0x433: {  	v63 =	vor.u32 v3, v62;
	v19 =	vadd.f32 v19, v29;
	v21 =	vadd.f32 v21, v32;
	v35 =	vld.idx.msk [tilespmem:v35+s3+$0x0], $0xffff  }
0x434: {  	v48 =	vor.u32 v5, v47;
	v29 =	vperm.xlane v8, v38;
	v38 =	vld.idx.msk [tilespmem:v39+s3+$0x0], $0xffff;
	v22 =	vadd.f32 v51, v50  }
0x435: {  	v24 =	vadd.f32 v34, v24;
	v32 =	vld.idx.msk [tilespmem:v58+s3+$0x0], $0xffff;
	v50 =	vor.u32 v5, v49;
	v51 =	vadd.s32 v4, v40  }
0x436: {  	v41 =	vld.idx.msk [tilespmem:v41+s3+$0x0], $0xffff;
	v31 =	vadd.f32 v60, v31;
	v40 =	vadd.s32 v6, v40;
	v52 =	vor.u32 v5, v51  }
0x437: {  	v40 =	vor.u32 v7, v40;
	v23 =	vadd.f32 v30, v23;
	v30 =	vld.idx.msk [tilespmem:v26+s3+$0x0], $0xffff;
	v53 =	vperm.xlane v11, v43  }
0x438: {  	v22 =	vadd.f32 v22, v28;
	v24 =	vadd.f32 v24, v36;
	v36 =	vld.idx.msk [tilespmem:v61+s3+$0x0], $0xffff;
	v55 =	vperm.xlane v10, v43  }
0x439: {  	v28 =	vld.idx.msk [tilespmem:v63+s3+$0x0], $0xffff;
	v44 =	vperm.xlane v9, v43;
	v26 =	vadd.f32 v31, v27;
	v42 =	vshll.u32 v53, $0x6  }
0x43a: {  	v23 =	vadd.f32 v23, v54;
	v54 =	vld.idx.msk [tilespmem:v46+s3+$0x0], $0xffff;
	v46 =	vshll.u32 v55, $0x6;
	v56 =	vadd.s32 v0, v42  }
0x43b: {  	v34 =	vld.idx.msk [tilespmem:v48+s3+$0x0], $0xffff;
	v44 =	vshll.u32 v44, $0x6;
	v57 =	vadd.s32 v0, v46;
	v47 =	vor.u32 v1, v56  }
0x43c: {  	v48 =	vld [tilespmem:$0xE120];
	v59 =	vadd.s32 v0, v44;
	v61 =	vadd.s32 v2, v42;
	v58 =	vor.u32 v1, v57  }
0x43d: {  	v45 =	vld.idx.msk [tilespmem:v50+s3+$0x0], $0xffff;
	v32 =	vadd.f32 v41, v32;
	v63 =	vadd.s32 v2, v46;
	v60 =	vor.u32 v1, v59  }
0x43e: {  	v49 =	vadd.s32 v2, v44;
	v55 =	vadd.s32 v4, v46;
	v37 =	vld.idx.msk [tilespmem:v52+s3+$0x0], $0xffff;
	v62 =	vor.u32 v3, v61  }
0x43f: {  	v52 =	vld.idx.msk [tilespmem:v40+s3+$0x0], $0xffff;
	v53 =	vor.u32 v3, v63;
	v56 =	vor.u32 v5, v55;
	v28 =	vadd.f32 v54, v28  }
0x440: {  	v57 =	vadd.s32 v4, v44;
	v44 =	vadd.s32 v6, v44;
	v27 =	vadd.f32 v32, v30;
	v32 =	vld.idx.msk [tilespmem:v47+s3+$0x0], $0xffff  }
0x441: {  	v46 =	vadd.s32 v6, v46;
	v44 =	vor.u32 v7, v44;
	v28 =	vadd.f32 v28, v36;
	v36 =	vld.idx.msk [tilespmem:v58+s3+$0x0], $0xffff  }
0x442: {  	v46 =	vor.u32 v7, v46;
	v39 =	vld.idx.msk [tilespmem:v60+s3+$0x0], $0xffff  }
0x443: {  	v61 =	vadd.s32 v6, v42;
	v54 =	vor.u32 v3, v49;
	v41 =	vld.idx.msk [tilespmem:v62+s3+$0x0], $0xffff  }
0x444: {  	v25 =	vperm.xlane v8, v33;
	v50 =	vperm.xlane v10, v48;
	v51 =	vor.u32 v7, v61;
	v40 =	vld.idx.msk [tilespmem:v53+s3+$0x0], $0xffff  }
0x445: {  	v47 =	vor.u32 v5, v57;
	v37 =	vadd.f32 v37, v45;
	v33 =	vadd.f32 v52, v38;
	v38 =	vld.idx.msk [tilespmem:v56+s3+$0x0], $0xffff  }
0x446: {  	v50 =	vshll.u32 v50, $0x6;
	v58 =	vadd.s32 v4, v42;
	v62 =	vperm.xlane v9, v48;
	v56 =	vld.idx.msk [tilespmem:v44+s3+$0x0], $0xffff  }
0x447: {  	v63 =	vadd.s32 v0, v50;
	v59 =	vor.u32 v5, v58;
	v31 =	vadd.f32 v37, v34;
	v34 =	vld.idx.msk [tilespmem:v46+s3+$0x0], $0xffff  }
0x448: {  	v52 =	vperm.xlane v11, v48;
	v53 =	vor.u32 v1, v63;
	v42 =	vshll.u32 v62, $0x6;
	v60 =	vld.idx.msk [tilespmem:v54+s3+$0x0], $0xffff  }
0x449: {  	v30 =	vadd.f32 v33, v35;
	v62 =	vadd.s32 v2, v50;
	v54 =	vadd.s32 v0, v42  }
0x44a: {  	v45 =	vor.u32 v3, v62;
	v57 =	vor.u32 v1, v54;
	v47 =	vld.idx.msk [tilespmem:v47+s3+$0x0], $0xffff;
	v55 =	vadd.f32 v39, v36  }
0x44b: {  	v49 =	vld [tilespmem:$0xE130];
	v54 =	vadd.s32 v2, v42;
	v39 =	vshll.u32 v52, $0x6;
	v36 =	vperm.xlane v8, v43  }
0x44c: {  	v46 =	vor.u32 v3, v54;
	v59 =	vld.idx.msk [tilespmem:v59+s3+$0x0], $0xffff;
	v32 =	vadd.f32 v55, v32;
	v55 =	vadd.s32 v4, v50  }
0x44d: {  	v61 =	vld.idx.msk [tilespmem:v51+s3+$0x0], $0xffff;
	v37 =	vadd.f32 v56, v34;
	v58 =	vadd.f32 v60, v40;
	v60 =	vadd.s32 v0, v39  }
0x44e: {  	v63 =	vld.idx.msk [tilespmem:v53+s3+$0x0], $0xffff;
	v56 =	vadd.s32 v4, v42;
	v50 =	vadd.s32 v6, v50;
	v43 =	vor.u32 v1, v60  }
0x44f: {  	v42 =	vadd.s32 v6, v42;
	v44 =	vld.idx.msk [tilespmem:v57+s3+$0x0], $0xffff;
	v38 =	vadd.f32 v47, v38;
	v47 =	vor.u32 v5, v55  }
0x450: {  	v45 =	vld.idx.msk [tilespmem:v45+s3+$0x0], $0xffff;
	v57 =	vadd.s32 v2, v39;
	v33 =	vadd.f32 v58, v41;
	v58 =	vor.u32 v5, v56  }
0x451: {  	v46 =	vld.idx.msk [tilespmem:v46+s3+$0x0], $0xffff;
	v34 =	vadd.f32 v38, v59;
	v38 =	vor.u32 v3, v57;
	v59 =	vadd.s32 v4, v39  }
0x452: {  	v35 =	vadd.f32 v37, v61;
	v61 =	vperm.xlane v11, v49;
	v56 =	vld [tilespmem:$0xE140];
	v60 =	vor.u32 v5, v59  }
0x453: {  	v50 =	vor.u32 v7, v50;
	v42 =	vor.u32 v7, v42;
	v37 =	vperm.xlane v8, v48;
	v43 =	vld.idx.msk [tilespmem:v43+s3+$0x0], $0xffff  }
0x454: {  	v51 =	vshll.u32 v61, $0x6;
	v41 =	vadd.f32 v44, v63;
	v63 =	vperm.xlane v10, v49;
	v62 =	vld.idx.msk [tilespmem:v47+s3+$0x0], $0xffff  }
0x455: {  	v39 =	vadd.s32 v6, v39;
	v57 =	vperm.xlane v9, v49;
	v61 =	vadd.s32 v2, v51;
	v40 =	vld.idx.msk [tilespmem:v58+s3+$0x0], $0xffff  }
0x456: {  	v54 =	vor.u32 v7, v39;
	v58 =	vadd.s32 v0, v51;
	v47 =	vshll.u32 v63, $0x6;
	v53 =	vld.idx.msk [tilespmem:v38+s3+$0x0], $0xffff  }
0x457: {  	v52 =	vshll.u32 v57, $0x6;
	v55 =	vor.u32 v1, v58;
	v59 =	vadd.s32 v0, v47;
	v48 =	vld.idx.msk [tilespmem:v60+s3+$0x0], $0xffff  }
0x458: {  	v42 =	vld.idx.msk [tilespmem:v42+s3+$0x0], $0xffff;
	v60 =	vadd.s32 v0, v52;
	v38 =	vadd.f32 v41, v43;
	v43 =	vor.u32 v1, v59  }
0x459: {  	v45 =	vadd.f32 v46, v45;
	v63 =	vadd.s32 v2, v47;
	v41 =	vld.idx.msk [tilespmem:v50+s3+$0x0], $0xffff;
	v46 =	vor.u32 v1, v60  }
0x45a: {  	v50 =	vor.u32 v3, v63;
	v40 =	vadd.f32 v40, v62;
	v62 =	vor.u32 v3, v61  }
0x45b: {  	v61 =	vadd.s32 v4, v47;
	v47 =	vadd.s32 v6, v47;
	v39 =	vadd.f32 v45, v53;
	v45 =	vld.idx.msk [tilespmem:v54+s3+$0x0], $0xffff  }
0x45c: {  	v59 =	vadd.s32 v2, v52;
	v47 =	vor.u32 v7, v47;
	v40 =	vadd.f32 v40, v48;
	v48 =	vld.idx.msk [tilespmem:v55+s3+$0x0], $0xffff  }
0x45d: {  	v57 =	vadd.s32 v4, v52;
	v58 =	vperm.xlane v10, v56;
	v53 =	vor.u32 v3, v59;
	v43 =	vld.idx.msk [tilespmem:v43+s3+$0x0], $0xffff  }
0x45e: {  	v60 =	vadd.s32 v4, v51;
	v55 =	vor.u32 v5, v57;
	v41 =	vadd.f32 v42, v41;
	v42 =	vld.idx.msk [tilespmem:v46+s3+$0x0], $0xffff  }
0x45f: {  	v51 =	vadd.s32 v6, v51;
	v46 =	vor.u32 v5, v61;
	v44 =	vld.idx.msk [tilespmem:v62+s3+$0x0], $0xffff;
	v62 =	vperm.xlane v11, v56  }
0x460: {  	v58 =	vshll.u32 v58, $0x6;
	v52 =	vadd.s32 v6, v52;
	v51 =	vor.u32 v7, v51;
	v50 =	vld.idx.msk [tilespmem:v50+s3+$0x0], $0xffff  }
0x461: {  	v54 =	vor.u32 v5, v60;
	v59 =	vperm.xlane v9, v56;
	v47 =	vld.idx.msk [tilespmem:v47+s3+$0x0], $0xffff;
	v57 =	vshll.u32 v62, $0x6  }
0x462: {  	v52 =	vor.u32 v7, v52;
	v61 =	vadd.s32 v0, v58;
	v53 =	vld.idx.msk [tilespmem:v53+s3+$0x0], $0xffff;
	v60 =	vadd.s32 v0, v57  }
0x463: {  	v59 =	vshll.u32 v59, $0x6;
	v41 =	vadd.f32 v41, v45;
	v45 =	vld.idx.msk [tilespmem:v55+s3+$0x0], $0xffff;
	v60 =	vor.u32 v1, v60  }
0x464: {  	v55 =	vor.u32 v1, v61;
	v61 =	vadd.s32 v0, v59;
	v46 =	vld.idx.msk [tilespmem:v46+s3+$0x0], $0xffff  }
0x465: {  	v42 =	vadd.f32 v42, v43;
	v43 =	vld.idx.msk [tilespmem:v51+s3+$0x0], $0xffff;
	v51 =	vor.u32 v1, v61;
	v61 =	vadd.s32 v2, v57  }
0x466: {  	v15 =	vshll.u32 v15, $0x6;
	v54 =	vld.idx.msk [tilespmem:v54+s3+$0x0], $0xffff;
	v62 =	vadd.s32 v2, v58;
	v61 =	vor.u32 v3, v61  }
0x467: {  	v42 =	vadd.f32 v42, v48;
	v48 =	vld.idx.msk [tilespmem:v52+s3+$0x0], $0xffff;
	v52 =	vor.u32 v3, v62;
	v62 =	vadd.s32 v2, v59  }
0x468: {  	v50 =	vadd.f32 v53, v50;
	v53 =	vld.idx.msk [tilespmem:v60+s3+$0x0], $0xffff;
	v60 =	vor.u32 v3, v62;
	v62 =	vadd.s32 v4, v57  }
0x469: {  	v45 =	vadd.f32 v45, v46;
	v46 =	vld.idx.msk [tilespmem:v55+s3+$0x0], $0xffff;
	v55 =	vor.u32 v5, v62;
	v62 =	vadd.s32 v4, v58  }
0x46a: {  	v44 =	vadd.f32 v50, v44;
	v50 =	vld.idx.msk [tilespmem:v51+s3+$0x0], $0xffff;
	v51 =	vor.u32 v5, v62;
	v62 =	vadd.s32 v4, v59  }
0x46b: {  	v57 =	vadd.s32 v6, v57;
	v45 =	vadd.f32 v45, v54;
	v54 =	vld.idx.msk [tilespmem:v61+s3+$0x0], $0xffff;
	v61 =	vor.u32 v5, v62  }
0x46c: {  	v63 =	vadd.s32 v6, v58;
	v47 =	vadd.f32 v48, v47;
	v48 =	vld.idx.msk [tilespmem:v52+s3+$0x0], $0xffff;
	v52 =	vor.u32 v7, v57  }
0x46d: {  	v20 =	vshll.u32 v20, $0x6;
	v57 =	vor.u32 v7, v63;
	v59 =	vadd.s32 v6, v59;
	v58 =	vld.idx.msk [tilespmem:v60+s3+$0x0], $0xffff  }
0x46e: {  	v62 =	vadd.s32 v0, v15;
	v43 =	vadd.f32 v47, v43;
	v47 =	vld.idx.msk [tilespmem:v55+s3+$0x0], $0xffff;
	v55 =	vor.u32 v7, v59  }
0x46f: {  	v49 =	vperm.xlane v8, v49;
	v60 =	vadd.s32 v2, v15;
	v59 =	vor.u32 v1, v62;
	v51 =	vld.idx.msk [tilespmem:v51+s3+$0x0], $0xffff  }
0x470: {  	v46 =	vadd.f32 v50, v46;
	v60 =	vor.u32 v3, v60;
	v50 =	vld.idx.msk [tilespmem:v61+s3+$0x0], $0xffff;
	v61 =	vadd.s32 v4, v15  }
0x471: {  	v56 =	vperm.xlane v8, v56;
	v52 =	vld.idx.msk [tilespmem:v52+s3+$0x0], $0xffff;
	v15 =	vadd.s32 v6, v15;
	v61 =	vor.u32 v5, v61  }
0x472: {  	v63 =	vadd.s32 v0, v20;
	v46 =	vadd.f32 v46, v53;
	v53 =	vld.idx.msk [tilespmem:v57+s3+$0x0], $0xffff;
	v15 =	vor.u32 v7, v15  }
0x473: {  	v62 =	vadd.s32 v2, v20;
	v57 =	vor.u32 v1, v63;
	v63 =	vadd.s32 v4, v20;
	v55 =	vld.idx.msk [tilespmem:v55+s3+$0x0], $0xffff  }
0x474: {  	v20 =	vadd.s32 v6, v20;
	[tilespmem:v59+s29+$0x0] =	vst.idx.add.f32.msk $0xffff, v12;
	v12 =	vor.u32 v3, v62  }
0x475: {  	v25 =	vshll.u32 v25, $0x6;
	v48 =	vadd.f32 v58, v48;
	[tilespmem:v60+s29+$0x0] =	vst.idx.add.f32.msk $0xffff, v13;
	v60 =	vor.u32 v5, v63  }
0x476: {  	v62 =	vadd.s32 v0, v25;
	[tilespmem:v61+s29+$0x0] =	vst.idx.add.f32.msk $0xffff, v14;
	v61 =	vor.u32 v7, v20  }
0x477: {  	v63 =	vadd.s32 v2, v25;
	[tilespmem:v15+s29+$0x0] =	vst.idx.add.f32.msk $0xffff, v16;
	v15 =	vor.u32 v1, v62  }
0x478: {  	v20 =	vadd.s32 v4, v25;
	v16 =	vor.u32 v3, v63;
	[tilespmem:v57+s29+$0x0] =	vst.idx.add.f32.msk $0xffff, v17  }
0x479: {  	v58 =	vshll.u32 v29, $0x6;
	v57 =	vadd.s32 v6, v25;
	[tilespmem:v12+s29+$0x0] =	vst.idx.add.f32.msk $0xffff, v18;
	v12 =	vor.u32 v5, v20  }
0x47a: {  	v59 =	vor.u32 v7, v57;
	[tilespmem:v60+s29+$0x0] =	vst.idx.add.f32.msk $0xffff, v19;
	v60 =	vadd.s32 v0, v58  }
0x47b: {  	v62 =	vadd.s32 v2, v58;
	[tilespmem:v61+s29+$0x0] =	vst.idx.add.f32.msk $0xffff, v21;
	v61 =	vor.u32 v1, v60  }
0x47c: {  	v63 =	vor.u32 v3, v62;
	v20 =	vadd.s32 v4, v58;
	[tilespmem:v15+s29+$0x0] =	vst.idx.add.f32.msk $0xffff, v22  }
0x47d: {  	v21 =	vor.u32 v5, v20;
	v22 =	vadd.s32 v6, v58;
	[tilespmem:v16+s29+$0x0] =	vst.idx.add.f32.msk $0xffff, v23;
	v23 =	vshll.u32 v36, $0x6  }
0x47e: {  	v25 =	vor.u32 v7, v22;
	[tilespmem:v12+s29+$0x0] =	vst.idx.add.f32.msk $0xffff, v24;
	v29 =	vadd.s32 v0, v23  }
0x47f: {  	v57 =	vadd.s32 v2, v23;
	[tilespmem:v59+s29+$0x0] =	vst.idx.add.f32.msk $0xffff, v26;
	v36 =	vor.u32 v1, v29  }
0x480: {  	v58 =	vor.u32 v3, v57;
	v59 =	vadd.s32 v4, v23;
	[tilespmem:v61+s29+$0x0] =	vst.idx.add.f32.msk $0xffff, v27  }
0x481: {  	v62 =	vshll.u32 v37, $0x6;
	v60 =	vor.u32 v5, v59;
	v61 =	vadd.s32 v6, v23;
	[tilespmem:v63+s29+$0x0] =	vst.idx.add.f32.msk $0xffff, v28  }
0x482: {  	v20 =	vadd.s32 v0, v62;
	v63 =	vor.u32 v7, v61;
	[tilespmem:v21+s29+$0x0] =	vst.idx.add.f32.msk $0xffff, v31  }
0x483: {  	v22 =	vadd.s32 v2, v62;
	v21 =	vor.u32 v1, v20;
	[tilespmem:v25+s29+$0x0] =	vst.idx.add.f32.msk $0xffff, v30  }
0x484: {  	v24 =	vadd.s32 v4, v62;
	v23 =	vor.u32 v3, v22;
	[tilespmem:v36+s29+$0x0] =	vst.idx.add.f32.msk $0xffff, v32  }
0x485: {  	v26 =	vadd.s32 v6, v62;
	v27 =	vshll.u32 v49, $0x6;
	v25 =	vor.u32 v5, v24;
	[tilespmem:v58+s29+$0x0] =	vst.idx.add.f32.msk $0xffff, v33  }
0x486: {  	v28 =	vor.u32 v7, v26;
	v29 =	vadd.s32 v0, v27;
	[tilespmem:v60+s29+$0x0] =	vst.idx.add.f32.msk $0xffff, v34  }
0x487: {  	v31 =	vadd.s32 v2, v27;
	v30 =	vor.u32 v1, v29;
	[tilespmem:v63+s29+$0x0] =	vst.idx.add.f32.msk $0xffff, v35  }
0x488: {  	v32 =	vor.u32 v3, v31;
	v33 =	vadd.s32 v4, v27;
	[tilespmem:v21+s29+$0x0] =	vst.idx.add.f32.msk $0xffff, v38  }
0x489: {  	v36 =	vshll.u32 v56, $0x6;
	v34 =	vor.u32 v5, v33;
	v35 =	vadd.s32 v6, v27;
	[tilespmem:v23+s29+$0x0] =	vst.idx.add.f32.msk $0xffff, v39  }
0x48a: {  	v37 =	vor.u32 v7, v35;
	v38 =	vadd.s32 v0, v36;
	[tilespmem:v25+s29+$0x0] =	vst.idx.add.f32.msk $0xffff, v40  }
0x48b: {  	v39 =	vor.u32 v1, v38;
	v40 =	vadd.s32 v2, v36;
	[tilespmem:v28+s29+$0x0] =	vst.idx.add.f32.msk $0xffff, v41  }
0x48c: {  	v41 =	vor.u32 v3, v40;
	[tilespmem:v30+s29+$0x0] =	vst.idx.add.f32.msk $0xffff, v42;
	v42 =	vadd.s32 v4, v36  }
0x48d: {  	v49 =	vadd.s32 v6, v36;
	[tilespmem:v32+s29+$0x0] =	vst.idx.add.f32.msk $0xffff, v44;
	v44 =	vor.u32 v5, v42  }
0x48e: {  	v50 =	vadd.f32 v50, v51;
	v51 =	vor.u32 v7, v49;
	[tilespmem:v34+s29+$0x0] =	vst.idx.add.f32.msk $0xffff, v45  }
0x48f: {  	v57 =	vadd.f32 v55, v53;
	v56 =	vadd.f32 v48, v54;
	[tilespmem:v37+s29+$0x0] =	vst.idx.add.f32.msk $0xffff, v43  }
0x490: {  	v58 =	vadd.f32 v50, v47;
	[tilespmem:v39+s29+$0x0] =	vst.idx.add.f32.msk $0xffff, v46  }
0x491: {  	v59 =	vadd.f32 v57, v52;
	[tilespmem:v41+s29+$0x0] =	vst.idx.add.f32.msk $0xffff, v56  }
0x492: {  	[tilespmem:v44+s29+$0x0] =	vst.idx.add.f32.msk $0xffff, v58  }
0x493: {  	[tilespmem:v51+s29+$0x0] =	vst.idx.add.f32.msk $0xffff, v59  }
0x494: {  	v12 =	vld [tilespmem:$0xE150];
	_ =	sdelay $0x4  }
0x495: {  	v60 =	vperm.xlane v11, v12  }
0x496: {  	v61 =	vperm.xlane v10, v12  }
0x497: {  	v62 =	vperm.xlane v9, v12;
	v63 =	vshll.u32 v60, $0x6  }
0x498: {  	v14 =	vshll.u32 v61, $0x6;
	v13 =	vadd.s32 v0, v63  }
0x499: {  	v15 =	vshll.u32 v62, $0x6;
	v26 =	vadd.s32 v0, v14;
	v25 =	vor.u32 v1, v13  }
0x49a: {  	v28 =	vadd.s32 v0, v15;
	v27 =	vor.u32 v1, v26  }
0x49b: {  	v30 =	vadd.s32 v2, v63;
	v29 =	vor.u32 v1, v28  }
0x49c: {  	v32 =	vadd.s32 v2, v14;
	v31 =	vor.u32 v3, v30  }
0x49d: {  	v34 =	vadd.s32 v2, v15;
	v33 =	vor.u32 v3, v32;
	v13 =	vld [tilespmem:$0xE160]  }
0x49e: {  	v35 =	vadd.s32 v4, v63;
	v22 =	vor.u32 v3, v34;
	v17 =	vld.idx.msk [tilespmem:v25+s3+$0x0], $0xffff  }
0x49f: {  	v36 =	vadd.s32 v4, v14;
	v23 =	vor.u32 v5, v35;
	v18 =	vld.idx.msk [tilespmem:v27+s3+$0x0], $0xffff  }
0x4a0: {  	v16 =	vadd.s32 v6, v63;
	v24 =	vor.u32 v5, v36;
	v19 =	vld.idx.msk [tilespmem:v29+s3+$0x0], $0xffff  }
0x4a1: {  	v14 =	vadd.s32 v6, v14;
	v16 =	vor.u32 v7, v16;
	v20 =	vld.idx.msk [tilespmem:v31+s3+$0x0], $0xffff  }
0x4a2: {  	v37 =	vadd.s32 v4, v15;
	v15 =	vadd.s32 v6, v15;
	v14 =	vor.u32 v7, v14;
	v21 =	vld.idx.msk [tilespmem:v33+s3+$0x0], $0xffff  }
0x4a3: {  	v15 =	vor.u32 v7, v15;
	v38 =	vperm.xlane v11, v13;
	v22 =	vld.idx.msk [tilespmem:v22+s3+$0x0], $0xffff  }
0x4a4: {  	v39 =	vperm.xlane v10, v13;
	v23 =	vld.idx.msk [tilespmem:v23+s3+$0x0], $0xffff  }
0x4a5: {  	v25 =	vor.u32 v5, v37;
	v40 =	vperm.xlane v9, v13;
	v24 =	vld.idx.msk [tilespmem:v24+s3+$0x0], $0xffff;
	v26 =	vshll.u32 v38, $0x6  }
0x4a6: {  	v31 =	vld.idx.msk [tilespmem:v16+s3+$0x0], $0xffff;
	v27 =	vshll.u32 v39, $0x6;
	v41 =	vadd.s32 v0, v26  }
0x4a7: {  	v32 =	vld.idx.msk [tilespmem:v14+s3+$0x0], $0xffff;
	v28 =	vshll.u32 v40, $0x6;
	v42 =	vadd.s32 v0, v27;
	v29 =	vor.u32 v1, v41  }
0x4a8: {  	v33 =	vld.idx.msk [tilespmem:v15+s3+$0x0], $0xffff;
	v44 =	vadd.s32 v0, v28;
	v43 =	vor.u32 v1, v42  }
0x4a9: {  	v14 =	vld [tilespmem:$0xE170];
	v45 =	vadd.s32 v2, v26;
	v30 =	vor.u32 v1, v44;
	v21 =	vadd.f32 v22, v21  }
0x4aa: {  	v47 =	vadd.s32 v2, v27;
	v46 =	vor.u32 v3, v45;
	v25 =	vld.idx.msk [tilespmem:v25+s3+$0x0], $0xffff  }
0x4ab: {  	v49 =	vadd.s32 v2, v28;
	v48 =	vor.u32 v3, v47;
	v15 =	vadd.f32 v21, v20;
	v20 =	vld [tilespmem:$0xE180]  }
0x4ac: {  	v50 =	vadd.s32 v4, v26;
	v35 =	vor.u32 v3, v49;
	v29 =	vld.idx.msk [tilespmem:v29+s3+$0x0], $0xffff  }
0x4ad: {  	v52 =	vadd.s32 v4, v27;
	v53 =	vadd.s32 v4, v28;
	v51 =	vor.u32 v5, v50;
	v37 =	vld.idx.msk [tilespmem:v43+s3+$0x0], $0xffff  }
0x4ae: {  	v26 =	vadd.s32 v6, v26;
	v27 =	vadd.s32 v6, v27;
	v36 =	vor.u32 v5, v52;
	v30 =	vld.idx.msk [tilespmem:v30+s3+$0x0], $0xffff  }
0x4af: {  	v28 =	vadd.s32 v6, v28;
	v54 =	vor.u32 v5, v53;
	v55 =	vperm.xlane v11, v14;
	v39 =	vld.idx.msk [tilespmem:v46+s3+$0x0], $0xffff  }
0x4b0: {  	v26 =	vor.u32 v7, v26;
	v56 =	vperm.xlane v10, v14;
	v58 =	vperm.xlane v9, v14;
	v34 =	vld.idx.msk [tilespmem:v48+s3+$0x0], $0xffff  }
0x4b1: {  	v27 =	vor.u32 v7, v27;
	v57 =	vor.u32 v7, v28;
	v18 =	vadd.f32 v19, v18;
	v35 =	vld.idx.msk [tilespmem:v35+s3+$0x0], $0xffff  }
0x4b2: {  	v38 =	vshll.u32 v55, $0x6;
	v40 =	vshll.u32 v56, $0x6;
	v28 =	vshll.u32 v58, $0x6;
	v41 =	vld.idx.msk [tilespmem:v51+s3+$0x0], $0xffff  }
0x4b3: {  	v17 =	vadd.f32 v18, v17;
	v59 =	vadd.s32 v0, v38;
	v60 =	vadd.s32 v0, v40;
	v36 =	vld.idx.msk [tilespmem:v36+s3+$0x0], $0xffff  }
0x4b4: {  	v62 =	vadd.s32 v0, v28;
	v50 =	vadd.s32 v2, v40;
	v42 =	vld.idx.msk [tilespmem:v54+s3+$0x0], $0xffff;
	v19 =	vor.u32 v1, v59  }
0x4b5: {  	v53 =	vadd.s32 v2, v28;
	v56 =	vadd.s32 v4, v38;
	v26 =	vld.idx.msk [tilespmem:v26+s3+$0x0], $0xffff;
	v61 =	vor.u32 v1, v60  }
0x4b6: {  	v58 =	vadd.s32 v4, v40;
	v27 =	vld.idx.msk [tilespmem:v27+s3+$0x0], $0xffff;
	v63 =	vor.u32 v1, v62;
	v48 =	vadd.s32 v2, v38  }
0x4b7: {  	v44 =	vld.idx.msk [tilespmem:v57+s3+$0x0], $0xffff;
	v52 =	vor.u32 v3, v50;
	v54 =	vadd.f32 v33, v32;
	v55 =	vor.u32 v3, v53  }
0x4b8: {  	v60 =	vadd.s32 v4, v28;
	v50 =	vadd.s32 v6, v28;
	v28 =	vld [tilespmem:$0xE190];
	v51 =	vadd.f32 v25, v24  }
0x4b9: {  	v57 =	vor.u32 v5, v56;
	v59 =	vor.u32 v5, v58;
	v62 =	vadd.s32 v6, v38;
	v32 =	vld.idx.msk [tilespmem:v19+s3+$0x0], $0xffff  }
0x4ba: {  	v49 =	vor.u32 v3, v48;
	v48 =	vadd.s32 v6, v40;
	v16 =	vadd.f32 v51, v23;
	v23 =	vld.idx.msk [tilespmem:v61+s3+$0x0], $0xffff  }
0x4bb: {  	v18 =	vadd.f32 v54, v31;
	v33 =	vor.u32 v7, v48;
	v51 =	vperm.xlane v10, v20;
	v25 =	vld.idx.msk [tilespmem:v63+s3+$0x0], $0xffff  }
0x4bc: {  	v53 =	vperm.xlane v9, v20;
	v30 =	vadd.f32 v30, v37;
	v61 =	vor.u32 v5, v60;
	v38 =	vld.idx.msk [tilespmem:v52+s3+$0x0], $0xffff  }
0x4bd: {  	v63 =	vor.u32 v7, v62;
	v43 =	vld.idx.msk [tilespmem:v55+s3+$0x0], $0xffff;
	v52 =	vor.u32 v7, v50;
	v31 =	vshll.u32 v51, $0x6  }
0x4be: {  	v45 =	vld.idx.msk [tilespmem:v57+s3+$0x0], $0xffff;
	v46 =	vshll.u32 v53, $0x6;
	v56 =	vadd.f32 v35, v34;
	v27 =	vadd.f32 v44, v27  }
0x4bf: {  	v37 =	vld.idx.msk [tilespmem:v49+s3+$0x0], $0xffff;
	v49 =	vperm.xlane v11, v20;
	v55 =	vadd.s32 v0, v31;
	v58 =	vadd.s32 v0, v46  }
0x4c0: {  	v35 =	vld [tilespmem:$0xE1A0];
	v62 =	vadd.s32 v2, v31;
	v19 =	vadd.f32 v30, v29;
	v57 =	vor.u32 v1, v55  }
0x4c1: {  	v29 =	vld.idx.msk [tilespmem:v59+s3+$0x0], $0xffff;
	v59 =	vadd.f32 v42, v36;
	v60 =	vor.u32 v1, v58;
	v40 =	vshll.u32 v49, $0x6  }
0x4c2: {  	v33 =	vld.idx.msk [tilespmem:v33+s3+$0x0], $0xffff;
	v21 =	vadd.f32 v56, v39;
	v56 =	vadd.s32 v4, v46;
	v54 =	vadd.s32 v0, v40  }
0x4c3: {  	v22 =	vadd.f32 v59, v41;
	v53 =	vadd.s32 v4, v40;
	v47 =	vld.idx.msk [tilespmem:v61+s3+$0x0], $0xffff;
	v30 =	vor.u32 v1, v54  }
0x4c4: {  	v58 =	vadd.s32 v6, v40;
	v34 =	vld.idx.msk [tilespmem:v63+s3+$0x0], $0xffff;
	v61 =	vadd.s32 v2, v40;
	v63 =	vor.u32 v3, v62  }
0x4c5: {  	v39 =	vld.idx.msk [tilespmem:v52+s3+$0x0], $0xffff;
	v52 =	vadd.s32 v2, v46;
	v25 =	vadd.f32 v25, v23;
	v44 =	vor.u32 v5, v53  }
0x4c6: {  	v54 =	vadd.s32 v4, v31;
	v23 =	vadd.f32 v27, v26;
	v59 =	vor.u32 v7, v58;
	v48 =	vld.idx.msk [tilespmem:v57+s3+$0x0], $0xffff  }
0x4c7: {  	v31 =	vadd.s32 v6, v31;
	v62 =	vperm.xlane v10, v28;
	v42 =	vor.u32 v3, v61;
	v27 =	vld.idx.msk [tilespmem:v60+s3+$0x0], $0xffff  }
0x4c8: {  	v38 =	vadd.f32 v43, v38;
	v41 =	vor.u32 v3, v52;
	v55 =	vor.u32 v5, v54;
	v30 =	vld.idx.msk [tilespmem:v30+s3+$0x0], $0xffff  }
0x4c9: {  	v31 =	vor.u32 v7, v31;
	v61 =	vadd.s32 v6, v46;
	v60 =	vperm.xlane v11, v28;
	v40 =	vld.idx.msk [tilespmem:v63+s3+$0x0], $0xffff  }
0x4ca: {  	v24 =	vadd.f32 v25, v32;
	v57 =	vor.u32 v5, v56;
	v46 =	vshll.u32 v62, $0x6;
	v44 =	vld.idx.msk [tilespmem:v44+s3+$0x0], $0xffff  }
0x4cb: {  	v58 =	vadd.s32 v2, v46;
	v36 =	vshll.u32 v60, $0x6;
	v62 =	vadd.f32 v47, v29;
	v47 =	vld.idx.msk [tilespmem:v59+s3+$0x0], $0xffff  }
0x4cc: {  	v63 =	vperm.xlane v9, v28;
	v53 =	vadd.s32 v0, v36;
	v32 =	vld.idx.msk [tilespmem:v42+s3+$0x0], $0xffff;
	v42 =	vor.u32 v7, v61  }
0x4cd: {  	v59 =	vor.u32 v3, v58;
	v58 =	vadd.s32 v6, v46;
	v41 =	vld.idx.msk [tilespmem:v41+s3+$0x0], $0xffff;
	v54 =	vor.u32 v1, v53  }
0x4ce: {  	v56 =	vadd.s32 v2, v36;
	v43 =	vld.idx.msk [tilespmem:v55+s3+$0x0], $0xffff;
	v61 =	vadd.s32 v0, v46;
	v52 =	vor.u32 v7, v58  }
0x4cf: {  	v33 =	vadd.f32 v39, v33;
	v31 =	vld.idx.msk [tilespmem:v31+s3+$0x0], $0xffff;
	v49 =	vshll.u32 v63, $0x6;
	v63 =	vor.u32 v1, v61  }
0x4d0: {  	v25 =	vadd.f32 v38, v37;
	v50 =	vld.idx.msk [tilespmem:v57+s3+$0x0], $0xffff;
	v26 =	vadd.f32 v62, v45;
	v57 =	vor.u32 v3, v56  }
0x4d1: {  	v48 =	vadd.f32 v27, v48;
	v61 =	vadd.s32 v4, v36;
	v27 =	vadd.f32 v33, v34;
	v38 =	vld.idx.msk [tilespmem:v42+s3+$0x0], $0xffff  }
0x4d2: {  	v55 =	vadd.s32 v0, v49;
	v60 =	vadd.s32 v2, v49;
	v62 =	vor.u32 v5, v61;
	v51 =	vld.idx.msk [tilespmem:v54+s3+$0x0], $0xffff  }
0x4d3: {  	v56 =	vadd.s32 v4, v49;
	v61 =	vperm.xlane v10, v35;
	v37 =	vor.u32 v1, v55;
	v52 =	vld.idx.msk [tilespmem:v52+s3+$0x0], $0xffff  }
0x4d4: {  	v45 =	vor.u32 v3, v60;
	v60 =	vadd.s32 v6, v49;
	v29 =	vadd.f32 v48, v30;
	v33 =	vld.idx.msk [tilespmem:v63+s3+$0x0], $0xffff  }
0x4d5: {  	v40 =	vadd.f32 v41, v40;
	v42 =	vor.u32 v5, v56;
	v63 =	vadd.s32 v4, v46;
	v41 =	vld.idx.msk [tilespmem:v57+s3+$0x0], $0xffff  }
0x4d6: {  	v57 =	vadd.s32 v6, v36;
	v36 =	vld.idx.msk [tilespmem:v59+s3+$0x0], $0xffff;
	v59 =	vperm.xlane v11, v35;
	v48 =	vor.u32 v5, v63  }
0x4d7: {  	v43 =	vadd.f32 v50, v43;
	v39 =	vor.u32 v7, v57;
	v53 =	vld.idx.msk [tilespmem:v62+s3+$0x0], $0xffff;
	v63 =	vperm.xlane v9, v35  }
0x4d8: {  	v62 =	vor.u32 v7, v60;
	v30 =	vadd.f32 v40, v32;
	v37 =	vld.idx.msk [tilespmem:v37+s3+$0x0], $0xffff;
	v46 =	vshll.u32 v59, $0x6  }
0x4d9: {  	v45 =	vld.idx.msk [tilespmem:v45+s3+$0x0], $0xffff;
	v57 =	vadd.s32 v0, v46;
	v54 =	vshll.u32 v63, $0x6;
	v60 =	vadd.s32 v2, v46  }
0x4da: {  	v42 =	vld.idx.msk [tilespmem:v42+s3+$0x0], $0xffff;
	v49 =	vor.u32 v1, v57;
	v59 =	vadd.s32 v0, v54;
	v38 =	vadd.f32 v38, v31  }
0x4db: {  	v31 =	vadd.f32 v43, v44;
	v57 =	vadd.s32 v2, v54;
	v56 =	vor.u32 v1, v59;
	v40 =	vld.idx.msk [tilespmem:v48+s3+$0x0], $0xffff  }
0x4dc: {  	v48 =	vshll.u32 v61, $0x6;
	v50 =	vld.idx.msk [tilespmem:v39+s3+$0x0], $0xffff;
	v61 =	vor.u32 v3, v60;
	v32 =	vadd.f32 v38, v47  }
0x4dd: {  	v43 =	vld.idx.msk [tilespmem:v62+s3+$0x0], $0xffff;
	v58 =	vadd.s32 v0, v48;
	v33 =	vadd.f32 v37, v33;
	v37 =	vor.u32 v3, v57  }
0x4de: {  	v39 =	vld [tilespmem:$0xE1B0];
	v60 =	vadd.s32 v4, v54;
	v62 =	vadd.s32 v2, v48;
	v55 =	vor.u32 v1, v58  }
0x4df: {  	v36 =	vadd.f32 v45, v36;
	v63 =	vor.u32 v3, v62;
	v58 =	vadd.s32 v4, v46;
	v47 =	vld.idx.msk [tilespmem:v49+s3+$0x0], $0xffff  }
0x4e0: {  	v54 =	vadd.s32 v6, v54;
	v49 =	vor.u32 v5, v58;
	v33 =	vadd.f32 v33, v51;
	v51 =	vld.idx.msk [tilespmem:v56+s3+$0x0], $0xffff  }
0x4e1: {  	v59 =	vadd.s32 v4, v48;
	v34 =	vadd.f32 v36, v41;
	v36 =	vor.u32 v5, v60;
	v41 =	vld.idx.msk [tilespmem:v61+s3+$0x0], $0xffff  }
0x4e2: {  	v62 =	vadd.s32 v6, v48;
	v61 =	vadd.s32 v6, v46;
	v40 =	vadd.f32 v42, v40;
	v42 =	vld.idx.msk [tilespmem:v37+s3+$0x0], $0xffff  }
0x4e3: {  	v60 =	vperm.xlane v10, v39;
	v38 =	vor.u32 v7, v61;
	v61 =	vperm.xlane v9, v39;
	v45 =	vld.idx.msk [tilespmem:v55+s3+$0x0], $0xffff  }
0x4e4: {  	v54 =	vor.u32 v7, v54;
	v37 =	vor.u32 v7, v62;
	v46 =	vld.idx.msk [tilespmem:v63+s3+$0x0], $0xffff;
	v63 =	vperm.xlane v11, v39  }
0x4e5: {  	v55 =	vor.u32 v5, v59;
	v44 =	vshll.u32 v60, $0x6;
	v49 =	vld.idx.msk [tilespmem:v49+s3+$0x0], $0xffff;
	v56 =	vshll.u32 v61, $0x6  }
0x4e6: {  	v58 =	vld.idx.msk [tilespmem:v36+s3+$0x0], $0xffff;
	v48 =	vshll.u32 v63, $0x6;
	v63 =	vadd.s32 v0, v44;
	v60 =	vadd.s32 v0, v56  }
0x4e7: {  	v36 =	vadd.f32 v40, v53;
	v53 =	vor.u32 v1, v63;
	v59 =	vor.u32 v1, v60;
	v60 =	vld [tilespmem:$0xE1C0]  }
0x4e8: {  	v43 =	vadd.f32 v43, v52;
	v62 =	vadd.s32 v0, v48;
	v61 =	vadd.s32 v2, v48;
	v40 =	vld.idx.msk [tilespmem:v38+s3+$0x0], $0xffff  }
0x4e9: {  	v63 =	vadd.s32 v4, v48;
	v48 =	vadd.s32 v6, v48;
	v57 =	vor.u32 v1, v62;
	v52 =	vld.idx.msk [tilespmem:v37+s3+$0x0], $0xffff  }
0x4ea: {  	v37 =	vadd.f32 v43, v50;
	v43 =	vld.idx.msk [tilespmem:v54+s3+$0x0], $0xffff;
	v62 =	vadd.s32 v2, v56;
	v54 =	vor.u32 v5, v63  }
0x4eb: {  	v48 =	vor.u32 v7, v48;
	v55 =	vld.idx.msk [tilespmem:v55+s3+$0x0], $0xffff;
	v38 =	vadd.f32 v51, v45;
	v45 =	vor.u32 v3, v61  }
0x4ec: {  	v51 =	vadd.s32 v2, v44;
	v61 =	vadd.s32 v4, v56;
	v42 =	vadd.f32 v42, v46;
	v53 =	vld.idx.msk [tilespmem:v53+s3+$0x0], $0xffff  }
0x4ed: {  	v56 =	vadd.s32 v6, v56;
	v50 =	vor.u32 v3, v51;
	v51 =	vor.u32 v3, v62;
	v46 =	vld.idx.msk [tilespmem:v59+s3+$0x0], $0xffff  }
0x4ee: {  	v38 =	vadd.f32 v38, v47;
	v59 =	vor.u32 v5, v61;
	v11 =	vperm.xlane v11, v60;
	v47 =	vld.idx.msk [tilespmem:v57+s3+$0x0], $0xffff  }
0x4ef: {  	v9 =	vperm.xlane v9, v60;
	v57 =	vadd.s32 v4, v44;
	v44 =	vadd.s32 v6, v44;
	v54 =	vld.idx.msk [tilespmem:v54+s3+$0x0], $0xffff  }
0x4f0: {  	v10 =	vperm.xlane v10, v60;
	v57 =	vor.u32 v5, v57;
	v45 =	vld.idx.msk [tilespmem:v45+s3+$0x0], $0xffff;
	v44 =	vor.u32 v7, v44  }
0x4f1: {  	v61 =	vshll.u32 v11, $0x6;
	v63 =	vshll.u32 v9, $0x6;
	v9 =	vadd.f32 v42, v41;
	v41 =	vld.idx.msk [tilespmem:v48+s3+$0x0], $0xffff  }
0x4f2: {  	v11 =	vor.u32 v7, v56;
	v50 =	vld.idx.msk [tilespmem:v50+s3+$0x0], $0xffff;
	v56 =	vadd.s32 v0, v61  }
0x4f3: {  	v62 =	vshll.u32 v10, $0x6;
	v51 =	vld.idx.msk [tilespmem:v51+s3+$0x0], $0xffff;
	v48 =	vadd.s32 v2, v61;
	v56 =	vor.u32 v1, v56  }
0x4f4: {  	v55 =	vadd.f32 v58, v55;
	v10 =	vadd.s32 v0, v62;
	v48 =	vor.u32 v3, v48;
	v58 =	vld.idx.msk [tilespmem:v59+s3+$0x0], $0xffff  }
0x4f5: {  	v12 =	vperm.xlane v8, v12;
	v59 =	vor.u32 v1, v10;
	v10 =	vadd.s32 v0, v63;
	v57 =	vld.idx.msk [tilespmem:v57+s3+$0x0], $0xffff  }
0x4f6: {  	v42 =	vor.u32 v1, v10;
	v10 =	vadd.f32 v55, v49;
	v49 =	vadd.s32 v2, v62;
	v44 =	vld.idx.msk [tilespmem:v44+s3+$0x0], $0xffff  }
0x4f7: {  	v43 =	vadd.f32 v43, v52;
	v52 =	vld.idx.msk [tilespmem:v11+s3+$0x0], $0xffff;
	v49 =	vor.u32 v3, v49;
	v11 =	vadd.s32 v2, v63  }
0x4f8: {  	v46 =	vadd.f32 v46, v53;
	v55 =	vor.u32 v3, v11;
	v53 =	vld.idx.msk [tilespmem:v56+s3+$0x0], $0xffff;
	v56 =	vadd.s32 v4, v61  }
0x4f9: {  	v40 =	vadd.f32 v43, v40;
	v11 =	vld.idx.msk [tilespmem:v48+s3+$0x0], $0xffff;
	v61 =	vadd.s32 v6, v61;
	v56 =	vor.u32 v5, v56  }
0x4fa: {  	v50 =	vadd.f32 v51, v50;
	v43 =	vld.idx.msk [tilespmem:v59+s3+$0x0], $0xffff;
	v59 =	vadd.s32 v4, v62;
	v51 =	vor.u32 v7, v61  }
0x4fb: {  	v46 =	vadd.f32 v46, v47;
	v42 =	vld.idx.msk [tilespmem:v42+s3+$0x0], $0xffff;
	v47 =	vor.u32 v5, v59;
	v59 =	vadd.s32 v4, v63  }
0x4fc: {  	v62 =	vadd.s32 v6, v62;
	v48 =	vor.u32 v5, v59;
	v49 =	vld.idx.msk [tilespmem:v49+s3+$0x0], $0xffff  }
0x4fd: {  	v12 =	vshll.u32 v12, $0x6;
	v61 =	vadd.s32 v6, v63;
	v59 =	vor.u32 v7, v62;
	v55 =	vld.idx.msk [tilespmem:v55+s3+$0x0], $0xffff  }
0x4fe: {  	v45 =	vadd.f32 v50, v45;
	v50 =	vld.idx.msk [tilespmem:v56+s3+$0x0], $0xffff;
	v56 =	vor.u32 v7, v61;
	v61 =	vadd.s32 v0, v12  }
0x4ff: {  	v13 =	vperm.xlane v8, v13;
	v14 =	vperm.xlane v8, v14;
	v51 =	vld.idx.msk [tilespmem:v51+s3+$0x0], $0xffff;
	v61 =	vor.u32 v1, v61  }
0x500: {  	v20 =	vperm.xlane v8, v20;
	v28 =	vperm.xlane v8, v28;
	v44 =	vadd.f32 v52, v44;
	v47 =	vld.idx.msk [tilespmem:v47+s3+$0x0], $0xffff  }
0x501: {  	v35 =	vperm.xlane v8, v35;
	v39 =	vperm.xlane v8, v39;
	v57 =	vadd.f32 v58, v57;
	v48 =	vld.idx.msk [tilespmem:v48+s3+$0x0], $0xffff  }
0x502: {  	v63 =	vadd.s32 v4, v12;
	v62 =	vadd.s32 v2, v12;
	v41 =	vadd.f32 v44, v41;
	v44 =	vld.idx.msk [tilespmem:v59+s3+$0x0], $0xffff  }
0x503: {  	v52 =	vadd.f32 v57, v54;
	v54 =	vor.u32 v3, v62;
	v42 =	vadd.f32 v42, v43;
	v43 =	vld.idx.msk [tilespmem:v56+s3+$0x0], $0xffff  }
0x504: {  	v13 =	vshll.u32 v13, $0x6;
	v12 =	vadd.s32 v6, v12;
	[tilespmem:v61+s29+$0x0] =	vst.idx.add.f32.msk $0xffff, v17;
	v17 =	vor.u32 v5, v63  }
0x505: {  	v8 =	vperm.xlane v8, v60;
	v12 =	vor.u32 v7, v12;
	v61 =	vadd.s32 v0, v13  }
0x506: {  	v62 =	vadd.s32 v2, v13;
	v42 =	vadd.f32 v42, v53;
	v53 =	vor.u32 v1, v61  }
0x507: {  	v49 =	vadd.f32 v55, v49;
	v55 =	vor.u32 v3, v62;
	v63 =	vadd.s32 v4, v13  }
0x508: {  	v14 =	vshll.u32 v14, $0x6;
	v13 =	vadd.s32 v6, v13;
	[tilespmem:v54+s29+$0x0] =	vst.idx.add.f32.msk $0xffff, v15;
	v59 =	vor.u32 v5, v63  }
0x509: {  	v60 =	vadd.s32 v0, v14;
	v13 =	vor.u32 v7, v13;
	[tilespmem:v17+s29+$0x0] =	vst.idx.add.f32.msk $0xffff, v16  }
0x50a: {  	v62 =	vadd.s32 v2, v14;
	v61 =	vor.u32 v1, v60;
	[tilespmem:v12+s29+$0x0] =	vst.idx.add.f32.msk $0xffff, v18  }
0x50b: {  	v63 =	vadd.s32 v4, v14;
	v16 =	vor.u32 v3, v62;
	[tilespmem:v53+s29+$0x0] =	vst.idx.add.f32.msk $0xffff, v19  }
0x50c: {  	v14 =	vadd.s32 v6, v14;
	v17 =	vor.u32 v5, v63;
	[tilespmem:v55+s29+$0x0] =	vst.idx.add.f32.msk $0xffff, v21;
	v21 =	vshll.u32 v20, $0x6  }
0x50d: {  	v14 =	vor.u32 v7, v14;
	[tilespmem:v59+s29+$0x0] =	vst.idx.add.f32.msk $0xffff, v22;
	v53 =	vadd.s32 v0, v21  }
0x50e: {  	v55 =	vadd.s32 v2, v21;
	[tilespmem:v13+s29+$0x0] =	vst.idx.add.f32.msk $0xffff, v23;
	v54 =	vor.u32 v1, v53  }
0x50f: {  	v57 =	vadd.s32 v4, v21;
	v56 =	vor.u32 v3, v55;
	[tilespmem:v61+s29+$0x0] =	vst.idx.add.f32.msk $0xffff, v24  }
0x510: {  	v58 =	vadd.s32 v6, v21;
	v59 =	vshll.u32 v28, $0x6;
	v15 =	vor.u32 v5, v57;
	[tilespmem:v16+s29+$0x0] =	vst.idx.add.f32.msk $0xffff, v25  }
0x511: {  	v60 =	vadd.s32 v0, v59;
	v16 =	vor.u32 v7, v58;
	[tilespmem:v17+s29+$0x0] =	vst.idx.add.f32.msk $0xffff, v26  }
0x512: {  	v62 =	vadd.s32 v2, v59;
	v61 =	vor.u32 v1, v60;
	[tilespmem:v14+s29+$0x0] =	vst.idx.add.f32.msk $0xffff, v27  }
0x513: {  	v21 =	vadd.s32 v4, v59;
	v63 =	vor.u32 v3, v62;
	[tilespmem:v54+s29+$0x0] =	vst.idx.add.f32.msk $0xffff, v29  }
0x514: {  	v23 =	vadd.s32 v6, v59;
	v22 =	vor.u32 v5, v21;
	v24 =	vshll.u32 v35, $0x6;
	[tilespmem:v56+s29+$0x0] =	vst.idx.add.f32.msk $0xffff, v30  }
0x515: {  	v25 =	vor.u32 v7, v23;
	v26 =	vadd.s32 v0, v24;
	[tilespmem:v15+s29+$0x0] =	vst.idx.add.f32.msk $0xffff, v31  }
0x516: {  	v28 =	vadd.s32 v2, v24;
	v27 =	vor.u32 v1, v26;
	[tilespmem:v16+s29+$0x0] =	vst.idx.add.f32.msk $0xffff, v32  }
0x517: {  	v29 =	vor.u32 v3, v28;
	v30 =	vadd.s32 v4, v24;
	[tilespmem:v61+s29+$0x0] =	vst.idx.add.f32.msk $0xffff, v33  }
0x518: {  	v31 =	vor.u32 v5, v30;
	v32 =	vadd.s32 v6, v24;
	v33 =	vshll.u32 v39, $0x6;
	[tilespmem:v63+s29+$0x0] =	vst.idx.add.f32.msk $0xffff, v34  }
0x519: {  	v34 =	vor.u32 v7, v32;
	v35 =	vadd.s32 v0, v33;
	[tilespmem:v22+s29+$0x0] =	vst.idx.add.f32.msk $0xffff, v36  }
0x51a: {  	v36 =	vor.u32 v1, v35;
	[tilespmem:v25+s29+$0x0] =	vst.idx.add.f32.msk $0xffff, v37;
	v37 =	vadd.s32 v2, v33  }
0x51b: {  	v53 =	vadd.s32 v4, v33;
	[tilespmem:v27+s29+$0x0] =	vst.idx.add.f32.msk $0xffff, v38;
	v39 =	vor.u32 v3, v37  }
0x51c: {  	v8 =	vshll.u32 v8, $0x6;
	v55 =	vadd.s32 v6, v33;
	v54 =	vor.u32 v5, v53;
	[tilespmem:v29+s29+$0x0] =	vst.idx.add.f32.msk $0xffff, v9  }
0x51d: {  	v0 =	vadd.s32 v0, v8;
	v56 =	vor.u32 v7, v55;
	[tilespmem:v31+s29+$0x0] =	vst.idx.add.f32.msk $0xffff, v10  }
0x51e: {  	v57 =	vadd.s32 v2, v8;
	v0 =	vor.u32 v1, v0;
	[tilespmem:v34+s29+$0x0] =	vst.idx.add.f32.msk $0xffff, v40  }
0x51f: {  	v58 =	vadd.s32 v4, v8;
	v1 =	vor.u32 v3, v57;
	[tilespmem:v36+s29+$0x0] =	vst.idx.add.f32.msk $0xffff, v46  }
0x520: {  	v59 =	vadd.s32 v6, v8;
	v2 =	vor.u32 v5, v58;
	[tilespmem:v39+s29+$0x0] =	vst.idx.add.f32.msk $0xffff, v45  }
0x521: {  	p1 =	sne.s32 s18, $0x600;
	v60 =	vadd.f32 v48, v47;
	v3 =	vor.u32 v7, v59;
	[tilespmem:v54+s29+$0x0] =	vst.idx.add.f32.msk $0xffff, v52  }
.Ltmp3:
0x522: {  	v62 =	vadd.f32 v43, v44;
	v61 =	vadd.f32 v49, v11;
	[tilespmem:v56+s29+$0x0] =	vst.idx.add.f32.msk $0xffff, v41;
	(pc) =	sbr.rel @p1 .LBB2_5-.Ltmp3, $4  }
0x523: {  	v4 =	vadd.f32 v60, v50;
	[tilespmem:v0+s29+$0x0] =	vst.idx.add.f32.msk $0xffff, v42  }
0x524: {  	v63 =	vadd.f32 v62, v51;
	[tilespmem:v1+s29+$0x0] =	vst.idx.add.f32.msk $0xffff, v61  }
0x525: {  	[tilespmem:v2+s29+$0x0] =	vst.idx.add.f32.msk $0xffff, v4  }
0x526: {  	s18 =	sadd.s32 $0x40, s18;
	[tilespmem:v3+s29+$0x0] =	vst.idx.add.f32.msk $0xffff, v63  }
0x527: {  	s16 =	sadd.s32 s16, s12  }
0x528: {  	s16 =	smul.u32 $0x198, s16  }
.Ltmp4:
0x529: {  	_ = 	snop;
	(pc) =	sbr.rel @p0 .LBB2_8-.Ltmp4, $4  }
0x52a: {  	_ = 	snop  }
0x52b: {  	s16 =	sadd.s32 s2, s16  }
0x52c: {  	s16 =	sadd.s32 $0xCC0, s16  }
0x52d: {  	[hbm4b:s16+s3] =	stream.linear.scatter [tilespmem:s29], [sflag:$0x8], $0x6600, $0x38;
	[tilespmem:$0x1BE10] =	vst v63  }
0x52e: {  	s16 =	sadd.s32 s12, s17  }
0x52f: {  	s16 =	smul.u32 $0x32, s16;
	_ =	sdelay $0x1  }
0x530: {  	s16 =	sshrl.u32 s16, $0x3  }
0x531: {  	s18 =	simm.s32 $0x1B960;
	s19 =	sadd.s32 s8, s16  }
0x532: {  	[tilespmem:s18], [sflag:$0x4] =	stream.linear.gather [hbm4b:s19+s3], $0x190, $0x38;
	[tilespmem:$0x1BE10] =	vst v63  }
.Ltmp5:
0x533: {  	_ = 	snop;
	(pc) =	sbr.rel .LBB2_2-.Ltmp5, $4  }
0x534: {  	s21 =	simm.s32 $0x1BAF0;
	s20 =	sadd.s32 s9, s16  }
0x535: {  	[tilespmem:s21], [sflag:$0x4] =	stream.linear.gather [hbm4b:s20+s3], $0x190, $0x38;
	[tilespmem:$0x1BE10] =	vst v63  }
0x536: {  	s22 =	simm.s32 $0x1BC80;
	s15 =	sadd.s32 $0x1, s15;
	s16 =	sadd.s32 s10, s16  }
0x537: {  	[tilespmem:s22], [sflag:$0x4] =	stream.linear.gather [hbm4b:s16+s3], $0x190, $0x38;
	[tilespmem:$0x1BE10] =	vst v63  }
.LBB2_9:
0x538: {  	_ =	sfence.sel $0x180000  }
0x539: {  	[bflag:$0x0] =	sbarrier.arrive $0xFFFF  }
0x53a: {  	_ =	strace $0x90000047  }
0x53b: {  	s0 =	stileid.u32;
	[bflag:$0x2] =	sbarrier.arrive $0xFFFF  }
0x53c: {  	p0 =	sne.s32 s0, $0x0;
	s0 =	rddreg [dreg:$0x3]  }
0x53d: {  	s0 =	sadd.s32 @!p0 $0x100000, s0  }
0x53e: {  	[sflag:s0] =	ssyncadd.tile.s32 @!p0 $0x1;
	_ =	shalt  }
.Lfunc_end2:
_tile_overlayer_lowered:
.L_overlay_start_2:
0x53f: {  	(tag) =	ssettag $0x2  }
0x540: {  	s0 =	rddreg [dreg:$0x0];
	s2 =	stileid.u32  }
0x541: {  	s1 =	rddreg [dreg:$0x1];
	p0 =	sne.s32 s2, $0x0  }
0x542: {  	s3 =	rddreg [dreg:$0x2];
	[bflag:$0x3] =	sbarrier.arrive $0xFFFF;
	s2 =	simm.s32 @!p0 $0x1C09  }
0x543: {  	[timem:s3], [sflag:s2] =	dma.local @!p0 [hbm:s0], s1  }
0x544: {  	s0 =	simm.s32 @!p0 $0x9  }
0x545: {  	_ =	swait.ge @!p0 [sflag:s0], s1  }
0x546: {  	s1 =	ssub.s32 @!p0 $0x0, s1;
	[sflag:s0] =	ssyncset.done @!p0 $0x0  }
0x547: {  	[sflag:s0] =	ssyncadd.s32 @!p0 s1  }
0x548: {  	[bflag:$0x3] =	sbarrier.arrive $0xFFFF  }
0x549: {  	_ =	shalt  }

// kernel: sparse-core-data-format-call.cloned.1.call-start
scs
called_computation_lowered:
.L_overlay_start_0:
0x0: {  	s2 =	sld [smem:$0x3FD9]  }
0x1: {  	s3 =	sld [smem:$0x3FFE];
	_ =	sdelay $0x1  }
0x2: {  	s1 =	srdreg.scid  }
0x3: {  	s0 =	sand.u32 $0x1, s1  }
0x4: {  	s18 =	sshll.u32 s0, $0xA;
	s2 =	sadd.s32 s3, s2  }
0x5: {  	s2 =	sadd.s32 s2, s18  }
0x6: {  	[smem:$0x3FBE] =	sst s2  }
0x7: {  	_ = 	snop  }
0x8: {  	s2 =	sld [smem:$0x3FD0];
	(tm) =	ssettm $0x1  }
0x9: {  	s19 =	sld [smem:$0x3FFB];
	_ =	sdelay $0x3  }
0xa: {  	_ =	strace s19  }
0xb: {  	s3 =	sld [smem:$0x3FFC];
	_ =	sdelay $0x3  }
0xc: {  	_ =	strace s3  }
0xd: {  	s3 =	sld [smem:$0x3FFD];
	_ =	sdelay $0x3  }
0xe: {  	_ =	strace s3  }
0xf: {  	_ =	strace $0x8FFFFFFF  }
0x10: {  	s20 =	sld [smem:$0x3FDB];
	_ =	sdelay $0x1  }
0x11: {  	s4 =	simm.s32 $_scs_section_size  }
0x12: {  	s5 =	simm.s32 $_size__tile_overlayer_lowered;
	s6 =	simm.s32 $_tile_overlayer_lowered  }
0x13: {  	s23 =	simm.s32 $0x1BFF;
	s22 =	sshll.u32 s6, $0x1;
	s3 =	sadd.s32 s4, s20  }
0x14: {  	s7 =	simm.s32 $0x0;
	s21 =	sshll.u32 s5, $0x1;
	s5 =	sadd.s32 s22, s3  }
0x15: {  	[timem:s7], [sflag:s23] =	dma.local [hbm:s5], s21  }
0x16: {  	_ =	swait.ge [sflag:s23], s21  }
0x17: {  	s4 =	ssub.s32 $0x0, s21;
	[sflag:s23] =	ssyncset.done $0x0  }
0x18: {  	[sflag:s23] =	ssyncadd.s32 s4;
	_ =	sdelay $0x1  }
0x19: {  	s24 =	simm.s32 $0x1B8B  }
0x1a: {  	_ =	swait.ge [sflag:s24], $0x1  }
0x1b: {  	[sflag:s24] =	ssyncset.done $0x0  }
0x1c: {  	s26 =	simm.s32 $0x1B8E;
	s25 =	sld [smem:$0x3FFE];
	[sflag:s24] =	ssyncadd.s32 $0xFFFFFFFF  }
0x1d: {  	s27 =	simm.s32 $execute0_lowered;
	[smem:$0x3FD2] =	sst s26  }
0x1e: {  	s5 =	sshll.u32 s27, $0x1;
	_ =	strace $0x80000049;
	[dreg:$0x1] =	wrdreg $0xFFFFFFFF  }
0x1f: {  	s28 =	simm.s32 $_size_execute0_lowered;
	s3 =	sadd.s32 s3, s5;
	[dreg:$0x0] =	wrdreg $0x0  }
0x20: {  	s5 =	sshll.u32 s28, $0x1;
	[dreg:$0x2] =	wrdreg s3  }
0x21: {  	[dreg:$0x3] =	wrdreg s5  }
0x22: {  	[dreg:$0x4] =	wrdreg $0xC0  }
0x23: {  	_ =	task [dreg:s7], $0x5FFFF  }
0x24: {  	[dreg:$0x1] =	wrdreg $0xFFFFFFFF  }
0x25: {  	[dreg:$0x0] =	wrdreg $0x60  }
0x26: {  	[dreg:$0x2] =	wrdreg s25  }
0x27: {  	[dreg:$0x3] =	wrdreg s2  }
0x28: {  	[dreg:$0x4] =	wrdreg $0x9  }
0x29: {  	_ =	task.clear_ibuf [dreg:s7], $0x5FFFF;
	_ =	strace $0x90000049  }
0x2a: {  	s29 =	simm.s32 $0x9;
	_ =	strace $0x8000004B  }
0x2b: {  	_ =	swait.ge [sflag:s29], $0x1  }
0x2c: {  	[sflag:s29] =	ssyncadd.s32 $0xFFFFFFFF  }
0x2d: {  	_ =	strace $0x9000004B  }
0x2e: {  	_ =	sfence  }
0x2f: {  	s30 =	sld [smem:$0x0];
	_ =	sdelay $0x2  }
0x30: {  	s31 =	sshll.u32 s1, $0xD;
	s1 =	sshrl.u32 s1, $0x2  }
0x31: {  	s3 =	sand.u32 $0x4000, s31;
	s1 =	sadd.s32 s1, s30  }
0x32: {  	s0 =	sor.u32 s3, s0;
	s1 =	sshll.u32 s1, $0x11  }
0x33: {  	s0 =	sor.u32 s1, s0  }
0x34: {  	s0 =	sadd.s32 $0x8F2B, s0  }
0x35: {  	[sflag:s0] =	ssyncadd.remote.s32 $0x1  }
0x36: {  	_ =	sfence.sel $0xFFFF  }
0x37: {  	[dreg:$0x0] =	wrdreg $0xFFFFFFFF;
	(pc) =	sbr.abs _section_cstart, $3  }
0x38: {  	[dreg:$0x1] =	wrdreg $0xFFFFFFFF  }
0x39: {  	_ =	task.clear_ibuf [dreg:s7], $0x2FFFF;
	_ =	strace $0x9FFFFFFF  }
0x3a: {  	(tm) =	ssettm $0x7FFFFFFF  }
0x3b: {  	_ =	shalt  }
tec
execute0_lowered:
.L_overlay_start_1:
0x0: {  	(tag) =	ssettag $0x1  }
0x1: {  	s0 =	srdreg.scid  }
0x2: {  	s1 =	sshll.u32 s0, $0x4  }
0x3: {  	s0 =	stileid.u32;
	s1 =	sand.u32 $0x10, s1  }
0x4: {  	s1 =	sor.u32 s0, s1  }
0x5: {  	s6 =	rddreg [dreg:$0x0];
	s4 =	simm.s32 $0x1;
	s2 =	sshll.u32 s1, $0x7  }
0x6: {  	s7 =	simm.s32 $0x2;
	s12 =	simm.s32 $0x0;
	s1 =	ssub.s32 $0x1000, s2  }
0x7: {  	s8 =	simm.s32 $0x8000;
	s13 =	simm.s32 $0x0;
	s3 =	sand.u32 $0xF80, s1  }
0x8: {  	s9 =	simm.s32 $0x0;
	s5 =	sshrl.u32 s1, $0xC;
	p0 =	sne.s32 s3, $0x0  }
.Ltmp0:
0x9: {  	s1 =	rddreg [dreg:$0x2];
	s4 =	simm.s32 @!p0 $0x0;
	(pc) =	sbr.rel .LBB1_1-.Ltmp0, $4  }
0xa: {  	s11 =	simm.s32 $0x0;
	s3 =	rddreg [dreg:$0x1];
	s5 =	sadd.s32 s4, s5  }
0xb: {  	_ =	strace $0x8000004A;
	s4 =	simm.s32 $0x1;
	s5 =	smul.u32 $0x33, s5  }
0xc: {  	s6 =	sadd.s32 $0x1200, s6;
	s10 =	smov.u32 s2;
	[sflag:s4] =	ssyncpa.u1 $0x0  }
0xd: {  	p0 =	por $0x0, $0x0;
	[sflag:s7] =	ssyncpa.u1 $0x0;
	s7 =	sadd.s32 $0x1, s5  }
.LBB1_4:
0xe: {  	s16 =	sshll.u32 s13, $0x3;
	s17 =	sand.u32 $0x78, s13  }
0xf: {  	s30 =	sand.u32 $0x7E00, s13;
	s12 =	sshll.u32 s12, $0xF;
	s16 =	sand.u32 $0xC00, s16  }
0x10: {  	[tilespmem:s15+$0x810 ss:$0x81] =	vst.msk $0xffff, v2;
	s31 =	sand.u32 $0x7, s13;
	s16 =	sor.u32 s17, s16;
	s17 =	sadd.s32 s3, s30  }
0x11: {  	[tilespmem:s15+$0x1020 ss:$0x81] =	vst.msk $0xffff, v0;
	s13 =	sshll.u32 s31, $0x12;
	s12 =	sadd.s32 s12, s17;
	s16 =	sshrl.u32 s16, $0x3  }
0x12: {  	[tilespmem:s15+$0x0 ss:$0x81] =	vst.msk $0xffff, v1;
	s13 =	sor.u32 $0x400, s13;
	s12 =	sadd.s32 s16, s12  }
0x13: {  	[hbm4b:s12+s13] =	stream.strided.scatter [tilespmem:s14], [sflag:$0x2], $0x2000, s8, s13, $0x20;
	[tilespmem:$0x8080] =	vst v63  }
.LBB1_5:
0x14: {  	s14 =	sadd.s32 $0x1, s9  }
0x15: {  	s12 =	sadd.s32 $0x1000, s10;
	s16 =	smov.u32 s10;
	p2 =	sgt.s32 s14, $0x32  }
0x16: {  	s16 =	smov.u32 @p2 s12  }
0x17: {  	s14 =	simm.s32 @p2 $0x0;
	p2 =	sgt.s32 s16, $0xFFF  }
0x18: {  	s16 =	smov.u32 @p2 s2;
	p2 =	sne.s32 s11, s7  }
.Ltmp1:
0x19: {  	p1 =	slt.u32 s11, $0x2;
	(pc) =	sbr.rel @!p2 .LBB1_6-.Ltmp1, $4  }
0x1a: {  	s15 =	simm.s32 @!p1 $0x2  }
0x1b: {  	s13 =	smov.u32 s10;
	p0 =	por !p0, !p0;
	_ =	swait.ge @!p1 [sflag:s15], $0x2000  }
0x1c: {  	s12 =	smov.u32 s9;
	[sflag:s15] =	ssyncset.done @!p1 $0x0;
	s9 =	smov.u32 s14  }
0x1d: {  	s11 =	sadd.s32 $0x1, s11;
	[sflag:s15] =	ssyncadd.s32 @!p1 $0xFFFFE000;
	s10 =	smov.u32 s16  }
.LBB1_1:
0x1e: {  	p1 =	sge.u32 s11, s5  }
0x1f: {  	s14 =	sand.u32 @!p1 $0x1FFFFFF, s9  }
0x20: {  	s15 =	smulhi.u32 @!p1 $0x4924925, s14;
	_ =	sdelay $0x1  }
0x21: {  	s15 =	smul.u32 @!p1 $0x38, s15  }
0x22: {  	s16 =	sxor.u32 @!p1 $0xFFFFFFFF, s11;
	s17 =	smul.u32 @!p1 $0x380, s10  }
0x23: {  	s31 =	sadd.s32 $0xFFFFFFFF, s11;
	s16 =	sshll.u32 @!p1 s16, $0xD;
	s14 =	ssub.s32 @!p1 s14, s15  }
0x24: {  	s15 =	sand.u32 @!p1 $0x2000, s16;
	s16 =	sadd.s32 @!p1 s6, s17;
	s14 =	sshll.u32 @!p1 s14, $0x4  }
0x25: {  	s17 =	simm.s32 @!p1 $0x1C00;
	s14 =	sadd.s32 @!p1 s14, s16;
	s16 =	simm.s32 @!p1 $0x40  }
0x26: {  	[tilespmem:s15], [sflag:$0x1] =	stream.strided.gather @!p1 [hbm4b:s14+s16], $0x2000, s17, s16, $0x38;
	[tilespmem:$0x8080] =	vst v63  }
0x27: {  	p1 =	sge.u32 s31, s5  }
.Ltmp2:
0x28: {  	_ = 	snop;
	(pc) =	sbr.rel @p1 .LBB1_5-.Ltmp2, $1  }
0x29: {  	_ =	sdelay $0x3  }
0x2a: {  	s14 =	simm.s32 $0x1  }
0x2b: {  	_ =	swait.ge [sflag:s4], $0x2000;
	s14 =	simm.s32 @!p0 $0x0  }
0x2c: {  	[sflag:s4] =	ssyncset.done $0x0;
	s15 =	sshll.u32 s14, $0xD  }
0x2d: {  	[sflag:s4] =	ssyncadd.s32 $0xFFFFE000;
	s18 =	sor.u32 $0x20, s15  }
0x2e: {  	s14 =	smul.u32 $0x8100, s14;
	v3 =	vld [tilespmem:s18+$0x10]  }
0x2f: {  	s30 =	sand.u32 $0x1, s11;
	v2 =	vld [tilespmem:s18+$0xFFFFFFF0]  }
0x30: {  	s15 =	smul.u32 $0x8100, s30;
	s14 =	sshrl.u32 s14, $0x2;
	v0 =	vld [tilespmem:s18+$0x0]  }
0x31: {  	v1 =	vld [tilespmem:s18+$0xFFFFFFE0];
	s16 =	sor.u32 $0x4000, s14  }
0x32: {  	s31 =	sshrl.u32 s15, $0x2;
	s15 =	sadd.s32 $0x0, s16  }
0x33: {  	s17 =	simm.s32 $0x4;
	s18 =	sadd.s32 $0x40, s18;
	s14 =	sor.u32 $0x4000, s31;
	[tilespmem:s15+$0x1830 ss:$0x81] =	vst.msk $0xffff, v3  }
.LBB1_3:
0x34: {  	v3 =	vld [tilespmem:s18+$0x10];
	p1 =	sne.s32 s17, $0x1FC;
	[tilespmem:s15+$0x810 ss:$0x81] =	vst.msk $0xffff, v2;
	s19 =	smov.u32 s17;
	s17 =	sadd.s32 $0x4, s17  }
.Ltmp3:
0x35: {  	v2 =	vld [tilespmem:s18+$0xFFFFFFF0];
	[tilespmem:s15+$0x1020 ss:$0x81] =	vst.msk $0xffff, v0;
	(pc) =	sbr.rel @p1 .LBB1_3-.Ltmp3, $4  }
0x36: {  	v0 =	vld [tilespmem:s18+$0x0];
	[tilespmem:s15+$0x0 ss:$0x81] =	vst.msk $0xffff, v1  }
0x37: {  	s15 =	sshra.s32 s19, $0x2;
	v1 =	vld [tilespmem:s18+$0xFFFFFFE0]  }
0x38: {  	s15 =	sadd.s32 s15, s16  }
0x39: {  	s18 =	sadd.s32 $0x40, s18;
	[tilespmem:s15+$0x1830 ss:$0x81] =	vst.msk $0xffff, v3  }
.Ltmp4:
0x3a: {  	_ = 	snop;
	(pc) =	sbr.rel .LBB1_4-.Ltmp4, $1  }
0x3b: {  	_ =	sdelay $0x3  }
.LBB1_6:
0x3c: {  	_ =	sfence.sel $0x180000  }
0x3d: {  	s2 =	simm.s32 $0x1;
	[bflag:$0x0] =	sbarrier.arrive $0xFFFF  }
0x3e: {  	s31 =	simm.s32 $0x2;
	[sflag:s2] =	ssyncpa.u1 $0x1  }
0x3f: {  	[sflag:s31] =	ssyncpa.u1 $0x1  }
0x40: {  	p0 =	sne.s32 s0, $0x0;
	_ =	strace $0x9000004A  }
0x41: {  	s0 =	sadd.s32 @!p0 $0x100000, s1;
	[bflag:$0x2] =	sbarrier.arrive $0xFFFF  }
0x42: {  	[sflag:s0] =	ssyncadd.tile.s32 @!p0 $0x1;
	_ =	shalt  }
.Lfunc_end1:
_tile_overlayer_lowered:
.L_overlay_start_2:
0x43: {  	(tag) =	ssettag $0x2  }
0x44: {  	s0 =	rddreg [dreg:$0x0];
	s2 =	stileid.u32  }
0x45: {  	s1 =	rddreg [dreg:$0x1];
	p0 =	sne.s32 s2, $0x0  }
0x46: {  	s3 =	rddreg [dreg:$0x2];
	[bflag:$0x3] =	sbarrier.arrive $0xFFFF;
	s2 =	simm.s32 @!p0 $0x1C01  }
0x47: {  	[timem:s3], [sflag:s2] =	dma.local @!p0 [hbm:s0], s1  }
0x48: {  	s0 =	simm.s32 @!p0 $0x1  }
0x49: {  	_ =	swait.ge @!p0 [sflag:s0], s1  }
0x4a: {  	s1 =	ssub.s32 @!p0 $0x0, s1;
	[sflag:s0] =	ssyncset.done @!p0 $0x0  }
0x4b: {  	[sflag:s0] =	ssyncadd.s32 @!p0 s1  }
0x4c: {  	[bflag:$0x3] =	sbarrier.arrive $0xFFFF  }
0x4d: {  	_ =	shalt  }

</sc_bundles>
